<compile_context>
chip_gen: v7x
topology: tpu7x:2x2x1
jax: 0.10.2.dev20260603
libtpu: 0.0.44.dev20260713+nightly
codegen_flags: <defaults>
</compile_context>

<pallas_src>
import functools

import jax
import jax.numpy as jnp
from jax.experimental import pallas as pl
from jax.experimental.pallas import tpu as pltpu

_STRIDE, _K = 4, 16


def _fps_kernel(px_ref, py_ref, pz_ref, sx_ref, sy_ref, sz_ref,
                idx_ref, fx_ref, fy_ref, fz_ref,
                *, n_out, rows, nb):
    lin = (jax.lax.broadcasted_iota(jnp.int32, (rows, 128), 0) * 128
           + jax.lax.broadcasted_iota(jnp.int32, (rows, 128), 1))
    orows = n_out // 128
    lin_o = (jax.lax.broadcasted_iota(jnp.int32, (orows, 128), 0) * 128
             + jax.lax.broadcasted_iota(jnp.int32, (orows, 128), 1))
    inf = jnp.float32(jnp.inf)
    big = jnp.int32(2147483647)
    p = [(px_ref[b1], py_ref[b1], pz_ref[b1]) for b1 in range(nb)]

    def step(b1, i, dists, cur, accs):
        acc_i, acc_x, acc_y, acc_z = accs
        cx = sx_ref[b1, cur]
        cy = sy_ref[b1, cur]
        cz = sz_ref[b1, cur]
        px, py, pz = p[b1]
        dx = px - cx
        dy = py - cy
        dz = pz - cz
        d = (dx * dx + dy * dy) + dz * dz
        dists = jnp.minimum(dists, d)
        m = jnp.max(dists)
        nxt = jnp.min(jnp.where(dists == m, lin, big))
        slot_prev = (lin_o == (i - 1))
        slot_cur = (lin_o == i)
        acc_x = jnp.where(slot_prev, cx, acc_x)
        acc_y = jnp.where(slot_prev, cy, acc_y)
        acc_z = jnp.where(slot_prev, cz, acc_z)
        acc_i = jnp.where(slot_cur, nxt, acc_i)
        return dists, nxt, (acc_i, acc_x, acc_y, acc_z)

    def body(i, carry):
        out = []
        for b1 in range(nb):
            dists, cur, accs = carry[b1]
            out.append(step(b1, i, dists, cur, accs))
        return tuple(out)

    def init_one():
        return (jnp.full((rows, 128), inf, dtype=jnp.float32),
                jnp.int32(0),
                (jnp.zeros((orows, 128), dtype=jnp.int32),
                 jnp.zeros((orows, 128), dtype=jnp.float32),
                 jnp.zeros((orows, 128), dtype=jnp.float32),
                 jnp.zeros((orows, 128), dtype=jnp.float32)))

    carry = jax.lax.fori_loop(1, n_out, body,
                              tuple(init_one() for _ in range(nb)))
    slot_last = (lin_o == (n_out - 1))
    for b1 in range(nb):
        _, last, (acc_i, acc_x, acc_y, acc_z) = carry[b1]
        idx_ref[b1] = acc_i
        fx_ref[b1] = jnp.where(slot_last, sx_ref[b1, last], acc_x)
        fy_ref[b1] = jnp.where(slot_last, sy_ref[b1, last], acc_y)
        fz_ref[b1] = jnp.where(slot_last, sz_ref[b1, last], acc_z)


def _fps(p_pos, n_out):
    b, n, _ = p_pos.shape
    rows = n // 128
    orows = n_out // 128
    px = p_pos[..., 0].reshape(b, rows, 128)
    py = p_pos[..., 1].reshape(b, rows, 128)
    pz = p_pos[..., 2].reshape(b, rows, 128)
    sx = p_pos[..., 0]
    sy = p_pos[..., 1]
    sz = p_pos[..., 2]
    spec_v = pl.BlockSpec((b, rows, 128), lambda: (0, 0, 0))
    spec_s = pl.BlockSpec(memory_space=pltpu.SMEM)
    spec_out = pl.BlockSpec((b, orows, 128), lambda: (0, 0, 0))
    out_shape = [jax.ShapeDtypeStruct((b, orows, 128), jnp.int32)] + \
        [jax.ShapeDtypeStruct((b, orows, 128), jnp.float32)] * 3
    idx, fx, fy, fz = pl.pallas_call(
        functools.partial(_fps_kernel, n_out=n_out, rows=rows, nb=b),
        in_specs=[spec_v] * 3 + [spec_s] * 3,
        out_specs=[spec_out] * 4,
        out_shape=out_shape,
    )(px, py, pz, sx, sy, sz)
    fp = jnp.stack([fx.reshape(b, n_out), fy.reshape(b, n_out),
                    fz.reshape(b, n_out)], axis=-1)
    return idx.reshape(b, n_out), fp


def _knn_ab_kernel(q_ref, p_ref, d2_ref, seg_ref, m_ref, *, n, nseg):
    q8 = q_ref[...]
    q2 = jnp.sum(q8 * q8, axis=1, keepdims=True)
    ch = 1024
    for c in range(n // ch):
        sl = slice(c * ch, (c + 1) * ch)
        p8c = p_ref[0, :, sl]
        dt = jnp.dot(q8, p8c, preferred_element_type=jnp.float32)
        p2 = jnp.sum(p8c * p8c, axis=0, keepdims=True)
        d2c = (q2 - 2.0 * dt) + p2
        d2_ref[:, sl] = d2c
        m_ref[:, c * (ch // 128):(c + 1) * (ch // 128)] = jnp.min(
            d2c.reshape(128, ch // 128, 128), axis=2)

    segio = jax.lax.broadcasted_iota(jnp.int32, (128, nseg), 1)
    colio = jax.lax.broadcasted_iota(jnp.int32, (128, 16), 1)
    acc = jnp.zeros((128, 16), dtype=jnp.int32)
    big = jnp.int32(2147483647)
    inf = jnp.float32(jnp.inf)
    for t in range(16):
        M = m_ref[...]
        m = jnp.min(M, axis=1, keepdims=True)
        sid = jnp.min(jnp.where(M == m, segio, big), axis=1, keepdims=True)
        m_ref[...] = jnp.where((M == m) & (segio == sid), inf, M)
        acc = jnp.where(colio == t, sid, acc)
    seg_ref[...] = acc


def _knn_ab(fp_pos, p_pos):
    b, n_out, _ = fp_pos.shape
    n = p_pos.shape[1]
    nq = b * n_out
    nseg = n // 128
    q8 = jnp.pad(fp_pos.reshape(nq, 3), ((0, 0), (0, 5)))
    p8t = jnp.pad(jnp.swapaxes(p_pos, 1, 2), ((0, 0), (0, 5), (0, 0)))
    blocks_per_b = n_out // 128
    d2, seg16 = pl.pallas_call(
        functools.partial(_knn_ab_kernel, n=n, nseg=nseg),
        grid=(nq // 128,),
        in_specs=[
            pl.BlockSpec((128, 8), lambda i: (i, 0)),
            pl.BlockSpec((1, 8, n), lambda i: (i // blocks_per_b, 0, 0)),
        ],
        out_specs=[
            pl.BlockSpec((128, n), lambda i: (i, 0)),
            pl.BlockSpec((128, 16), lambda i: (i, 0)),
        ],
        out_shape=[
            jax.ShapeDtypeStruct((nq, n), jnp.float32),
            jax.ShapeDtypeStruct((nq, 16), jnp.int32),
        ],
        scratch_shapes=[pltpu.VMEM((128, nseg), jnp.float32)],
    )(q8, p8t)
    return d2, seg16


def _sc_gather_cand_kernel(d2_hbm, seg_hbm, cand_hbm,
                           seg_v, cand_v, sem1,
                           *, q_per_w, nc, n):
    from jax import lax
    wid = lax.axis_index("s") * nc + lax.axis_index("c")
    q0 = wid * q_per_w

    def per_query(qi, _):
        q = q0 + qi
        pltpu.sync_copy(seg_hbm.at[q], seg_v)
        seg_v[...] = seg_v[...] + q * (n // 128)
        pltpu.async_copy(d2_hbm.at[seg_v], cand_v, sem1).wait()
        pltpu.sync_copy(cand_v, cand_hbm.at[q])
        return 0

    lax.fori_loop(0, q_per_w, per_query, 0)


def _sc_gather_pool_kernel(xw_hbm, knn_hbm, out_hbm,
                           pick_v, xrows_v, gout_v, sem1,
                           *, q_per_w, nc, d_out, n_out, n):
    from jax import lax
    wid = lax.axis_index("s") * nc + lax.axis_index("c")
    q0 = wid * q_per_w

    def per_query(qi, _):
        q = q0 + qi
        pltpu.sync_copy(knn_hbm.at[q], pick_v)
        base = (q // n_out) * n
        pick_v[...] = pick_v[...] + base
        pltpu.async_copy(xw_hbm.at[pick_v], xrows_v, sem1).wait()

        def pool(c, _):
            r = xrows_v[0, pl.ds(c * 16, 16)]
            for j in range(1, 16):
                r = jnp.maximum(r, xrows_v[j, pl.ds(c * 16, 16)])
            gout_v[pl.ds(c * 16, 16)] = r
            return 0

        lax.fori_loop(0, d_out // 16, pool, 0)
        pltpu.sync_copy(gout_v, out_hbm.at[q])
        return 0

    lax.fori_loop(0, q_per_w, per_query, 0)


def _sc_meshinfo():
    from jax.experimental.pallas import tpu_sc as plsc
    info = plsc.get_sparse_core_info()
    mesh = plsc.VectorSubcoreMesh(core_axis_name="c", subcore_axis_name="s")
    return info.num_cores, info.num_subcores, mesh


def _sc_gather_cand(d2, seg16, nq):
    n = d2.shape[1]
    nc, ns, mesh = _sc_meshinfo()
    q_per_w = nq // (nc * ns)
    d2rows = d2.reshape(nq * (n // 128), 128)
    kfn = pl.kernel(
        functools.partial(_sc_gather_cand_kernel, q_per_w=q_per_w, nc=nc,
                          n=n),
        mesh=mesh,
        out_type=jax.ShapeDtypeStruct((nq, 16, 128), jnp.float32),
        scratch_types=[
            pltpu.VMEM((16,), jnp.int32),
            pltpu.VMEM((16, 128), jnp.float32),
            pltpu.SemaphoreType.DMA,
        ],
    )
    return kfn(d2rows, seg16)


def _sc_gather_pool(xw, knn, nq, d_out, n_out, n):
    nc, ns, mesh = _sc_meshinfo()
    q_per_w = nq // (nc * ns)
    kfn = pl.kernel(
        functools.partial(_sc_gather_pool_kernel, q_per_w=q_per_w, nc=nc,
                          d_out=d_out, n_out=n_out, n=n),
        mesh=mesh,
        out_type=jax.ShapeDtypeStruct((nq, d_out), jnp.float32),
        scratch_types=[
            pltpu.VMEM((16,), jnp.int32),
            pltpu.VMEM((16, d_out), jnp.float32),
            pltpu.VMEM((d_out,), jnp.float32),
            pltpu.SemaphoreType.DMA,
        ],
    )
    return kfn(xw, knn)


def _topkcand_kernel(cand_ref, cidx_ref, knn_ref, w_ref, *, width):
    ch = 512
    nch = width // ch
    w_ref[...] = cand_ref[...]
    acc = jnp.zeros((128, 16), dtype=jnp.int32)
    colio = jax.lax.broadcasted_iota(jnp.int32, (128, 16), 1)
    big = jnp.int32(2147483647)
    inf = jnp.float32(jnp.inf)
    for t in range(16):
        m = jnp.full((128, 1), inf, dtype=jnp.float32)
        for c in range(nch):
            sl = slice(c * ch, (c + 1) * ch)
            m = jnp.minimum(m, jnp.min(w_ref[:, sl], axis=1, keepdims=True))
        iw = jnp.full((128, 1), big, dtype=jnp.int32)
        for c in range(nch):
            sl = slice(c * ch, (c + 1) * ch)
            iw = jnp.minimum(iw, jnp.min(
                jnp.where(w_ref[:, sl] == m, cidx_ref[:, sl], big),
                axis=1, keepdims=True))
        for c in range(nch):
            sl = slice(c * ch, (c + 1) * ch)
            wc = w_ref[:, sl]
            w_ref[:, sl] = jnp.where((wc == m) & (cidx_ref[:, sl] == iw),
                                     inf, wc)
        acc = jnp.where(colio == t, iw, acc)
    knn_ref[...] = acc


def _topkcand(cand, cidx, nq):
    width = cand.shape[1]
    return pl.pallas_call(
        functools.partial(_topkcand_kernel, width=width),
        grid=(nq // 128,),
        in_specs=[pl.BlockSpec((128, width), lambda i: (i, 0)),
                  pl.BlockSpec((128, width), lambda i: (i, 0))],
        out_specs=pl.BlockSpec((128, 16), lambda i: (i, 0)),
        out_shape=jax.ShapeDtypeStruct((nq, 16), jnp.int32),
        scratch_shapes=[pltpu.VMEM((128, width), jnp.float32)],
    )(cand, cidx)


def _mm_kernel(a_ref, b_ref, o_ref):
    o_ref[...] = jnp.dot(a_ref[...], b_ref[...],
                         preferred_element_type=jnp.float32)


def _matmul(a, b, bm=512):
    M, Kd = a.shape
    _, N = b.shape
    return pl.pallas_call(
        _mm_kernel,
        grid=(M // bm,),
        in_specs=[pl.BlockSpec((bm, Kd), lambda i: (i, 0)),
                  pl.BlockSpec((Kd, N), lambda i: (0, 0))],
        out_specs=pl.BlockSpec((bm, N), lambda i: (i, 0)),
        out_shape=jax.ShapeDtypeStruct((M, N), jnp.float32),
    )(a, b)


def _head_kernel(g_ref, pw_ref, w_ref, o_ref):
    h = g_ref[...] + pw_ref[...]
    h = jnp.where(h > 0, h, 0.01 * h)
    o_ref[...] = jnp.dot(h, w_ref[...], preferred_element_type=jnp.float32)


def _head(gmax, posw, w_out, bm=512):
    M, D = gmax.shape
    return pl.pallas_call(
        _head_kernel,
        grid=(M // bm,),
        in_specs=[pl.BlockSpec((bm, D), lambda i: (i, 0)),
                  pl.BlockSpec((bm, D), lambda i: (i, 0)),
                  pl.BlockSpec((D, D), lambda i: (0, 0))],
        out_specs=pl.BlockSpec((bm, D), lambda i: (i, 0)),
        out_shape=jax.ShapeDtypeStruct((M, D), jnp.float32),
    )(gmax, posw, w_out)


def kernel(x, p_pos, W_in, W_out):
    b, n, d_in = x.shape
    n_out = n // _STRIDE
    d_out = W_in.shape[1]

    fps_idx, fp_p_pos = _fps(p_pos, n_out)

    d2, seg16 = _knn_ab(fp_p_pos, p_pos)
    nq = b * n_out
    cand = _sc_gather_cand(d2, seg16, nq)
    cidx = (seg16[:, :, None] * 128
            + jnp.arange(128, dtype=jnp.int32)).reshape(nq, 2048)
    knn = _topkcand(cand.reshape(nq, 2048), cidx, nq)

    xW = _matmul(x.reshape(b * n, d_in), W_in[3:])
    gmax = _sc_gather_pool(xW, knn, nq, d_out, n_out, n)

    posw = fp_p_pos @ W_in[:3]
    h = _head(gmax, posw.reshape(b * n_out, d_out), W_out)
    return (h.reshape(b, n_out, d_out), fp_p_pos)

# --- scband reference (transcript-rebuilt; emitter-appended) ---
"""Pipeline reference for scband-point-pool-55817394979223 (READ-ONLY COPY).

The authoritative reference and input builder live on the scoring server;
editing this copy changes nothing except your own understanding.
"""

import jax, jax.numpy as jnp
import numpy as np

B, N, D_IN, D_OUT, STRIDE, K = 2, 8192, 256, 512, 4, 16


def setup_inputs(seed: int = 0) -> dict:
    key = jax.random.key(seed)
    k1, k2, k3, k4 = jax.random.split(key, 4)
    x = jax.random.normal(k1, (B, N, D_IN), dtype=jnp.float32)
    p_pos = jax.random.normal(k2, (B, N, 3), dtype=jnp.float32)
    W_in = jax.random.normal(k3, (3 + D_IN, D_OUT), dtype=jnp.float32) * (1.0 / np.sqrt(3 + D_IN))
    W_out = jax.random.normal(k4, (D_OUT, D_OUT), dtype=jnp.float32) * (1.0 / np.sqrt(D_OUT))
    return {"x": x, "p_pos": p_pos, "W_in": W_in, "W_out": W_out}


def _fps_single(pos, n_out):
    # Farthest point sampling, deterministic start at index 0 (pytorch3d default).
    Np = pos.shape[0]
    dists = jnp.full((Np,), jnp.inf, dtype=pos.dtype)
    idxs = jnp.zeros((n_out,), dtype=jnp.int32)

    def body(i, carry):
        dists, idxs = carry
        cur = pos[idxs[i - 1]]
        d = jnp.sum((pos - cur[None, :]) ** 2, axis=-1)
        dists = jnp.minimum(dists, d)
        nxt = jnp.argmax(dists).astype(jnp.int32)
        idxs = idxs.at[i].set(nxt)
        return (dists, idxs)

    _, idxs = jax.lax.fori_loop(1, n_out, body, (dists, idxs))
    return idxs


def reference(x, p_pos, W_in, W_out):
    b = p_pos.shape[0]
    n_out = p_pos.shape[1] // STRIDE
    # sample_farthest_points
    fps_idx = jax.vmap(lambda p: _fps_single(p, n_out))(p_pos)  # [B, n_out] int32
    fp_p_pos = jnp.take_along_axis(p_pos, fps_idx[..., None], axis=1)  # [B, n_out, 3]
    # knn_points: squared L2 distances, sorted ascending via top_k on negated dists
    d2 = (jnp.sum(fp_p_pos ** 2, axis=-1, keepdims=True)
          - 2.0 * jnp.einsum('bqd,bnd->bqn', fp_p_pos, p_pos)
          + jnp.sum(p_pos ** 2, axis=-1)[:, None, :])  # [B, n_out, N]
    _, knn_idx = jax.lax.top_k(-d2, K)  # [B, n_out, K]
    # knn_gather
    knn_x = jax.vmap(lambda xf, idx: xf[idx])(x, knn_idx)  # [B, n_out, K, d_in]
    hq = jnp.broadcast_to(fp_p_pos[:, :, None, :], (b, n_out, K, 3))
    h = jnp.concatenate([hq, knn_x], axis=-1)  # [B, n_out, K, 3+d_in]
    h = h.reshape(-1, K, 3 + x.shape[-1])
    h = h @ W_in  # mlp_in, no bias
    h = jnp.where(h > 0, h, 0.01 * h)  # LeakyReLU(0.01)
    h = h.reshape(b, n_out, K, -1)
    h = jnp.max(h, axis=-2)  # amax over neighbors
    h = h @ W_out  # mlp_out, no bias
    return (h, fp_p_pos)

if __name__ == "__main__":
    import jax
    _d = setup_inputs()
    print(jax.jit(kernel)(*tuple(_d.values())))

</pallas_src>

<mosaic_0001>
#map = affine_map<(d0, d1) -> (0, 0)>
module attributes {stable_mosaic.version = 14 : i64} {
  func.func @_sc_gather_pool_kernel(%arg0: i32, %arg1: i32, %arg2: memref<16384x512xf32, #tpu.memory_space<hbm>>, %arg3: memref<4096x16xi32, #tpu.memory_space<hbm>>, %arg4: memref<4096x512xf32, #tpu.memory_space<hbm>>, %arg5: memref<16xi32, #tpu.memory_space<vmem>>, %arg6: memref<16x512xf32, #tpu.memory_space<vmem>>, %arg7: memref<512xf32, #tpu.memory_space<vmem>>, %arg8: memref<!tpu.dma_semaphore, #tpu.memory_space<semaphore_mem>>) attributes {dimension_semantics = [#tpu.dimension_semantics<core_parallel>, #tpu.dimension_semantics<subcore_parallel>], iteration_bounds = array<i64: 2, 16>, scalar_prefetch = 0 : i64, scratch_operands = 4 : i64, tpu.core_type = #tpu.core_type<sc_vector_subcore>, window_params = [{transform_indices = #map}, {transform_indices = #map}, {transform_indices = #map}]} {
    %mul3A = arith.constant 2 : i32
    %mul3A_0 = arith.muli %arg1, %mul3A : i32
    %add3A = arith.addi %mul3A_0, %arg0 : i32
    %mul3A_1 = arith.constant 128 : i32
    %mul3A_2 = arith.muli %add3A, %mul3A_1 : i32
    %scan3A = arith.constant 0 : i32
    %scan3A_3 = arith.constant 0 : i32
    %scan3A_4 = arith.constant 128 : i32
    %scan3A_5 = arith.addi %scan3A_3, %scan3A_4 : i32
    %scan3A_6 = arith.constant 1 : i32
    %scan3A_7 = scf.for %scan3A_9 = %scan3A_3 to %scan3A_5 step %scan3A_6 iter_args(%scan3A_10 = %scan3A) -> (i32)  : i32 {
      %add3A_11 = arith.addi %mul3A_2, %scan3A_9 : i32
      "tpu.region"() ({
        %run_scoped3A = tpu.sem_alloc : memref<!tpu.dma_semaphore, #tpu.memory_space<semaphore_mem>>
        %dma_start3A_49 = arith.constant 0 : i32
        %dma_start3A_50 = tpu.memref_slice %arg3[%add3A_11, %dma_start3A_49] : memref<4096x16xi32, #tpu.memory_space<hbm>> -> memref<1x16xi32, #tpu.memory_space<hbm>>
        %dma_start3A_51 = tpu.memref_squeeze %dma_start3A_50 : memref<1x16xi32, #tpu.memory_space<hbm>> -> memref<16xi32, #tpu.memory_space<hbm>>
        %dma_start3A_52 = arith.constant 0 : i32
        %dma_start3A_53 = tpu.memref_slice %arg3[%add3A_11, %dma_start3A_52] : memref<4096x16xi32, #tpu.memory_space<hbm>> -> memref<1x16xi32, #tpu.memory_space<hbm>>
        %dma_start3A_54 = tpu.memref_squeeze %dma_start3A_53 : memref<1x16xi32, #tpu.memory_space<hbm>> -> memref<16xi32, #tpu.memory_space<hbm>>
        tpu.enqueue_dma source(%dma_start3A_54 : memref<16xi32, #tpu.memory_space<hbm>>) target(%arg5 : memref<16xi32, #tpu.memory_space<vmem>>) target_semaphore(%run_scoped3A : memref<!tpu.dma_semaphore, #tpu.memory_space<semaphore_mem>>)
        %dma_wait3A_55 = arith.constant 0 : i32
        %dma_wait3A_56 = tpu.memref_slice %arg3[%add3A_11, %dma_wait3A_55] : memref<4096x16xi32, #tpu.memory_space<hbm>> -> memref<1x16xi32, #tpu.memory_space<hbm>>
        %dma_wait3A_57 = tpu.memref_squeeze %dma_wait3A_56 : memref<1x16xi32, #tpu.memory_space<hbm>> -> memref<16xi32, #tpu.memory_space<hbm>>
        %dma_wait3A_58 = arith.constant 0 : i32
        %dma_wait3A_59 = tpu.memref_slice %arg3[%add3A_11, %dma_wait3A_58] : memref<4096x16xi32, #tpu.memory_space<hbm>> -> memref<1x16xi32, #tpu.memory_space<hbm>>
        %dma_wait3A_60 = tpu.memref_squeeze %dma_wait3A_59 : memref<1x16xi32, #tpu.memory_space<hbm>> -> memref<16xi32, #tpu.memory_space<hbm>>
        tpu.wait_dma2 semaphore(%run_scoped3A : memref<!tpu.dma_semaphore, #tpu.memory_space<semaphore_mem>>) src(%dma_wait3A_60 : memref<16xi32, #tpu.memory_space<hbm>>) dst(%arg5 : memref<16xi32, #tpu.memory_space<vmem>>)
        tpu.yield
      }) : () -> ()
      %jit3A = arith.constant 2048 : i32
      %div3A = arith.divsi %add3A_11, %jit3A : i32
      %sign3A = arith.constant 0 : i32
      %sign3A_12 = arith.cmpi sgt, %add3A_11, %sign3A : i32
      %sign3A_13 = arith.extui %sign3A_12 : i1 to i32
      %sign3A_14 = arith.constant 0 : i32
      %sign3A_15 = arith.cmpi slt, %add3A_11, %sign3A_14 : i32
      %sign3A_16 = arith.extui %sign3A_15 : i1 to i32
      %sign3A_17 = arith.subi %sign3A_13, %sign3A_16 : i32
      %sign3A_18 = arith.constant 0 : i32
      %sign3A_19 = arith.cmpi sgt, %jit3A, %sign3A_18 : i32
      %sign3A_20 = arith.extui %sign3A_19 : i1 to i32
      %sign3A_21 = arith.constant 0 : i32
      %sign3A_22 = arith.cmpi slt, %jit3A, %sign3A_21 : i32
      %sign3A_23 = arith.extui %sign3A_22 : i1 to i32
      %sign3A_24 = arith.subi %sign3A_20, %sign3A_23 : i32
      %ne3A = arith.cmpi ne, %sign3A_17, %sign3A_24 : i32
      %rem3A = arith.remsi %add3A_11, %jit3A : i32
      %ne3A_25 = arith.constant 0 : i32
      %ne3A_26 = arith.cmpi ne, %rem3A, %ne3A_25 : i32
      %and3A = arith.andi %ne3A, %ne3A_26 : i1
      %sub3A = arith.constant 1 : i32
      %sub3A_27 = arith.subi %div3A, %sub3A : i32
      %select_n3A = arith.select %and3A, %sub3A_27, %div3A : i32
      %mul3A_28 = arith.constant 8192 : i32
      %mul3A_29 = arith.muli %select_n3A, %mul3A_28 : i32
      %get3A = arith.constant 0 : index
      %get3A_30 = tpu.vector_load %arg5[%get3A] {strides = array<i32>} : memref<16xi32, #tpu.memory_space<vmem>>, vector<16xi32>,
      %get3A_31 = vector.shape_cast %get3A_30 : vector<16xi32> to vector<16xi32>
      %add3A_32 = vector.broadcast %mul3A_29 : i32 to vector<16xi32>
      %add3A_33 = arith.addi %get3A_31, %add3A_32 : vector<16xi32>
      %swap3A = arith.constant 0 : index
      %swap3A_34 = tpu.vector_load %arg5[%swap3A] {strides = array<i32>} : memref<16xi32, #tpu.memory_space<vmem>>, vector<16xi32>,
      %swap3A_35 = vector.shape_cast %swap3A_34 : vector<16xi32> to vector<16xi32>
      %swap3A_36 = vector.shape_cast %add3A_33 : vector<16xi32> to vector<16xi32>
      tpu.vector_store %arg5[%swap3A], %swap3A_36 {strides = array<i32>} : memref<16xi32, #tpu.memory_space<vmem>>, vector<16xi32>,
      %dma_start3A = arith.constant 0 : i32
      %dma_start3A_37 = arith.constant 0 : i32
      %dma_start3A_38 = tpu.memref_slice %arg2[%dma_start3A, %dma_start3A_37] : memref<16384x512xf32, #tpu.memory_space<hbm>> -> memref<16384x512xf32, #tpu.memory_space<hbm>>
      tpu.enqueue_indirect_dma source(%dma_start3A_38 : memref<16384x512xf32, #tpu.memory_space<hbm>>) target(%arg6 : memref<16x512xf32, #tpu.memory_space<vmem>>) offsets(%arg5 : memref<16xi32, #tpu.memory_space<vmem>>) semaphore(%arg8 : memref<!tpu.dma_semaphore, #tpu.memory_space<semaphore_mem>>)
      %dma_wait3A = arith.constant 0 : i32
      %dma_wait3A_39 = arith.constant 0 : i32
      %dma_wait3A_40 = tpu.memref_slice %arg2[%dma_wait3A, %dma_wait3A_39] : memref<16384x512xf32, #tpu.memory_space<hbm>> -> memref<16384x512xf32, #tpu.memory_space<hbm>>
      tpu.wait_indirect_dma semaphore(%arg8 : memref<!tpu.dma_semaphore, #tpu.memory_space<semaphore_mem>>) src(%dma_wait3A_40 : memref<16384x512xf32, #tpu.memory_space<hbm>>) dst(%arg6 : memref<16x512xf32, #tpu.memory_space<vmem>>)
      %scan3A_41 = arith.constant 0 : i32
      %scan3A_42 = arith.constant 0 : i32
      %scan3A_43 = arith.constant 32 : i32
      %scan3A_44 = arith.addi %scan3A_42, %scan3A_43 : i32
      %scan3A_45 = arith.constant 1 : i32
      %scan3A_46 = scf.for %scan3A_49 = %scan3A_42 to %scan3A_44 step %scan3A_45 iter_args(%scan3A_50 = %scan3A_41) -> (i32)  : i32 {
        %mul3A_51 = arith.constant 16 : i32
        %mul3A_52 = arith.muli %scan3A_49, %mul3A_51 : i32
        %get3A_53 = arith.constant 0 : i32
        %get3A_54 = arith.index_cast %get3A_53 : i32 to index
        %get3A_55 = arith.index_cast %mul3A_52 : i32 to index
        %get3A_56 = tpu.vector_load %arg6[%get3A_54, %get3A_55] {strides = array<i32>} : memref<16x512xf32, #tpu.memory_space<vmem>>, vector<1x16xf32>,
        %get3A_57 = vector.shape_cast %get3A_56 : vector<1x16xf32> to vector<16xf32>
        %mul3A_58 = arith.constant 16 : i32
        %mul3A_59 = arith.muli %scan3A_49, %mul3A_58 : i32
        %get3A_60 = arith.constant 1 : i32
        %get3A_61 = arith.index_cast %get3A_60 : i32 to index
        %get3A_62 = arith.index_cast %mul3A_59 : i32 to index
        %get3A_63 = tpu.vector_load %arg6[%get3A_61, %get3A_62] {strides = array<i32>} : memref<16x512xf32, #tpu.memory_space<vmem>>, vector<1x16xf32>,
        %get3A_64 = vector.shape_cast %get3A_63 : vector<1x16xf32> to vector<16xf32>
        %max3A = arith.maximumf %get3A_57, %get3A_64 : vector<16xf32>
        %mul3A_65 = arith.constant 16 : i32
        %mul3A_66 = arith.muli %scan3A_49, %mul3A_65 : i32
        %get3A_67 = arith.constant 2 : i32
        %get3A_68 = arith.index_cast %get3A_67 : i32 to index
        %get3A_69 = arith.index_cast %mul3A_66 : i32 to index
        %get3A_70 = tpu.vector_load %arg6[%get3A_68, %get3A_69] {strides = array<i32>} : memref<16x512xf32, #tpu.memory_space<vmem>>, vector<1x16xf32>,
        %get3A_71 = vector.shape_cast %get3A_70 : vector<1x16xf32> to vector<16xf32>
        %max3A_72 = arith.maximumf %max3A, %get3A_71 : vector<16xf32>
        %mul3A_73 = arith.constant 16 : i32
        %mul3A_74 = arith.muli %scan3A_49, %mul3A_73 : i32
        %get3A_75 = arith.constant 3 : i32
        %get3A_76 = arith.index_cast %get3A_75 : i32 to index
        %get3A_77 = arith.index_cast %mul3A_74 : i32 to index
        %get3A_78 = tpu.vector_load %arg6[%get3A_76, %get3A_77] {strides = array<i32>} : memref<16x512xf32, #tpu.memory_space<vmem>>, vector<1x16xf32>,
        %get3A_79 = vector.shape_cast %get3A_78 : vector<1x16xf32> to vector<16xf32>
        %max3A_80 = arith.maximumf %max3A_72, %get3A_79 : vector<16xf32>
        %mul3A_81 = arith.constant 16 : i32
        %mul3A_82 = arith.muli %scan3A_49, %mul3A_81 : i32
        %get3A_83 = arith.constant 4 : i32
        %get3A_84 = arith.index_cast %get3A_83 : i32 to index
        %get3A_85 = arith.index_cast %mul3A_82 : i32 to index
        %get3A_86 = tpu.vector_load %arg6[%get3A_84, %get3A_85] {strides = array<i32>} : memref<16x512xf32, #tpu.memory_space<vmem>>, vector<1x16xf32>,
        %get3A_87 = vector.shape_cast %get3A_86 : vector<1x16xf32> to vector<16xf32>
        %max3A_88 = arith.maximumf %max3A_80, %get3A_87 : vector<16xf32>
        %mul3A_89 = arith.constant 16 : i32
        %mul3A_90 = arith.muli %scan3A_49, %mul3A_89 : i32
        %get3A_91 = arith.constant 5 : i32
        %get3A_92 = arith.index_cast %get3A_91 : i32 to index
        %get3A_93 = arith.index_cast %mul3A_90 : i32 to index
        %get3A_94 = tpu.vector_load %arg6[%get3A_92, %get3A_93] {strides = array<i32>} : memref<16x512xf32, #tpu.memory_space<vmem>>, vector<1x16xf32>,
        %get3A_95 = vector.shape_cast %get3A_94 : vector<1x16xf32> to vector<16xf32>
        %max3A_96 = arith.maximumf %max3A_88, %get3A_95 : vector<16xf32>
        %mul3A_97 = arith.constant 16 : i32
        %mul3A_98 = arith.muli %scan3A_49, %mul3A_97 : i32
        %get3A_99 = arith.constant 6 : i32
        %get3A_100 = arith.index_cast %get3A_99 : i32 to index
        %get3A_101 = arith.index_cast %mul3A_98 : i32 to index
        %get3A_102 = tpu.vector_load %arg6[%get3A_100, %get3A_101] {strides = array<i32>} : memref<16x512xf32, #tpu.memory_space<vmem>>, vector<1x16xf32>,
        %get3A_103 = vector.shape_cast %get3A_102 : vector<1x16xf32> to vector<16xf32>
        %max3A_104 = arith.maximumf %max3A_96, %get3A_103 : vector<16xf32>
        %mul3A_105 = arith.constant 16 : i32
        %mul3A_106 = arith.muli %scan3A_49, %mul3A_105 : i32
        %get3A_107 = arith.constant 7 : i32
        %get3A_108 = arith.index_cast %get3A_107 : i32 to index
        %get3A_109 = arith.index_cast %mul3A_106 : i32 to index
        %get3A_110 = tpu.vector_load %arg6[%get3A_108, %get3A_109] {strides = array<i32>} : memref<16x512xf32, #tpu.memory_space<vmem>>, vector<1x16xf32>,
        %get3A_111 = vector.shape_cast %get3A_110 : vector<1x16xf32> to vector<16xf32>
        %max3A_112 = arith.maximumf %max3A_104, %get3A_111 : vector<16xf32>
        %mul3A_113 = arith.constant 16 : i32
        %mul3A_114 = arith.muli %scan3A_49, %mul3A_113 : i32
        %get3A_115 = arith.constant 8 : i32
        %get3A_116 = arith.index_cast %get3A_115 : i32 to index
        %get3A_117 = arith.index_cast %mul3A_114 : i32 to index
        %get3A_118 = tpu.vector_load %arg6[%get3A_116, %get3A_117] {strides = array<i32>} : memref<16x512xf32, #tpu.memory_space<vmem>>, vector<1x16xf32>,
        %get3A_119 = vector.shape_cast %get3A_118 : vector<1x16xf32> to vector<16xf32>
        %max3A_120 = arith.maximumf %max3A_112, %get3A_119 : vector<16xf32>
        %mul3A_121 = arith.constant 16 : i32
        %mul3A_122 = arith.muli %scan3A_49, %mul3A_121 : i32
        %get3A_123 = arith.constant 9 : i32
        %get3A_124 = arith.index_cast %get3A_123 : i32 to index
        %get3A_125 = arith.index_cast %mul3A_122 : i32 to index
        %get3A_126 = tpu.vector_load %arg6[%get3A_124, %get3A_125] {strides = array<i32>} : memref<16x512xf32, #tpu.memory_space<vmem>>, vector<1x16xf32>,
        %get3A_127 = vector.shape_cast %get3A_126 : vector<1x16xf32> to vector<16xf32>
        %max3A_128 = arith.maximumf %max3A_120, %get3A_127 : vector<16xf32>
        %mul3A_129 = arith.constant 16 : i32
        %mul3A_130 = arith.muli %scan3A_49, %mul3A_129 : i32
        %get3A_131 = arith.constant 10 : i32
        %get3A_132 = arith.index_cast %get3A_131 : i32 to index
        %get3A_133 = arith.index_cast %mul3A_130 : i32 to index
        %get3A_134 = tpu.vector_load %arg6[%get3A_132, %get3A_133] {strides = array<i32>} : memref<16x512xf32, #tpu.memory_space<vmem>>, vector<1x16xf32>,
        %get3A_135 = vector.shape_cast %get3A_134 : vector<1x16xf32> to vector<16xf32>
        %max3A_136 = arith.maximumf %max3A_128, %get3A_135 : vector<16xf32>
        %mul3A_137 = arith.constant 16 : i32
        %mul3A_138 = arith.muli %scan3A_49, %mul3A_137 : i32
        %get3A_139 = arith.constant 11 : i32
        %get3A_140 = arith.index_cast %get3A_139 : i32 to index
        %get3A_141 = arith.index_cast %mul3A_138 : i32 to index
        %get3A_142 = tpu.vector_load %arg6[%get3A_140, %get3A_141] {strides = array<i32>} : memref<16x512xf32, #tpu.memory_space<vmem>>, vector<1x16xf32>,
        %get3A_143 = vector.shape_cast %get3A_142 : vector<1x16xf32> to vector<16xf32>
        %max3A_144 = arith.maximumf %max3A_136, %get3A_143 : vector<16xf32>
        %mul3A_145 = arith.constant 16 : i32
        %mul3A_146 = arith.muli %scan3A_49, %mul3A_145 : i32
        %get3A_147 = arith.constant 12 : i32
        %get3A_148 = arith.index_cast %get3A_147 : i32 to index
        %get3A_149 = arith.index_cast %mul3A_146 : i32 to index
        %get3A_150 = tpu.vector_load %arg6[%get3A_148, %get3A_149] {strides = array<i32>} : memref<16x512xf32, #tpu.memory_space<vmem>>, vector<1x16xf32>,
        %get3A_151 = vector.shape_cast %get3A_150 : vector<1x16xf32> to vector<16xf32>
        %max3A_152 = arith.maximumf %max3A_144, %get3A_151 : vector<16xf32>
        %mul3A_153 = arith.constant 16 : i32
        %mul3A_154 = arith.muli %scan3A_49, %mul3A_153 : i32
        %get3A_155 = arith.constant 13 : i32
        %get3A_156 = arith.index_cast %get3A_155 : i32 to index
        %get3A_157 = arith.index_cast %mul3A_154 : i32 to index
        %get3A_158 = tpu.vector_load %arg6[%get3A_156, %get3A_157] {strides = array<i32>} : memref<16x512xf32, #tpu.memory_space<vmem>>, vector<1x16xf32>,
        %get3A_159 = vector.shape_cast %get3A_158 : vector<1x16xf32> to vector<16xf32>
        %max3A_160 = arith.maximumf %max3A_152, %get3A_159 : vector<16xf32>
        %mul3A_161 = arith.constant 16 : i32
        %mul3A_162 = arith.muli %scan3A_49, %mul3A_161 : i32
        %get3A_163 = arith.constant 14 : i32
        %get3A_164 = arith.index_cast %get3A_163 : i32 to index
        %get3A_165 = arith.index_cast %mul3A_162 : i32 to index
        %get3A_166 = tpu.vector_load %arg6[%get3A_164, %get3A_165] {strides = array<i32>} : memref<16x512xf32, #tpu.memory_space<vmem>>, vector<1x16xf32>,
        %get3A_167 = vector.shape_cast %get3A_166 : vector<1x16xf32> to vector<16xf32>
        %max3A_168 = arith.maximumf %max3A_160, %get3A_167 : vector<16xf32>
        %mul3A_169 = arith.constant 16 : i32
        %mul3A_170 = arith.muli %scan3A_49, %mul3A_169 : i32
        %get3A_171 = arith.constant 15 : i32
        %get3A_172 = arith.index_cast %get3A_171 : i32 to index
        %get3A_173 = arith.index_cast %mul3A_170 : i32 to index
        %get3A_174 = tpu.vector_load %arg6[%get3A_172, %get3A_173] {strides = array<i32>} : memref<16x512xf32, #tpu.memory_space<vmem>>, vector<1x16xf32>,
        %get3A_175 = vector.shape_cast %get3A_174 : vector<1x16xf32> to vector<16xf32>
        %max3A_176 = arith.maximumf %max3A_168, %get3A_175 : vector<16xf32>
        %mul3A_177 = arith.constant 16 : i32
        %mul3A_178 = arith.muli %scan3A_49, %mul3A_177 : i32
        %swap3A_179 = arith.index_cast %mul3A_178 : i32 to index
        %swap3A_180 = tpu.vector_load %arg7[%swap3A_179] {strides = array<i32>} : memref<512xf32, #tpu.memory_space<vmem>>, vector<16xf32>,
        %swap3A_181 = vector.shape_cast %swap3A_180 : vector<16xf32> to vector<16xf32>
        %swap3A_182 = vector.shape_cast %max3A_176 : vector<16xf32> to vector<16xf32>
        tpu.vector_store %arg7[%swap3A_179], %swap3A_182 {strides = array<i32>} : memref<512xf32, #tpu.memory_space<vmem>>, vector<16xf32>,
        %scan3A_183 = arith.constant 0 : i32
        scf.yield %scan3A_183 : i32
      }
      %scan3A_47 = arith.constant 32 : i32
      "tpu.region"() ({
        %run_scoped3A = tpu.sem_alloc : memref<!tpu.dma_semaphore, #tpu.memory_space<semaphore_mem>>
        %dma_start3A_49 = arith.constant 0 : i32
        %dma_start3A_50 = tpu.memref_slice %arg4[%add3A_11, %dma_start3A_49] : memref<4096x512xf32, #tpu.memory_space<hbm>> -> memref<1x512xf32, #tpu.memory_space<hbm>>
        %dma_start3A_51 = tpu.memref_squeeze %dma_start3A_50 : memref<1x512xf32, #tpu.memory_space<hbm>> -> memref<512xf32, #tpu.memory_space<hbm>>
        %dma_start3A_52 = arith.constant 0 : i32
        %dma_start3A_53 = tpu.memref_slice %arg4[%add3A_11, %dma_start3A_52] : memref<4096x512xf32, #tpu.memory_space<hbm>> -> memref<1x512xf32, #tpu.memory_space<hbm>>
        %dma_start3A_54 = tpu.memref_squeeze %dma_start3A_53 : memref<1x512xf32, #tpu.memory_space<hbm>> -> memref<512xf32, #tpu.memory_space<hbm>>
        tpu.enqueue_dma source(%arg7 : memref<512xf32, #tpu.memory_space<vmem>>) target(%dma_start3A_54 : memref<512xf32, #tpu.memory_space<hbm>>) target_semaphore(%run_scoped3A : memref<!tpu.dma_semaphore, #tpu.memory_space<semaphore_mem>>)
        %dma_wait3A_55 = arith.constant 0 : i32
        %dma_wait3A_56 = tpu.memref_slice %arg4[%add3A_11, %dma_wait3A_55] : memref<4096x512xf32, #tpu.memory_space<hbm>> -> memref<1x512xf32, #tpu.memory_space<hbm>>
        %dma_wait3A_57 = tpu.memref_squeeze %dma_wait3A_56 : memref<1x512xf32, #tpu.memory_space<hbm>> -> memref<512xf32, #tpu.memory_space<hbm>>
        %dma_wait3A_58 = arith.constant 0 : i32
        %dma_wait3A_59 = tpu.memref_slice %arg4[%add3A_11, %dma_wait3A_58] : memref<4096x512xf32, #tpu.memory_space<hbm>> -> memref<1x512xf32, #tpu.memory_space<hbm>>
        %dma_wait3A_60 = tpu.memref_squeeze %dma_wait3A_59 : memref<1x512xf32, #tpu.memory_space<hbm>> -> memref<512xf32, #tpu.memory_space<hbm>>
        tpu.wait_dma2 semaphore(%run_scoped3A : memref<!tpu.dma_semaphore, #tpu.memory_space<semaphore_mem>>) src(%arg7 : memref<512xf32, #tpu.memory_space<vmem>>) dst(%dma_wait3A_60 : memref<512xf32, #tpu.memory_space<hbm>>)
        tpu.yield
      }) : () -> ()
      %scan3A_48 = arith.constant 0 : i32
      scf.yield %scan3A_48 : i32
    }
    %scan3A_8 = arith.constant 128 : i32
    return
  }
}

#map = affine_map<(d0, d1) -> (0, 0)>
#map1 = affine_map<(d0, d1) -> (0, 0, 0)>
module attributes {stable_mosaic.version = 14 : i64} {
  func.func @_sc_gather_cand_kernel(%arg0: i32, %arg1: i32, %arg2: memref<262144x128xf32, #tpu.memory_space<hbm>>, %arg3: memref<4096x16xi32, #tpu.memory_space<hbm>>, %arg4: memref<4096x16x128xf32, #tpu.memory_space<hbm>>, %arg5: memref<16xi32, #tpu.memory_space<vmem>>, %arg6: memref<16x128xf32, #tpu.memory_space<vmem>>, %arg7: memref<!tpu.dma_semaphore, #tpu.memory_space<semaphore_mem>>) attributes {dimension_semantics = [#tpu.dimension_semantics<core_parallel>, #tpu.dimension_semantics<subcore_parallel>], iteration_bounds = array<i64: 2, 16>, scalar_prefetch = 0 : i64, scratch_operands = 3 : i64, tpu.core_type = #tpu.core_type<sc_vector_subcore>, window_params = [{transform_indices = #map}, {transform_indices = #map}, {transform_indices = #map1}]} {
    %mul3A = arith.constant 2 : i32
    %mul3A_0 = arith.muli %arg1, %mul3A : i32
    %add3A = arith.addi %mul3A_0, %arg0 : i32
    %mul3A_1 = arith.constant 128 : i32
    %mul3A_2 = arith.muli %add3A, %mul3A_1 : i32
    %scan3A = arith.constant 0 : i32
    %scan3A_3 = arith.constant 0 : i32
    %scan3A_4 = arith.constant 128 : i32
    %scan3A_5 = arith.addi %scan3A_3, %scan3A_4 : i32
    %scan3A_6 = arith.constant 1 : i32
    %scan3A_7 = scf.for %scan3A_9 = %scan3A_3 to %scan3A_5 step %scan3A_6 iter_args(%scan3A_10 = %scan3A) -> (i32)  : i32 {
      %add3A_11 = arith.addi %mul3A_2, %scan3A_9 : i32
      "tpu.region"() ({
        %run_scoped3A = tpu.sem_alloc : memref<!tpu.dma_semaphore, #tpu.memory_space<semaphore_mem>>
        %dma_start3A_26 = arith.constant 0 : i32
        %dma_start3A_27 = tpu.memref_slice %arg3[%add3A_11, %dma_start3A_26] : memref<4096x16xi32, #tpu.memory_space<hbm>> -> memref<1x16xi32, #tpu.memory_space<hbm>>
        %dma_start3A_28 = tpu.memref_squeeze %dma_start3A_27 : memref<1x16xi32, #tpu.memory_space<hbm>> -> memref<16xi32, #tpu.memory_space<hbm>>
        %dma_start3A_29 = arith.constant 0 : i32
        %dma_start3A_30 = tpu.memref_slice %arg3[%add3A_11, %dma_start3A_29] : memref<4096x16xi32, #tpu.memory_space<hbm>> -> memref<1x16xi32, #tpu.memory_space<hbm>>
        %dma_start3A_31 = tpu.memref_squeeze %dma_start3A_30 : memref<1x16xi32, #tpu.memory_space<hbm>> -> memref<16xi32, #tpu.memory_space<hbm>>
        tpu.enqueue_dma source(%dma_start3A_31 : memref<16xi32, #tpu.memory_space<hbm>>) target(%arg5 : memref<16xi32, #tpu.memory_space<vmem>>) target_semaphore(%run_scoped3A : memref<!tpu.dma_semaphore, #tpu.memory_space<semaphore_mem>>)
        %dma_wait3A_32 = arith.constant 0 : i32
        %dma_wait3A_33 = tpu.memref_slice %arg3[%add3A_11, %dma_wait3A_32] : memref<4096x16xi32, #tpu.memory_space<hbm>> -> memref<1x16xi32, #tpu.memory_space<hbm>>
        %dma_wait3A_34 = tpu.memref_squeeze %dma_wait3A_33 : memref<1x16xi32, #tpu.memory_space<hbm>> -> memref<16xi32, #tpu.memory_space<hbm>>
        %dma_wait3A_35 = arith.constant 0 : i32
        %dma_wait3A_36 = tpu.memref_slice %arg3[%add3A_11, %dma_wait3A_35] : memref<4096x16xi32, #tpu.memory_space<hbm>> -> memref<1x16xi32, #tpu.memory_space<hbm>>
        %dma_wait3A_37 = tpu.memref_squeeze %dma_wait3A_36 : memref<1x16xi32, #tpu.memory_space<hbm>> -> memref<16xi32, #tpu.memory_space<hbm>>
        tpu.wait_dma2 semaphore(%run_scoped3A : memref<!tpu.dma_semaphore, #tpu.memory_space<semaphore_mem>>) src(%dma_wait3A_37 : memref<16xi32, #tpu.memory_space<hbm>>) dst(%arg5 : memref<16xi32, #tpu.memory_space<vmem>>)
        tpu.yield
      }) : () -> ()
      %get3A = arith.constant 0 : index
      %get3A_12 = tpu.vector_load %arg5[%get3A] {strides = array<i32>} : memref<16xi32, #tpu.memory_space<vmem>>, vector<16xi32>,
      %get3A_13 = vector.shape_cast %get3A_12 : vector<16xi32> to vector<16xi32>
      %mul3A_14 = arith.constant 64 : i32
      %mul3A_15 = arith.muli %add3A_11, %mul3A_14 : i32
      %add3A_16 = vector.broadcast %mul3A_15 : i32 to vector<16xi32>
      %add3A_17 = arith.addi %get3A_13, %add3A_16 : vector<16xi32>
      %swap3A = arith.constant 0 : index
      %swap3A_18 = tpu.vector_load %arg5[%swap3A] {strides = array<i32>} : memref<16xi32, #tpu.memory_space<vmem>>, vector<16xi32>,
      %swap3A_19 = vector.shape_cast %swap3A_18 : vector<16xi32> to vector<16xi32>
      %swap3A_20 = vector.shape_cast %add3A_17 : vector<16xi32> to vector<16xi32>
      tpu.vector_store %arg5[%swap3A], %swap3A_20 {strides = array<i32>} : memref<16xi32, #tpu.memory_space<vmem>>, vector<16xi32>,
      %dma_start3A = arith.constant 0 : i32
      %dma_start3A_21 = arith.constant 0 : i32
      %dma_start3A_22 = tpu.memref_slice %arg2[%dma_start3A, %dma_start3A_21] : memref<262144x128xf32, #tpu.memory_space<hbm>> -> memref<262144x128xf32, #tpu.memory_space<hbm>>
      tpu.enqueue_indirect_dma source(%dma_start3A_22 : memref<262144x128xf32, #tpu.memory_space<hbm>>) target(%arg6 : memref<16x128xf32, #tpu.memory_space<vmem>>) offsets(%arg5 : memref<16xi32, #tpu.memory_space<vmem>>) semaphore(%arg7 : memref<!tpu.dma_semaphore, #tpu.memory_space<semaphore_mem>>)
      %dma_wait3A = arith.constant 0 : i32
      %dma_wait3A_23 = arith.constant 0 : i32
      %dma_wait3A_24 = tpu.memref_slice %arg2[%dma_wait3A, %dma_wait3A_23] : memref<262144x128xf32, #tpu.memory_space<hbm>> -> memref<262144x128xf32, #tpu.memory_space<hbm>>
      tpu.wait_indirect_dma semaphore(%arg7 : memref<!tpu.dma_semaphore, #tpu.memory_space<semaphore_mem>>) src(%dma_wait3A_24 : memref<262144x128xf32, #tpu.memory_space<hbm>>) dst(%arg6 : memref<16x128xf32, #tpu.memory_space<vmem>>)
      "tpu.region"() ({
        %run_scoped3A = tpu.sem_alloc : memref<!tpu.dma_semaphore, #tpu.memory_space<semaphore_mem>>
        %dma_start3A_26 = arith.constant 0 : i32
        %dma_start3A_27 = arith.constant 0 : i32
        %dma_start3A_28 = tpu.memref_slice %arg4[%add3A_11, %dma_start3A_26, %dma_start3A_27] : memref<4096x16x128xf32, #tpu.memory_space<hbm>> -> memref<1x16x128xf32, #tpu.memory_space<hbm>>
        %dma_start3A_29 = tpu.memref_squeeze %dma_start3A_28 : memref<1x16x128xf32, #tpu.memory_space<hbm>> -> memref<16x128xf32, #tpu.memory_space<hbm>>
        %dma_start3A_30 = arith.constant 0 : i32
        %dma_start3A_31 = arith.constant 0 : i32
        %dma_start3A_32 = tpu.memref_slice %arg4[%add3A_11, %dma_start3A_30, %dma_start3A_31] : memref<4096x16x128xf32, #tpu.memory_space<hbm>> -> memref<1x16x128xf32, #tpu.memory_space<hbm>>
        %dma_start3A_33 = tpu.memref_squeeze %dma_start3A_32 : memref<1x16x128xf32, #tpu.memory_space<hbm>> -> memref<16x128xf32, #tpu.memory_space<hbm>>
        tpu.enqueue_dma source(%arg6 : memref<16x128xf32, #tpu.memory_space<vmem>>) target(%dma_start3A_33 : memref<16x128xf32, #tpu.memory_space<hbm>>) target_semaphore(%run_scoped3A : memref<!tpu.dma_semaphore, #tpu.memory_space<semaphore_mem>>)
        %dma_wait3A_34 = arith.constant 0 : i32
        %dma_wait3A_35 = arith.constant 0 : i32
        %dma_wait3A_36 = tpu.memref_slice %arg4[%add3A_11, %dma_wait3A_34, %dma_wait3A_35] : memref<4096x16x128xf32, #tpu.memory_space<hbm>> -> memref<1x16x128xf32, #tpu.memory_space<hbm>>
        %dma_wait3A_37 = tpu.memref_squeeze %dma_wait3A_36 : memref<1x16x128xf32, #tpu.memory_space<hbm>> -> memref<16x128xf32, #tpu.memory_space<hbm>>
        %dma_wait3A_38 = arith.constant 0 : i32
        %dma_wait3A_39 = arith.constant 0 : i32
        %dma_wait3A_40 = tpu.memref_slice %arg4[%add3A_11, %dma_wait3A_38, %dma_wait3A_39] : memref<4096x16x128xf32, #tpu.memory_space<hbm>> -> memref<1x16x128xf32, #tpu.memory_space<hbm>>
        %dma_wait3A_41 = tpu.memref_squeeze %dma_wait3A_40 : memref<1x16x128xf32, #tpu.memory_space<hbm>> -> memref<16x128xf32, #tpu.memory_space<hbm>>
        tpu.wait_dma2 semaphore(%run_scoped3A : memref<!tpu.dma_semaphore, #tpu.memory_space<semaphore_mem>>) src(%arg6 : memref<16x128xf32, #tpu.memory_space<vmem>>) dst(%dma_wait3A_41 : memref<16x128xf32, #tpu.memory_space<hbm>>)
        tpu.yield
      }) : () -> ()
      %scan3A_25 = arith.constant 0 : i32
      scf.yield %scan3A_25 : i32
    }
    %scan3A_8 = arith.constant 128 : i32
    return
  }
}

module attributes {stable_mosaic.version = 14 : i64} {
  func.func @_fps_kernel(%arg0: memref<2x64x128xf32, #tpu.memory_space<vmem>>, %arg1: memref<2x64x128xf32, #tpu.memory_space<vmem>>, %arg2: memref<2x64x128xf32, #tpu.memory_space<vmem>>, %arg3: memref<2x8192xf32, #tpu.memory_space<smem>>, %arg4: memref<2x8192xf32, #tpu.memory_space<smem>>, %arg5: memref<2x8192xf32, #tpu.memory_space<smem>>, %arg6: memref<2x16x128xi32, #tpu.memory_space<vmem>>, %arg7: memref<2x16x128xf32, #tpu.memory_space<vmem>>, %arg8: memref<2x16x128xf32, #tpu.memory_space<vmem>>, %arg9: memref<2x16x128xf32, #tpu.memory_space<vmem>>) attributes {dimension_semantics = [], scalar_prefetch = 0 : i64, scratch_operands = 0 : i64, tpu.core_type = #tpu.core_type<tc>} {
    %iota3A = tpu.iota {dimensions = array<i32: 0>} : vector<64x128xi32>
    %mul3A = arith.constant 128 : i32
    %mul3A_0 = vector.broadcast %mul3A : i32 to vector<64x128xi32>
    %mul3A_1 = arith.muli %iota3A, %mul3A_0 : vector<64x128xi32>
    %iota3A_2 = tpu.iota {dimensions = array<i32: 1>} : vector<64x128xi32>
    %add3A = arith.addi %mul3A_1, %iota3A_2 : vector<64x128xi32>
    %iota3A_3 = tpu.iota {dimensions = array<i32: 0>} : vector<16x128xi32>
    %mul3A_4 = arith.constant 128 : i32
    %mul3A_5 = vector.broadcast %mul3A_4 : i32 to vector<16x128xi32>
    %mul3A_6 = arith.muli %iota3A_3, %mul3A_5 : vector<16x128xi32>
    %iota3A_7 = tpu.iota {dimensions = array<i32: 1>} : vector<16x128xi32>
    %add3A_8 = arith.addi %mul3A_6, %iota3A_7 : vector<16x128xi32>
    %get3A = arith.constant 0 : index
    %get3A_9 = arith.constant 0 : index
    %get3A_10 = arith.constant 0 : index
    %get3A_11 = vector.load %arg0[%get3A, %get3A_9, %get3A_10] : memref<2x64x128xf32, #tpu.memory_space<vmem>>, vector<1x64x128xf32>
    %get3A_12 = vector.shape_cast %get3A_11 : vector<1x64x128xf32> to vector<64x128xf32>
    %get3A_13 = arith.constant 0 : index
    %get3A_14 = arith.constant 0 : index
    %get3A_15 = arith.constant 0 : index
    %get3A_16 = vector.load %arg1[%get3A_13, %get3A_14, %get3A_15] : memref<2x64x128xf32, #tpu.memory_space<vmem>>, vector<1x64x128xf32>
    %get3A_17 = vector.shape_cast %get3A_16 : vector<1x64x128xf32> to vector<64x128xf32>
    %get3A_18 = arith.constant 0 : index
    %get3A_19 = arith.constant 0 : index
    %get3A_20 = arith.constant 0 : index
    %get3A_21 = vector.load %arg2[%get3A_18, %get3A_19, %get3A_20] : memref<2x64x128xf32, #tpu.memory_space<vmem>>, vector<1x64x128xf32>
    %get3A_22 = vector.shape_cast %get3A_21 : vector<1x64x128xf32> to vector<64x128xf32>
    %get3A_23 = arith.constant 1 : index
    %get3A_24 = arith.constant 0 : index
    %get3A_25 = arith.constant 0 : index
    %get3A_26 = vector.load %arg0[%get3A_23, %get3A_24, %get3A_25] : memref<2x64x128xf32, #tpu.memory_space<vmem>>, vector<1x64x128xf32>
    %get3A_27 = vector.shape_cast %get3A_26 : vector<1x64x128xf32> to vector<64x128xf32>
    %get3A_28 = arith.constant 1 : index
    %get3A_29 = arith.constant 0 : index
    %get3A_30 = arith.constant 0 : index
    %get3A_31 = vector.load %arg1[%get3A_28, %get3A_29, %get3A_30] : memref<2x64x128xf32, #tpu.memory_space<vmem>>, vector<1x64x128xf32>
    %get3A_32 = vector.shape_cast %get3A_31 : vector<1x64x128xf32> to vector<64x128xf32>
    %get3A_33 = arith.constant 1 : index
    %get3A_34 = arith.constant 0 : index
    %get3A_35 = arith.constant 0 : index
    %get3A_36 = vector.load %arg2[%get3A_33, %get3A_34, %get3A_35] : memref<2x64x128xf32, #tpu.memory_space<vmem>>, vector<1x64x128xf32>
    %get3A_37 = vector.shape_cast %get3A_36 : vector<1x64x128xf32> to vector<64x128xf32>
    %broadcast_in_dim3A = arith.constant 0x7F800000 : f32
    %broadcast_in_dim3A_38 = vector.broadcast %broadcast_in_dim3A : f32 to vector<64x128xf32>
    %broadcast_in_dim3A_39 = arith.constant 0 : i32
    %broadcast_in_dim3A_40 = vector.broadcast %broadcast_in_dim3A_39 : i32 to vector<16x128xi32>
    %broadcast_in_dim3A_41 = arith.constant 0.000000e+00 : f32
    %broadcast_in_dim3A_42 = vector.broadcast %broadcast_in_dim3A_41 : f32 to vector<16x128xf32>
    %broadcast_in_dim3A_43 = arith.constant 0.000000e+00 : f32
    %broadcast_in_dim3A_44 = vector.broadcast %broadcast_in_dim3A_43 : f32 to vector<16x128xf32>
    %broadcast_in_dim3A_45 = arith.constant 0.000000e+00 : f32
    %broadcast_in_dim3A_46 = vector.broadcast %broadcast_in_dim3A_45 : f32 to vector<16x128xf32>
    %broadcast_in_dim3A_47 = arith.constant 0x7F800000 : f32
    %broadcast_in_dim3A_48 = vector.broadcast %broadcast_in_dim3A_47 : f32 to vector<64x128xf32>
    %broadcast_in_dim3A_49 = arith.constant 0 : i32
    %broadcast_in_dim3A_50 = vector.broadcast %broadcast_in_dim3A_49 : i32 to vector<16x128xi32>
    %broadcast_in_dim3A_51 = arith.constant 0.000000e+00 : f32
    %broadcast_in_dim3A_52 = vector.broadcast %broadcast_in_dim3A_51 : f32 to vector<16x128xf32>
    %broadcast_in_dim3A_53 = arith.constant 0.000000e+00 : f32
    %broadcast_in_dim3A_54 = vector.broadcast %broadcast_in_dim3A_53 : f32 to vector<16x128xf32>
    %broadcast_in_dim3A_55 = arith.constant 0.000000e+00 : f32
    %broadcast_in_dim3A_56 = vector.broadcast %broadcast_in_dim3A_55 : f32 to vector<16x128xf32>
    %scan3A = arith.constant 2147483647 : i32
    %scan3A_57 = arith.constant 0 : i32
    %scan3A_58 = arith.constant 0 : i32
    %scan3A_59 = arith.constant 1 : i32
    %scan3A_60 = arith.constant 2047 : i32
    %scan3A_61 = arith.addi %scan3A_59, %scan3A_60 : i32
    %scan3A_62 = arith.constant 1 : i32
    %scan3A_63:12 = scf.for %scan3A_143 = %scan3A_59 to %scan3A_61 step %scan3A_62 iter_args(%scan3A_144 = %broadcast_in_dim3A_38, %scan3A_145 = %scan3A_57, %scan3A_146 = %broadcast_in_dim3A_40, %scan3A_147 = %broadcast_in_dim3A_42, %scan3A_148 = %broadcast_in_dim3A_44, %scan3A_149 = %broadcast_in_dim3A_46, %scan3A_150 = %broadcast_in_dim3A_48, %scan3A_151 = %scan3A_58, %scan3A_152 = %broadcast_in_dim3A_50, %scan3A_153 = %broadcast_in_dim3A_52, %scan3A_154 = %broadcast_in_dim3A_54, %scan3A_155 = %broadcast_in_dim3A_56) -> (vector<64x128xf32>, i32, vector<16x128xi32>, vector<16x128xf32>, vector<16x128xf32>, vector<16x128xf32>, vector<64x128xf32>, i32, vector<16x128xi32>, vector<16x128xf32>, vector<16x128xf32>, vector<16x128xf32>)  : i32 {
      %get3A_156 = arith.constant 0 : index
      %get3A_157 = arith.index_cast %scan3A_145 : i32 to index
      %get3A_158 = memref.load %arg3[%get3A_156, %get3A_157] : memref<2x8192xf32, #tpu.memory_space<smem>>
      %get3A_159 = arith.constant 0 : index
      %get3A_160 = arith.index_cast %scan3A_145 : i32 to index
      %get3A_161 = memref.load %arg4[%get3A_159, %get3A_160] : memref<2x8192xf32, #tpu.memory_space<smem>>
      %get3A_162 = arith.constant 0 : index
      %get3A_163 = arith.index_cast %scan3A_145 : i32 to index
      %get3A_164 = memref.load %arg5[%get3A_162, %get3A_163] : memref<2x8192xf32, #tpu.memory_space<smem>>
      %sub3A = vector.broadcast %get3A_158 : f32 to vector<64x128xf32>
      %sub3A_165 = arith.subf %get3A_12, %sub3A : vector<64x128xf32>
      %sub3A_166 = vector.broadcast %get3A_161 : f32 to vector<64x128xf32>
      %sub3A_167 = arith.subf %get3A_17, %sub3A_166 : vector<64x128xf32>
      %sub3A_168 = vector.broadcast %get3A_164 : f32 to vector<64x128xf32>
      %sub3A_169 = arith.subf %get3A_22, %sub3A_168 : vector<64x128xf32>
      %mul3A_170 = arith.mulf %sub3A_165, %sub3A_165 : vector<64x128xf32>
      %mul3A_171 = arith.mulf %sub3A_167, %sub3A_167 : vector<64x128xf32>
      %add3A_172 = arith.addf %mul3A_170, %mul3A_171 : vector<64x128xf32>
      %mul3A_173 = arith.mulf %sub3A_169, %sub3A_169 : vector<64x128xf32>
      %add3A_174 = arith.addf %add3A_172, %mul3A_173 : vector<64x128xf32>
      %min3A = arith.minimumf %scan3A_144, %add3A_174 : vector<64x128xf32>
      %reduce_max3A = vector.shape_cast %min3A : vector<64x128xf32> to vector<1x64x128xf32>
      %reduce_max3A_175 = arith.constant dense<0xFF800000> : vector<1xf32>
      %reduce_max3A_176 = vector.multi_reduction <maximumf>, %reduce_max3A, %reduce_max3A_175 [1, 2] : vector<1x64x128xf32> to vector<1xf32>
      %reduce_max3A_177 = vector.shape_cast %reduce_max3A_176 : vector<1xf32> to vector<1x1x1xf32>
      %reduce_max3A_178 = vector.extract %reduce_max3A_177[0, 0, 0] : f32 from vector<1x1x1xf32>
      %eq3A_179 = vector.broadcast %reduce_max3A_178 : f32 to vector<64x128xf32>
      %eq3A_180 = arith.cmpf oeq, %min3A, %eq3A_179 : vector<64x128xf32>
      %broadcast_in_dim3A_181 = vector.broadcast %scan3A : i32 to vector<64x128xi32>
      %select_n3A_182 = arith.select %eq3A_180, %add3A, %broadcast_in_dim3A_181 : vector<64x128xi1>, vector<64x128xi32>
      %reduce_min3A = vector.shape_cast %select_n3A_182 : vector<64x128xi32> to vector<1x64x128xi32>
      %reduce_min3A_183 = arith.constant dense<2147483647> : vector<1xi32>
      %reduce_min3A_184 = vector.multi_reduction <minsi>, %reduce_min3A, %reduce_min3A_183 [1, 2] : vector<1x64x128xi32> to vector<1xi32>
      %reduce_min3A_185 = vector.shape_cast %reduce_min3A_184 : vector<1xi32> to vector<1x1x1xi32>
      %reduce_min3A_186 = vector.extract %reduce_min3A_185[0, 0, 0] : i32 from vector<1x1x1xi32>
      %sub3A_187 = arith.constant 1 : i32
      %sub3A_188 = arith.subi %scan3A_143, %sub3A_187 : i32
      %eq3A_189 = vector.broadcast %sub3A_188 : i32 to vector<16x128xi32>
      %eq3A_190 = arith.cmpi eq, %add3A_8, %eq3A_189 : vector<16x128xi32>
      %eq3A_191 = vector.broadcast %scan3A_143 : i32 to vector<16x128xi32>
      %eq3A_192 = arith.cmpi eq, %add3A_8, %eq3A_191 : vector<16x128xi32>
      %broadcast_in_dim3A_193 = vector.broadcast %get3A_158 : f32 to vector<16x128xf32>
      %select_n3A_194 = arith.select %eq3A_190, %broadcast_in_dim3A_193, %scan3A_147 : vector<16x128xi1>, vector<16x128xf32>
      %broadcast_in_dim3A_195 = vector.broadcast %get3A_161 : f32 to vector<16x128xf32>
      %select_n3A_196 = arith.select %eq3A_190, %broadcast_in_dim3A_195, %scan3A_148 : vector<16x128xi1>, vector<16x128xf32>
      %broadcast_in_dim3A_197 = vector.broadcast %get3A_164 : f32 to vector<16x128xf32>
      %select_n3A_198 = arith.select %eq3A_190, %broadcast_in_dim3A_197, %scan3A_149 : vector<16x128xi1>, vector<16x128xf32>
      %broadcast_in_dim3A_199 = vector.broadcast %reduce_min3A_186 : i32 to vector<16x128xi32>
      %select_n3A_200 = arith.select %eq3A_192, %broadcast_in_dim3A_199, %scan3A_146 : vector<16x128xi1>, vector<16x128xi32>
      %get3A_201 = arith.constant 1 : index
      %get3A_202 = arith.index_cast %scan3A_151 : i32 to index
      %get3A_203 = memref.load %arg3[%get3A_201, %get3A_202] : memref<2x8192xf32, #tpu.memory_space<smem>>
      %get3A_204 = arith.constant 1 : index
      %get3A_205 = arith.index_cast %scan3A_151 : i32 to index
      %get3A_206 = memref.load %arg4[%get3A_204, %get3A_205] : memref<2x8192xf32, #tpu.memory_space<smem>>
      %get3A_207 = arith.constant 1 : index
      %get3A_208 = arith.index_cast %scan3A_151 : i32 to index
      %get3A_209 = memref.load %arg5[%get3A_207, %get3A_208] : memref<2x8192xf32, #tpu.memory_space<smem>>
      %sub3A_210 = vector.broadcast %get3A_203 : f32 to vector<64x128xf32>
      %sub3A_211 = arith.subf %get3A_27, %sub3A_210 : vector<64x128xf32>
      %sub3A_212 = vector.broadcast %get3A_206 : f32 to vector<64x128xf32>
      %sub3A_213 = arith.subf %get3A_32, %sub3A_212 : vector<64x128xf32>
      %sub3A_214 = vector.broadcast %get3A_209 : f32 to vector<64x128xf32>
      %sub3A_215 = arith.subf %get3A_37, %sub3A_214 : vector<64x128xf32>
      %mul3A_216 = arith.mulf %sub3A_211, %sub3A_211 : vector<64x128xf32>
      %mul3A_217 = arith.mulf %sub3A_213, %sub3A_213 : vector<64x128xf32>
      %add3A_218 = arith.addf %mul3A_216, %mul3A_217 : vector<64x128xf32>
      %mul3A_219 = arith.mulf %sub3A_215, %sub3A_215 : vector<64x128xf32>
      %add3A_220 = arith.addf %add3A_218, %mul3A_219 : vector<64x128xf32>
      %min3A_221 = arith.minimumf %scan3A_150, %add3A_220 : vector<64x128xf32>
      %reduce_max3A_222 = vector.shape_cast %min3A_221 : vector<64x128xf32> to vector<1x64x128xf32>
      %reduce_max3A_223 = arith.constant dense<0xFF800000> : vector<1xf32>
      %reduce_max3A_224 = vector.multi_reduction <maximumf>, %reduce_max3A_222, %reduce_max3A_223 [1, 2] : vector<1x64x128xf32> to vector<1xf32>
      %reduce_max3A_225 = vector.shape_cast %reduce_max3A_224 : vector<1xf32> to vector<1x1x1xf32>
      %reduce_max3A_226 = vector.extract %reduce_max3A_225[0, 0, 0] : f32 from vector<1x1x1xf32>
      %eq3A_227 = vector.broadcast %reduce_max3A_226 : f32 to vector<64x128xf32>
      %eq3A_228 = arith.cmpf oeq, %min3A_221, %eq3A_227 : vector<64x128xf32>
      %broadcast_in_dim3A_229 = vector.broadcast %scan3A : i32 to vector<64x128xi32>
      %select_n3A_230 = arith.select %eq3A_228, %add3A, %broadcast_in_dim3A_229 : vector<64x128xi1>, vector<64x128xi32>
      %reduce_min3A_231 = vector.shape_cast %select_n3A_230 : vector<64x128xi32> to vector<1x64x128xi32>
      %reduce_min3A_232 = arith.constant dense<2147483647> : vector<1xi32>
      %reduce_min3A_233 = vector.multi_reduction <minsi>, %reduce_min3A_231, %reduce_min3A_232 [1, 2] : vector<1x64x128xi32> to vector<1xi32>
      %reduce_min3A_234 = vector.shape_cast %reduce_min3A_233 : vector<1xi32> to vector<1x1x1xi32>
      %reduce_min3A_235 = vector.extract %reduce_min3A_234[0, 0, 0] : i32 from vector<1x1x1xi32>
      %sub3A_236 = arith.constant 1 : i32
      %sub3A_237 = arith.subi %scan3A_143, %sub3A_236 : i32
      %eq3A_238 = vector.broadcast %sub3A_237 : i32 to vector<16x128xi32>
      %eq3A_239 = arith.cmpi eq, %add3A_8, %eq3A_238 : vector<16x128xi32>
      %eq3A_240 = vector.broadcast %scan3A_143 : i32 to vector<16x128xi32>
      %eq3A_241 = arith.cmpi eq, %add3A_8, %eq3A_240 : vector<16x128xi32>
      %broadcast_in_dim3A_242 = vector.broadcast %get3A_203 : f32 to vector<16x128xf32>
      %select_n3A_243 = arith.select %eq3A_239, %broadcast_in_dim3A_242, %scan3A_153 : vector<16x128xi1>, vector<16x128xf32>
      %broadcast_in_dim3A_244 = vector.broadcast %get3A_206 : f32 to vector<16x128xf32>
      %select_n3A_245 = arith.select %eq3A_239, %broadcast_in_dim3A_244, %scan3A_154 : vector<16x128xi1>, vector<16x128xf32>
      %broadcast_in_dim3A_246 = vector.broadcast %get3A_209 : f32 to vector<16x128xf32>
      %select_n3A_247 = arith.select %eq3A_239, %broadcast_in_dim3A_246, %scan3A_155 : vector<16x128xi1>, vector<16x128xf32>
      %broadcast_in_dim3A_248 = vector.broadcast %reduce_min3A_235 : i32 to vector<16x128xi32>
      %select_n3A_249 = arith.select %eq3A_241, %broadcast_in_dim3A_248, %scan3A_152 : vector<16x128xi1>, vector<16x128xi32>
      scf.yield %min3A, %reduce_min3A_186, %select_n3A_200, %select_n3A_194, %select_n3A_196, %select_n3A_198, %min3A_221, %reduce_min3A_235, %select_n3A_249, %select_n3A_243, %select_n3A_245, %select_n3A_247 : vector<64x128xf32>, i32, vector<16x128xi32>, vector<16x128xf32>, vector<16x128xf32>, vector<16x128xf32>, vector<64x128xf32>, i32, vector<16x128xi32>, vector<16x128xf32>, vector<16x128xf32>, vector<16x128xf32>
    }
    %scan3A_64 = arith.constant 2047 : i32
    %eq3A = arith.constant 2047 : i32
    %eq3A_65 = vector.broadcast %eq3A : i32 to vector<16x128xi32>
    %eq3A_66 = arith.cmpi eq, %add3A_8, %eq3A_65 : vector<16x128xi32>
    %swap3A = arith.constant 0 : index
    %swap3A_67 = arith.constant 0 : index
    %swap3A_68 = arith.constant 0 : index
    %swap3A_69 = vector.load %arg6[%swap3A, %swap3A_67, %swap3A_68] : memref<2x16x128xi32, #tpu.memory_space<vmem>>, vector<1x16x128xi32>
    %swap3A_70 = vector.shape_cast %swap3A_69 : vector<1x16x128xi32> to vector<16x128xi32>
    %swap3A_71 = vector.shape_cast %scan3A_63#2 : vector<16x128xi32> to vector<1x16x128xi32>
    tpu.vector_store %arg6[%swap3A, %swap3A_67, %swap3A_68], %swap3A_71 {strides = array<i32>} : memref<2x16x128xi32, #tpu.memory_space<vmem>>, vector<1x16x128xi32>,
    %get3A_72 = arith.constant 0 : index
    %get3A_73 = arith.index_cast %scan3A_63#1 : i32 to index
    %get3A_74 = memref.load %arg3[%get3A_72, %get3A_73] : memref<2x8192xf32, #tpu.memory_space<smem>>
    %broadcast_in_dim3A_75 = vector.broadcast %get3A_74 : f32 to vector<16x128xf32>
    %select_n3A = arith.select %eq3A_66, %broadcast_in_dim3A_75, %scan3A_63#3 : vector<16x128xi1>, vector<16x128xf32>
    %swap3A_76 = arith.constant 0 : index
    %swap3A_77 = arith.constant 0 : index
    %swap3A_78 = arith.constant 0 : index
    %swap3A_79 = vector.load %arg7[%swap3A_76, %swap3A_77, %swap3A_78] : memref<2x16x128xf32, #tpu.memory_space<vmem>>, vector<1x16x128xf32>
    %swap3A_80 = vector.shape_cast %swap3A_79 : vector<1x16x128xf32> to vector<16x128xf32>
    %swap3A_81 = vector.shape_cast %select_n3A : vector<16x128xf32> to vector<1x16x128xf32>
    tpu.vector_store %arg7[%swap3A_76, %swap3A_77, %swap3A_78], %swap3A_81 {strides = array<i32>} : memref<2x16x128xf32, #tpu.memory_space<vmem>>, vector<1x16x128xf32>,
    %get3A_82 = arith.constant 0 : index
    %get3A_83 = arith.index_cast %scan3A_63#1 : i32 to index
    %get3A_84 = memref.load %arg4[%get3A_82, %get3A_83] : memref<2x8192xf32, #tpu.memory_space<smem>>
    %broadcast_in_dim3A_85 = vector.broadcast %get3A_84 : f32 to vector<16x128xf32>
    %select_n3A_86 = arith.select %eq3A_66, %broadcast_in_dim3A_85, %scan3A_63#4 : vector<16x128xi1>, vector<16x128xf32>
    %swap3A_87 = arith.constant 0 : index
    %swap3A_88 = arith.constant 0 : index
    %swap3A_89 = arith.constant 0 : index
    %swap3A_90 = vector.load %arg8[%swap3A_87, %swap3A_88, %swap3A_89] : memref<2x16x128xf32, #tpu.memory_space<vmem>>, vector<1x16x128xf32>
    %swap3A_91 = vector.shape_cast %swap3A_90 : vector<1x16x128xf32> to vector<16x128xf32>
    %swap3A_92 = vector.shape_cast %select_n3A_86 : vector<16x128xf32> to vector<1x16x128xf32>
    tpu.vector_store %arg8[%swap3A_87, %swap3A_88, %swap3A_89], %swap3A_92 {strides = array<i32>} : memref<2x16x128xf32, #tpu.memory_space<vmem>>, vector<1x16x128xf32>,
    %get3A_93 = arith.constant 0 : index
    %get3A_94 = arith.index_cast %scan3A_63#1 : i32 to index
    %get3A_95 = memref.load %arg5[%get3A_93, %get3A_94] : memref<2x8192xf32, #tpu.memory_space<smem>>
    %broadcast_in_dim3A_96 = vector.broadcast %get3A_95 : f32 to vector<16x128xf32>
    %select_n3A_97 = arith.select %eq3A_66, %broadcast_in_dim3A_96, %scan3A_63#5 : vector<16x128xi1>, vector<16x128xf32>
    %swap3A_98 = arith.constant 0 : index
    %swap3A_99 = arith.constant 0 : index
    %swap3A_100 = arith.constant 0 : index
    %swap3A_101 = vector.load %arg9[%swap3A_98, %swap3A_99, %swap3A_100] : memref<2x16x128xf32, #tpu.memory_space<vmem>>, vector<1x16x128xf32>
    %swap3A_102 = vector.shape_cast %swap3A_101 : vector<1x16x128xf32> to vector<16x128xf32>
    %swap3A_103 = vector.shape_cast %select_n3A_97 : vector<16x128xf32> to vector<1x16x128xf32>
    tpu.vector_store %arg9[%swap3A_98, %swap3A_99, %swap3A_100], %swap3A_103 {strides = array<i32>} : memref<2x16x128xf32, #tpu.memory_space<vmem>>, vector<1x16x128xf32>,
    %swap3A_104 = arith.constant 1 : index
    %swap3A_105 = arith.constant 0 : index
    %swap3A_106 = arith.constant 0 : index
    %swap3A_107 = vector.load %arg6[%swap3A_104, %swap3A_105, %swap3A_106] : memref<2x16x128xi32, #tpu.memory_space<vmem>>, vector<1x16x128xi32>
    %swap3A_108 = vector.shape_cast %swap3A_107 : vector<1x16x128xi32> to vector<16x128xi32>
    %swap3A_109 = vector.shape_cast %scan3A_63#8 : vector<16x128xi32> to vector<1x16x128xi32>
    tpu.vector_store %arg6[%swap3A_104, %swap3A_105, %swap3A_106], %swap3A_109 {strides = array<i32>} : memref<2x16x128xi32, #tpu.memory_space<vmem>>, vector<1x16x128xi32>,
    %get3A_110 = arith.constant 1 : index
    %get3A_111 = arith.index_cast %scan3A_63#7 : i32 to index
    %get3A_112 = memref.load %arg3[%get3A_110, %get3A_111] : memref<2x8192xf32, #tpu.memory_space<smem>>
    %broadcast_in_dim3A_113 = vector.broadcast %get3A_112 : f32 to vector<16x128xf32>
    %select_n3A_114 = arith.select %eq3A_66, %broadcast_in_dim3A_113, %scan3A_63#9 : vector<16x128xi1>, vector<16x128xf32>
    %swap3A_115 = arith.constant 1 : index
    %swap3A_116 = arith.constant 0 : index
    %swap3A_117 = arith.constant 0 : index
    %swap3A_118 = vector.load %arg7[%swap3A_115, %swap3A_116, %swap3A_117] : memref<2x16x128xf32, #tpu.memory_space<vmem>>, vector<1x16x128xf32>
    %swap3A_119 = vector.shape_cast %swap3A_118 : vector<1x16x128xf32> to vector<16x128xf32>
    %swap3A_120 = vector.shape_cast %select_n3A_114 : vector<16x128xf32> to vector<1x16x128xf32>
    tpu.vector_store %arg7[%swap3A_115, %swap3A_116, %swap3A_117], %swap3A_120 {strides = array<i32>} : memref<2x16x128xf32, #tpu.memory_space<vmem>>, vector<1x16x128xf32>,
    %get3A_121 = arith.constant 1 : index
    %get3A_122 = arith.index_cast %scan3A_63#7 : i32 to index
    %get3A_123 = memref.load %arg4[%get3A_121, %get3A_122] : memref<2x8192xf32, #tpu.memory_space<smem>>
    %broadcast_in_dim3A_124 = vector.broadcast %get3A_123 : f32 to vector<16x128xf32>
    %select_n3A_125 = arith.select %eq3A_66, %broadcast_in_dim3A_124, %scan3A_63#10 : vector<16x128xi1>, vector<16x128xf32>
    %swap3A_126 = arith.constant 1 : index
    %swap3A_127 = arith.constant 0 : index
    %swap3A_128 = arith.constant 0 : index
    %swap3A_129 = vector.load %arg8[%swap3A_126, %swap3A_127, %swap3A_128] : memref<2x16x128xf32, #tpu.memory_space<vmem>>, vector<1x16x128xf32>
    %swap3A_130 = vector.shape_cast %swap3A_129 : vector<1x16x128xf32> to vector<16x128xf32>
    %swap3A_131 = vector.shape_cast %select_n3A_125 : vector<16x128xf32> to vector<1x16x128xf32>
    tpu.vector_store %arg8[%swap3A_126, %swap3A_127, %swap3A_128], %swap3A_131 {strides = array<i32>} : memref<2x16x128xf32, #tpu.memory_space<vmem>>, vector<1x16x128xf32>,
    %get3A_132 = arith.constant 1 : index
    %get3A_133 = arith.index_cast %scan3A_63#7 : i32 to index
    %get3A_134 = memref.load %arg5[%get3A_132, %get3A_133] : memref<2x8192xf32, #tpu.memory_space<smem>>
    %broadcast_in_dim3A_135 = vector.broadcast %get3A_134 : f32 to vector<16x128xf32>
    %select_n3A_136 = arith.select %eq3A_66, %broadcast_in_dim3A_135, %scan3A_63#11 : vector<16x128xi1>, vector<16x128xf32>
    %swap3A_137 = arith.constant 1 : index
    %swap3A_138 = arith.constant 0 : index
    %swap3A_139 = arith.constant 0 : index
    %swap3A_140 = vector.load %arg9[%swap3A_137, %swap3A_138, %swap3A_139] : memref<2x16x128xf32, #tpu.memory_space<vmem>>, vector<1x16x128xf32>
    %swap3A_141 = vector.shape_cast %swap3A_140 : vector<1x16x128xf32> to vector<16x128xf32>
    %swap3A_142 = vector.shape_cast %select_n3A_136 : vector<16x128xf32> to vector<1x16x128xf32>
    tpu.vector_store %arg9[%swap3A_137, %swap3A_138, %swap3A_139], %swap3A_142 {strides = array<i32>} : memref<2x16x128xf32, #tpu.memory_space<vmem>>, vector<1x16x128xf32>,
    return
  }
}

module attributes {stable_mosaic.version = 14 : i64} {
  func.func @_knn_ab_kernel(%arg0: i32, %arg1: memref<128x8xf32, #tpu.memory_space<vmem>>, %arg2: memref<1x8x8192xf32, #tpu.memory_space<vmem>>, %arg3: memref<128x8192xf32, #tpu.memory_space<vmem>>, %arg4: memref<128x16xi32, #tpu.memory_space<vmem>>, %arg5: memref<128x64xf32, #tpu.memory_space<vmem>>) attributes {dimension_semantics = [#tpu.dimension_semantics<arbitrary>], iteration_bounds = array<i64: 32>, scalar_prefetch = 0 : i64, scratch_operands = 1 : i64, tpu.core_type = #tpu.core_type<tc>, window_params = [{transform_indices = @transform_0, window_bounds = array<i64: 128, 8>}, {transform_indices = @transform_1, window_bounds = array<i64: 1, 8, 8192>}, {transform_indices = @transform_2, window_bounds = array<i64: 128, 8192>}, {transform_indices = @transform_3, window_bounds = array<i64: 128, 16>}]} {
    %get3A = arith.constant 0 : index
    %get3A_0 = arith.constant 0 : index
    %get3A_1 = vector.load %arg1[%get3A, %get3A_0] : memref<128x8xf32, #tpu.memory_space<vmem>>, vector<128x8xf32>
    %mul3A = arith.mulf %get3A_1, %get3A_1 : vector<128x8xf32>
    %reduce_sum3A = arith.constant dense<0.000000e+00> : vector<128xf32>
    %reduce_sum3A_2 = vector.multi_reduction <add>, %mul3A, %reduce_sum3A [1] : vector<128x8xf32> to vector<128xf32>
    %broadcast_in_dim3A = vector.shape_cast %reduce_sum3A_2 : vector<128xf32> to vector<128x1xf32>
    %get3A_3 = arith.constant 0 : index
    %get3A_4 = arith.constant 0 : index
    %get3A_5 = arith.constant 0 : index
    %get3A_6 = vector.load %arg2[%get3A_3, %get3A_4, %get3A_5] : memref<1x8x8192xf32, #tpu.memory_space<vmem>>, vector<1x8x1024xf32>
    %get3A_7 = vector.shape_cast %get3A_6 : vector<1x8x1024xf32> to vector<8x1024xf32>
    %dot_general3A = arith.constant dense<0.000000e+00> : vector<128x1024xf32>
    %dot_general3A_8 = tpu.matmul %get3A_1, %get3A_7, %dot_general3A {dimension_numbers = #tpu.dot_dimension_numbers<[1], [0], [0], [1], [0, 0, 1, 1], [], []>, transpose_lhs_hint = false} : vector<128x8xf32>, vector<8x1024xf32>, vector<128x1024xf32> -> vector<128x1024xf32>
    %mul3A_9 = arith.mulf %get3A_7, %get3A_7 : vector<8x1024xf32>
    %reduce_sum3A_10 = arith.constant dense<0.000000e+00> : vector<1024xf32>
    %reduce_sum3A_11 = vector.multi_reduction <add>, %mul3A_9, %reduce_sum3A_10 [0] : vector<8x1024xf32> to vector<1024xf32>
    %broadcast_in_dim3A_12 = vector.shape_cast %reduce_sum3A_11 : vector<1024xf32> to vector<1x1024xf32>
    %mul3A_13 = arith.constant 2.000000e+00 : f32
    %mul3A_14 = vector.broadcast %mul3A_13 : f32 to vector<128x1024xf32>
    %mul3A_15 = arith.mulf %mul3A_14, %dot_general3A_8 : vector<128x1024xf32>
    %sub3A = vector.broadcast %broadcast_in_dim3A : vector<128x1xf32> to vector<128x1024xf32>
    %sub3A_16 = arith.subf %sub3A, %mul3A_15 : vector<128x1024xf32>
    %add3A = vector.broadcast %broadcast_in_dim3A_12 : vector<1x1024xf32> to vector<128x1024xf32>
    %add3A_17 = arith.addf %sub3A_16, %add3A : vector<128x1024xf32>
    %swap3A = arith.constant 0 : index
    %swap3A_18 = arith.constant 0 : index
    %swap3A_19 = vector.load %arg3[%swap3A, %swap3A_18] : memref<128x8192xf32, #tpu.memory_space<vmem>>, vector<128x1024xf32>
    tpu.vector_store %arg3[%swap3A, %swap3A_18], %add3A_17 {strides = array<i32>} : memref<128x8192xf32, #tpu.memory_space<vmem>>, vector<128x1024xf32>,
    %reshape3A = vector.shape_cast %add3A_17 : vector<128x1024xf32> to vector<128x8x128xf32>
    %reduce_min3A = arith.constant dense<0x7F800000> : vector<128x8xf32>
    %reduce_min3A_20 = vector.multi_reduction <minimumf>, %reshape3A, %reduce_min3A [2] : vector<128x8x128xf32> to vector<128x8xf32>
    %swap3A_21 = arith.constant 0 : index
    %swap3A_22 = arith.constant 0 : index
    %swap3A_23 = vector.load %arg5[%swap3A_21, %swap3A_22] : memref<128x64xf32, #tpu.memory_space<vmem>>, vector<128x8xf32>
    tpu.vector_store %arg5[%swap3A_21, %swap3A_22], %reduce_min3A_20 {strides = array<i32>} : memref<128x64xf32, #tpu.memory_space<vmem>>, vector<128x8xf32>,
    %get3A_24 = arith.constant 0 : index
    %get3A_25 = arith.constant 0 : index
    %get3A_26 = arith.constant 1024 : index
    %get3A_27 = vector.load %arg2[%get3A_24, %get3A_25, %get3A_26] : memref<1x8x8192xf32, #tpu.memory_space<vmem>>, vector<1x8x1024xf32>
    %get3A_28 = vector.shape_cast %get3A_27 : vector<1x8x1024xf32> to vector<8x1024xf32>
    %dot_general3A_29 = arith.constant dense<0.000000e+00> : vector<128x1024xf32>
    %dot_general3A_30 = tpu.matmul %get3A_1, %get3A_28, %dot_general3A_29 {dimension_numbers = #tpu.dot_dimension_numbers<[1], [0], [0], [1], [0, 0, 1, 1], [], []>, transpose_lhs_hint = false} : vector<128x8xf32>, vector<8x1024xf32>, vector<128x1024xf32> -> vector<128x1024xf32>
    %mul3A_31 = arith.mulf %get3A_28, %get3A_28 : vector<8x1024xf32>
    %reduce_sum3A_32 = arith.constant dense<0.000000e+00> : vector<1024xf32>
    %reduce_sum3A_33 = vector.multi_reduction <add>, %mul3A_31, %reduce_sum3A_32 [0] : vector<8x1024xf32> to vector<1024xf32>
    %broadcast_in_dim3A_34 = vector.shape_cast %reduce_sum3A_33 : vector<1024xf32> to vector<1x1024xf32>
    %mul3A_35 = arith.constant 2.000000e+00 : f32
    %mul3A_36 = vector.broadcast %mul3A_35 : f32 to vector<128x1024xf32>
    %mul3A_37 = arith.mulf %mul3A_36, %dot_general3A_30 : vector<128x1024xf32>
    %sub3A_38 = vector.broadcast %broadcast_in_dim3A : vector<128x1xf32> to vector<128x1024xf32>
    %sub3A_39 = arith.subf %sub3A_38, %mul3A_37 : vector<128x1024xf32>
    %add3A_40 = vector.broadcast %broadcast_in_dim3A_34 : vector<1x1024xf32> to vector<128x1024xf32>
    %add3A_41 = arith.addf %sub3A_39, %add3A_40 : vector<128x1024xf32>
    %swap3A_42 = arith.constant 0 : index
    %swap3A_43 = arith.constant 1024 : index
    %swap3A_44 = vector.load %arg3[%swap3A_42, %swap3A_43] : memref<128x8192xf32, #tpu.memory_space<vmem>>, vector<128x1024xf32>
    tpu.vector_store %arg3[%swap3A_42, %swap3A_43], %add3A_41 {strides = array<i32>} : memref<128x8192xf32, #tpu.memory_space<vmem>>, vector<128x1024xf32>,
    %reshape3A_45 = vector.shape_cast %add3A_41 : vector<128x1024xf32> to vector<128x8x128xf32>
    %reduce_min3A_46 = arith.constant dense<0x7F800000> : vector<128x8xf32>
    %reduce_min3A_47 = vector.multi_reduction <minimumf>, %reshape3A_45, %reduce_min3A_46 [2] : vector<128x8x128xf32> to vector<128x8xf32>
    %swap3A_48 = arith.constant 0 : index
    %swap3A_49 = arith.constant 8 : index
    %swap3A_50 = vector.load %arg5[%swap3A_48, %swap3A_49] : memref<128x64xf32, #tpu.memory_space<vmem>>, vector<128x8xf32>
    tpu.vector_store %arg5[%swap3A_48, %swap3A_49], %reduce_min3A_47 {strides = array<i32>} : memref<128x64xf32, #tpu.memory_space<vmem>>, vector<128x8xf32>,
    %get3A_51 = arith.constant 0 : index
    %get3A_52 = arith.constant 0 : index
    %get3A_53 = arith.constant 2048 : index
    %get3A_54 = vector.load %arg2[%get3A_51, %get3A_52, %get3A_53] : memref<1x8x8192xf32, #tpu.memory_space<vmem>>, vector<1x8x1024xf32>
    %get3A_55 = vector.shape_cast %get3A_54 : vector<1x8x1024xf32> to vector<8x1024xf32>
    %dot_general3A_56 = arith.constant dense<0.000000e+00> : vector<128x1024xf32>
    %dot_general3A_57 = tpu.matmul %get3A_1, %get3A_55, %dot_general3A_56 {dimension_numbers = #tpu.dot_dimension_numbers<[1], [0], [0], [1], [0, 0, 1, 1], [], []>, transpose_lhs_hint = false} : vector<128x8xf32>, vector<8x1024xf32>, vector<128x1024xf32> -> vector<128x1024xf32>
    %mul3A_58 = arith.mulf %get3A_55, %get3A_55 : vector<8x1024xf32>
    %reduce_sum3A_59 = arith.constant dense<0.000000e+00> : vector<1024xf32>
    %reduce_sum3A_60 = vector.multi_reduction <add>, %mul3A_58, %reduce_sum3A_59 [0] : vector<8x1024xf32> to vector<1024xf32>
    %broadcast_in_dim3A_61 = vector.shape_cast %reduce_sum3A_60 : vector<1024xf32> to vector<1x1024xf32>
    %mul3A_62 = arith.constant 2.000000e+00 : f32
    %mul3A_63 = vector.broadcast %mul3A_62 : f32 to vector<128x1024xf32>
    %mul3A_64 = arith.mulf %mul3A_63, %dot_general3A_57 : vector<128x1024xf32>
    %sub3A_65 = vector.broadcast %broadcast_in_dim3A : vector<128x1xf32> to vector<128x1024xf32>
    %sub3A_66 = arith.subf %sub3A_65, %mul3A_64 : vector<128x1024xf32>
    %add3A_67 = vector.broadcast %broadcast_in_dim3A_61 : vector<1x1024xf32> to vector<128x1024xf32>
    %add3A_68 = arith.addf %sub3A_66, %add3A_67 : vector<128x1024xf32>
    %swap3A_69 = arith.constant 0 : index
    %swap3A_70 = arith.constant 2048 : index
    %swap3A_71 = vector.load %arg3[%swap3A_69, %swap3A_70] : memref<128x8192xf32, #tpu.memory_space<vmem>>, vector<128x1024xf32>
    tpu.vector_store %arg3[%swap3A_69, %swap3A_70], %add3A_68 {strides = array<i32>} : memref<128x8192xf32, #tpu.memory_space<vmem>>, vector<128x1024xf32>,
    %reshape3A_72 = vector.shape_cast %add3A_68 : vector<128x1024xf32> to vector<128x8x128xf32>
    %reduce_min3A_73 = arith.constant dense<0x7F800000> : vector<128x8xf32>
    %reduce_min3A_74 = vector.multi_reduction <minimumf>, %reshape3A_72, %reduce_min3A_73 [2] : vector<128x8x128xf32> to vector<128x8xf32>
    %swap3A_75 = arith.constant 0 : index
    %swap3A_76 = arith.constant 16 : index
    %swap3A_77 = vector.load %arg5[%swap3A_75, %swap3A_76] : memref<128x64xf32, #tpu.memory_space<vmem>>, vector<128x8xf32>
    tpu.vector_store %arg5[%swap3A_75, %swap3A_76], %reduce_min3A_74 {strides = array<i32>} : memref<128x64xf32, #tpu.memory_space<vmem>>, vector<128x8xf32>,
    %get3A_78 = arith.constant 0 : index
    %get3A_79 = arith.constant 0 : index
    %get3A_80 = arith.constant 3072 : index
    %get3A_81 = vector.load %arg2[%get3A_78, %get3A_79, %get3A_80] : memref<1x8x8192xf32, #tpu.memory_space<vmem>>, vector<1x8x1024xf32>
    %get3A_82 = vector.shape_cast %get3A_81 : vector<1x8x1024xf32> to vector<8x1024xf32>
    %dot_general3A_83 = arith.constant dense<0.000000e+00> : vector<128x1024xf32>
    %dot_general3A_84 = tpu.matmul %get3A_1, %get3A_82, %dot_general3A_83 {dimension_numbers = #tpu.dot_dimension_numbers<[1], [0], [0], [1], [0, 0, 1, 1], [], []>, transpose_lhs_hint = false} : vector<128x8xf32>, vector<8x1024xf32>, vector<128x1024xf32> -> vector<128x1024xf32>
    %mul3A_85 = arith.mulf %get3A_82, %get3A_82 : vector<8x1024xf32>
    %reduce_sum3A_86 = arith.constant dense<0.000000e+00> : vector<1024xf32>
    %reduce_sum3A_87 = vector.multi_reduction <add>, %mul3A_85, %reduce_sum3A_86 [0] : vector<8x1024xf32> to vector<1024xf32>
    %broadcast_in_dim3A_88 = vector.shape_cast %reduce_sum3A_87 : vector<1024xf32> to vector<1x1024xf32>
    %mul3A_89 = arith.constant 2.000000e+00 : f32
    %mul3A_90 = vector.broadcast %mul3A_89 : f32 to vector<128x1024xf32>
    %mul3A_91 = arith.mulf %mul3A_90, %dot_general3A_84 : vector<128x1024xf32>
    %sub3A_92 = vector.broadcast %broadcast_in_dim3A : vector<128x1xf32> to vector<128x1024xf32>
    %sub3A_93 = arith.subf %sub3A_92, %mul3A_91 : vector<128x1024xf32>
    %add3A_94 = vector.broadcast %broadcast_in_dim3A_88 : vector<1x1024xf32> to vector<128x1024xf32>
    %add3A_95 = arith.addf %sub3A_93, %add3A_94 : vector<128x1024xf32>
    %swap3A_96 = arith.constant 0 : index
    %swap3A_97 = arith.constant 3072 : index
    %swap3A_98 = vector.load %arg3[%swap3A_96, %swap3A_97] : memref<128x8192xf32, #tpu.memory_space<vmem>>, vector<128x1024xf32>
    tpu.vector_store %arg3[%swap3A_96, %swap3A_97], %add3A_95 {strides = array<i32>} : memref<128x8192xf32, #tpu.memory_space<vmem>>, vector<128x1024xf32>,
    %reshape3A_99 = vector.shape_cast %add3A_95 : vector<128x1024xf32> to vector<128x8x128xf32>
    %reduce_min3A_100 = arith.constant dense<0x7F800000> : vector<128x8xf32>
    %reduce_min3A_101 = vector.multi_reduction <minimumf>, %reshape3A_99, %reduce_min3A_100 [2] : vector<128x8x128xf32> to vector<128x8xf32>
    %swap3A_102 = arith.constant 0 : index
    %swap3A_103 = arith.constant 24 : index
    %swap3A_104 = vector.load %arg5[%swap3A_102, %swap3A_103] : memref<128x64xf32, #tpu.memory_space<vmem>>, vector<128x8xf32>
    tpu.vector_store %arg5[%swap3A_102, %swap3A_103], %reduce_min3A_101 {strides = array<i32>} : memref<128x64xf32, #tpu.memory_space<vmem>>, vector<128x8xf32>,
    %get3A_105 = arith.constant 0 : index
    %get3A_106 = arith.constant 0 : index
    %get3A_107 = arith.constant 4096 : index
    %get3A_108 = vector.load %arg2[%get3A_105, %get3A_106, %get3A_107] : memref<1x8x8192xf32, #tpu.memory_space<vmem>>, vector<1x8x1024xf32>
    %get3A_109 = vector.shape_cast %get3A_108 : vector<1x8x1024xf32> to vector<8x1024xf32>
    %dot_general3A_110 = arith.constant dense<0.000000e+00> : vector<128x1024xf32>
    %dot_general3A_111 = tpu.matmul %get3A_1, %get3A_109, %dot_general3A_110 {dimension_numbers = #tpu.dot_dimension_numbers<[1], [0], [0], [1], [0, 0, 1, 1], [], []>, transpose_lhs_hint = false} : vector<128x8xf32>, vector<8x1024xf32>, vector<128x1024xf32> -> vector<128x1024xf32>
    %mul3A_112 = arith.mulf %get3A_109, %get3A_109 : vector<8x1024xf32>
    %reduce_sum3A_113 = arith.constant dense<0.000000e+00> : vector<1024xf32>
    %reduce_sum3A_114 = vector.multi_reduction <add>, %mul3A_112, %reduce_sum3A_113 [0] : vector<8x1024xf32> to vector<1024xf32>
    %broadcast_in_dim3A_115 = vector.shape_cast %reduce_sum3A_114 : vector<1024xf32> to vector<1x1024xf32>
    %mul3A_116 = arith.constant 2.000000e+00 : f32
    %mul3A_117 = vector.broadcast %mul3A_116 : f32 to vector<128x1024xf32>
    %mul3A_118 = arith.mulf %mul3A_117, %dot_general3A_111 : vector<128x1024xf32>
    %sub3A_119 = vector.broadcast %broadcast_in_dim3A : vector<128x1xf32> to vector<128x1024xf32>
    %sub3A_120 = arith.subf %sub3A_119, %mul3A_118 : vector<128x1024xf32>
    %add3A_121 = vector.broadcast %broadcast_in_dim3A_115 : vector<1x1024xf32> to vector<128x1024xf32>
    %add3A_122 = arith.addf %sub3A_120, %add3A_121 : vector<128x1024xf32>
    %swap3A_123 = arith.constant 0 : index
    %swap3A_124 = arith.constant 4096 : index
    %swap3A_125 = vector.load %arg3[%swap3A_123, %swap3A_124] : memref<128x8192xf32, #tpu.memory_space<vmem>>, vector<128x1024xf32>
    tpu.vector_store %arg3[%swap3A_123, %swap3A_124], %add3A_122 {strides = array<i32>} : memref<128x8192xf32, #tpu.memory_space<vmem>>, vector<128x1024xf32>,
    %reshape3A_126 = vector.shape_cast %add3A_122 : vector<128x1024xf32> to vector<128x8x128xf32>
    %reduce_min3A_127 = arith.constant dense<0x7F800000> : vector<128x8xf32>
    %reduce_min3A_128 = vector.multi_reduction <minimumf>, %reshape3A_126, %reduce_min3A_127 [2] : vector<128x8x128xf32> to vector<128x8xf32>
    %swap3A_129 = arith.constant 0 : index
    %swap3A_130 = arith.constant 32 : index
    %swap3A_131 = vector.load %arg5[%swap3A_129, %swap3A_130] : memref<128x64xf32, #tpu.memory_space<vmem>>, vector<128x8xf32>
    tpu.vector_store %arg5[%swap3A_129, %swap3A_130], %reduce_min3A_128 {strides = array<i32>} : memref<128x64xf32, #tpu.memory_space<vmem>>, vector<128x8xf32>,
    %get3A_132 = arith.constant 0 : index
    %get3A_133 = arith.constant 0 : index
    %get3A_134 = arith.constant 5120 : index
    %get3A_135 = vector.load %arg2[%get3A_132, %get3A_133, %get3A_134] : memref<1x8x8192xf32, #tpu.memory_space<vmem>>, vector<1x8x1024xf32>
    %get3A_136 = vector.shape_cast %get3A_135 : vector<1x8x1024xf32> to vector<8x1024xf32>
    %dot_general3A_137 = arith.constant dense<0.000000e+00> : vector<128x1024xf32>
    %dot_general3A_138 = tpu.matmul %get3A_1, %get3A_136, %dot_general3A_137 {dimension_numbers = #tpu.dot_dimension_numbers<[1], [0], [0], [1], [0, 0, 1, 1], [], []>, transpose_lhs_hint = false} : vector<128x8xf32>, vector<8x1024xf32>, vector<128x1024xf32> -> vector<128x1024xf32>
    %mul3A_139 = arith.mulf %get3A_136, %get3A_136 : vector<8x1024xf32>
    %reduce_sum3A_140 = arith.constant dense<0.000000e+00> : vector<1024xf32>
    %reduce_sum3A_141 = vector.multi_reduction <add>, %mul3A_139, %reduce_sum3A_140 [0] : vector<8x1024xf32> to vector<1024xf32>
    %broadcast_in_dim3A_142 = vector.shape_cast %reduce_sum3A_141 : vector<1024xf32> to vector<1x1024xf32>
    %mul3A_143 = arith.constant 2.000000e+00 : f32
    %mul3A_144 = vector.broadcast %mul3A_143 : f32 to vector<128x1024xf32>
    %mul3A_145 = arith.mulf %mul3A_144, %dot_general3A_138 : vector<128x1024xf32>
    %sub3A_146 = vector.broadcast %broadcast_in_dim3A : vector<128x1xf32> to vector<128x1024xf32>
    %sub3A_147 = arith.subf %sub3A_146, %mul3A_145 : vector<128x1024xf32>
    %add3A_148 = vector.broadcast %broadcast_in_dim3A_142 : vector<1x1024xf32> to vector<128x1024xf32>
    %add3A_149 = arith.addf %sub3A_147, %add3A_148 : vector<128x1024xf32>
    %swap3A_150 = arith.constant 0 : index
    %swap3A_151 = arith.constant 5120 : index
    %swap3A_152 = vector.load %arg3[%swap3A_150, %swap3A_151] : memref<128x8192xf32, #tpu.memory_space<vmem>>, vector<128x1024xf32>
    tpu.vector_store %arg3[%swap3A_150, %swap3A_151], %add3A_149 {strides = array<i32>} : memref<128x8192xf32, #tpu.memory_space<vmem>>, vector<128x1024xf32>,
    %reshape3A_153 = vector.shape_cast %add3A_149 : vector<128x1024xf32> to vector<128x8x128xf32>
    %reduce_min3A_154 = arith.constant dense<0x7F800000> : vector<128x8xf32>
    %reduce_min3A_155 = vector.multi_reduction <minimumf>, %reshape3A_153, %reduce_min3A_154 [2] : vector<128x8x128xf32> to vector<128x8xf32>
    %swap3A_156 = arith.constant 0 : index
    %swap3A_157 = arith.constant 40 : index
    %swap3A_158 = vector.load %arg5[%swap3A_156, %swap3A_157] : memref<128x64xf32, #tpu.memory_space<vmem>>, vector<128x8xf32>
    tpu.vector_store %arg5[%swap3A_156, %swap3A_157], %reduce_min3A_155 {strides = array<i32>} : memref<128x64xf32, #tpu.memory_space<vmem>>, vector<128x8xf32>,
    %get3A_159 = arith.constant 0 : index
    %get3A_160 = arith.constant 0 : index
    %get3A_161 = arith.constant 6144 : index
    %get3A_162 = vector.load %arg2[%get3A_159, %get3A_160, %get3A_161] : memref<1x8x8192xf32, #tpu.memory_space<vmem>>, vector<1x8x1024xf32>
    %get3A_163 = vector.shape_cast %get3A_162 : vector<1x8x1024xf32> to vector<8x1024xf32>
    %dot_general3A_164 = arith.constant dense<0.000000e+00> : vector<128x1024xf32>
    %dot_general3A_165 = tpu.matmul %get3A_1, %get3A_163, %dot_general3A_164 {dimension_numbers = #tpu.dot_dimension_numbers<[1], [0], [0], [1], [0, 0, 1, 1], [], []>, transpose_lhs_hint = false} : vector<128x8xf32>, vector<8x1024xf32>, vector<128x1024xf32> -> vector<128x1024xf32>
    %mul3A_166 = arith.mulf %get3A_163, %get3A_163 : vector<8x1024xf32>
    %reduce_sum3A_167 = arith.constant dense<0.000000e+00> : vector<1024xf32>
    %reduce_sum3A_168 = vector.multi_reduction <add>, %mul3A_166, %reduce_sum3A_167 [0] : vector<8x1024xf32> to vector<1024xf32>
    %broadcast_in_dim3A_169 = vector.shape_cast %reduce_sum3A_168 : vector<1024xf32> to vector<1x1024xf32>
    %mul3A_170 = arith.constant 2.000000e+00 : f32
    %mul3A_171 = vector.broadcast %mul3A_170 : f32 to vector<128x1024xf32>
    %mul3A_172 = arith.mulf %mul3A_171, %dot_general3A_165 : vector<128x1024xf32>
    %sub3A_173 = vector.broadcast %broadcast_in_dim3A : vector<128x1xf32> to vector<128x1024xf32>
    %sub3A_174 = arith.subf %sub3A_173, %mul3A_172 : vector<128x1024xf32>
    %add3A_175 = vector.broadcast %broadcast_in_dim3A_169 : vector<1x1024xf32> to vector<128x1024xf32>
    %add3A_176 = arith.addf %sub3A_174, %add3A_175 : vector<128x1024xf32>
    %swap3A_177 = arith.constant 0 : index
    %swap3A_178 = arith.constant 6144 : index
    %swap3A_179 = vector.load %arg3[%swap3A_177, %swap3A_178] : memref<128x8192xf32, #tpu.memory_space<vmem>>, vector<128x1024xf32>
    tpu.vector_store %arg3[%swap3A_177, %swap3A_178], %add3A_176 {strides = array<i32>} : memref<128x8192xf32, #tpu.memory_space<vmem>>, vector<128x1024xf32>,
    %reshape3A_180 = vector.shape_cast %add3A_176 : vector<128x1024xf32> to vector<128x8x128xf32>
    %reduce_min3A_181 = arith.constant dense<0x7F800000> : vector<128x8xf32>
    %reduce_min3A_182 = vector.multi_reduction <minimumf>, %reshape3A_180, %reduce_min3A_181 [2] : vector<128x8x128xf32> to vector<128x8xf32>
    %swap3A_183 = arith.constant 0 : index
    %swap3A_184 = arith.constant 48 : index
    %swap3A_185 = vector.load %arg5[%swap3A_183, %swap3A_184] : memref<128x64xf32, #tpu.memory_space<vmem>>, vector<128x8xf32>
    tpu.vector_store %arg5[%swap3A_183, %swap3A_184], %reduce_min3A_182 {strides = array<i32>} : memref<128x64xf32, #tpu.memory_space<vmem>>, vector<128x8xf32>,
    %get3A_186 = arith.constant 0 : index
    %get3A_187 = arith.constant 0 : index
    %get3A_188 = arith.constant 7168 : index
    %get3A_189 = vector.load %arg2[%get3A_186, %get3A_187, %get3A_188] : memref<1x8x8192xf32, #tpu.memory_space<vmem>>, vector<1x8x1024xf32>
    %get3A_190 = vector.shape_cast %get3A_189 : vector<1x8x1024xf32> to vector<8x1024xf32>
    %dot_general3A_191 = arith.constant dense<0.000000e+00> : vector<128x1024xf32>
    %dot_general3A_192 = tpu.matmul %get3A_1, %get3A_190, %dot_general3A_191 {dimension_numbers = #tpu.dot_dimension_numbers<[1], [0], [0], [1], [0, 0, 1, 1], [], []>, transpose_lhs_hint = false} : vector<128x8xf32>, vector<8x1024xf32>, vector<128x1024xf32> -> vector<128x1024xf32>
    %mul3A_193 = arith.mulf %get3A_190, %get3A_190 : vector<8x1024xf32>
    %reduce_sum3A_194 = arith.constant dense<0.000000e+00> : vector<1024xf32>
    %reduce_sum3A_195 = vector.multi_reduction <add>, %mul3A_193, %reduce_sum3A_194 [0] : vector<8x1024xf32> to vector<1024xf32>
    %broadcast_in_dim3A_196 = vector.shape_cast %reduce_sum3A_195 : vector<1024xf32> to vector<1x1024xf32>
    %mul3A_197 = arith.constant 2.000000e+00 : f32
    %mul3A_198 = vector.broadcast %mul3A_197 : f32 to vector<128x1024xf32>
    %mul3A_199 = arith.mulf %mul3A_198, %dot_general3A_192 : vector<128x1024xf32>
    %sub3A_200 = vector.broadcast %broadcast_in_dim3A : vector<128x1xf32> to vector<128x1024xf32>
    %sub3A_201 = arith.subf %sub3A_200, %mul3A_199 : vector<128x1024xf32>
    %add3A_202 = vector.broadcast %broadcast_in_dim3A_196 : vector<1x1024xf32> to vector<128x1024xf32>
    %add3A_203 = arith.addf %sub3A_201, %add3A_202 : vector<128x1024xf32>
    %swap3A_204 = arith.constant 0 : index
    %swap3A_205 = arith.constant 7168 : index
    %swap3A_206 = vector.load %arg3[%swap3A_204, %swap3A_205] : memref<128x8192xf32, #tpu.memory_space<vmem>>, vector<128x1024xf32>
    tpu.vector_store %arg3[%swap3A_204, %swap3A_205], %add3A_203 {strides = array<i32>} : memref<128x8192xf32, #tpu.memory_space<vmem>>, vector<128x1024xf32>,
    %reshape3A_207 = vector.shape_cast %add3A_203 : vector<128x1024xf32> to vector<128x8x128xf32>
    %reduce_min3A_208 = arith.constant dense<0x7F800000> : vector<128x8xf32>
    %reduce_min3A_209 = vector.multi_reduction <minimumf>, %reshape3A_207, %reduce_min3A_208 [2] : vector<128x8x128xf32> to vector<128x8xf32>
    %swap3A_210 = arith.constant 0 : index
    %swap3A_211 = arith.constant 56 : index
    %swap3A_212 = vector.load %arg5[%swap3A_210, %swap3A_211] : memref<128x64xf32, #tpu.memory_space<vmem>>, vector<128x8xf32>
    tpu.vector_store %arg5[%swap3A_210, %swap3A_211], %reduce_min3A_209 {strides = array<i32>} : memref<128x64xf32, #tpu.memory_space<vmem>>, vector<128x8xf32>,
    %iota3A = tpu.iota {dimensions = array<i32: 1>} : vector<128x64xi32>
    %iota3A_213 = tpu.iota {dimensions = array<i32: 1>} : vector<128x16xi32>
    %broadcast_in_dim3A_214 = arith.constant 0 : i32
    %broadcast_in_dim3A_215 = vector.broadcast %broadcast_in_dim3A_214 : i32 to vector<128x16xi32>
    %get3A_216 = arith.constant 0 : index
    %get3A_217 = arith.constant 0 : index
    %get3A_218 = vector.load %arg5[%get3A_216, %get3A_217] : memref<128x64xf32, #tpu.memory_space<vmem>>, vector<128x64xf32>
    %reduce_min3A_219 = arith.constant dense<0x7F800000> : vector<128xf32>
    %reduce_min3A_220 = vector.multi_reduction <minimumf>, %get3A_218, %reduce_min3A_219 [1] : vector<128x64xf32> to vector<128xf32>
    %broadcast_in_dim3A_221 = vector.shape_cast %reduce_min3A_220 : vector<128xf32> to vector<128x1xf32>
    %eq3A = vector.broadcast %broadcast_in_dim3A_221 : vector<128x1xf32> to vector<128x64xf32>
    %eq3A_222 = arith.cmpf oeq, %get3A_218, %eq3A : vector<128x64xf32>
    %jit3A = arith.constant 2147483647 : i32
    %broadcast_in_dim3A_223 = vector.broadcast %jit3A : i32 to vector<128x64xi32>
    %select_n3A = arith.select %eq3A_222, %iota3A, %broadcast_in_dim3A_223 : vector<128x64xi1>, vector<128x64xi32>
    %reduce_min3A_224 = arith.constant dense<2147483647> : vector<128xi32>
    %reduce_min3A_225 = vector.multi_reduction <minsi>, %select_n3A, %reduce_min3A_224 [1] : vector<128x64xi32> to vector<128xi32>
    %broadcast_in_dim3A_226 = vector.shape_cast %reduce_min3A_225 : vector<128xi32> to vector<128x1xi32>
    %eq3A_227 = vector.broadcast %broadcast_in_dim3A_221 : vector<128x1xf32> to vector<128x64xf32>
    %eq3A_228 = arith.cmpf oeq, %get3A_218, %eq3A_227 : vector<128x64xf32>
    %eq3A_229 = vector.broadcast %broadcast_in_dim3A_226 : vector<128x1xi32> to vector<128x64xi32>
    %eq3A_230 = arith.cmpi eq, %iota3A, %eq3A_229 : vector<128x64xi32>
    %and3A = arith.andi %eq3A_228, %eq3A_230 : vector<128x64xi1>
    %jit3A_231 = arith.constant 0x7F800000 : f32
    %broadcast_in_dim3A_232 = vector.broadcast %jit3A_231 : f32 to vector<128x64xf32>
    %select_n3A_233 = arith.select %and3A, %broadcast_in_dim3A_232, %get3A_218 : vector<128x64xi1>, vector<128x64xf32>
    %swap3A_234 = arith.constant 0 : index
    %swap3A_235 = arith.constant 0 : index
    %swap3A_236 = vector.load %arg5[%swap3A_234, %swap3A_235] : memref<128x64xf32, #tpu.memory_space<vmem>>, vector<128x64xf32>
    tpu.vector_store %arg5[%swap3A_234, %swap3A_235], %select_n3A_233 {strides = array<i32>} : memref<128x64xf32, #tpu.memory_space<vmem>>, vector<128x64xf32>,
    %eq3A_237 = arith.constant 0 : i32
    %eq3A_238 = vector.broadcast %eq3A_237 : i32 to vector<128x16xi32>
    %eq3A_239 = arith.cmpi eq, %iota3A_213, %eq3A_238 : vector<128x16xi32>
    %broadcast_in_dim3A_240 = vector.shape_cast %broadcast_in_dim3A_226 : vector<128x1xi32> to vector<128x1xi32>
    %broadcast_in_dim3A_241 = vector.broadcast %broadcast_in_dim3A_240 : vector<128x1xi32> to vector<128x16xi32>
    %select_n3A_242 = arith.select %eq3A_239, %broadcast_in_dim3A_241, %broadcast_in_dim3A_215 : vector<128x16xi1>, vector<128x16xi32>
    %get3A_243 = arith.constant 0 : index
    %get3A_244 = arith.constant 0 : index
    %get3A_245 = vector.load %arg5[%get3A_243, %get3A_244] : memref<128x64xf32, #tpu.memory_space<vmem>>, vector<128x64xf32>
    %reduce_min3A_246 = arith.constant dense<0x7F800000> : vector<128xf32>
    %reduce_min3A_247 = vector.multi_reduction <minimumf>, %get3A_245, %reduce_min3A_246 [1] : vector<128x64xf32> to vector<128xf32>
    %broadcast_in_dim3A_248 = vector.shape_cast %reduce_min3A_247 : vector<128xf32> to vector<128x1xf32>
    %eq3A_249 = vector.broadcast %broadcast_in_dim3A_248 : vector<128x1xf32> to vector<128x64xf32>
    %eq3A_250 = arith.cmpf oeq, %get3A_245, %eq3A_249 : vector<128x64xf32>
    %jit3A_251 = arith.constant 2147483647 : i32
    %broadcast_in_dim3A_252 = vector.broadcast %jit3A_251 : i32 to vector<128x64xi32>
    %select_n3A_253 = arith.select %eq3A_250, %iota3A, %broadcast_in_dim3A_252 : vector<128x64xi1>, vector<128x64xi32>
    %reduce_min3A_254 = arith.constant dense<2147483647> : vector<128xi32>
    %reduce_min3A_255 = vector.multi_reduction <minsi>, %select_n3A_253, %reduce_min3A_254 [1] : vector<128x64xi32> to vector<128xi32>
    %broadcast_in_dim3A_256 = vector.shape_cast %reduce_min3A_255 : vector<128xi32> to vector<128x1xi32>
    %eq3A_257 = vector.broadcast %broadcast_in_dim3A_248 : vector<128x1xf32> to vector<128x64xf32>
    %eq3A_258 = arith.cmpf oeq, %get3A_245, %eq3A_257 : vector<128x64xf32>
    %eq3A_259 = vector.broadcast %broadcast_in_dim3A_256 : vector<128x1xi32> to vector<128x64xi32>
    %eq3A_260 = arith.cmpi eq, %iota3A, %eq3A_259 : vector<128x64xi32>
    %and3A_261 = arith.andi %eq3A_258, %eq3A_260 : vector<128x64xi1>
    %jit3A_262 = arith.constant 0x7F800000 : f32
    %broadcast_in_dim3A_263 = vector.broadcast %jit3A_262 : f32 to vector<128x64xf32>
    %select_n3A_264 = arith.select %and3A_261, %broadcast_in_dim3A_263, %get3A_245 : vector<128x64xi1>, vector<128x64xf32>
    %swap3A_265 = arith.constant 0 : index
    %swap3A_266 = arith.constant 0 : index
    %swap3A_267 = vector.load %arg5[%swap3A_265, %swap3A_266] : memref<128x64xf32, #tpu.memory_space<vmem>>, vector<128x64xf32>
    tpu.vector_store %arg5[%swap3A_265, %swap3A_266], %select_n3A_264 {strides = array<i32>} : memref<128x64xf32, #tpu.memory_space<vmem>>, vector<128x64xf32>,
    %eq3A_268 = arith.constant 1 : i32
    %eq3A_269 = vector.broadcast %eq3A_268 : i32 to vector<128x16xi32>
    %eq3A_270 = arith.cmpi eq, %iota3A_213, %eq3A_269 : vector<128x16xi32>
    %broadcast_in_dim3A_271 = vector.shape_cast %broadcast_in_dim3A_256 : vector<128x1xi32> to vector<128x1xi32>
    %broadcast_in_dim3A_272 = vector.broadcast %broadcast_in_dim3A_271 : vector<128x1xi32> to vector<128x16xi32>
    %select_n3A_273 = arith.select %eq3A_270, %broadcast_in_dim3A_272, %select_n3A_242 : vector<128x16xi1>, vector<128x16xi32>
    %get3A_274 = arith.constant 0 : index
    %get3A_275 = arith.constant 0 : index
    %get3A_276 = vector.load %arg5[%get3A_274, %get3A_275] : memref<128x64xf32, #tpu.memory_space<vmem>>, vector<128x64xf32>
    %reduce_min3A_277 = arith.constant dense<0x7F800000> : vector<128xf32>
    %reduce_min3A_278 = vector.multi_reduction <minimumf>, %get3A_276, %reduce_min3A_277 [1] : vector<128x64xf32> to vector<128xf32>
    %broadcast_in_dim3A_279 = vector.shape_cast %reduce_min3A_278 : vector<128xf32> to vector<128x1xf32>
    %eq3A_280 = vector.broadcast %broadcast_in_dim3A_279 : vector<128x1xf32> to vector<128x64xf32>
    %eq3A_281 = arith.cmpf oeq, %get3A_276, %eq3A_280 : vector<128x64xf32>
    %jit3A_282 = arith.constant 2147483647 : i32
    %broadcast_in_dim3A_283 = vector.broadcast %jit3A_282 : i32 to vector<128x64xi32>
    %select_n3A_284 = arith.select %eq3A_281, %iota3A, %broadcast_in_dim3A_283 : vector<128x64xi1>, vector<128x64xi32>
    %reduce_min3A_285 = arith.constant dense<2147483647> : vector<128xi32>
    %reduce_min3A_286 = vector.multi_reduction <minsi>, %select_n3A_284, %reduce_min3A_285 [1] : vector<128x64xi32> to vector<128xi32>
    %broadcast_in_dim3A_287 = vector.shape_cast %reduce_min3A_286 : vector<128xi32> to vector<128x1xi32>
    %eq3A_288 = vector.broadcast %broadcast_in_dim3A_279 : vector<128x1xf32> to vector<128x64xf32>
    %eq3A_289 = arith.cmpf oeq, %get3A_276, %eq3A_288 : vector<128x64xf32>
    %eq3A_290 = vector.broadcast %broadcast_in_dim3A_287 : vector<128x1xi32> to vector<128x64xi32>
    %eq3A_291 = arith.cmpi eq, %iota3A, %eq3A_290 : vector<128x64xi32>
    %and3A_292 = arith.andi %eq3A_289, %eq3A_291 : vector<128x64xi1>
    %jit3A_293 = arith.constant 0x7F800000 : f32
    %broadcast_in_dim3A_294 = vector.broadcast %jit3A_293 : f32 to vector<128x64xf32>
    %select_n3A_295 = arith.select %and3A_292, %broadcast_in_dim3A_294, %get3A_276 : vector<128x64xi1>, vector<128x64xf32>
    %swap3A_296 = arith.constant 0 : index
    %swap3A_297 = arith.constant 0 : index
    %swap3A_298 = vector.load %arg5[%swap3A_296, %swap3A_297] : memref<128x64xf32, #tpu.memory_space<vmem>>, vector<128x64xf32>
    tpu.vector_store %arg5[%swap3A_296, %swap3A_297], %select_n3A_295 {strides = array<i32>} : memref<128x64xf32, #tpu.memory_space<vmem>>, vector<128x64xf32>,
    %eq3A_299 = arith.constant 2 : i32
    %eq3A_300 = vector.broadcast %eq3A_299 : i32 to vector<128x16xi32>
    %eq3A_301 = arith.cmpi eq, %iota3A_213, %eq3A_300 : vector<128x16xi32>
    %broadcast_in_dim3A_302 = vector.shape_cast %broadcast_in_dim3A_287 : vector<128x1xi32> to vector<128x1xi32>
    %broadcast_in_dim3A_303 = vector.broadcast %broadcast_in_dim3A_302 : vector<128x1xi32> to vector<128x16xi32>
    %select_n3A_304 = arith.select %eq3A_301, %broadcast_in_dim3A_303, %select_n3A_273 : vector<128x16xi1>, vector<128x16xi32>
    %get3A_305 = arith.constant 0 : index
    %get3A_306 = arith.constant 0 : index
    %get3A_307 = vector.load %arg5[%get3A_305, %get3A_306] : memref<128x64xf32, #tpu.memory_space<vmem>>, vector<128x64xf32>
    %reduce_min3A_308 = arith.constant dense<0x7F800000> : vector<128xf32>
    %reduce_min3A_309 = vector.multi_reduction <minimumf>, %get3A_307, %reduce_min3A_308 [1] : vector<128x64xf32> to vector<128xf32>
    %broadcast_in_dim3A_310 = vector.shape_cast %reduce_min3A_309 : vector<128xf32> to vector<128x1xf32>
    %eq3A_311 = vector.broadcast %broadcast_in_dim3A_310 : vector<128x1xf32> to vector<128x64xf32>
    %eq3A_312 = arith.cmpf oeq, %get3A_307, %eq3A_311 : vector<128x64xf32>
    %jit3A_313 = arith.constant 2147483647 : i32
    %broadcast_in_dim3A_314 = vector.broadcast %jit3A_313 : i32 to vector<128x64xi32>
    %select_n3A_315 = arith.select %eq3A_312, %iota3A, %broadcast_in_dim3A_314 : vector<128x64xi1>, vector<128x64xi32>
    %reduce_min3A_316 = arith.constant dense<2147483647> : vector<128xi32>
    %reduce_min3A_317 = vector.multi_reduction <minsi>, %select_n3A_315, %reduce_min3A_316 [1] : vector<128x64xi32> to vector<128xi32>
    %broadcast_in_dim3A_318 = vector.shape_cast %reduce_min3A_317 : vector<128xi32> to vector<128x1xi32>
    %eq3A_319 = vector.broadcast %broadcast_in_dim3A_310 : vector<128x1xf32> to vector<128x64xf32>
    %eq3A_320 = arith.cmpf oeq, %get3A_307, %eq3A_319 : vector<128x64xf32>
    %eq3A_321 = vector.broadcast %broadcast_in_dim3A_318 : vector<128x1xi32> to vector<128x64xi32>
    %eq3A_322 = arith.cmpi eq, %iota3A, %eq3A_321 : vector<128x64xi32>
    %and3A_323 = arith.andi %eq3A_320, %eq3A_322 : vector<128x64xi1>
    %jit3A_324 = arith.constant 0x7F800000 : f32
    %broadcast_in_dim3A_325 = vector.broadcast %jit3A_324 : f32 to vector<128x64xf32>
    %select_n3A_326 = arith.select %and3A_323, %broadcast_in_dim3A_325, %get3A_307 : vector<128x64xi1>, vector<128x64xf32>
    %swap3A_327 = arith.constant 0 : index
    %swap3A_328 = arith.constant 0 : index
    %swap3A_329 = vector.load %arg5[%swap3A_327, %swap3A_328] : memref<128x64xf32, #tpu.memory_space<vmem>>, vector<128x64xf32>
    tpu.vector_store %arg5[%swap3A_327, %swap3A_328], %select_n3A_326 {strides = array<i32>} : memref<128x64xf32, #tpu.memory_space<vmem>>, vector<128x64xf32>,
    %eq3A_330 = arith.constant 3 : i32
    %eq3A_331 = vector.broadcast %eq3A_330 : i32 to vector<128x16xi32>
    %eq3A_332 = arith.cmpi eq, %iota3A_213, %eq3A_331 : vector<128x16xi32>
    %broadcast_in_dim3A_333 = vector.shape_cast %broadcast_in_dim3A_318 : vector<128x1xi32> to vector<128x1xi32>
    %broadcast_in_dim3A_334 = vector.broadcast %broadcast_in_dim3A_333 : vector<128x1xi32> to vector<128x16xi32>
    %select_n3A_335 = arith.select %eq3A_332, %broadcast_in_dim3A_334, %select_n3A_304 : vector<128x16xi1>, vector<128x16xi32>
    %get3A_336 = arith.constant 0 : index
    %get3A_337 = arith.constant 0 : index
    %get3A_338 = vector.load %arg5[%get3A_336, %get3A_337] : memref<128x64xf32, #tpu.memory_space<vmem>>, vector<128x64xf32>
    %reduce_min3A_339 = arith.constant dense<0x7F800000> : vector<128xf32>
    %reduce_min3A_340 = vector.multi_reduction <minimumf>, %get3A_338, %reduce_min3A_339 [1] : vector<128x64xf32> to vector<128xf32>
    %broadcast_in_dim3A_341 = vector.shape_cast %reduce_min3A_340 : vector<128xf32> to vector<128x1xf32>
    %eq3A_342 = vector.broadcast %broadcast_in_dim3A_341 : vector<128x1xf32> to vector<128x64xf32>
    %eq3A_343 = arith.cmpf oeq, %get3A_338, %eq3A_342 : vector<128x64xf32>
    %jit3A_344 = arith.constant 2147483647 : i32
    %broadcast_in_dim3A_345 = vector.broadcast %jit3A_344 : i32 to vector<128x64xi32>
    %select_n3A_346 = arith.select %eq3A_343, %iota3A, %broadcast_in_dim3A_345 : vector<128x64xi1>, vector<128x64xi32>
    %reduce_min3A_347 = arith.constant dense<2147483647> : vector<128xi32>
    %reduce_min3A_348 = vector.multi_reduction <minsi>, %select_n3A_346, %reduce_min3A_347 [1] : vector<128x64xi32> to vector<128xi32>
    %broadcast_in_dim3A_349 = vector.shape_cast %reduce_min3A_348 : vector<128xi32> to vector<128x1xi32>
    %eq3A_350 = vector.broadcast %broadcast_in_dim3A_341 : vector<128x1xf32> to vector<128x64xf32>
    %eq3A_351 = arith.cmpf oeq, %get3A_338, %eq3A_350 : vector<128x64xf32>
    %eq3A_352 = vector.broadcast %broadcast_in_dim3A_349 : vector<128x1xi32> to vector<128x64xi32>
    %eq3A_353 = arith.cmpi eq, %iota3A, %eq3A_352 : vector<128x64xi32>
    %and3A_354 = arith.andi %eq3A_351, %eq3A_353 : vector<128x64xi1>
    %jit3A_355 = arith.constant 0x7F800000 : f32
    %broadcast_in_dim3A_356 = vector.broadcast %jit3A_355 : f32 to vector<128x64xf32>
    %select_n3A_357 = arith.select %and3A_354, %broadcast_in_dim3A_356, %get3A_338 : vector<128x64xi1>, vector<128x64xf32>
    %swap3A_358 = arith.constant 0 : index
    %swap3A_359 = arith.constant 0 : index
    %swap3A_360 = vector.load %arg5[%swap3A_358, %swap3A_359] : memref<128x64xf32, #tpu.memory_space<vmem>>, vector<128x64xf32>
    tpu.vector_store %arg5[%swap3A_358, %swap3A_359], %select_n3A_357 {strides = array<i32>} : memref<128x64xf32, #tpu.memory_space<vmem>>, vector<128x64xf32>,
    %eq3A_361 = arith.constant 4 : i32
    %eq3A_362 = vector.broadcast %eq3A_361 : i32 to vector<128x16xi32>
    %eq3A_363 = arith.cmpi eq, %iota3A_213, %eq3A_362 : vector<128x16xi32>
    %broadcast_in_dim3A_364 = vector.shape_cast %broadcast_in_dim3A_349 : vector<128x1xi32> to vector<128x1xi32>
    %broadcast_in_dim3A_365 = vector.broadcast %broadcast_in_dim3A_364 : vector<128x1xi32> to vector<128x16xi32>
    %select_n3A_366 = arith.select %eq3A_363, %broadcast_in_dim3A_365, %select_n3A_335 : vector<128x16xi1>, vector<128x16xi32>
    %get3A_367 = arith.constant 0 : index
    %get3A_368 = arith.constant 0 : index
    %get3A_369 = vector.load %arg5[%get3A_367, %get3A_368] : memref<128x64xf32, #tpu.memory_space<vmem>>, vector<128x64xf32>
    %reduce_min3A_370 = arith.constant dense<0x7F800000> : vector<128xf32>
    %reduce_min3A_371 = vector.multi_reduction <minimumf>, %get3A_369, %reduce_min3A_370 [1] : vector<128x64xf32> to vector<128xf32>
    %broadcast_in_dim3A_372 = vector.shape_cast %reduce_min3A_371 : vector<128xf32> to vector<128x1xf32>
    %eq3A_373 = vector.broadcast %broadcast_in_dim3A_372 : vector<128x1xf32> to vector<128x64xf32>
    %eq3A_374 = arith.cmpf oeq, %get3A_369, %eq3A_373 : vector<128x64xf32>
    %jit3A_375 = arith.constant 2147483647 : i32
    %broadcast_in_dim3A_376 = vector.broadcast %jit3A_375 : i32 to vector<128x64xi32>
    %select_n3A_377 = arith.select %eq3A_374, %iota3A, %broadcast_in_dim3A_376 : vector<128x64xi1>, vector<128x64xi32>
    %reduce_min3A_378 = arith.constant dense<2147483647> : vector<128xi32>
    %reduce_min3A_379 = vector.multi_reduction <minsi>, %select_n3A_377, %reduce_min3A_378 [1] : vector<128x64xi32> to vector<128xi32>
    %broadcast_in_dim3A_380 = vector.shape_cast %reduce_min3A_379 : vector<128xi32> to vector<128x1xi32>
    %eq3A_381 = vector.broadcast %broadcast_in_dim3A_372 : vector<128x1xf32> to vector<128x64xf32>
    %eq3A_382 = arith.cmpf oeq, %get3A_369, %eq3A_381 : vector<128x64xf32>
    %eq3A_383 = vector.broadcast %broadcast_in_dim3A_380 : vector<128x1xi32> to vector<128x64xi32>
    %eq3A_384 = arith.cmpi eq, %iota3A, %eq3A_383 : vector<128x64xi32>
    %and3A_385 = arith.andi %eq3A_382, %eq3A_384 : vector<128x64xi1>
    %jit3A_386 = arith.constant 0x7F800000 : f32
    %broadcast_in_dim3A_387 = vector.broadcast %jit3A_386 : f32 to vector<128x64xf32>
    %select_n3A_388 = arith.select %and3A_385, %broadcast_in_dim3A_387, %get3A_369 : vector<128x64xi1>, vector<128x64xf32>
    %swap3A_389 = arith.constant 0 : index
    %swap3A_390 = arith.constant 0 : index
    %swap3A_391 = vector.load %arg5[%swap3A_389, %swap3A_390] : memref<128x64xf32, #tpu.memory_space<vmem>>, vector<128x64xf32>
    tpu.vector_store %arg5[%swap3A_389, %swap3A_390], %select_n3A_388 {strides = array<i32>} : memref<128x64xf32, #tpu.memory_space<vmem>>, vector<128x64xf32>,
    %eq3A_392 = arith.constant 5 : i32
    %eq3A_393 = vector.broadcast %eq3A_392 : i32 to vector<128x16xi32>
    %eq3A_394 = arith.cmpi eq, %iota3A_213, %eq3A_393 : vector<128x16xi32>
    %broadcast_in_dim3A_395 = vector.shape_cast %broadcast_in_dim3A_380 : vector<128x1xi32> to vector<128x1xi32>
    %broadcast_in_dim3A_396 = vector.broadcast %broadcast_in_dim3A_395 : vector<128x1xi32> to vector<128x16xi32>
    %select_n3A_397 = arith.select %eq3A_394, %broadcast_in_dim3A_396, %select_n3A_366 : vector<128x16xi1>, vector<128x16xi32>
    %get3A_398 = arith.constant 0 : index
    %get3A_399 = arith.constant 0 : index
    %get3A_400 = vector.load %arg5[%get3A_398, %get3A_399] : memref<128x64xf32, #tpu.memory_space<vmem>>, vector<128x64xf32>
    %reduce_min3A_401 = arith.constant dense<0x7F800000> : vector<128xf32>
    %reduce_min3A_402 = vector.multi_reduction <minimumf>, %get3A_400, %reduce_min3A_401 [1] : vector<128x64xf32> to vector<128xf32>
    %broadcast_in_dim3A_403 = vector.shape_cast %reduce_min3A_402 : vector<128xf32> to vector<128x1xf32>
    %eq3A_404 = vector.broadcast %broadcast_in_dim3A_403 : vector<128x1xf32> to vector<128x64xf32>
    %eq3A_405 = arith.cmpf oeq, %get3A_400, %eq3A_404 : vector<128x64xf32>
    %jit3A_406 = arith.constant 2147483647 : i32
    %broadcast_in_dim3A_407 = vector.broadcast %jit3A_406 : i32 to vector<128x64xi32>
    %select_n3A_408 = arith.select %eq3A_405, %iota3A, %broadcast_in_dim3A_407 : vector<128x64xi1>, vector<128x64xi32>
    %reduce_min3A_409 = arith.constant dense<2147483647> : vector<128xi32>
    %reduce_min3A_410 = vector.multi_reduction <minsi>, %select_n3A_408, %reduce_min3A_409 [1] : vector<128x64xi32> to vector<128xi32>
    %broadcast_in_dim3A_411 = vector.shape_cast %reduce_min3A_410 : vector<128xi32> to vector<128x1xi32>
    %eq3A_412 = vector.broadcast %broadcast_in_dim3A_403 : vector<128x1xf32> to vector<128x64xf32>
    %eq3A_413 = arith.cmpf oeq, %get3A_400, %eq3A_412 : vector<128x64xf32>
    %eq3A_414 = vector.broadcast %broadcast_in_dim3A_411 : vector<128x1xi32> to vector<128x64xi32>
    %eq3A_415 = arith.cmpi eq, %iota3A, %eq3A_414 : vector<128x64xi32>
    %and3A_416 = arith.andi %eq3A_413, %eq3A_415 : vector<128x64xi1>
    %jit3A_417 = arith.constant 0x7F800000 : f32
    %broadcast_in_dim3A_418 = vector.broadcast %jit3A_417 : f32 to vector<128x64xf32>
    %select_n3A_419 = arith.select %and3A_416, %broadcast_in_dim3A_418, %get3A_400 : vector<128x64xi1>, vector<128x64xf32>
    %swap3A_420 = arith.constant 0 : index
    %swap3A_421 = arith.constant 0 : index
    %swap3A_422 = vector.load %arg5[%swap3A_420, %swap3A_421] : memref<128x64xf32, #tpu.memory_space<vmem>>, vector<128x64xf32>
    tpu.vector_store %arg5[%swap3A_420, %swap3A_421], %select_n3A_419 {strides = array<i32>} : memref<128x64xf32, #tpu.memory_space<vmem>>, vector<128x64xf32>,
    %eq3A_423 = arith.constant 6 : i32
    %eq3A_424 = vector.broadcast %eq3A_423 : i32 to vector<128x16xi32>
    %eq3A_425 = arith.cmpi eq, %iota3A_213, %eq3A_424 : vector<128x16xi32>
    %broadcast_in_dim3A_426 = vector.shape_cast %broadcast_in_dim3A_411 : vector<128x1xi32> to vector<128x1xi32>
    %broadcast_in_dim3A_427 = vector.broadcast %broadcast_in_dim3A_426 : vector<128x1xi32> to vector<128x16xi32>
    %select_n3A_428 = arith.select %eq3A_425, %broadcast_in_dim3A_427, %select_n3A_397 : vector<128x16xi1>, vector<128x16xi32>
    %get3A_429 = arith.constant 0 : index
    %get3A_430 = arith.constant 0 : index
    %get3A_431 = vector.load %arg5[%get3A_429, %get3A_430] : memref<128x64xf32, #tpu.memory_space<vmem>>, vector<128x64xf32>
    %reduce_min3A_432 = arith.constant dense<0x7F800000> : vector<128xf32>
    %reduce_min3A_433 = vector.multi_reduction <minimumf>, %get3A_431, %reduce_min3A_432 [1] : vector<128x64xf32> to vector<128xf32>
    %broadcast_in_dim3A_434 = vector.shape_cast %reduce_min3A_433 : vector<128xf32> to vector<128x1xf32>
    %eq3A_435 = vector.broadcast %broadcast_in_dim3A_434 : vector<128x1xf32> to vector<128x64xf32>
    %eq3A_436 = arith.cmpf oeq, %get3A_431, %eq3A_435 : vector<128x64xf32>
    %jit3A_437 = arith.constant 2147483647 : i32
    %broadcast_in_dim3A_438 = vector.broadcast %jit3A_437 : i32 to vector<128x64xi32>
    %select_n3A_439 = arith.select %eq3A_436, %iota3A, %broadcast_in_dim3A_438 : vector<128x64xi1>, vector<128x64xi32>
    %reduce_min3A_440 = arith.constant dense<2147483647> : vector<128xi32>
    %reduce_min3A_441 = vector.multi_reduction <minsi>, %select_n3A_439, %reduce_min3A_440 [1] : vector<128x64xi32> to vector<128xi32>
    %broadcast_in_dim3A_442 = vector.shape_cast %reduce_min3A_441 : vector<128xi32> to vector<128x1xi32>
    %eq3A_443 = vector.broadcast %broadcast_in_dim3A_434 : vector<128x1xf32> to vector<128x64xf32>
    %eq3A_444 = arith.cmpf oeq, %get3A_431, %eq3A_443 : vector<128x64xf32>
    %eq3A_445 = vector.broadcast %broadcast_in_dim3A_442 : vector<128x1xi32> to vector<128x64xi32>
    %eq3A_446 = arith.cmpi eq, %iota3A, %eq3A_445 : vector<128x64xi32>
    %and3A_447 = arith.andi %eq3A_444, %eq3A_446 : vector<128x64xi1>
    %jit3A_448 = arith.constant 0x7F800000 : f32
    %broadcast_in_dim3A_449 = vector.broadcast %jit3A_448 : f32 to vector<128x64xf32>
    %select_n3A_450 = arith.select %and3A_447, %broadcast_in_dim3A_449, %get3A_431 : vector<128x64xi1>, vector<128x64xf32>
    %swap3A_451 = arith.constant 0 : index
    %swap3A_452 = arith.constant 0 : index
    %swap3A_453 = vector.load %arg5[%swap3A_451, %swap3A_452] : memref<128x64xf32, #tpu.memory_space<vmem>>, vector<128x64xf32>
    tpu.vector_store %arg5[%swap3A_451, %swap3A_452], %select_n3A_450 {strides = array<i32>} : memref<128x64xf32, #tpu.memory_space<vmem>>, vector<128x64xf32>,
    %eq3A_454 = arith.constant 7 : i32
    %eq3A_455 = vector.broadcast %eq3A_454 : i32 to vector<128x16xi32>
    %eq3A_456 = arith.cmpi eq, %iota3A_213, %eq3A_455 : vector<128x16xi32>
    %broadcast_in_dim3A_457 = vector.shape_cast %broadcast_in_dim3A_442 : vector<128x1xi32> to vector<128x1xi32>
    %broadcast_in_dim3A_458 = vector.broadcast %broadcast_in_dim3A_457 : vector<128x1xi32> to vector<128x16xi32>
    %select_n3A_459 = arith.select %eq3A_456, %broadcast_in_dim3A_458, %select_n3A_428 : vector<128x16xi1>, vector<128x16xi32>
    %get3A_460 = arith.constant 0 : index
    %get3A_461 = arith.constant 0 : index
    %get3A_462 = vector.load %arg5[%get3A_460, %get3A_461] : memref<128x64xf32, #tpu.memory_space<vmem>>, vector<128x64xf32>
    %reduce_min3A_463 = arith.constant dense<0x7F800000> : vector<128xf32>
    %reduce_min3A_464 = vector.multi_reduction <minimumf>, %get3A_462, %reduce_min3A_463 [1] : vector<128x64xf32> to vector<128xf32>
    %broadcast_in_dim3A_465 = vector.shape_cast %reduce_min3A_464 : vector<128xf32> to vector<128x1xf32>
    %eq3A_466 = vector.broadcast %broadcast_in_dim3A_465 : vector<128x1xf32> to vector<128x64xf32>
    %eq3A_467 = arith.cmpf oeq, %get3A_462, %eq3A_466 : vector<128x64xf32>
    %jit3A_468 = arith.constant 2147483647 : i32
    %broadcast_in_dim3A_469 = vector.broadcast %jit3A_468 : i32 to vector<128x64xi32>
    %select_n3A_470 = arith.select %eq3A_467, %iota3A, %broadcast_in_dim3A_469 : vector<128x64xi1>, vector<128x64xi32>
    %reduce_min3A_471 = arith.constant dense<2147483647> : vector<128xi32>
    %reduce_min3A_472 = vector.multi_reduction <minsi>, %select_n3A_470, %reduce_min3A_471 [1] : vector<128x64xi32> to vector<128xi32>
    %broadcast_in_dim3A_473 = vector.shape_cast %reduce_min3A_472 : vector<128xi32> to vector<128x1xi32>
    %eq3A_474 = vector.broadcast %broadcast_in_dim3A_465 : vector<128x1xf32> to vector<128x64xf32>
    %eq3A_475 = arith.cmpf oeq, %get3A_462, %eq3A_474 : vector<128x64xf32>
    %eq3A_476 = vector.broadcast %broadcast_in_dim3A_473 : vector<128x1xi32> to vector<128x64xi32>
    %eq3A_477 = arith.cmpi eq, %iota3A, %eq3A_476 : vector<128x64xi32>
    %and3A_478 = arith.andi %eq3A_475, %eq3A_477 : vector<128x64xi1>
    %jit3A_479 = arith.constant 0x7F800000 : f32
    %broadcast_in_dim3A_480 = vector.broadcast %jit3A_479 : f32 to vector<128x64xf32>
    %select_n3A_481 = arith.select %and3A_478, %broadcast_in_dim3A_480, %get3A_462 : vector<128x64xi1>, vector<128x64xf32>
    %swap3A_482 = arith.constant 0 : index
    %swap3A_483 = arith.constant 0 : index
    %swap3A_484 = vector.load %arg5[%swap3A_482, %swap3A_483] : memref<128x64xf32, #tpu.memory_space<vmem>>, vector<128x64xf32>
    tpu.vector_store %arg5[%swap3A_482, %swap3A_483], %select_n3A_481 {strides = array<i32>} : memref<128x64xf32, #tpu.memory_space<vmem>>, vector<128x64xf32>,
    %eq3A_485 = arith.constant 8 : i32
    %eq3A_486 = vector.broadcast %eq3A_485 : i32 to vector<128x16xi32>
    %eq3A_487 = arith.cmpi eq, %iota3A_213, %eq3A_486 : vector<128x16xi32>
    %broadcast_in_dim3A_488 = vector.shape_cast %broadcast_in_dim3A_473 : vector<128x1xi32> to vector<128x1xi32>
    %broadcast_in_dim3A_489 = vector.broadcast %broadcast_in_dim3A_488 : vector<128x1xi32> to vector<128x16xi32>
    %select_n3A_490 = arith.select %eq3A_487, %broadcast_in_dim3A_489, %select_n3A_459 : vector<128x16xi1>, vector<128x16xi32>
    %get3A_491 = arith.constant 0 : index
    %get3A_492 = arith.constant 0 : index
    %get3A_493 = vector.load %arg5[%get3A_491, %get3A_492] : memref<128x64xf32, #tpu.memory_space<vmem>>, vector<128x64xf32>
    %reduce_min3A_494 = arith.constant dense<0x7F800000> : vector<128xf32>
    %reduce_min3A_495 = vector.multi_reduction <minimumf>, %get3A_493, %reduce_min3A_494 [1] : vector<128x64xf32> to vector<128xf32>
    %broadcast_in_dim3A_496 = vector.shape_cast %reduce_min3A_495 : vector<128xf32> to vector<128x1xf32>
    %eq3A_497 = vector.broadcast %broadcast_in_dim3A_496 : vector<128x1xf32> to vector<128x64xf32>
    %eq3A_498 = arith.cmpf oeq, %get3A_493, %eq3A_497 : vector<128x64xf32>
    %jit3A_499 = arith.constant 2147483647 : i32
    %broadcast_in_dim3A_500 = vector.broadcast %jit3A_499 : i32 to vector<128x64xi32>
    %select_n3A_501 = arith.select %eq3A_498, %iota3A, %broadcast_in_dim3A_500 : vector<128x64xi1>, vector<128x64xi32>
    %reduce_min3A_502 = arith.constant dense<2147483647> : vector<128xi32>
    %reduce_min3A_503 = vector.multi_reduction <minsi>, %select_n3A_501, %reduce_min3A_502 [1] : vector<128x64xi32> to vector<128xi32>
    %broadcast_in_dim3A_504 = vector.shape_cast %reduce_min3A_503 : vector<128xi32> to vector<128x1xi32>
    %eq3A_505 = vector.broadcast %broadcast_in_dim3A_496 : vector<128x1xf32> to vector<128x64xf32>
    %eq3A_506 = arith.cmpf oeq, %get3A_493, %eq3A_505 : vector<128x64xf32>
    %eq3A_507 = vector.broadcast %broadcast_in_dim3A_504 : vector<128x1xi32> to vector<128x64xi32>
    %eq3A_508 = arith.cmpi eq, %iota3A, %eq3A_507 : vector<128x64xi32>
    %and3A_509 = arith.andi %eq3A_506, %eq3A_508 : vector<128x64xi1>
    %jit3A_510 = arith.constant 0x7F800000 : f32
    %broadcast_in_dim3A_511 = vector.broadcast %jit3A_510 : f32 to vector<128x64xf32>
    %select_n3A_512 = arith.select %and3A_509, %broadcast_in_dim3A_511, %get3A_493 : vector<128x64xi1>, vector<128x64xf32>
    %swap3A_513 = arith.constant 0 : index
    %swap3A_514 = arith.constant 0 : index
    %swap3A_515 = vector.load %arg5[%swap3A_513, %swap3A_514] : memref<128x64xf32, #tpu.memory_space<vmem>>, vector<128x64xf32>
    tpu.vector_store %arg5[%swap3A_513, %swap3A_514], %select_n3A_512 {strides = array<i32>} : memref<128x64xf32, #tpu.memory_space<vmem>>, vector<128x64xf32>,
    %eq3A_516 = arith.constant 9 : i32
    %eq3A_517 = vector.broadcast %eq3A_516 : i32 to vector<128x16xi32>
    %eq3A_518 = arith.cmpi eq, %iota3A_213, %eq3A_517 : vector<128x16xi32>
    %broadcast_in_dim3A_519 = vector.shape_cast %broadcast_in_dim3A_504 : vector<128x1xi32> to vector<128x1xi32>
    %broadcast_in_dim3A_520 = vector.broadcast %broadcast_in_dim3A_519 : vector<128x1xi32> to vector<128x16xi32>
    %select_n3A_521 = arith.select %eq3A_518, %broadcast_in_dim3A_520, %select_n3A_490 : vector<128x16xi1>, vector<128x16xi32>
    %get3A_522 = arith.constant 0 : index
    %get3A_523 = arith.constant 0 : index
    %get3A_524 = vector.load %arg5[%get3A_522, %get3A_523] : memref<128x64xf32, #tpu.memory_space<vmem>>, vector<128x64xf32>
    %reduce_min3A_525 = arith.constant dense<0x7F800000> : vector<128xf32>
    %reduce_min3A_526 = vector.multi_reduction <minimumf>, %get3A_524, %reduce_min3A_525 [1] : vector<128x64xf32> to vector<128xf32>
    %broadcast_in_dim3A_527 = vector.shape_cast %reduce_min3A_526 : vector<128xf32> to vector<128x1xf32>
    %eq3A_528 = vector.broadcast %broadcast_in_dim3A_527 : vector<128x1xf32> to vector<128x64xf32>
    %eq3A_529 = arith.cmpf oeq, %get3A_524, %eq3A_528 : vector<128x64xf32>
    %jit3A_530 = arith.constant 2147483647 : i32
    %broadcast_in_dim3A_531 = vector.broadcast %jit3A_530 : i32 to vector<128x64xi32>
    %select_n3A_532 = arith.select %eq3A_529, %iota3A, %broadcast_in_dim3A_531 : vector<128x64xi1>, vector<128x64xi32>
    %reduce_min3A_533 = arith.constant dense<2147483647> : vector<128xi32>
    %reduce_min3A_534 = vector.multi_reduction <minsi>, %select_n3A_532, %reduce_min3A_533 [1] : vector<128x64xi32> to vector<128xi32>
    %broadcast_in_dim3A_535 = vector.shape_cast %reduce_min3A_534 : vector<128xi32> to vector<128x1xi32>
    %eq3A_536 = vector.broadcast %broadcast_in_dim3A_527 : vector<128x1xf32> to vector<128x64xf32>
    %eq3A_537 = arith.cmpf oeq, %get3A_524, %eq3A_536 : vector<128x64xf32>
    %eq3A_538 = vector.broadcast %broadcast_in_dim3A_535 : vector<128x1xi32> to vector<128x64xi32>
    %eq3A_539 = arith.cmpi eq, %iota3A, %eq3A_538 : vector<128x64xi32>
    %and3A_540 = arith.andi %eq3A_537, %eq3A_539 : vector<128x64xi1>
    %jit3A_541 = arith.constant 0x7F800000 : f32
    %broadcast_in_dim3A_542 = vector.broadcast %jit3A_541 : f32 to vector<128x64xf32>
    %select_n3A_543 = arith.select %and3A_540, %broadcast_in_dim3A_542, %get3A_524 : vector<128x64xi1>, vector<128x64xf32>
    %swap3A_544 = arith.constant 0 : index
    %swap3A_545 = arith.constant 0 : index
    %swap3A_546 = vector.load %arg5[%swap3A_544, %swap3A_545] : memref<128x64xf32, #tpu.memory_space<vmem>>, vector<128x64xf32>
    tpu.vector_store %arg5[%swap3A_544, %swap3A_545], %select_n3A_543 {strides = array<i32>} : memref<128x64xf32, #tpu.memory_space<vmem>>, vector<128x64xf32>,
    %eq3A_547 = arith.constant 10 : i32
    %eq3A_548 = vector.broadcast %eq3A_547 : i32 to vector<128x16xi32>
    %eq3A_549 = arith.cmpi eq, %iota3A_213, %eq3A_548 : vector<128x16xi32>
    %broadcast_in_dim3A_550 = vector.shape_cast %broadcast_in_dim3A_535 : vector<128x1xi32> to vector<128x1xi32>
    %broadcast_in_dim3A_551 = vector.broadcast %broadcast_in_dim3A_550 : vector<128x1xi32> to vector<128x16xi32>
    %select_n3A_552 = arith.select %eq3A_549, %broadcast_in_dim3A_551, %select_n3A_521 : vector<128x16xi1>, vector<128x16xi32>
    %get3A_553 = arith.constant 0 : index
    %get3A_554 = arith.constant 0 : index
    %get3A_555 = vector.load %arg5[%get3A_553, %get3A_554] : memref<128x64xf32, #tpu.memory_space<vmem>>, vector<128x64xf32>
    %reduce_min3A_556 = arith.constant dense<0x7F800000> : vector<128xf32>
    %reduce_min3A_557 = vector.multi_reduction <minimumf>, %get3A_555, %reduce_min3A_556 [1] : vector<128x64xf32> to vector<128xf32>
    %broadcast_in_dim3A_558 = vector.shape_cast %reduce_min3A_557 : vector<128xf32> to vector<128x1xf32>
    %eq3A_559 = vector.broadcast %broadcast_in_dim3A_558 : vector<128x1xf32> to vector<128x64xf32>
    %eq3A_560 = arith.cmpf oeq, %get3A_555, %eq3A_559 : vector<128x64xf32>
    %jit3A_561 = arith.constant 2147483647 : i32
    %broadcast_in_dim3A_562 = vector.broadcast %jit3A_561 : i32 to vector<128x64xi32>
    %select_n3A_563 = arith.select %eq3A_560, %iota3A, %broadcast_in_dim3A_562 : vector<128x64xi1>, vector<128x64xi32>
    %reduce_min3A_564 = arith.constant dense<2147483647> : vector<128xi32>
    %reduce_min3A_565 = vector.multi_reduction <minsi>, %select_n3A_563, %reduce_min3A_564 [1] : vector<128x64xi32> to vector<128xi32>
    %broadcast_in_dim3A_566 = vector.shape_cast %reduce_min3A_565 : vector<128xi32> to vector<128x1xi32>
    %eq3A_567 = vector.broadcast %broadcast_in_dim3A_558 : vector<128x1xf32> to vector<128x64xf32>
    %eq3A_568 = arith.cmpf oeq, %get3A_555, %eq3A_567 : vector<128x64xf32>
    %eq3A_569 = vector.broadcast %broadcast_in_dim3A_566 : vector<128x1xi32> to vector<128x64xi32>
    %eq3A_570 = arith.cmpi eq, %iota3A, %eq3A_569 : vector<128x64xi32>
    %and3A_571 = arith.andi %eq3A_568, %eq3A_570 : vector<128x64xi1>
    %jit3A_572 = arith.constant 0x7F800000 : f32
    %broadcast_in_dim3A_573 = vector.broadcast %jit3A_572 : f32 to vector<128x64xf32>
    %select_n3A_574 = arith.select %and3A_571, %broadcast_in_dim3A_573, %get3A_555 : vector<128x64xi1>, vector<128x64xf32>
    %swap3A_575 = arith.constant 0 : index
    %swap3A_576 = arith.constant 0 : index
    %swap3A_577 = vector.load %arg5[%swap3A_575, %swap3A_576] : memref<128x64xf32, #tpu.memory_space<vmem>>, vector<128x64xf32>
    tpu.vector_store %arg5[%swap3A_575, %swap3A_576], %select_n3A_574 {strides = array<i32>} : memref<128x64xf32, #tpu.memory_space<vmem>>, vector<128x64xf32>,
    %eq3A_578 = arith.constant 11 : i32
    %eq3A_579 = vector.broadcast %eq3A_578 : i32 to vector<128x16xi32>
    %eq3A_580 = arith.cmpi eq, %iota3A_213, %eq3A_579 : vector<128x16xi32>
    %broadcast_in_dim3A_581 = vector.shape_cast %broadcast_in_dim3A_566 : vector<128x1xi32> to vector<128x1xi32>
    %broadcast_in_dim3A_582 = vector.broadcast %broadcast_in_dim3A_581 : vector<128x1xi32> to vector<128x16xi32>
    %select_n3A_583 = arith.select %eq3A_580, %broadcast_in_dim3A_582, %select_n3A_552 : vector<128x16xi1>, vector<128x16xi32>
    %get3A_584 = arith.constant 0 : index
    %get3A_585 = arith.constant 0 : index
    %get3A_586 = vector.load %arg5[%get3A_584, %get3A_585] : memref<128x64xf32, #tpu.memory_space<vmem>>, vector<128x64xf32>
    %reduce_min3A_587 = arith.constant dense<0x7F800000> : vector<128xf32>
    %reduce_min3A_588 = vector.multi_reduction <minimumf>, %get3A_586, %reduce_min3A_587 [1] : vector<128x64xf32> to vector<128xf32>
    %broadcast_in_dim3A_589 = vector.shape_cast %reduce_min3A_588 : vector<128xf32> to vector<128x1xf32>
    %eq3A_590 = vector.broadcast %broadcast_in_dim3A_589 : vector<128x1xf32> to vector<128x64xf32>
    %eq3A_591 = arith.cmpf oeq, %get3A_586, %eq3A_590 : vector<128x64xf32>
    %jit3A_592 = arith.constant 2147483647 : i32
    %broadcast_in_dim3A_593 = vector.broadcast %jit3A_592 : i32 to vector<128x64xi32>
    %select_n3A_594 = arith.select %eq3A_591, %iota3A, %broadcast_in_dim3A_593 : vector<128x64xi1>, vector<128x64xi32>
    %reduce_min3A_595 = arith.constant dense<2147483647> : vector<128xi32>
    %reduce_min3A_596 = vector.multi_reduction <minsi>, %select_n3A_594, %reduce_min3A_595 [1] : vector<128x64xi32> to vector<128xi32>
    %broadcast_in_dim3A_597 = vector.shape_cast %reduce_min3A_596 : vector<128xi32> to vector<128x1xi32>
    %eq3A_598 = vector.broadcast %broadcast_in_dim3A_589 : vector<128x1xf32> to vector<128x64xf32>
    %eq3A_599 = arith.cmpf oeq, %get3A_586, %eq3A_598 : vector<128x64xf32>
    %eq3A_600 = vector.broadcast %broadcast_in_dim3A_597 : vector<128x1xi32> to vector<128x64xi32>
    %eq3A_601 = arith.cmpi eq, %iota3A, %eq3A_600 : vector<128x64xi32>
    %and3A_602 = arith.andi %eq3A_599, %eq3A_601 : vector<128x64xi1>
    %jit3A_603 = arith.constant 0x7F800000 : f32
    %broadcast_in_dim3A_604 = vector.broadcast %jit3A_603 : f32 to vector<128x64xf32>
    %select_n3A_605 = arith.select %and3A_602, %broadcast_in_dim3A_604, %get3A_586 : vector<128x64xi1>, vector<128x64xf32>
    %swap3A_606 = arith.constant 0 : index
    %swap3A_607 = arith.constant 0 : index
    %swap3A_608 = vector.load %arg5[%swap3A_606, %swap3A_607] : memref<128x64xf32, #tpu.memory_space<vmem>>, vector<128x64xf32>
    tpu.vector_store %arg5[%swap3A_606, %swap3A_607], %select_n3A_605 {strides = array<i32>} : memref<128x64xf32, #tpu.memory_space<vmem>>, vector<128x64xf32>,
    %eq3A_609 = arith.constant 12 : i32
    %eq3A_610 = vector.broadcast %eq3A_609 : i32 to vector<128x16xi32>
    %eq3A_611 = arith.cmpi eq, %iota3A_213, %eq3A_610 : vector<128x16xi32>
    %broadcast_in_dim3A_612 = vector.shape_cast %broadcast_in_dim3A_597 : vector<128x1xi32> to vector<128x1xi32>
    %broadcast_in_dim3A_613 = vector.broadcast %broadcast_in_dim3A_612 : vector<128x1xi32> to vector<128x16xi32>
    %select_n3A_614 = arith.select %eq3A_611, %broadcast_in_dim3A_613, %select_n3A_583 : vector<128x16xi1>, vector<128x16xi32>
    %get3A_615 = arith.constant 0 : index
    %get3A_616 = arith.constant 0 : index
    %get3A_617 = vector.load %arg5[%get3A_615, %get3A_616] : memref<128x64xf32, #tpu.memory_space<vmem>>, vector<128x64xf32>
    %reduce_min3A_618 = arith.constant dense<0x7F800000> : vector<128xf32>
    %reduce_min3A_619 = vector.multi_reduction <minimumf>, %get3A_617, %reduce_min3A_618 [1] : vector<128x64xf32> to vector<128xf32>
    %broadcast_in_dim3A_620 = vector.shape_cast %reduce_min3A_619 : vector<128xf32> to vector<128x1xf32>
    %eq3A_621 = vector.broadcast %broadcast_in_dim3A_620 : vector<128x1xf32> to vector<128x64xf32>
    %eq3A_622 = arith.cmpf oeq, %get3A_617, %eq3A_621 : vector<128x64xf32>
    %jit3A_623 = arith.constant 2147483647 : i32
    %broadcast_in_dim3A_624 = vector.broadcast %jit3A_623 : i32 to vector<128x64xi32>
    %select_n3A_625 = arith.select %eq3A_622, %iota3A, %broadcast_in_dim3A_624 : vector<128x64xi1>, vector<128x64xi32>
    %reduce_min3A_626 = arith.constant dense<2147483647> : vector<128xi32>
    %reduce_min3A_627 = vector.multi_reduction <minsi>, %select_n3A_625, %reduce_min3A_626 [1] : vector<128x64xi32> to vector<128xi32>
    %broadcast_in_dim3A_628 = vector.shape_cast %reduce_min3A_627 : vector<128xi32> to vector<128x1xi32>
    %eq3A_629 = vector.broadcast %broadcast_in_dim3A_620 : vector<128x1xf32> to vector<128x64xf32>
    %eq3A_630 = arith.cmpf oeq, %get3A_617, %eq3A_629 : vector<128x64xf32>
    %eq3A_631 = vector.broadcast %broadcast_in_dim3A_628 : vector<128x1xi32> to vector<128x64xi32>
    %eq3A_632 = arith.cmpi eq, %iota3A, %eq3A_631 : vector<128x64xi32>
    %and3A_633 = arith.andi %eq3A_630, %eq3A_632 : vector<128x64xi1>
    %jit3A_634 = arith.constant 0x7F800000 : f32
    %broadcast_in_dim3A_635 = vector.broadcast %jit3A_634 : f32 to vector<128x64xf32>
    %select_n3A_636 = arith.select %and3A_633, %broadcast_in_dim3A_635, %get3A_617 : vector<128x64xi1>, vector<128x64xf32>
    %swap3A_637 = arith.constant 0 : index
    %swap3A_638 = arith.constant 0 : index
    %swap3A_639 = vector.load %arg5[%swap3A_637, %swap3A_638] : memref<128x64xf32, #tpu.memory_space<vmem>>, vector<128x64xf32>
    tpu.vector_store %arg5[%swap3A_637, %swap3A_638], %select_n3A_636 {strides = array<i32>} : memref<128x64xf32, #tpu.memory_space<vmem>>, vector<128x64xf32>,
    %eq3A_640 = arith.constant 13 : i32
    %eq3A_641 = vector.broadcast %eq3A_640 : i32 to vector<128x16xi32>
    %eq3A_642 = arith.cmpi eq, %iota3A_213, %eq3A_641 : vector<128x16xi32>
    %broadcast_in_dim3A_643 = vector.shape_cast %broadcast_in_dim3A_628 : vector<128x1xi32> to vector<128x1xi32>
    %broadcast_in_dim3A_644 = vector.broadcast %broadcast_in_dim3A_643 : vector<128x1xi32> to vector<128x16xi32>
    %select_n3A_645 = arith.select %eq3A_642, %broadcast_in_dim3A_644, %select_n3A_614 : vector<128x16xi1>, vector<128x16xi32>
    %get3A_646 = arith.constant 0 : index
    %get3A_647 = arith.constant 0 : index
    %get3A_648 = vector.load %arg5[%get3A_646, %get3A_647] : memref<128x64xf32, #tpu.memory_space<vmem>>, vector<128x64xf32>
    %reduce_min3A_649 = arith.constant dense<0x7F800000> : vector<128xf32>
    %reduce_min3A_650 = vector.multi_reduction <minimumf>, %get3A_648, %reduce_min3A_649 [1] : vector<128x64xf32> to vector<128xf32>
    %broadcast_in_dim3A_651 = vector.shape_cast %reduce_min3A_650 : vector<128xf32> to vector<128x1xf32>
    %eq3A_652 = vector.broadcast %broadcast_in_dim3A_651 : vector<128x1xf32> to vector<128x64xf32>
    %eq3A_653 = arith.cmpf oeq, %get3A_648, %eq3A_652 : vector<128x64xf32>
    %jit3A_654 = arith.constant 2147483647 : i32
    %broadcast_in_dim3A_655 = vector.broadcast %jit3A_654 : i32 to vector<128x64xi32>
    %select_n3A_656 = arith.select %eq3A_653, %iota3A, %broadcast_in_dim3A_655 : vector<128x64xi1>, vector<128x64xi32>
    %reduce_min3A_657 = arith.constant dense<2147483647> : vector<128xi32>
    %reduce_min3A_658 = vector.multi_reduction <minsi>, %select_n3A_656, %reduce_min3A_657 [1] : vector<128x64xi32> to vector<128xi32>
    %broadcast_in_dim3A_659 = vector.shape_cast %reduce_min3A_658 : vector<128xi32> to vector<128x1xi32>
    %eq3A_660 = vector.broadcast %broadcast_in_dim3A_651 : vector<128x1xf32> to vector<128x64xf32>
    %eq3A_661 = arith.cmpf oeq, %get3A_648, %eq3A_660 : vector<128x64xf32>
    %eq3A_662 = vector.broadcast %broadcast_in_dim3A_659 : vector<128x1xi32> to vector<128x64xi32>
    %eq3A_663 = arith.cmpi eq, %iota3A, %eq3A_662 : vector<128x64xi32>
    %and3A_664 = arith.andi %eq3A_661, %eq3A_663 : vector<128x64xi1>
    %jit3A_665 = arith.constant 0x7F800000 : f32
    %broadcast_in_dim3A_666 = vector.broadcast %jit3A_665 : f32 to vector<128x64xf32>
    %select_n3A_667 = arith.select %and3A_664, %broadcast_in_dim3A_666, %get3A_648 : vector<128x64xi1>, vector<128x64xf32>
    %swap3A_668 = arith.constant 0 : index
    %swap3A_669 = arith.constant 0 : index
    %swap3A_670 = vector.load %arg5[%swap3A_668, %swap3A_669] : memref<128x64xf32, #tpu.memory_space<vmem>>, vector<128x64xf32>
    tpu.vector_store %arg5[%swap3A_668, %swap3A_669], %select_n3A_667 {strides = array<i32>} : memref<128x64xf32, #tpu.memory_space<vmem>>, vector<128x64xf32>,
    %eq3A_671 = arith.constant 14 : i32
    %eq3A_672 = vector.broadcast %eq3A_671 : i32 to vector<128x16xi32>
    %eq3A_673 = arith.cmpi eq, %iota3A_213, %eq3A_672 : vector<128x16xi32>
    %broadcast_in_dim3A_674 = vector.shape_cast %broadcast_in_dim3A_659 : vector<128x1xi32> to vector<128x1xi32>
    %broadcast_in_dim3A_675 = vector.broadcast %broadcast_in_dim3A_674 : vector<128x1xi32> to vector<128x16xi32>
    %select_n3A_676 = arith.select %eq3A_673, %broadcast_in_dim3A_675, %select_n3A_645 : vector<128x16xi1>, vector<128x16xi32>
    %get3A_677 = arith.constant 0 : index
    %get3A_678 = arith.constant 0 : index
    %get3A_679 = vector.load %arg5[%get3A_677, %get3A_678] : memref<128x64xf32, #tpu.memory_space<vmem>>, vector<128x64xf32>
    %reduce_min3A_680 = arith.constant dense<0x7F800000> : vector<128xf32>
    %reduce_min3A_681 = vector.multi_reduction <minimumf>, %get3A_679, %reduce_min3A_680 [1] : vector<128x64xf32> to vector<128xf32>
    %broadcast_in_dim3A_682 = vector.shape_cast %reduce_min3A_681 : vector<128xf32> to vector<128x1xf32>
    %eq3A_683 = vector.broadcast %broadcast_in_dim3A_682 : vector<128x1xf32> to vector<128x64xf32>
    %eq3A_684 = arith.cmpf oeq, %get3A_679, %eq3A_683 : vector<128x64xf32>
    %jit3A_685 = arith.constant 2147483647 : i32
    %broadcast_in_dim3A_686 = vector.broadcast %jit3A_685 : i32 to vector<128x64xi32>
    %select_n3A_687 = arith.select %eq3A_684, %iota3A, %broadcast_in_dim3A_686 : vector<128x64xi1>, vector<128x64xi32>
    %reduce_min3A_688 = arith.constant dense<2147483647> : vector<128xi32>
    %reduce_min3A_689 = vector.multi_reduction <minsi>, %select_n3A_687, %reduce_min3A_688 [1] : vector<128x64xi32> to vector<128xi32>
    %broadcast_in_dim3A_690 = vector.shape_cast %reduce_min3A_689 : vector<128xi32> to vector<128x1xi32>
    %eq3A_691 = vector.broadcast %broadcast_in_dim3A_682 : vector<128x1xf32> to vector<128x64xf32>
    %eq3A_692 = arith.cmpf oeq, %get3A_679, %eq3A_691 : vector<128x64xf32>
    %eq3A_693 = vector.broadcast %broadcast_in_dim3A_690 : vector<128x1xi32> to vector<128x64xi32>
    %eq3A_694 = arith.cmpi eq, %iota3A, %eq3A_693 : vector<128x64xi32>
    %and3A_695 = arith.andi %eq3A_692, %eq3A_694 : vector<128x64xi1>
    %jit3A_696 = arith.constant 0x7F800000 : f32
    %broadcast_in_dim3A_697 = vector.broadcast %jit3A_696 : f32 to vector<128x64xf32>
    %select_n3A_698 = arith.select %and3A_695, %broadcast_in_dim3A_697, %get3A_679 : vector<128x64xi1>, vector<128x64xf32>
    %swap3A_699 = arith.constant 0 : index
    %swap3A_700 = arith.constant 0 : index
    %swap3A_701 = vector.load %arg5[%swap3A_699, %swap3A_700] : memref<128x64xf32, #tpu.memory_space<vmem>>, vector<128x64xf32>
    tpu.vector_store %arg5[%swap3A_699, %swap3A_700], %select_n3A_698 {strides = array<i32>} : memref<128x64xf32, #tpu.memory_space<vmem>>, vector<128x64xf32>,
    %eq3A_702 = arith.constant 15 : i32
    %eq3A_703 = vector.broadcast %eq3A_702 : i32 to vector<128x16xi32>
    %eq3A_704 = arith.cmpi eq, %iota3A_213, %eq3A_703 : vector<128x16xi32>
    %broadcast_in_dim3A_705 = vector.shape_cast %broadcast_in_dim3A_690 : vector<128x1xi32> to vector<128x1xi32>
    %broadcast_in_dim3A_706 = vector.broadcast %broadcast_in_dim3A_705 : vector<128x1xi32> to vector<128x16xi32>
    %select_n3A_707 = arith.select %eq3A_704, %broadcast_in_dim3A_706, %select_n3A_676 : vector<128x16xi1>, vector<128x16xi32>
    %swap3A_708 = arith.constant 0 : index
    %swap3A_709 = arith.constant 0 : index
    %swap3A_710 = vector.load %arg4[%swap3A_708, %swap3A_709] : memref<128x16xi32, #tpu.memory_space<vmem>>, vector<128x16xi32>
    tpu.vector_store %arg4[%swap3A_708, %swap3A_709], %select_n3A_707 {strides = array<i32>} : memref<128x16xi32, #tpu.memory_space<vmem>>, vector<128x16xi32>,
    return
  }
  func.func @transform_0(%arg0: i32) -> (i32, i32) {
    %c0_i32 = arith.constant 0 : i32
    %c0_i32_0 = arith.constant 0 : i32
    return %arg0, %c0_i32 : i32, i32
  }
  func.func @transform_1(%arg0: i32) -> (i32, i32, i32) {
    %jit3A = arith.constant 16 : i32
    %div3A = arith.divsi %arg0, %jit3A : i32
    %sign3A = arith.constant 0 : i32
    %sign3A_0 = arith.cmpi sgt, %arg0, %sign3A : i32
    %sign3A_1 = arith.extui %sign3A_0 : i1 to i32
    %sign3A_2 = arith.constant 0 : i32
    %sign3A_3 = arith.cmpi slt, %arg0, %sign3A_2 : i32
    %sign3A_4 = arith.extui %sign3A_3 : i1 to i32
    %sign3A_5 = arith.subi %sign3A_1, %sign3A_4 : i32
    %sign3A_6 = arith.constant 0 : i32
    %sign3A_7 = arith.cmpi sgt, %jit3A, %sign3A_6 : i32
    %sign3A_8 = arith.extui %sign3A_7 : i1 to i32
    %sign3A_9 = arith.constant 0 : i32
    %sign3A_10 = arith.cmpi slt, %jit3A, %sign3A_9 : i32
    %sign3A_11 = arith.extui %sign3A_10 : i1 to i32
    %sign3A_12 = arith.subi %sign3A_8, %sign3A_11 : i32
    %ne3A = arith.cmpi ne, %sign3A_5, %sign3A_12 : i32
    %rem3A = arith.remsi %arg0, %jit3A : i32
    %ne3A_13 = arith.constant 0 : i32
    %ne3A_14 = arith.cmpi ne, %rem3A, %ne3A_13 : i32
    %and3A = arith.andi %ne3A, %ne3A_14 : i1
    %sub3A = arith.constant 1 : i32
    %sub3A_15 = arith.subi %div3A, %sub3A : i32
    %select_n3A = arith.select %and3A, %sub3A_15, %div3A : i32
    %c0_i32 = arith.constant 0 : i32
    %c0_i32_16 = arith.constant 0 : i32
    %c0_i32_17 = arith.constant 0 : i32
    return %select_n3A, %c0_i32, %c0_i32_16 : i32, i32, i32
  }
  func.func @transform_2(%arg0: i32) -> (i32, i32) {
    %c0_i32 = arith.constant 0 : i32
    %c0_i32_0 = arith.constant 0 : i32
    return %arg0, %c0_i32 : i32, i32
  }
  func.func @transform_3(%arg0: i32) -> (i32, i32) {
    %c0_i32 = arith.constant 0 : i32
    %c0_i32_0 = arith.constant 0 : i32
    return %arg0, %c0_i32 : i32, i32
  }
}

module attributes {stable_mosaic.version = 14 : i64} {
  func.func @_mm_kernel(%arg0: i32, %arg1: memref<512x256xf32, #tpu.memory_space<vmem>>, %arg2: memref<256x512xf32, #tpu.memory_space<vmem>>, %arg3: memref<512x512xf32, #tpu.memory_space<vmem>>) attributes {dimension_semantics = [#tpu.dimension_semantics<arbitrary>], iteration_bounds = array<i64: 32>, scalar_prefetch = 0 : i64, scratch_operands = 0 : i64, tpu.core_type = #tpu.core_type<tc>, window_params = [{transform_indices = @transform_0, window_bounds = array<i64: 512, 256>}, {pipeline_mode = #tpu.pipeline_mode<synchronous>, transform_indices = @transform_1, window_bounds = array<i64: 256, 512>}, {transform_indices = @transform_2, window_bounds = array<i64: 512, 512>}]} {
    %get3A = arith.constant 0 : index
    %get3A_0 = arith.constant 0 : index
    %get3A_1 = vector.load %arg1[%get3A, %get3A_0] : memref<512x256xf32, #tpu.memory_space<vmem>>, vector<512x256xf32>
    %get3A_2 = arith.constant 0 : index
    %get3A_3 = arith.constant 0 : index
    %get3A_4 = vector.load %arg2[%get3A_2, %get3A_3] : memref<256x512xf32, #tpu.memory_space<vmem>>, vector<256x512xf32>
    %dot_general3A = arith.constant dense<0.000000e+00> : vector<512x512xf32>
    %dot_general3A_5 = tpu.matmul %get3A_1, %get3A_4, %dot_general3A {dimension_numbers = #tpu.dot_dimension_numbers<[1], [0], [0], [1], [0, 0, 1, 1], [], []>, transpose_lhs_hint = false} : vector<512x256xf32>, vector<256x512xf32>, vector<512x512xf32> -> vector<512x512xf32>
    %swap3A = arith.constant 0 : index
    %swap3A_6 = arith.constant 0 : index
    %swap3A_7 = vector.load %arg3[%swap3A, %swap3A_6] : memref<512x512xf32, #tpu.memory_space<vmem>>, vector<512x512xf32>
    tpu.vector_store %arg3[%swap3A, %swap3A_6], %dot_general3A_5 {strides = array<i32>} : memref<512x512xf32, #tpu.memory_space<vmem>>, vector<512x512xf32>,
    return
  }
  func.func @transform_0(%arg0: i32) -> (i32, i32) {
    %c0_i32 = arith.constant 0 : i32
    %c0_i32_0 = arith.constant 0 : i32
    return %arg0, %c0_i32 : i32, i32
  }
  func.func @transform_1(%arg0: i32) -> (i32, i32) {
    %c0_i32 = arith.constant 0 : i32
    %c0_i32_0 = arith.constant 0 : i32
    %c0_i32_1 = arith.constant 0 : i32
    return %c0_i32, %c0_i32_0 : i32, i32
  }
  func.func @transform_2(%arg0: i32) -> (i32, i32) {
    %c0_i32 = arith.constant 0 : i32
    %c0_i32_0 = arith.constant 0 : i32
    return %arg0, %c0_i32 : i32, i32
  }
}

module attributes {stable_mosaic.version = 14 : i64} {
  func.func @_topkcand_kernel(%arg0: i32, %arg1: memref<128x2048xf32, #tpu.memory_space<vmem>>, %arg2: memref<128x2048xi32, #tpu.memory_space<vmem>>, %arg3: memref<128x16xi32, #tpu.memory_space<vmem>>, %arg4: memref<128x2048xf32, #tpu.memory_space<vmem>>) attributes {dimension_semantics = [#tpu.dimension_semantics<arbitrary>], iteration_bounds = array<i64: 32>, scalar_prefetch = 0 : i64, scratch_operands = 1 : i64, tpu.core_type = #tpu.core_type<tc>, window_params = [{transform_indices = @transform_0, window_bounds = array<i64: 128, 2048>}, {transform_indices = @transform_1, window_bounds = array<i64: 128, 2048>}, {transform_indices = @transform_2, window_bounds = array<i64: 128, 16>}]} {
    %get3A = arith.constant 0 : index
    %get3A_0 = arith.constant 0 : index
    %get3A_1 = vector.load %arg1[%get3A, %get3A_0] : memref<128x2048xf32, #tpu.memory_space<vmem>>, vector<128x2048xf32>
    %swap3A = arith.constant 0 : index
    %swap3A_2 = arith.constant 0 : index
    %swap3A_3 = vector.load %arg4[%swap3A, %swap3A_2] : memref<128x2048xf32, #tpu.memory_space<vmem>>, vector<128x2048xf32>
    tpu.vector_store %arg4[%swap3A, %swap3A_2], %get3A_1 {strides = array<i32>} : memref<128x2048xf32, #tpu.memory_space<vmem>>, vector<128x2048xf32>,
    %broadcast_in_dim3A = arith.constant 0 : i32
    %broadcast_in_dim3A_4 = vector.broadcast %broadcast_in_dim3A : i32 to vector<128x16xi32>
    %iota3A = tpu.iota {dimensions = array<i32: 1>} : vector<128x16xi32>
    %broadcast_in_dim3A_5 = arith.constant 0x7F800000 : f32
    %broadcast_in_dim3A_6 = vector.broadcast %broadcast_in_dim3A_5 : f32 to vector<128x1xf32>
    %get3A_7 = arith.constant 0 : index
    %get3A_8 = arith.constant 0 : index
    %get3A_9 = vector.load %arg4[%get3A_7, %get3A_8] : memref<128x2048xf32, #tpu.memory_space<vmem>>, vector<128x512xf32>
    %reduce_min3A = arith.constant dense<0x7F800000> : vector<128xf32>
    %reduce_min3A_10 = vector.multi_reduction <minimumf>, %get3A_9, %reduce_min3A [1] : vector<128x512xf32> to vector<128xf32>
    %broadcast_in_dim3A_11 = vector.shape_cast %reduce_min3A_10 : vector<128xf32> to vector<128x1xf32>
    %min3A = arith.minimumf %broadcast_in_dim3A_6, %broadcast_in_dim3A_11 : vector<128x1xf32>
    %get3A_12 = arith.constant 0 : index
    %get3A_13 = arith.constant 512 : index
    %get3A_14 = vector.load %arg4[%get3A_12, %get3A_13] : memref<128x2048xf32, #tpu.memory_space<vmem>>, vector<128x512xf32>
    %reduce_min3A_15 = arith.constant dense<0x7F800000> : vector<128xf32>
    %reduce_min3A_16 = vector.multi_reduction <minimumf>, %get3A_14, %reduce_min3A_15 [1] : vector<128x512xf32> to vector<128xf32>
    %broadcast_in_dim3A_17 = vector.shape_cast %reduce_min3A_16 : vector<128xf32> to vector<128x1xf32>
    %min3A_18 = arith.minimumf %min3A, %broadcast_in_dim3A_17 : vector<128x1xf32>
    %get3A_19 = arith.constant 0 : index
    %get3A_20 = arith.constant 1024 : index
    %get3A_21 = vector.load %arg4[%get3A_19, %get3A_20] : memref<128x2048xf32, #tpu.memory_space<vmem>>, vector<128x512xf32>
    %reduce_min3A_22 = arith.constant dense<0x7F800000> : vector<128xf32>
    %reduce_min3A_23 = vector.multi_reduction <minimumf>, %get3A_21, %reduce_min3A_22 [1] : vector<128x512xf32> to vector<128xf32>
    %broadcast_in_dim3A_24 = vector.shape_cast %reduce_min3A_23 : vector<128xf32> to vector<128x1xf32>
    %min3A_25 = arith.minimumf %min3A_18, %broadcast_in_dim3A_24 : vector<128x1xf32>
    %get3A_26 = arith.constant 0 : index
    %get3A_27 = arith.constant 1536 : index
    %get3A_28 = vector.load %arg4[%get3A_26, %get3A_27] : memref<128x2048xf32, #tpu.memory_space<vmem>>, vector<128x512xf32>
    %reduce_min3A_29 = arith.constant dense<0x7F800000> : vector<128xf32>
    %reduce_min3A_30 = vector.multi_reduction <minimumf>, %get3A_28, %reduce_min3A_29 [1] : vector<128x512xf32> to vector<128xf32>
    %broadcast_in_dim3A_31 = vector.shape_cast %reduce_min3A_30 : vector<128xf32> to vector<128x1xf32>
    %min3A_32 = arith.minimumf %min3A_25, %broadcast_in_dim3A_31 : vector<128x1xf32>
    %broadcast_in_dim3A_33 = arith.constant 2147483647 : i32
    %broadcast_in_dim3A_34 = vector.broadcast %broadcast_in_dim3A_33 : i32 to vector<128x1xi32>
    %get3A_35 = arith.constant 0 : index
    %get3A_36 = arith.constant 0 : index
    %get3A_37 = vector.load %arg4[%get3A_35, %get3A_36] : memref<128x2048xf32, #tpu.memory_space<vmem>>, vector<128x512xf32>
    %eq3A = vector.broadcast %min3A_32 : vector<128x1xf32> to vector<128x512xf32>
    %eq3A_38 = arith.cmpf oeq, %get3A_37, %eq3A : vector<128x512xf32>
    %get3A_39 = arith.constant 0 : index
    %get3A_40 = arith.constant 0 : index
    %get3A_41 = vector.load %arg2[%get3A_39, %get3A_40] : memref<128x2048xi32, #tpu.memory_space<vmem>>, vector<128x512xi32>
    %jit3A = arith.constant 2147483647 : i32
    %broadcast_in_dim3A_42 = vector.broadcast %jit3A : i32 to vector<128x512xi32>
    %select_n3A = arith.select %eq3A_38, %get3A_41, %broadcast_in_dim3A_42 : vector<128x512xi1>, vector<128x512xi32>
    %reduce_min3A_43 = arith.constant dense<2147483647> : vector<128xi32>
    %reduce_min3A_44 = vector.multi_reduction <minsi>, %select_n3A, %reduce_min3A_43 [1] : vector<128x512xi32> to vector<128xi32>
    %broadcast_in_dim3A_45 = vector.shape_cast %reduce_min3A_44 : vector<128xi32> to vector<128x1xi32>
    %min3A_46 = arith.minsi %broadcast_in_dim3A_34, %broadcast_in_dim3A_45 : vector<128x1xi32>
    %get3A_47 = arith.constant 0 : index
    %get3A_48 = arith.constant 512 : index
    %get3A_49 = vector.load %arg4[%get3A_47, %get3A_48] : memref<128x2048xf32, #tpu.memory_space<vmem>>, vector<128x512xf32>
    %eq3A_50 = vector.broadcast %min3A_32 : vector<128x1xf32> to vector<128x512xf32>
    %eq3A_51 = arith.cmpf oeq, %get3A_49, %eq3A_50 : vector<128x512xf32>
    %get3A_52 = arith.constant 0 : index
    %get3A_53 = arith.constant 512 : index
    %get3A_54 = vector.load %arg2[%get3A_52, %get3A_53] : memref<128x2048xi32, #tpu.memory_space<vmem>>, vector<128x512xi32>
    %jit3A_55 = arith.constant 2147483647 : i32
    %broadcast_in_dim3A_56 = vector.broadcast %jit3A_55 : i32 to vector<128x512xi32>
    %select_n3A_57 = arith.select %eq3A_51, %get3A_54, %broadcast_in_dim3A_56 : vector<128x512xi1>, vector<128x512xi32>
    %reduce_min3A_58 = arith.constant dense<2147483647> : vector<128xi32>
    %reduce_min3A_59 = vector.multi_reduction <minsi>, %select_n3A_57, %reduce_min3A_58 [1] : vector<128x512xi32> to vector<128xi32>
    %broadcast_in_dim3A_60 = vector.shape_cast %reduce_min3A_59 : vector<128xi32> to vector<128x1xi32>
    %min3A_61 = arith.minsi %min3A_46, %broadcast_in_dim3A_60 : vector<128x1xi32>
    %get3A_62 = arith.constant 0 : index
    %get3A_63 = arith.constant 1024 : index
    %get3A_64 = vector.load %arg4[%get3A_62, %get3A_63] : memref<128x2048xf32, #tpu.memory_space<vmem>>, vector<128x512xf32>
    %eq3A_65 = vector.broadcast %min3A_32 : vector<128x1xf32> to vector<128x512xf32>
    %eq3A_66 = arith.cmpf oeq, %get3A_64, %eq3A_65 : vector<128x512xf32>
    %get3A_67 = arith.constant 0 : index
    %get3A_68 = arith.constant 1024 : index
    %get3A_69 = vector.load %arg2[%get3A_67, %get3A_68] : memref<128x2048xi32, #tpu.memory_space<vmem>>, vector<128x512xi32>
    %jit3A_70 = arith.constant 2147483647 : i32
    %broadcast_in_dim3A_71 = vector.broadcast %jit3A_70 : i32 to vector<128x512xi32>
    %select_n3A_72 = arith.select %eq3A_66, %get3A_69, %broadcast_in_dim3A_71 : vector<128x512xi1>, vector<128x512xi32>
    %reduce_min3A_73 = arith.constant dense<2147483647> : vector<128xi32>
    %reduce_min3A_74 = vector.multi_reduction <minsi>, %select_n3A_72, %reduce_min3A_73 [1] : vector<128x512xi32> to vector<128xi32>
    %broadcast_in_dim3A_75 = vector.shape_cast %reduce_min3A_74 : vector<128xi32> to vector<128x1xi32>
    %min3A_76 = arith.minsi %min3A_61, %broadcast_in_dim3A_75 : vector<128x1xi32>
    %get3A_77 = arith.constant 0 : index
    %get3A_78 = arith.constant 1536 : index
    %get3A_79 = vector.load %arg4[%get3A_77, %get3A_78] : memref<128x2048xf32, #tpu.memory_space<vmem>>, vector<128x512xf32>
    %eq3A_80 = vector.broadcast %min3A_32 : vector<128x1xf32> to vector<128x512xf32>
    %eq3A_81 = arith.cmpf oeq, %get3A_79, %eq3A_80 : vector<128x512xf32>
    %get3A_82 = arith.constant 0 : index
    %get3A_83 = arith.constant 1536 : index
    %get3A_84 = vector.load %arg2[%get3A_82, %get3A_83] : memref<128x2048xi32, #tpu.memory_space<vmem>>, vector<128x512xi32>
    %jit3A_85 = arith.constant 2147483647 : i32
    %broadcast_in_dim3A_86 = vector.broadcast %jit3A_85 : i32 to vector<128x512xi32>
    %select_n3A_87 = arith.select %eq3A_81, %get3A_84, %broadcast_in_dim3A_86 : vector<128x512xi1>, vector<128x512xi32>
    %reduce_min3A_88 = arith.constant dense<2147483647> : vector<128xi32>
    %reduce_min3A_89 = vector.multi_reduction <minsi>, %select_n3A_87, %reduce_min3A_88 [1] : vector<128x512xi32> to vector<128xi32>
    %broadcast_in_dim3A_90 = vector.shape_cast %reduce_min3A_89 : vector<128xi32> to vector<128x1xi32>
    %min3A_91 = arith.minsi %min3A_76, %broadcast_in_dim3A_90 : vector<128x1xi32>
    %get3A_92 = arith.constant 0 : index
    %get3A_93 = arith.constant 0 : index
    %get3A_94 = vector.load %arg4[%get3A_92, %get3A_93] : memref<128x2048xf32, #tpu.memory_space<vmem>>, vector<128x512xf32>
    %eq3A_95 = vector.broadcast %min3A_32 : vector<128x1xf32> to vector<128x512xf32>
    %eq3A_96 = arith.cmpf oeq, %get3A_94, %eq3A_95 : vector<128x512xf32>
    %get3A_97 = arith.constant 0 : index
    %get3A_98 = arith.constant 0 : index
    %get3A_99 = vector.load %arg2[%get3A_97, %get3A_98] : memref<128x2048xi32, #tpu.memory_space<vmem>>, vector<128x512xi32>
    %eq3A_100 = vector.broadcast %min3A_91 : vector<128x1xi32> to vector<128x512xi32>
    %eq3A_101 = arith.cmpi eq, %get3A_99, %eq3A_100 : vector<128x512xi32>
    %and3A = arith.andi %eq3A_96, %eq3A_101 : vector<128x512xi1>
    %jit3A_102 = arith.constant 0x7F800000 : f32
    %broadcast_in_dim3A_103 = vector.broadcast %jit3A_102 : f32 to vector<128x512xf32>
    %select_n3A_104 = arith.select %and3A, %broadcast_in_dim3A_103, %get3A_94 : vector<128x512xi1>, vector<128x512xf32>
    %swap3A_105 = arith.constant 0 : index
    %swap3A_106 = arith.constant 0 : index
    %swap3A_107 = vector.load %arg4[%swap3A_105, %swap3A_106] : memref<128x2048xf32, #tpu.memory_space<vmem>>, vector<128x512xf32>
    tpu.vector_store %arg4[%swap3A_105, %swap3A_106], %select_n3A_104 {strides = array<i32>} : memref<128x2048xf32, #tpu.memory_space<vmem>>, vector<128x512xf32>,
    %get3A_108 = arith.constant 0 : index
    %get3A_109 = arith.constant 512 : index
    %get3A_110 = vector.load %arg4[%get3A_108, %get3A_109] : memref<128x2048xf32, #tpu.memory_space<vmem>>, vector<128x512xf32>
    %eq3A_111 = vector.broadcast %min3A_32 : vector<128x1xf32> to vector<128x512xf32>
    %eq3A_112 = arith.cmpf oeq, %get3A_110, %eq3A_111 : vector<128x512xf32>
    %get3A_113 = arith.constant 0 : index
    %get3A_114 = arith.constant 512 : index
    %get3A_115 = vector.load %arg2[%get3A_113, %get3A_114] : memref<128x2048xi32, #tpu.memory_space<vmem>>, vector<128x512xi32>
    %eq3A_116 = vector.broadcast %min3A_91 : vector<128x1xi32> to vector<128x512xi32>
    %eq3A_117 = arith.cmpi eq, %get3A_115, %eq3A_116 : vector<128x512xi32>
    %and3A_118 = arith.andi %eq3A_112, %eq3A_117 : vector<128x512xi1>
    %jit3A_119 = arith.constant 0x7F800000 : f32
    %broadcast_in_dim3A_120 = vector.broadcast %jit3A_119 : f32 to vector<128x512xf32>
    %select_n3A_121 = arith.select %and3A_118, %broadcast_in_dim3A_120, %get3A_110 : vector<128x512xi1>, vector<128x512xf32>
    %swap3A_122 = arith.constant 0 : index
    %swap3A_123 = arith.constant 512 : index
    %swap3A_124 = vector.load %arg4[%swap3A_122, %swap3A_123] : memref<128x2048xf32, #tpu.memory_space<vmem>>, vector<128x512xf32>
    tpu.vector_store %arg4[%swap3A_122, %swap3A_123], %select_n3A_121 {strides = array<i32>} : memref<128x2048xf32, #tpu.memory_space<vmem>>, vector<128x512xf32>,
    %get3A_125 = arith.constant 0 : index
    %get3A_126 = arith.constant 1024 : index
    %get3A_127 = vector.load %arg4[%get3A_125, %get3A_126] : memref<128x2048xf32, #tpu.memory_space<vmem>>, vector<128x512xf32>
    %eq3A_128 = vector.broadcast %min3A_32 : vector<128x1xf32> to vector<128x512xf32>
    %eq3A_129 = arith.cmpf oeq, %get3A_127, %eq3A_128 : vector<128x512xf32>
    %get3A_130 = arith.constant 0 : index
    %get3A_131 = arith.constant 1024 : index
    %get3A_132 = vector.load %arg2[%get3A_130, %get3A_131] : memref<128x2048xi32, #tpu.memory_space<vmem>>, vector<128x512xi32>
    %eq3A_133 = vector.broadcast %min3A_91 : vector<128x1xi32> to vector<128x512xi32>
    %eq3A_134 = arith.cmpi eq, %get3A_132, %eq3A_133 : vector<128x512xi32>
    %and3A_135 = arith.andi %eq3A_129, %eq3A_134 : vector<128x512xi1>
    %jit3A_136 = arith.constant 0x7F800000 : f32
    %broadcast_in_dim3A_137 = vector.broadcast %jit3A_136 : f32 to vector<128x512xf32>
    %select_n3A_138 = arith.select %and3A_135, %broadcast_in_dim3A_137, %get3A_127 : vector<128x512xi1>, vector<128x512xf32>
    %swap3A_139 = arith.constant 0 : index
    %swap3A_140 = arith.constant 1024 : index
    %swap3A_141 = vector.load %arg4[%swap3A_139, %swap3A_140] : memref<128x2048xf32, #tpu.memory_space<vmem>>, vector<128x512xf32>
    tpu.vector_store %arg4[%swap3A_139, %swap3A_140], %select_n3A_138 {strides = array<i32>} : memref<128x2048xf32, #tpu.memory_space<vmem>>, vector<128x512xf32>,
    %get3A_142 = arith.constant 0 : index
    %get3A_143 = arith.constant 1536 : index
    %get3A_144 = vector.load %arg4[%get3A_142, %get3A_143] : memref<128x2048xf32, #tpu.memory_space<vmem>>, vector<128x512xf32>
    %eq3A_145 = vector.broadcast %min3A_32 : vector<128x1xf32> to vector<128x512xf32>
    %eq3A_146 = arith.cmpf oeq, %get3A_144, %eq3A_145 : vector<128x512xf32>
    %get3A_147 = arith.constant 0 : index
    %get3A_148 = arith.constant 1536 : index
    %get3A_149 = vector.load %arg2[%get3A_147, %get3A_148] : memref<128x2048xi32, #tpu.memory_space<vmem>>, vector<128x512xi32>
    %eq3A_150 = vector.broadcast %min3A_91 : vector<128x1xi32> to vector<128x512xi32>
    %eq3A_151 = arith.cmpi eq, %get3A_149, %eq3A_150 : vector<128x512xi32>
    %and3A_152 = arith.andi %eq3A_146, %eq3A_151 : vector<128x512xi1>
    %jit3A_153 = arith.constant 0x7F800000 : f32
    %broadcast_in_dim3A_154 = vector.broadcast %jit3A_153 : f32 to vector<128x512xf32>
    %select_n3A_155 = arith.select %and3A_152, %broadcast_in_dim3A_154, %get3A_144 : vector<128x512xi1>, vector<128x512xf32>
    %swap3A_156 = arith.constant 0 : index
    %swap3A_157 = arith.constant 1536 : index
    %swap3A_158 = vector.load %arg4[%swap3A_156, %swap3A_157] : memref<128x2048xf32, #tpu.memory_space<vmem>>, vector<128x512xf32>
    tpu.vector_store %arg4[%swap3A_156, %swap3A_157], %select_n3A_155 {strides = array<i32>} : memref<128x2048xf32, #tpu.memory_space<vmem>>, vector<128x512xf32>,
    %eq3A_159 = arith.constant 0 : i32
    %eq3A_160 = vector.broadcast %eq3A_159 : i32 to vector<128x16xi32>
    %eq3A_161 = arith.cmpi eq, %iota3A, %eq3A_160 : vector<128x16xi32>
    %broadcast_in_dim3A_162 = vector.shape_cast %min3A_91 : vector<128x1xi32> to vector<128x1xi32>
    %broadcast_in_dim3A_163 = vector.broadcast %broadcast_in_dim3A_162 : vector<128x1xi32> to vector<128x16xi32>
    %select_n3A_164 = arith.select %eq3A_161, %broadcast_in_dim3A_163, %broadcast_in_dim3A_4 : vector<128x16xi1>, vector<128x16xi32>
    %broadcast_in_dim3A_165 = arith.constant 0x7F800000 : f32
    %broadcast_in_dim3A_166 = vector.broadcast %broadcast_in_dim3A_165 : f32 to vector<128x1xf32>
    %get3A_167 = arith.constant 0 : index
    %get3A_168 = arith.constant 0 : index
    %get3A_169 = vector.load %arg4[%get3A_167, %get3A_168] : memref<128x2048xf32, #tpu.memory_space<vmem>>, vector<128x512xf32>
    %reduce_min3A_170 = arith.constant dense<0x7F800000> : vector<128xf32>
    %reduce_min3A_171 = vector.multi_reduction <minimumf>, %get3A_169, %reduce_min3A_170 [1] : vector<128x512xf32> to vector<128xf32>
    %broadcast_in_dim3A_172 = vector.shape_cast %reduce_min3A_171 : vector<128xf32> to vector<128x1xf32>
    %min3A_173 = arith.minimumf %broadcast_in_dim3A_166, %broadcast_in_dim3A_172 : vector<128x1xf32>
    %get3A_174 = arith.constant 0 : index
    %get3A_175 = arith.constant 512 : index
    %get3A_176 = vector.load %arg4[%get3A_174, %get3A_175] : memref<128x2048xf32, #tpu.memory_space<vmem>>, vector<128x512xf32>
    %reduce_min3A_177 = arith.constant dense<0x7F800000> : vector<128xf32>
    %reduce_min3A_178 = vector.multi_reduction <minimumf>, %get3A_176, %reduce_min3A_177 [1] : vector<128x512xf32> to vector<128xf32>
    %broadcast_in_dim3A_179 = vector.shape_cast %reduce_min3A_178 : vector<128xf32> to vector<128x1xf32>
    %min3A_180 = arith.minimumf %min3A_173, %broadcast_in_dim3A_179 : vector<128x1xf32>
    %get3A_181 = arith.constant 0 : index
    %get3A_182 = arith.constant 1024 : index
    %get3A_183 = vector.load %arg4[%get3A_181, %get3A_182] : memref<128x2048xf32, #tpu.memory_space<vmem>>, vector<128x512xf32>
    %reduce_min3A_184 = arith.constant dense<0x7F800000> : vector<128xf32>
    %reduce_min3A_185 = vector.multi_reduction <minimumf>, %get3A_183, %reduce_min3A_184 [1] : vector<128x512xf32> to vector<128xf32>
    %broadcast_in_dim3A_186 = vector.shape_cast %reduce_min3A_185 : vector<128xf32> to vector<128x1xf32>
    %min3A_187 = arith.minimumf %min3A_180, %broadcast_in_dim3A_186 : vector<128x1xf32>
    %get3A_188 = arith.constant 0 : index
    %get3A_189 = arith.constant 1536 : index
    %get3A_190 = vector.load %arg4[%get3A_188, %get3A_189] : memref<128x2048xf32, #tpu.memory_space<vmem>>, vector<128x512xf32>
    %reduce_min3A_191 = arith.constant dense<0x7F800000> : vector<128xf32>
    %reduce_min3A_192 = vector.multi_reduction <minimumf>, %get3A_190, %reduce_min3A_191 [1] : vector<128x512xf32> to vector<128xf32>
    %broadcast_in_dim3A_193 = vector.shape_cast %reduce_min3A_192 : vector<128xf32> to vector<128x1xf32>
    %min3A_194 = arith.minimumf %min3A_187, %broadcast_in_dim3A_193 : vector<128x1xf32>
    %broadcast_in_dim3A_195 = arith.constant 2147483647 : i32
    %broadcast_in_dim3A_196 = vector.broadcast %broadcast_in_dim3A_195 : i32 to vector<128x1xi32>
    %get3A_197 = arith.constant 0 : index
    %get3A_198 = arith.constant 0 : index
    %get3A_199 = vector.load %arg4[%get3A_197, %get3A_198] : memref<128x2048xf32, #tpu.memory_space<vmem>>, vector<128x512xf32>
    %eq3A_200 = vector.broadcast %min3A_194 : vector<128x1xf32> to vector<128x512xf32>
    %eq3A_201 = arith.cmpf oeq, %get3A_199, %eq3A_200 : vector<128x512xf32>
    %get3A_202 = arith.constant 0 : index
    %get3A_203 = arith.constant 0 : index
    %get3A_204 = vector.load %arg2[%get3A_202, %get3A_203] : memref<128x2048xi32, #tpu.memory_space<vmem>>, vector<128x512xi32>
    %jit3A_205 = arith.constant 2147483647 : i32
    %broadcast_in_dim3A_206 = vector.broadcast %jit3A_205 : i32 to vector<128x512xi32>
    %select_n3A_207 = arith.select %eq3A_201, %get3A_204, %broadcast_in_dim3A_206 : vector<128x512xi1>, vector<128x512xi32>
    %reduce_min3A_208 = arith.constant dense<2147483647> : vector<128xi32>
    %reduce_min3A_209 = vector.multi_reduction <minsi>, %select_n3A_207, %reduce_min3A_208 [1] : vector<128x512xi32> to vector<128xi32>
    %broadcast_in_dim3A_210 = vector.shape_cast %reduce_min3A_209 : vector<128xi32> to vector<128x1xi32>
    %min3A_211 = arith.minsi %broadcast_in_dim3A_196, %broadcast_in_dim3A_210 : vector<128x1xi32>
    %get3A_212 = arith.constant 0 : index
    %get3A_213 = arith.constant 512 : index
    %get3A_214 = vector.load %arg4[%get3A_212, %get3A_213] : memref<128x2048xf32, #tpu.memory_space<vmem>>, vector<128x512xf32>
    %eq3A_215 = vector.broadcast %min3A_194 : vector<128x1xf32> to vector<128x512xf32>
    %eq3A_216 = arith.cmpf oeq, %get3A_214, %eq3A_215 : vector<128x512xf32>
    %get3A_217 = arith.constant 0 : index
    %get3A_218 = arith.constant 512 : index
    %get3A_219 = vector.load %arg2[%get3A_217, %get3A_218] : memref<128x2048xi32, #tpu.memory_space<vmem>>, vector<128x512xi32>
    %jit3A_220 = arith.constant 2147483647 : i32
    %broadcast_in_dim3A_221 = vector.broadcast %jit3A_220 : i32 to vector<128x512xi32>
    %select_n3A_222 = arith.select %eq3A_216, %get3A_219, %broadcast_in_dim3A_221 : vector<128x512xi1>, vector<128x512xi32>
    %reduce_min3A_223 = arith.constant dense<2147483647> : vector<128xi32>
    %reduce_min3A_224 = vector.multi_reduction <minsi>, %select_n3A_222, %reduce_min3A_223 [1] : vector<128x512xi32> to vector<128xi32>
    %broadcast_in_dim3A_225 = vector.shape_cast %reduce_min3A_224 : vector<128xi32> to vector<128x1xi32>
    %min3A_226 = arith.minsi %min3A_211, %broadcast_in_dim3A_225 : vector<128x1xi32>
    %get3A_227 = arith.constant 0 : index
    %get3A_228 = arith.constant 1024 : index
    %get3A_229 = vector.load %arg4[%get3A_227, %get3A_228] : memref<128x2048xf32, #tpu.memory_space<vmem>>, vector<128x512xf32>
    %eq3A_230 = vector.broadcast %min3A_194 : vector<128x1xf32> to vector<128x512xf32>
    %eq3A_231 = arith.cmpf oeq, %get3A_229, %eq3A_230 : vector<128x512xf32>
    %get3A_232 = arith.constant 0 : index
    %get3A_233 = arith.constant 1024 : index
    %get3A_234 = vector.load %arg2[%get3A_232, %get3A_233] : memref<128x2048xi32, #tpu.memory_space<vmem>>, vector<128x512xi32>
    %jit3A_235 = arith.constant 2147483647 : i32
    %broadcast_in_dim3A_236 = vector.broadcast %jit3A_235 : i32 to vector<128x512xi32>
    %select_n3A_237 = arith.select %eq3A_231, %get3A_234, %broadcast_in_dim3A_236 : vector<128x512xi1>, vector<128x512xi32>
    %reduce_min3A_238 = arith.constant dense<2147483647> : vector<128xi32>
    %reduce_min3A_239 = vector.multi_reduction <minsi>, %select_n3A_237, %reduce_min3A_238 [1] : vector<128x512xi32> to vector<128xi32>
    %broadcast_in_dim3A_240 = vector.shape_cast %reduce_min3A_239 : vector<128xi32> to vector<128x1xi32>
    %min3A_241 = arith.minsi %min3A_226, %broadcast_in_dim3A_240 : vector<128x1xi32>
    %get3A_242 = arith.constant 0 : index
    %get3A_243 = arith.constant 1536 : index
    %get3A_244 = vector.load %arg4[%get3A_242, %get3A_243] : memref<128x2048xf32, #tpu.memory_space<vmem>>, vector<128x512xf32>
    %eq3A_245 = vector.broadcast %min3A_194 : vector<128x1xf32> to vector<128x512xf32>
    %eq3A_246 = arith.cmpf oeq, %get3A_244, %eq3A_245 : vector<128x512xf32>
    %get3A_247 = arith.constant 0 : index
    %get3A_248 = arith.constant 1536 : index
    %get3A_249 = vector.load %arg2[%get3A_247, %get3A_248] : memref<128x2048xi32, #tpu.memory_space<vmem>>, vector<128x512xi32>
    %jit3A_250 = arith.constant 2147483647 : i32
    %broadcast_in_dim3A_251 = vector.broadcast %jit3A_250 : i32 to vector<128x512xi32>
    %select_n3A_252 = arith.select %eq3A_246, %get3A_249, %broadcast_in_dim3A_251 : vector<128x512xi1>, vector<128x512xi32>
    %reduce_min3A_253 = arith.constant dense<2147483647> : vector<128xi32>
    %reduce_min3A_254 = vector.multi_reduction <minsi>, %select_n3A_252, %reduce_min3A_253 [1] : vector<128x512xi32> to vector<128xi32>
    %broadcast_in_dim3A_255 = vector.shape_cast %reduce_min3A_254 : vector<128xi32> to vector<128x1xi32>
    %min3A_256 = arith.minsi %min3A_241, %broadcast_in_dim3A_255 : vector<128x1xi32>
    %get3A_257 = arith.constant 0 : index
    %get3A_258 = arith.constant 0 : index
    %get3A_259 = vector.load %arg4[%get3A_257, %get3A_258] : memref<128x2048xf32, #tpu.memory_space<vmem>>, vector<128x512xf32>
    %eq3A_260 = vector.broadcast %min3A_194 : vector<128x1xf32> to vector<128x512xf32>
    %eq3A_261 = arith.cmpf oeq, %get3A_259, %eq3A_260 : vector<128x512xf32>
    %get3A_262 = arith.constant 0 : index
    %get3A_263 = arith.constant 0 : index
    %get3A_264 = vector.load %arg2[%get3A_262, %get3A_263] : memref<128x2048xi32, #tpu.memory_space<vmem>>, vector<128x512xi32>
    %eq3A_265 = vector.broadcast %min3A_256 : vector<128x1xi32> to vector<128x512xi32>
    %eq3A_266 = arith.cmpi eq, %get3A_264, %eq3A_265 : vector<128x512xi32>
    %and3A_267 = arith.andi %eq3A_261, %eq3A_266 : vector<128x512xi1>
    %jit3A_268 = arith.constant 0x7F800000 : f32
    %broadcast_in_dim3A_269 = vector.broadcast %jit3A_268 : f32 to vector<128x512xf32>
    %select_n3A_270 = arith.select %and3A_267, %broadcast_in_dim3A_269, %get3A_259 : vector<128x512xi1>, vector<128x512xf32>
    %swap3A_271 = arith.constant 0 : index
    %swap3A_272 = arith.constant 0 : index
    %swap3A_273 = vector.load %arg4[%swap3A_271, %swap3A_272] : memref<128x2048xf32, #tpu.memory_space<vmem>>, vector<128x512xf32>
    tpu.vector_store %arg4[%swap3A_271, %swap3A_272], %select_n3A_270 {strides = array<i32>} : memref<128x2048xf32, #tpu.memory_space<vmem>>, vector<128x512xf32>,
    %get3A_274 = arith.constant 0 : index
    %get3A_275 = arith.constant 512 : index
    %get3A_276 = vector.load %arg4[%get3A_274, %get3A_275] : memref<128x2048xf32, #tpu.memory_space<vmem>>, vector<128x512xf32>
    %eq3A_277 = vector.broadcast %min3A_194 : vector<128x1xf32> to vector<128x512xf32>
    %eq3A_278 = arith.cmpf oeq, %get3A_276, %eq3A_277 : vector<128x512xf32>
    %get3A_279 = arith.constant 0 : index
    %get3A_280 = arith.constant 512 : index
    %get3A_281 = vector.load %arg2[%get3A_279, %get3A_280] : memref<128x2048xi32, #tpu.memory_space<vmem>>, vector<128x512xi32>
    %eq3A_282 = vector.broadcast %min3A_256 : vector<128x1xi32> to vector<128x512xi32>
    %eq3A_283 = arith.cmpi eq, %get3A_281, %eq3A_282 : vector<128x512xi32>
    %and3A_284 = arith.andi %eq3A_278, %eq3A_283 : vector<128x512xi1>
    %jit3A_285 = arith.constant 0x7F800000 : f32
    %broadcast_in_dim3A_286 = vector.broadcast %jit3A_285 : f32 to vector<128x512xf32>
    %select_n3A_287 = arith.select %and3A_284, %broadcast_in_dim3A_286, %get3A_276 : vector<128x512xi1>, vector<128x512xf32>
    %swap3A_288 = arith.constant 0 : index
    %swap3A_289 = arith.constant 512 : index
    %swap3A_290 = vector.load %arg4[%swap3A_288, %swap3A_289] : memref<128x2048xf32, #tpu.memory_space<vmem>>, vector<128x512xf32>
    tpu.vector_store %arg4[%swap3A_288, %swap3A_289], %select_n3A_287 {strides = array<i32>} : memref<128x2048xf32, #tpu.memory_space<vmem>>, vector<128x512xf32>,
    %get3A_291 = arith.constant 0 : index
    %get3A_292 = arith.constant 1024 : index
    %get3A_293 = vector.load %arg4[%get3A_291, %get3A_292] : memref<128x2048xf32, #tpu.memory_space<vmem>>, vector<128x512xf32>
    %eq3A_294 = vector.broadcast %min3A_194 : vector<128x1xf32> to vector<128x512xf32>
    %eq3A_295 = arith.cmpf oeq, %get3A_293, %eq3A_294 : vector<128x512xf32>
    %get3A_296 = arith.constant 0 : index
    %get3A_297 = arith.constant 1024 : index
    %get3A_298 = vector.load %arg2[%get3A_296, %get3A_297] : memref<128x2048xi32, #tpu.memory_space<vmem>>, vector<128x512xi32>
    %eq3A_299 = vector.broadcast %min3A_256 : vector<128x1xi32> to vector<128x512xi32>
    %eq3A_300 = arith.cmpi eq, %get3A_298, %eq3A_299 : vector<128x512xi32>
    %and3A_301 = arith.andi %eq3A_295, %eq3A_300 : vector<128x512xi1>
    %jit3A_302 = arith.constant 0x7F800000 : f32
    %broadcast_in_dim3A_303 = vector.broadcast %jit3A_302 : f32 to vector<128x512xf32>
    %select_n3A_304 = arith.select %and3A_301, %broadcast_in_dim3A_303, %get3A_293 : vector<128x512xi1>, vector<128x512xf32>
    %swap3A_305 = arith.constant 0 : index
    %swap3A_306 = arith.constant 1024 : index
    %swap3A_307 = vector.load %arg4[%swap3A_305, %swap3A_306] : memref<128x2048xf32, #tpu.memory_space<vmem>>, vector<128x512xf32>
    tpu.vector_store %arg4[%swap3A_305, %swap3A_306], %select_n3A_304 {strides = array<i32>} : memref<128x2048xf32, #tpu.memory_space<vmem>>, vector<128x512xf32>,
    %get3A_308 = arith.constant 0 : index
    %get3A_309 = arith.constant 1536 : index
    %get3A_310 = vector.load %arg4[%get3A_308, %get3A_309] : memref<128x2048xf32, #tpu.memory_space<vmem>>, vector<128x512xf32>
    %eq3A_311 = vector.broadcast %min3A_194 : vector<128x1xf32> to vector<128x512xf32>
    %eq3A_312 = arith.cmpf oeq, %get3A_310, %eq3A_311 : vector<128x512xf32>
    %get3A_313 = arith.constant 0 : index
    %get3A_314 = arith.constant 1536 : index
    %get3A_315 = vector.load %arg2[%get3A_313, %get3A_314] : memref<128x2048xi32, #tpu.memory_space<vmem>>, vector<128x512xi32>
    %eq3A_316 = vector.broadcast %min3A_256 : vector<128x1xi32> to vector<128x512xi32>
    %eq3A_317 = arith.cmpi eq, %get3A_315, %eq3A_316 : vector<128x512xi32>
    %and3A_318 = arith.andi %eq3A_312, %eq3A_317 : vector<128x512xi1>
    %jit3A_319 = arith.constant 0x7F800000 : f32
    %broadcast_in_dim3A_320 = vector.broadcast %jit3A_319 : f32 to vector<128x512xf32>
    %select_n3A_321 = arith.select %and3A_318, %broadcast_in_dim3A_320, %get3A_310 : vector<128x512xi1>, vector<128x512xf32>
    %swap3A_322 = arith.constant 0 : index
    %swap3A_323 = arith.constant 1536 : index
    %swap3A_324 = vector.load %arg4[%swap3A_322, %swap3A_323] : memref<128x2048xf32, #tpu.memory_space<vmem>>, vector<128x512xf32>
    tpu.vector_store %arg4[%swap3A_322, %swap3A_323], %select_n3A_321 {strides = array<i32>} : memref<128x2048xf32, #tpu.memory_space<vmem>>, vector<128x512xf32>,
    %eq3A_325 = arith.constant 1 : i32
    %eq3A_326 = vector.broadcast %eq3A_325 : i32 to vector<128x16xi32>
    %eq3A_327 = arith.cmpi eq, %iota3A, %eq3A_326 : vector<128x16xi32>
    %broadcast_in_dim3A_328 = vector.shape_cast %min3A_256 : vector<128x1xi32> to vector<128x1xi32>
    %broadcast_in_dim3A_329 = vector.broadcast %broadcast_in_dim3A_328 : vector<128x1xi32> to vector<128x16xi32>
    %select_n3A_330 = arith.select %eq3A_327, %broadcast_in_dim3A_329, %select_n3A_164 : vector<128x16xi1>, vector<128x16xi32>
    %broadcast_in_dim3A_331 = arith.constant 0x7F800000 : f32
    %broadcast_in_dim3A_332 = vector.broadcast %broadcast_in_dim3A_331 : f32 to vector<128x1xf32>
    %get3A_333 = arith.constant 0 : index
    %get3A_334 = arith.constant 0 : index
    %get3A_335 = vector.load %arg4[%get3A_333, %get3A_334] : memref<128x2048xf32, #tpu.memory_space<vmem>>, vector<128x512xf32>
    %reduce_min3A_336 = arith.constant dense<0x7F800000> : vector<128xf32>
    %reduce_min3A_337 = vector.multi_reduction <minimumf>, %get3A_335, %reduce_min3A_336 [1] : vector<128x512xf32> to vector<128xf32>
    %broadcast_in_dim3A_338 = vector.shape_cast %reduce_min3A_337 : vector<128xf32> to vector<128x1xf32>
    %min3A_339 = arith.minimumf %broadcast_in_dim3A_332, %broadcast_in_dim3A_338 : vector<128x1xf32>
    %get3A_340 = arith.constant 0 : index
    %get3A_341 = arith.constant 512 : index
    %get3A_342 = vector.load %arg4[%get3A_340, %get3A_341] : memref<128x2048xf32, #tpu.memory_space<vmem>>, vector<128x512xf32>
    %reduce_min3A_343 = arith.constant dense<0x7F800000> : vector<128xf32>
    %reduce_min3A_344 = vector.multi_reduction <minimumf>, %get3A_342, %reduce_min3A_343 [1] : vector<128x512xf32> to vector<128xf32>
    %broadcast_in_dim3A_345 = vector.shape_cast %reduce_min3A_344 : vector<128xf32> to vector<128x1xf32>
    %min3A_346 = arith.minimumf %min3A_339, %broadcast_in_dim3A_345 : vector<128x1xf32>
    %get3A_347 = arith.constant 0 : index
    %get3A_348 = arith.constant 1024 : index
    %get3A_349 = vector.load %arg4[%get3A_347, %get3A_348] : memref<128x2048xf32, #tpu.memory_space<vmem>>, vector<128x512xf32>
    %reduce_min3A_350 = arith.constant dense<0x7F800000> : vector<128xf32>
    %reduce_min3A_351 = vector.multi_reduction <minimumf>, %get3A_349, %reduce_min3A_350 [1] : vector<128x512xf32> to vector<128xf32>
    %broadcast_in_dim3A_352 = vector.shape_cast %reduce_min3A_351 : vector<128xf32> to vector<128x1xf32>
    %min3A_353 = arith.minimumf %min3A_346, %broadcast_in_dim3A_352 : vector<128x1xf32>
    %get3A_354 = arith.constant 0 : index
    %get3A_355 = arith.constant 1536 : index
    %get3A_356 = vector.load %arg4[%get3A_354, %get3A_355] : memref<128x2048xf32, #tpu.memory_space<vmem>>, vector<128x512xf32>
    %reduce_min3A_357 = arith.constant dense<0x7F800000> : vector<128xf32>
    %reduce_min3A_358 = vector.multi_reduction <minimumf>, %get3A_356, %reduce_min3A_357 [1] : vector<128x512xf32> to vector<128xf32>
    %broadcast_in_dim3A_359 = vector.shape_cast %reduce_min3A_358 : vector<128xf32> to vector<128x1xf32>
    %min3A_360 = arith.minimumf %min3A_353, %broadcast_in_dim3A_359 : vector<128x1xf32>
    %broadcast_in_dim3A_361 = arith.constant 2147483647 : i32
    %broadcast_in_dim3A_362 = vector.broadcast %broadcast_in_dim3A_361 : i32 to vector<128x1xi32>
    %get3A_363 = arith.constant 0 : index
    %get3A_364 = arith.constant 0 : index
    %get3A_365 = vector.load %arg4[%get3A_363, %get3A_364] : memref<128x2048xf32, #tpu.memory_space<vmem>>, vector<128x512xf32>
    %eq3A_366 = vector.broadcast %min3A_360 : vector<128x1xf32> to vector<128x512xf32>
    %eq3A_367 = arith.cmpf oeq, %get3A_365, %eq3A_366 : vector<128x512xf32>
    %get3A_368 = arith.constant 0 : index
    %get3A_369 = arith.constant 0 : index
    %get3A_370 = vector.load %arg2[%get3A_368, %get3A_369] : memref<128x2048xi32, #tpu.memory_space<vmem>>, vector<128x512xi32>
    %jit3A_371 = arith.constant 2147483647 : i32
    %broadcast_in_dim3A_372 = vector.broadcast %jit3A_371 : i32 to vector<128x512xi32>
    %select_n3A_373 = arith.select %eq3A_367, %get3A_370, %broadcast_in_dim3A_372 : vector<128x512xi1>, vector<128x512xi32>
    %reduce_min3A_374 = arith.constant dense<2147483647> : vector<128xi32>
    %reduce_min3A_375 = vector.multi_reduction <minsi>, %select_n3A_373, %reduce_min3A_374 [1] : vector<128x512xi32> to vector<128xi32>
    %broadcast_in_dim3A_376 = vector.shape_cast %reduce_min3A_375 : vector<128xi32> to vector<128x1xi32>
    %min3A_377 = arith.minsi %broadcast_in_dim3A_362, %broadcast_in_dim3A_376 : vector<128x1xi32>
    %get3A_378 = arith.constant 0 : index
    %get3A_379 = arith.constant 512 : index
    %get3A_380 = vector.load %arg4[%get3A_378, %get3A_379] : memref<128x2048xf32, #tpu.memory_space<vmem>>, vector<128x512xf32>
    %eq3A_381 = vector.broadcast %min3A_360 : vector<128x1xf32> to vector<128x512xf32>
    %eq3A_382 = arith.cmpf oeq, %get3A_380, %eq3A_381 : vector<128x512xf32>
    %get3A_383 = arith.constant 0 : index
    %get3A_384 = arith.constant 512 : index
    %get3A_385 = vector.load %arg2[%get3A_383, %get3A_384] : memref<128x2048xi32, #tpu.memory_space<vmem>>, vector<128x512xi32>
    %jit3A_386 = arith.constant 2147483647 : i32
    %broadcast_in_dim3A_387 = vector.broadcast %jit3A_386 : i32 to vector<128x512xi32>
    %select_n3A_388 = arith.select %eq3A_382, %get3A_385, %broadcast_in_dim3A_387 : vector<128x512xi1>, vector<128x512xi32>
    %reduce_min3A_389 = arith.constant dense<2147483647> : vector<128xi32>
    %reduce_min3A_390 = vector.multi_reduction <minsi>, %select_n3A_388, %reduce_min3A_389 [1] : vector<128x512xi32> to vector<128xi32>
    %broadcast_in_dim3A_391 = vector.shape_cast %reduce_min3A_390 : vector<128xi32> to vector<128x1xi32>
    %min3A_392 = arith.minsi %min3A_377, %broadcast_in_dim3A_391 : vector<128x1xi32>
    %get3A_393 = arith.constant 0 : index
    %get3A_394 = arith.constant 1024 : index
    %get3A_395 = vector.load %arg4[%get3A_393, %get3A_394] : memref<128x2048xf32, #tpu.memory_space<vmem>>, vector<128x512xf32>
    %eq3A_396 = vector.broadcast %min3A_360 : vector<128x1xf32> to vector<128x512xf32>
    %eq3A_397 = arith.cmpf oeq, %get3A_395, %eq3A_396 : vector<128x512xf32>
    %get3A_398 = arith.constant 0 : index
    %get3A_399 = arith.constant 1024 : index
    %get3A_400 = vector.load %arg2[%get3A_398, %get3A_399] : memref<128x2048xi32, #tpu.memory_space<vmem>>, vector<128x512xi32>
    %jit3A_401 = arith.constant 2147483647 : i32
    %broadcast_in_dim3A_402 = vector.broadcast %jit3A_401 : i32 to vector<128x512xi32>
    %select_n3A_403 = arith.select %eq3A_397, %get3A_400, %broadcast_in_dim3A_402 : vector<128x512xi1>, vector<128x512xi32>
    %reduce_min3A_404 = arith.constant dense<2147483647> : vector<128xi32>
    %reduce_min3A_405 = vector.multi_reduction <minsi>, %select_n3A_403, %reduce_min3A_404 [1] : vector<128x512xi32> to vector<128xi32>
    %broadcast_in_dim3A_406 = vector.shape_cast %reduce_min3A_405 : vector<128xi32> to vector<128x1xi32>
    %min3A_407 = arith.minsi %min3A_392, %broadcast_in_dim3A_406 : vector<128x1xi32>
    %get3A_408 = arith.constant 0 : index
    %get3A_409 = arith.constant 1536 : index
    %get3A_410 = vector.load %arg4[%get3A_408, %get3A_409] : memref<128x2048xf32, #tpu.memory_space<vmem>>, vector<128x512xf32>
    %eq3A_411 = vector.broadcast %min3A_360 : vector<128x1xf32> to vector<128x512xf32>
    %eq3A_412 = arith.cmpf oeq, %get3A_410, %eq3A_411 : vector<128x512xf32>
    %get3A_413 = arith.constant 0 : index
    %get3A_414 = arith.constant 1536 : index
    %get3A_415 = vector.load %arg2[%get3A_413, %get3A_414] : memref<128x2048xi32, #tpu.memory_space<vmem>>, vector<128x512xi32>
    %jit3A_416 = arith.constant 2147483647 : i32
    %broadcast_in_dim3A_417 = vector.broadcast %jit3A_416 : i32 to vector<128x512xi32>
    %select_n3A_418 = arith.select %eq3A_412, %get3A_415, %broadcast_in_dim3A_417 : vector<128x512xi1>, vector<128x512xi32>
    %reduce_min3A_419 = arith.constant dense<2147483647> : vector<128xi32>
    %reduce_min3A_420 = vector.multi_reduction <minsi>, %select_n3A_418, %reduce_min3A_419 [1] : vector<128x512xi32> to vector<128xi32>
    %broadcast_in_dim3A_421 = vector.shape_cast %reduce_min3A_420 : vector<128xi32> to vector<128x1xi32>
    %min3A_422 = arith.minsi %min3A_407, %broadcast_in_dim3A_421 : vector<128x1xi32>
    %get3A_423 = arith.constant 0 : index
    %get3A_424 = arith.constant 0 : index
    %get3A_425 = vector.load %arg4[%get3A_423, %get3A_424] : memref<128x2048xf32, #tpu.memory_space<vmem>>, vector<128x512xf32>
    %eq3A_426 = vector.broadcast %min3A_360 : vector<128x1xf32> to vector<128x512xf32>
    %eq3A_427 = arith.cmpf oeq, %get3A_425, %eq3A_426 : vector<128x512xf32>
    %get3A_428 = arith.constant 0 : index
    %get3A_429 = arith.constant 0 : index
    %get3A_430 = vector.load %arg2[%get3A_428, %get3A_429] : memref<128x2048xi32, #tpu.memory_space<vmem>>, vector<128x512xi32>
    %eq3A_431 = vector.broadcast %min3A_422 : vector<128x1xi32> to vector<128x512xi32>
    %eq3A_432 = arith.cmpi eq, %get3A_430, %eq3A_431 : vector<128x512xi32>
    %and3A_433 = arith.andi %eq3A_427, %eq3A_432 : vector<128x512xi1>
    %jit3A_434 = arith.constant 0x7F800000 : f32
    %broadcast_in_dim3A_435 = vector.broadcast %jit3A_434 : f32 to vector<128x512xf32>
    %select_n3A_436 = arith.select %and3A_433, %broadcast_in_dim3A_435, %get3A_425 : vector<128x512xi1>, vector<128x512xf32>
    %swap3A_437 = arith.constant 0 : index
    %swap3A_438 = arith.constant 0 : index
    %swap3A_439 = vector.load %arg4[%swap3A_437, %swap3A_438] : memref<128x2048xf32, #tpu.memory_space<vmem>>, vector<128x512xf32>
    tpu.vector_store %arg4[%swap3A_437, %swap3A_438], %select_n3A_436 {strides = array<i32>} : memref<128x2048xf32, #tpu.memory_space<vmem>>, vector<128x512xf32>,
    %get3A_440 = arith.constant 0 : index
    %get3A_441 = arith.constant 512 : index
    %get3A_442 = vector.load %arg4[%get3A_440, %get3A_441] : memref<128x2048xf32, #tpu.memory_space<vmem>>, vector<128x512xf32>
    %eq3A_443 = vector.broadcast %min3A_360 : vector<128x1xf32> to vector<128x512xf32>
    %eq3A_444 = arith.cmpf oeq, %get3A_442, %eq3A_443 : vector<128x512xf32>
    %get3A_445 = arith.constant 0 : index
    %get3A_446 = arith.constant 512 : index
    %get3A_447 = vector.load %arg2[%get3A_445, %get3A_446] : memref<128x2048xi32, #tpu.memory_space<vmem>>, vector<128x512xi32>
    %eq3A_448 = vector.broadcast %min3A_422 : vector<128x1xi32> to vector<128x512xi32>
    %eq3A_449 = arith.cmpi eq, %get3A_447, %eq3A_448 : vector<128x512xi32>
    %and3A_450 = arith.andi %eq3A_444, %eq3A_449 : vector<128x512xi1>
    %jit3A_451 = arith.constant 0x7F800000 : f32
    %broadcast_in_dim3A_452 = vector.broadcast %jit3A_451 : f32 to vector<128x512xf32>
    %select_n3A_453 = arith.select %and3A_450, %broadcast_in_dim3A_452, %get3A_442 : vector<128x512xi1>, vector<128x512xf32>
    %swap3A_454 = arith.constant 0 : index
    %swap3A_455 = arith.constant 512 : index
    %swap3A_456 = vector.load %arg4[%swap3A_454, %swap3A_455] : memref<128x2048xf32, #tpu.memory_space<vmem>>, vector<128x512xf32>
    tpu.vector_store %arg4[%swap3A_454, %swap3A_455], %select_n3A_453 {strides = array<i32>} : memref<128x2048xf32, #tpu.memory_space<vmem>>, vector<128x512xf32>,
    %get3A_457 = arith.constant 0 : index
    %get3A_458 = arith.constant 1024 : index
    %get3A_459 = vector.load %arg4[%get3A_457, %get3A_458] : memref<128x2048xf32, #tpu.memory_space<vmem>>, vector<128x512xf32>
    %eq3A_460 = vector.broadcast %min3A_360 : vector<128x1xf32> to vector<128x512xf32>
    %eq3A_461 = arith.cmpf oeq, %get3A_459, %eq3A_460 : vector<128x512xf32>
    %get3A_462 = arith.constant 0 : index
    %get3A_463 = arith.constant 1024 : index
    %get3A_464 = vector.load %arg2[%get3A_462, %get3A_463] : memref<128x2048xi32, #tpu.memory_space<vmem>>, vector<128x512xi32>
    %eq3A_465 = vector.broadcast %min3A_422 : vector<128x1xi32> to vector<128x512xi32>
    %eq3A_466 = arith.cmpi eq, %get3A_464, %eq3A_465 : vector<128x512xi32>
    %and3A_467 = arith.andi %eq3A_461, %eq3A_466 : vector<128x512xi1>
    %jit3A_468 = arith.constant 0x7F800000 : f32
    %broadcast_in_dim3A_469 = vector.broadcast %jit3A_468 : f32 to vector<128x512xf32>
    %select_n3A_470 = arith.select %and3A_467, %broadcast_in_dim3A_469, %get3A_459 : vector<128x512xi1>, vector<128x512xf32>
    %swap3A_471 = arith.constant 0 : index
    %swap3A_472 = arith.constant 1024 : index
    %swap3A_473 = vector.load %arg4[%swap3A_471, %swap3A_472] : memref<128x2048xf32, #tpu.memory_space<vmem>>, vector<128x512xf32>
    tpu.vector_store %arg4[%swap3A_471, %swap3A_472], %select_n3A_470 {strides = array<i32>} : memref<128x2048xf32, #tpu.memory_space<vmem>>, vector<128x512xf32>,
    %get3A_474 = arith.constant 0 : index
    %get3A_475 = arith.constant 1536 : index
    %get3A_476 = vector.load %arg4[%get3A_474, %get3A_475] : memref<128x2048xf32, #tpu.memory_space<vmem>>, vector<128x512xf32>
    %eq3A_477 = vector.broadcast %min3A_360 : vector<128x1xf32> to vector<128x512xf32>
    %eq3A_478 = arith.cmpf oeq, %get3A_476, %eq3A_477 : vector<128x512xf32>
    %get3A_479 = arith.constant 0 : index
    %get3A_480 = arith.constant 1536 : index
    %get3A_481 = vector.load %arg2[%get3A_479, %get3A_480] : memref<128x2048xi32, #tpu.memory_space<vmem>>, vector<128x512xi32>
    %eq3A_482 = vector.broadcast %min3A_422 : vector<128x1xi32> to vector<128x512xi32>
    %eq3A_483 = arith.cmpi eq, %get3A_481, %eq3A_482 : vector<128x512xi32>
    %and3A_484 = arith.andi %eq3A_478, %eq3A_483 : vector<128x512xi1>
    %jit3A_485 = arith.constant 0x7F800000 : f32
    %broadcast_in_dim3A_486 = vector.broadcast %jit3A_485 : f32 to vector<128x512xf32>
    %select_n3A_487 = arith.select %and3A_484, %broadcast_in_dim3A_486, %get3A_476 : vector<128x512xi1>, vector<128x512xf32>
    %swap3A_488 = arith.constant 0 : index
    %swap3A_489 = arith.constant 1536 : index
    %swap3A_490 = vector.load %arg4[%swap3A_488, %swap3A_489] : memref<128x2048xf32, #tpu.memory_space<vmem>>, vector<128x512xf32>
    tpu.vector_store %arg4[%swap3A_488, %swap3A_489], %select_n3A_487 {strides = array<i32>} : memref<128x2048xf32, #tpu.memory_space<vmem>>, vector<128x512xf32>,
    %eq3A_491 = arith.constant 2 : i32
    %eq3A_492 = vector.broadcast %eq3A_491 : i32 to vector<128x16xi32>
    %eq3A_493 = arith.cmpi eq, %iota3A, %eq3A_492 : vector<128x16xi32>
    %broadcast_in_dim3A_494 = vector.shape_cast %min3A_422 : vector<128x1xi32> to vector<128x1xi32>
    %broadcast_in_dim3A_495 = vector.broadcast %broadcast_in_dim3A_494 : vector<128x1xi32> to vector<128x16xi32>
    %select_n3A_496 = arith.select %eq3A_493, %broadcast_in_dim3A_495, %select_n3A_330 : vector<128x16xi1>, vector<128x16xi32>
    %broadcast_in_dim3A_497 = arith.constant 0x7F800000 : f32
    %broadcast_in_dim3A_498 = vector.broadcast %broadcast_in_dim3A_497 : f32 to vector<128x1xf32>
    %get3A_499 = arith.constant 0 : index
    %get3A_500 = arith.constant 0 : index
    %get3A_501 = vector.load %arg4[%get3A_499, %get3A_500] : memref<128x2048xf32, #tpu.memory_space<vmem>>, vector<128x512xf32>
    %reduce_min3A_502 = arith.constant dense<0x7F800000> : vector<128xf32>
    %reduce_min3A_503 = vector.multi_reduction <minimumf>, %get3A_501, %reduce_min3A_502 [1] : vector<128x512xf32> to vector<128xf32>
    %broadcast_in_dim3A_504 = vector.shape_cast %reduce_min3A_503 : vector<128xf32> to vector<128x1xf32>
    %min3A_505 = arith.minimumf %broadcast_in_dim3A_498, %broadcast_in_dim3A_504 : vector<128x1xf32>
    %get3A_506 = arith.constant 0 : index
    %get3A_507 = arith.constant 512 : index
    %get3A_508 = vector.load %arg4[%get3A_506, %get3A_507] : memref<128x2048xf32, #tpu.memory_space<vmem>>, vector<128x512xf32>
    %reduce_min3A_509 = arith.constant dense<0x7F800000> : vector<128xf32>
    %reduce_min3A_510 = vector.multi_reduction <minimumf>, %get3A_508, %reduce_min3A_509 [1] : vector<128x512xf32> to vector<128xf32>
    %broadcast_in_dim3A_511 = vector.shape_cast %reduce_min3A_510 : vector<128xf32> to vector<128x1xf32>
    %min3A_512 = arith.minimumf %min3A_505, %broadcast_in_dim3A_511 : vector<128x1xf32>
    %get3A_513 = arith.constant 0 : index
    %get3A_514 = arith.constant 1024 : index
    %get3A_515 = vector.load %arg4[%get3A_513, %get3A_514] : memref<128x2048xf32, #tpu.memory_space<vmem>>, vector<128x512xf32>
    %reduce_min3A_516 = arith.constant dense<0x7F800000> : vector<128xf32>
    %reduce_min3A_517 = vector.multi_reduction <minimumf>, %get3A_515, %reduce_min3A_516 [1] : vector<128x512xf32> to vector<128xf32>
    %broadcast_in_dim3A_518 = vector.shape_cast %reduce_min3A_517 : vector<128xf32> to vector<128x1xf32>
    %min3A_519 = arith.minimumf %min3A_512, %broadcast_in_dim3A_518 : vector<128x1xf32>
    %get3A_520 = arith.constant 0 : index
    %get3A_521 = arith.constant 1536 : index
    %get3A_522 = vector.load %arg4[%get3A_520, %get3A_521] : memref<128x2048xf32, #tpu.memory_space<vmem>>, vector<128x512xf32>
    %reduce_min3A_523 = arith.constant dense<0x7F800000> : vector<128xf32>
    %reduce_min3A_524 = vector.multi_reduction <minimumf>, %get3A_522, %reduce_min3A_523 [1] : vector<128x512xf32> to vector<128xf32>
    %broadcast_in_dim3A_525 = vector.shape_cast %reduce_min3A_524 : vector<128xf32> to vector<128x1xf32>
    %min3A_526 = arith.minimumf %min3A_519, %broadcast_in_dim3A_525 : vector<128x1xf32>
    %broadcast_in_dim3A_527 = arith.constant 2147483647 : i32
    %broadcast_in_dim3A_528 = vector.broadcast %broadcast_in_dim3A_527 : i32 to vector<128x1xi32>
    %get3A_529 = arith.constant 0 : index
    %get3A_530 = arith.constant 0 : index
    %get3A_531 = vector.load %arg4[%get3A_529, %get3A_530] : memref<128x2048xf32, #tpu.memory_space<vmem>>, vector<128x512xf32>
    %eq3A_532 = vector.broadcast %min3A_526 : vector<128x1xf32> to vector<128x512xf32>
    %eq3A_533 = arith.cmpf oeq, %get3A_531, %eq3A_532 : vector<128x512xf32>
    %get3A_534 = arith.constant 0 : index
    %get3A_535 = arith.constant 0 : index
    %get3A_536 = vector.load %arg2[%get3A_534, %get3A_535] : memref<128x2048xi32, #tpu.memory_space<vmem>>, vector<128x512xi32>
    %jit3A_537 = arith.constant 2147483647 : i32
    %broadcast_in_dim3A_538 = vector.broadcast %jit3A_537 : i32 to vector<128x512xi32>
    %select_n3A_539 = arith.select %eq3A_533, %get3A_536, %broadcast_in_dim3A_538 : vector<128x512xi1>, vector<128x512xi32>
    %reduce_min3A_540 = arith.constant dense<2147483647> : vector<128xi32>
    %reduce_min3A_541 = vector.multi_reduction <minsi>, %select_n3A_539, %reduce_min3A_540 [1] : vector<128x512xi32> to vector<128xi32>
    %broadcast_in_dim3A_542 = vector.shape_cast %reduce_min3A_541 : vector<128xi32> to vector<128x1xi32>
    %min3A_543 = arith.minsi %broadcast_in_dim3A_528, %broadcast_in_dim3A_542 : vector<128x1xi32>
    %get3A_544 = arith.constant 0 : index
    %get3A_545 = arith.constant 512 : index
    %get3A_546 = vector.load %arg4[%get3A_544, %get3A_545] : memref<128x2048xf32, #tpu.memory_space<vmem>>, vector<128x512xf32>
    %eq3A_547 = vector.broadcast %min3A_526 : vector<128x1xf32> to vector<128x512xf32>
    %eq3A_548 = arith.cmpf oeq, %get3A_546, %eq3A_547 : vector<128x512xf32>
    %get3A_549 = arith.constant 0 : index
    %get3A_550 = arith.constant 512 : index
    %get3A_551 = vector.load %arg2[%get3A_549, %get3A_550] : memref<128x2048xi32, #tpu.memory_space<vmem>>, vector<128x512xi32>
    %jit3A_552 = arith.constant 2147483647 : i32
    %broadcast_in_dim3A_553 = vector.broadcast %jit3A_552 : i32 to vector<128x512xi32>
    %select_n3A_554 = arith.select %eq3A_548, %get3A_551, %broadcast_in_dim3A_553 : vector<128x512xi1>, vector<128x512xi32>
    %reduce_min3A_555 = arith.constant dense<2147483647> : vector<128xi32>
    %reduce_min3A_556 = vector.multi_reduction <minsi>, %select_n3A_554, %reduce_min3A_555 [1] : vector<128x512xi32> to vector<128xi32>
    %broadcast_in_dim3A_557 = vector.shape_cast %reduce_min3A_556 : vector<128xi32> to vector<128x1xi32>
    %min3A_558 = arith.minsi %min3A_543, %broadcast_in_dim3A_557 : vector<128x1xi32>
    %get3A_559 = arith.constant 0 : index
    %get3A_560 = arith.constant 1024 : index
    %get3A_561 = vector.load %arg4[%get3A_559, %get3A_560] : memref<128x2048xf32, #tpu.memory_space<vmem>>, vector<128x512xf32>
    %eq3A_562 = vector.broadcast %min3A_526 : vector<128x1xf32> to vector<128x512xf32>
    %eq3A_563 = arith.cmpf oeq, %get3A_561, %eq3A_562 : vector<128x512xf32>
    %get3A_564 = arith.constant 0 : index
    %get3A_565 = arith.constant 1024 : index
    %get3A_566 = vector.load %arg2[%get3A_564, %get3A_565] : memref<128x2048xi32, #tpu.memory_space<vmem>>, vector<128x512xi32>
    %jit3A_567 = arith.constant 2147483647 : i32
    %broadcast_in_dim3A_568 = vector.broadcast %jit3A_567 : i32 to vector<128x512xi32>
    %select_n3A_569 = arith.select %eq3A_563, %get3A_566, %broadcast_in_dim3A_568 : vector<128x512xi1>, vector<128x512xi32>
    %reduce_min3A_570 = arith.constant dense<2147483647> : vector<128xi32>
    %reduce_min3A_571 = vector.multi_reduction <minsi>, %select_n3A_569, %reduce_min3A_570 [1] : vector<128x512xi32> to vector<128xi32>
    %broadcast_in_dim3A_572 = vector.shape_cast %reduce_min3A_571 : vector<128xi32> to vector<128x1xi32>
    %min3A_573 = arith.minsi %min3A_558, %broadcast_in_dim3A_572 : vector<128x1xi32>
    %get3A_574 = arith.constant 0 : index
    %get3A_575 = arith.constant 1536 : index
    %get3A_576 = vector.load %arg4[%get3A_574, %get3A_575] : memref<128x2048xf32, #tpu.memory_space<vmem>>, vector<128x512xf32>
    %eq3A_577 = vector.broadcast %min3A_526 : vector<128x1xf32> to vector<128x512xf32>
    %eq3A_578 = arith.cmpf oeq, %get3A_576, %eq3A_577 : vector<128x512xf32>
    %get3A_579 = arith.constant 0 : index
    %get3A_580 = arith.constant 1536 : index
    %get3A_581 = vector.load %arg2[%get3A_579, %get3A_580] : memref<128x2048xi32, #tpu.memory_space<vmem>>, vector<128x512xi32>
    %jit3A_582 = arith.constant 2147483647 : i32
    %broadcast_in_dim3A_583 = vector.broadcast %jit3A_582 : i32 to vector<128x512xi32>
    %select_n3A_584 = arith.select %eq3A_578, %get3A_581, %broadcast_in_dim3A_583 : vector<128x512xi1>, vector<128x512xi32>
    %reduce_min3A_585 = arith.constant dense<2147483647> : vector<128xi32>
    %reduce_min3A_586 = vector.multi_reduction <minsi>, %select_n3A_584, %reduce_min3A_585 [1] : vector<128x512xi32> to vector<128xi32>
    %broadcast_in_dim3A_587 = vector.shape_cast %reduce_min3A_586 : vector<128xi32> to vector<128x1xi32>
    %min3A_588 = arith.minsi %min3A_573, %broadcast_in_dim3A_587 : vector<128x1xi32>
    %get3A_589 = arith.constant 0 : index
    %get3A_590 = arith.constant 0 : index
    %get3A_591 = vector.load %arg4[%get3A_589, %get3A_590] : memref<128x2048xf32, #tpu.memory_space<vmem>>, vector<128x512xf32>
    %eq3A_592 = vector.broadcast %min3A_526 : vector<128x1xf32> to vector<128x512xf32>
    %eq3A_593 = arith.cmpf oeq, %get3A_591, %eq3A_592 : vector<128x512xf32>
    %get3A_594 = arith.constant 0 : index
    %get3A_595 = arith.constant 0 : index
    %get3A_596 = vector.load %arg2[%get3A_594, %get3A_595] : memref<128x2048xi32, #tpu.memory_space<vmem>>, vector<128x512xi32>
    %eq3A_597 = vector.broadcast %min3A_588 : vector<128x1xi32> to vector<128x512xi32>
    %eq3A_598 = arith.cmpi eq, %get3A_596, %eq3A_597 : vector<128x512xi32>
    %and3A_599 = arith.andi %eq3A_593, %eq3A_598 : vector<128x512xi1>
    %jit3A_600 = arith.constant 0x7F800000 : f32
    %broadcast_in_dim3A_601 = vector.broadcast %jit3A_600 : f32 to vector<128x512xf32>
    %select_n3A_602 = arith.select %and3A_599, %broadcast_in_dim3A_601, %get3A_591 : vector<128x512xi1>, vector<128x512xf32>
    %swap3A_603 = arith.constant 0 : index
    %swap3A_604 = arith.constant 0 : index
    %swap3A_605 = vector.load %arg4[%swap3A_603, %swap3A_604] : memref<128x2048xf32, #tpu.memory_space<vmem>>, vector<128x512xf32>
    tpu.vector_store %arg4[%swap3A_603, %swap3A_604], %select_n3A_602 {strides = array<i32>} : memref<128x2048xf32, #tpu.memory_space<vmem>>, vector<128x512xf32>,
    %get3A_606 = arith.constant 0 : index
    %get3A_607 = arith.constant 512 : index
    %get3A_608 = vector.load %arg4[%get3A_606, %get3A_607] : memref<128x2048xf32, #tpu.memory_space<vmem>>, vector<128x512xf32>
    %eq3A_609 = vector.broadcast %min3A_526 : vector<128x1xf32> to vector<128x512xf32>
    %eq3A_610 = arith.cmpf oeq, %get3A_608, %eq3A_609 : vector<128x512xf32>
    %get3A_611 = arith.constant 0 : index
    %get3A_612 = arith.constant 512 : index
    %get3A_613 = vector.load %arg2[%get3A_611, %get3A_612] : memref<128x2048xi32, #tpu.memory_space<vmem>>, vector<128x512xi32>
    %eq3A_614 = vector.broadcast %min3A_588 : vector<128x1xi32> to vector<128x512xi32>
    %eq3A_615 = arith.cmpi eq, %get3A_613, %eq3A_614 : vector<128x512xi32>
    %and3A_616 = arith.andi %eq3A_610, %eq3A_615 : vector<128x512xi1>
    %jit3A_617 = arith.constant 0x7F800000 : f32
    %broadcast_in_dim3A_618 = vector.broadcast %jit3A_617 : f32 to vector<128x512xf32>
    %select_n3A_619 = arith.select %and3A_616, %broadcast_in_dim3A_618, %get3A_608 : vector<128x512xi1>, vector<128x512xf32>
    %swap3A_620 = arith.constant 0 : index
    %swap3A_621 = arith.constant 512 : index
    %swap3A_622 = vector.load %arg4[%swap3A_620, %swap3A_621] : memref<128x2048xf32, #tpu.memory_space<vmem>>, vector<128x512xf32>
    tpu.vector_store %arg4[%swap3A_620, %swap3A_621], %select_n3A_619 {strides = array<i32>} : memref<128x2048xf32, #tpu.memory_space<vmem>>, vector<128x512xf32>,
    %get3A_623 = arith.constant 0 : index
    %get3A_624 = arith.constant 1024 : index
    %get3A_625 = vector.load %arg4[%get3A_623, %get3A_624] : memref<128x2048xf32, #tpu.memory_space<vmem>>, vector<128x512xf32>
    %eq3A_626 = vector.broadcast %min3A_526 : vector<128x1xf32> to vector<128x512xf32>
    %eq3A_627 = arith.cmpf oeq, %get3A_625, %eq3A_626 : vector<128x512xf32>
    %get3A_628 = arith.constant 0 : index
    %get3A_629 = arith.constant 1024 : index
    %get3A_630 = vector.load %arg2[%get3A_628, %get3A_629] : memref<128x2048xi32, #tpu.memory_space<vmem>>, vector<128x512xi32>
    %eq3A_631 = vector.broadcast %min3A_588 : vector<128x1xi32> to vector<128x512xi32>
    %eq3A_632 = arith.cmpi eq, %get3A_630, %eq3A_631 : vector<128x512xi32>
    %and3A_633 = arith.andi %eq3A_627, %eq3A_632 : vector<128x512xi1>
    %jit3A_634 = arith.constant 0x7F800000 : f32
    %broadcast_in_dim3A_635 = vector.broadcast %jit3A_634 : f32 to vector<128x512xf32>
    %select_n3A_636 = arith.select %and3A_633, %broadcast_in_dim3A_635, %get3A_625 : vector<128x512xi1>, vector<128x512xf32>
    %swap3A_637 = arith.constant 0 : index
    %swap3A_638 = arith.constant 1024 : index
    %swap3A_639 = vector.load %arg4[%swap3A_637, %swap3A_638] : memref<128x2048xf32, #tpu.memory_space<vmem>>, vector<128x512xf32>
    tpu.vector_store %arg4[%swap3A_637, %swap3A_638], %select_n3A_636 {strides = array<i32>} : memref<128x2048xf32, #tpu.memory_space<vmem>>, vector<128x512xf32>,
    %get3A_640 = arith.constant 0 : index
    %get3A_641 = arith.constant 1536 : index
    %get3A_642 = vector.load %arg4[%get3A_640, %get3A_641] : memref<128x2048xf32, #tpu.memory_space<vmem>>, vector<128x512xf32>
    %eq3A_643 = vector.broadcast %min3A_526 : vector<128x1xf32> to vector<128x512xf32>
    %eq3A_644 = arith.cmpf oeq, %get3A_642, %eq3A_643 : vector<128x512xf32>
    %get3A_645 = arith.constant 0 : index
    %get3A_646 = arith.constant 1536 : index
    %get3A_647 = vector.load %arg2[%get3A_645, %get3A_646] : memref<128x2048xi32, #tpu.memory_space<vmem>>, vector<128x512xi32>
    %eq3A_648 = vector.broadcast %min3A_588 : vector<128x1xi32> to vector<128x512xi32>
    %eq3A_649 = arith.cmpi eq, %get3A_647, %eq3A_648 : vector<128x512xi32>
    %and3A_650 = arith.andi %eq3A_644, %eq3A_649 : vector<128x512xi1>
    %jit3A_651 = arith.constant 0x7F800000 : f32
    %broadcast_in_dim3A_652 = vector.broadcast %jit3A_651 : f32 to vector<128x512xf32>
    %select_n3A_653 = arith.select %and3A_650, %broadcast_in_dim3A_652, %get3A_642 : vector<128x512xi1>, vector<128x512xf32>
    %swap3A_654 = arith.constant 0 : index
    %swap3A_655 = arith.constant 1536 : index
    %swap3A_656 = vector.load %arg4[%swap3A_654, %swap3A_655] : memref<128x2048xf32, #tpu.memory_space<vmem>>, vector<128x512xf32>
    tpu.vector_store %arg4[%swap3A_654, %swap3A_655], %select_n3A_653 {strides = array<i32>} : memref<128x2048xf32, #tpu.memory_space<vmem>>, vector<128x512xf32>,
    %eq3A_657 = arith.constant 3 : i32
    %eq3A_658 = vector.broadcast %eq3A_657 : i32 to vector<128x16xi32>
    %eq3A_659 = arith.cmpi eq, %iota3A, %eq3A_658 : vector<128x16xi32>
    %broadcast_in_dim3A_660 = vector.shape_cast %min3A_588 : vector<128x1xi32> to vector<128x1xi32>
    %broadcast_in_dim3A_661 = vector.broadcast %broadcast_in_dim3A_660 : vector<128x1xi32> to vector<128x16xi32>
    %select_n3A_662 = arith.select %eq3A_659, %broadcast_in_dim3A_661, %select_n3A_496 : vector<128x16xi1>, vector<128x16xi32>
    %broadcast_in_dim3A_663 = arith.constant 0x7F800000 : f32
    %broadcast_in_dim3A_664 = vector.broadcast %broadcast_in_dim3A_663 : f32 to vector<128x1xf32>
    %get3A_665 = arith.constant 0 : index
    %get3A_666 = arith.constant 0 : index
    %get3A_667 = vector.load %arg4[%get3A_665, %get3A_666] : memref<128x2048xf32, #tpu.memory_space<vmem>>, vector<128x512xf32>
    %reduce_min3A_668 = arith.constant dense<0x7F800000> : vector<128xf32>
    %reduce_min3A_669 = vector.multi_reduction <minimumf>, %get3A_667, %reduce_min3A_668 [1] : vector<128x512xf32> to vector<128xf32>
    %broadcast_in_dim3A_670 = vector.shape_cast %reduce_min3A_669 : vector<128xf32> to vector<128x1xf32>
    %min3A_671 = arith.minimumf %broadcast_in_dim3A_664, %broadcast_in_dim3A_670 : vector<128x1xf32>
    %get3A_672 = arith.constant 0 : index
    %get3A_673 = arith.constant 512 : index
    %get3A_674 = vector.load %arg4[%get3A_672, %get3A_673] : memref<128x2048xf32, #tpu.memory_space<vmem>>, vector<128x512xf32>
    %reduce_min3A_675 = arith.constant dense<0x7F800000> : vector<128xf32>
    %reduce_min3A_676 = vector.multi_reduction <minimumf>, %get3A_674, %reduce_min3A_675 [1] : vector<128x512xf32> to vector<128xf32>
    %broadcast_in_dim3A_677 = vector.shape_cast %reduce_min3A_676 : vector<128xf32> to vector<128x1xf32>
    %min3A_678 = arith.minimumf %min3A_671, %broadcast_in_dim3A_677 : vector<128x1xf32>
    %get3A_679 = arith.constant 0 : index
    %get3A_680 = arith.constant 1024 : index
    %get3A_681 = vector.load %arg4[%get3A_679, %get3A_680] : memref<128x2048xf32, #tpu.memory_space<vmem>>, vector<128x512xf32>
    %reduce_min3A_682 = arith.constant dense<0x7F800000> : vector<128xf32>
    %reduce_min3A_683 = vector.multi_reduction <minimumf>, %get3A_681, %reduce_min3A_682 [1] : vector<128x512xf32> to vector<128xf32>
    %broadcast_in_dim3A_684 = vector.shape_cast %reduce_min3A_683 : vector<128xf32> to vector<128x1xf32>
    %min3A_685 = arith.minimumf %min3A_678, %broadcast_in_dim3A_684 : vector<128x1xf32>
    %get3A_686 = arith.constant 0 : index
    %get3A_687 = arith.constant 1536 : index
    %get3A_688 = vector.load %arg4[%get3A_686, %get3A_687] : memref<128x2048xf32, #tpu.memory_space<vmem>>, vector<128x512xf32>
    %reduce_min3A_689 = arith.constant dense<0x7F800000> : vector<128xf32>
    %reduce_min3A_690 = vector.multi_reduction <minimumf>, %get3A_688, %reduce_min3A_689 [1] : vector<128x512xf32> to vector<128xf32>
    %broadcast_in_dim3A_691 = vector.shape_cast %reduce_min3A_690 : vector<128xf32> to vector<128x1xf32>
    %min3A_692 = arith.minimumf %min3A_685, %broadcast_in_dim3A_691 : vector<128x1xf32>
    %broadcast_in_dim3A_693 = arith.constant 2147483647 : i32
    %broadcast_in_dim3A_694 = vector.broadcast %broadcast_in_dim3A_693 : i32 to vector<128x1xi32>
    %get3A_695 = arith.constant 0 : index
    %get3A_696 = arith.constant 0 : index
    %get3A_697 = vector.load %arg4[%get3A_695, %get3A_696] : memref<128x2048xf32, #tpu.memory_space<vmem>>, vector<128x512xf32>
    %eq3A_698 = vector.broadcast %min3A_692 : vector<128x1xf32> to vector<128x512xf32>
    %eq3A_699 = arith.cmpf oeq, %get3A_697, %eq3A_698 : vector<128x512xf32>
    %get3A_700 = arith.constant 0 : index
    %get3A_701 = arith.constant 0 : index
    %get3A_702 = vector.load %arg2[%get3A_700, %get3A_701] : memref<128x2048xi32, #tpu.memory_space<vmem>>, vector<128x512xi32>
    %jit3A_703 = arith.constant 2147483647 : i32
    %broadcast_in_dim3A_704 = vector.broadcast %jit3A_703 : i32 to vector<128x512xi32>
    %select_n3A_705 = arith.select %eq3A_699, %get3A_702, %broadcast_in_dim3A_704 : vector<128x512xi1>, vector<128x512xi32>
    %reduce_min3A_706 = arith.constant dense<2147483647> : vector<128xi32>
    %reduce_min3A_707 = vector.multi_reduction <minsi>, %select_n3A_705, %reduce_min3A_706 [1] : vector<128x512xi32> to vector<128xi32>
    %broadcast_in_dim3A_708 = vector.shape_cast %reduce_min3A_707 : vector<128xi32> to vector<128x1xi32>
    %min3A_709 = arith.minsi %broadcast_in_dim3A_694, %broadcast_in_dim3A_708 : vector<128x1xi32>
    %get3A_710 = arith.constant 0 : index
    %get3A_711 = arith.constant 512 : index
    %get3A_712 = vector.load %arg4[%get3A_710, %get3A_711] : memref<128x2048xf32, #tpu.memory_space<vmem>>, vector<128x512xf32>
    %eq3A_713 = vector.broadcast %min3A_692 : vector<128x1xf32> to vector<128x512xf32>
    %eq3A_714 = arith.cmpf oeq, %get3A_712, %eq3A_713 : vector<128x512xf32>
    %get3A_715 = arith.constant 0 : index
    %get3A_716 = arith.constant 512 : index
    %get3A_717 = vector.load %arg2[%get3A_715, %get3A_716] : memref<128x2048xi32, #tpu.memory_space<vmem>>, vector<128x512xi32>
    %jit3A_718 = arith.constant 2147483647 : i32
    %broadcast_in_dim3A_719 = vector.broadcast %jit3A_718 : i32 to vector<128x512xi32>
    %select_n3A_720 = arith.select %eq3A_714, %get3A_717, %broadcast_in_dim3A_719 : vector<128x512xi1>, vector<128x512xi32>
    %reduce_min3A_721 = arith.constant dense<2147483647> : vector<128xi32>
    %reduce_min3A_722 = vector.multi_reduction <minsi>, %select_n3A_720, %reduce_min3A_721 [1] : vector<128x512xi32> to vector<128xi32>
    %broadcast_in_dim3A_723 = vector.shape_cast %reduce_min3A_722 : vector<128xi32> to vector<128x1xi32>
    %min3A_724 = arith.minsi %min3A_709, %broadcast_in_dim3A_723 : vector<128x1xi32>
    %get3A_725 = arith.constant 0 : index
    %get3A_726 = arith.constant 1024 : index
    %get3A_727 = vector.load %arg4[%get3A_725, %get3A_726] : memref<128x2048xf32, #tpu.memory_space<vmem>>, vector<128x512xf32>
    %eq3A_728 = vector.broadcast %min3A_692 : vector<128x1xf32> to vector<128x512xf32>
    %eq3A_729 = arith.cmpf oeq, %get3A_727, %eq3A_728 : vector<128x512xf32>
    %get3A_730 = arith.constant 0 : index
    %get3A_731 = arith.constant 1024 : index
    %get3A_732 = vector.load %arg2[%get3A_730, %get3A_731] : memref<128x2048xi32, #tpu.memory_space<vmem>>, vector<128x512xi32>
    %jit3A_733 = arith.constant 2147483647 : i32
    %broadcast_in_dim3A_734 = vector.broadcast %jit3A_733 : i32 to vector<128x512xi32>
    %select_n3A_735 = arith.select %eq3A_729, %get3A_732, %broadcast_in_dim3A_734 : vector<128x512xi1>, vector<128x512xi32>
    %reduce_min3A_736 = arith.constant dense<2147483647> : vector<128xi32>
    %reduce_min3A_737 = vector.multi_reduction <minsi>, %select_n3A_735, %reduce_min3A_736 [1] : vector<128x512xi32> to vector<128xi32>
    %broadcast_in_dim3A_738 = vector.shape_cast %reduce_min3A_737 : vector<128xi32> to vector<128x1xi32>
    %min3A_739 = arith.minsi %min3A_724, %broadcast_in_dim3A_738 : vector<128x1xi32>
    %get3A_740 = arith.constant 0 : index
    %get3A_741 = arith.constant 1536 : index
    %get3A_742 = vector.load %arg4[%get3A_740, %get3A_741] : memref<128x2048xf32, #tpu.memory_space<vmem>>, vector<128x512xf32>
    %eq3A_743 = vector.broadcast %min3A_692 : vector<128x1xf32> to vector<128x512xf32>
    %eq3A_744 = arith.cmpf oeq, %get3A_742, %eq3A_743 : vector<128x512xf32>
    %get3A_745 = arith.constant 0 : index
    %get3A_746 = arith.constant 1536 : index
    %get3A_747 = vector.load %arg2[%get3A_745, %get3A_746] : memref<128x2048xi32, #tpu.memory_space<vmem>>, vector<128x512xi32>
    %jit3A_748 = arith.constant 2147483647 : i32
    %broadcast_in_dim3A_749 = vector.broadcast %jit3A_748 : i32 to vector<128x512xi32>
    %select_n3A_750 = arith.select %eq3A_744, %get3A_747, %broadcast_in_dim3A_749 : vector<128x512xi1>, vector<128x512xi32>
    %reduce_min3A_751 = arith.constant dense<2147483647> : vector<128xi32>
    %reduce_min3A_752 = vector.multi_reduction <minsi>, %select_n3A_750, %reduce_min3A_751 [1] : vector<128x512xi32> to vector<128xi32>
    %broadcast_in_dim3A_753 = vector.shape_cast %reduce_min3A_752 : vector<128xi32> to vector<128x1xi32>
    %min3A_754 = arith.minsi %min3A_739, %broadcast_in_dim3A_753 : vector<128x1xi32>
    %get3A_755 = arith.constant 0 : index
    %get3A_756 = arith.constant 0 : index
    %get3A_757 = vector.load %arg4[%get3A_755, %get3A_756] : memref<128x2048xf32, #tpu.memory_space<vmem>>, vector<128x512xf32>
    %eq3A_758 = vector.broadcast %min3A_692 : vector<128x1xf32> to vector<128x512xf32>
    %eq3A_759 = arith.cmpf oeq, %get3A_757, %eq3A_758 : vector<128x512xf32>
    %get3A_760 = arith.constant 0 : index
    %get3A_761 = arith.constant 0 : index
    %get3A_762 = vector.load %arg2[%get3A_760, %get3A_761] : memref<128x2048xi32, #tpu.memory_space<vmem>>, vector<128x512xi32>
    %eq3A_763 = vector.broadcast %min3A_754 : vector<128x1xi32> to vector<128x512xi32>
    %eq3A_764 = arith.cmpi eq, %get3A_762, %eq3A_763 : vector<128x512xi32>
    %and3A_765 = arith.andi %eq3A_759, %eq3A_764 : vector<128x512xi1>
    %jit3A_766 = arith.constant 0x7F800000 : f32
    %broadcast_in_dim3A_767 = vector.broadcast %jit3A_766 : f32 to vector<128x512xf32>
    %select_n3A_768 = arith.select %and3A_765, %broadcast_in_dim3A_767, %get3A_757 : vector<128x512xi1>, vector<128x512xf32>
    %swap3A_769 = arith.constant 0 : index
    %swap3A_770 = arith.constant 0 : index
    %swap3A_771 = vector.load %arg4[%swap3A_769, %swap3A_770] : memref<128x2048xf32, #tpu.memory_space<vmem>>, vector<128x512xf32>
    tpu.vector_store %arg4[%swap3A_769, %swap3A_770], %select_n3A_768 {strides = array<i32>} : memref<128x2048xf32, #tpu.memory_space<vmem>>, vector<128x512xf32>,
    %get3A_772 = arith.constant 0 : index
    %get3A_773 = arith.constant 512 : index
    %get3A_774 = vector.load %arg4[%get3A_772, %get3A_773] : memref<128x2048xf32, #tpu.memory_space<vmem>>, vector<128x512xf32>
    %eq3A_775 = vector.broadcast %min3A_692 : vector<128x1xf32> to vector<128x512xf32>
    %eq3A_776 = arith.cmpf oeq, %get3A_774, %eq3A_775 : vector<128x512xf32>
    %get3A_777 = arith.constant 0 : index
    %get3A_778 = arith.constant 512 : index
    %get3A_779 = vector.load %arg2[%get3A_777, %get3A_778] : memref<128x2048xi32, #tpu.memory_space<vmem>>, vector<128x512xi32>
    %eq3A_780 = vector.broadcast %min3A_754 : vector<128x1xi32> to vector<128x512xi32>
    %eq3A_781 = arith.cmpi eq, %get3A_779, %eq3A_780 : vector<128x512xi32>
    %and3A_782 = arith.andi %eq3A_776, %eq3A_781 : vector<128x512xi1>
    %jit3A_783 = arith.constant 0x7F800000 : f32
    %broadcast_in_dim3A_784 = vector.broadcast %jit3A_783 : f32 to vector<128x512xf32>
    %select_n3A_785 = arith.select %and3A_782, %broadcast_in_dim3A_784, %get3A_774 : vector<128x512xi1>, vector<128x512xf32>
    %swap3A_786 = arith.constant 0 : index
    %swap3A_787 = arith.constant 512 : index
    %swap3A_788 = vector.load %arg4[%swap3A_786, %swap3A_787] : memref<128x2048xf32, #tpu.memory_space<vmem>>, vector<128x512xf32>
    tpu.vector_store %arg4[%swap3A_786, %swap3A_787], %select_n3A_785 {strides = array<i32>} : memref<128x2048xf32, #tpu.memory_space<vmem>>, vector<128x512xf32>,
    %get3A_789 = arith.constant 0 : index
    %get3A_790 = arith.constant 1024 : index
    %get3A_791 = vector.load %arg4[%get3A_789, %get3A_790] : memref<128x2048xf32, #tpu.memory_space<vmem>>, vector<128x512xf32>
    %eq3A_792 = vector.broadcast %min3A_692 : vector<128x1xf32> to vector<128x512xf32>
    %eq3A_793 = arith.cmpf oeq, %get3A_791, %eq3A_792 : vector<128x512xf32>
    %get3A_794 = arith.constant 0 : index
    %get3A_795 = arith.constant 1024 : index
    %get3A_796 = vector.load %arg2[%get3A_794, %get3A_795] : memref<128x2048xi32, #tpu.memory_space<vmem>>, vector<128x512xi32>
    %eq3A_797 = vector.broadcast %min3A_754 : vector<128x1xi32> to vector<128x512xi32>
    %eq3A_798 = arith.cmpi eq, %get3A_796, %eq3A_797 : vector<128x512xi32>
    %and3A_799 = arith.andi %eq3A_793, %eq3A_798 : vector<128x512xi1>
    %jit3A_800 = arith.constant 0x7F800000 : f32
    %broadcast_in_dim3A_801 = vector.broadcast %jit3A_800 : f32 to vector<128x512xf32>
    %select_n3A_802 = arith.select %and3A_799, %broadcast_in_dim3A_801, %get3A_791 : vector<128x512xi1>, vector<128x512xf32>
    %swap3A_803 = arith.constant 0 : index
    %swap3A_804 = arith.constant 1024 : index
    %swap3A_805 = vector.load %arg4[%swap3A_803, %swap3A_804] : memref<128x2048xf32, #tpu.memory_space<vmem>>, vector<128x512xf32>
    tpu.vector_store %arg4[%swap3A_803, %swap3A_804], %select_n3A_802 {strides = array<i32>} : memref<128x2048xf32, #tpu.memory_space<vmem>>, vector<128x512xf32>,
    %get3A_806 = arith.constant 0 : index
    %get3A_807 = arith.constant 1536 : index
    %get3A_808 = vector.load %arg4[%get3A_806, %get3A_807] : memref<128x2048xf32, #tpu.memory_space<vmem>>, vector<128x512xf32>
    %eq3A_809 = vector.broadcast %min3A_692 : vector<128x1xf32> to vector<128x512xf32>
    %eq3A_810 = arith.cmpf oeq, %get3A_808, %eq3A_809 : vector<128x512xf32>
    %get3A_811 = arith.constant 0 : index
    %get3A_812 = arith.constant 1536 : index
    %get3A_813 = vector.load %arg2[%get3A_811, %get3A_812] : memref<128x2048xi32, #tpu.memory_space<vmem>>, vector<128x512xi32>
    %eq3A_814 = vector.broadcast %min3A_754 : vector<128x1xi32> to vector<128x512xi32>
    %eq3A_815 = arith.cmpi eq, %get3A_813, %eq3A_814 : vector<128x512xi32>
    %and3A_816 = arith.andi %eq3A_810, %eq3A_815 : vector<128x512xi1>
    %jit3A_817 = arith.constant 0x7F800000 : f32
    %broadcast_in_dim3A_818 = vector.broadcast %jit3A_817 : f32 to vector<128x512xf32>
    %select_n3A_819 = arith.select %and3A_816, %broadcast_in_dim3A_818, %get3A_808 : vector<128x512xi1>, vector<128x512xf32>
    %swap3A_820 = arith.constant 0 : index
    %swap3A_821 = arith.constant 1536 : index
    %swap3A_822 = vector.load %arg4[%swap3A_820, %swap3A_821] : memref<128x2048xf32, #tpu.memory_space<vmem>>, vector<128x512xf32>
    tpu.vector_store %arg4[%swap3A_820, %swap3A_821], %select_n3A_819 {strides = array<i32>} : memref<128x2048xf32, #tpu.memory_space<vmem>>, vector<128x512xf32>,
    %eq3A_823 = arith.constant 4 : i32
    %eq3A_824 = vector.broadcast %eq3A_823 : i32 to vector<128x16xi32>
    %eq3A_825 = arith.cmpi eq, %iota3A, %eq3A_824 : vector<128x16xi32>
    %broadcast_in_dim3A_826 = vector.shape_cast %min3A_754 : vector<128x1xi32> to vector<128x1xi32>
    %broadcast_in_dim3A_827 = vector.broadcast %broadcast_in_dim3A_826 : vector<128x1xi32> to vector<128x16xi32>
    %select_n3A_828 = arith.select %eq3A_825, %broadcast_in_dim3A_827, %select_n3A_662 : vector<128x16xi1>, vector<128x16xi32>
    %broadcast_in_dim3A_829 = arith.constant 0x7F800000 : f32
    %broadcast_in_dim3A_830 = vector.broadcast %broadcast_in_dim3A_829 : f32 to vector<128x1xf32>
    %get3A_831 = arith.constant 0 : index
    %get3A_832 = arith.constant 0 : index
    %get3A_833 = vector.load %arg4[%get3A_831, %get3A_832] : memref<128x2048xf32, #tpu.memory_space<vmem>>, vector<128x512xf32>
    %reduce_min3A_834 = arith.constant dense<0x7F800000> : vector<128xf32>
    %reduce_min3A_835 = vector.multi_reduction <minimumf>, %get3A_833, %reduce_min3A_834 [1] : vector<128x512xf32> to vector<128xf32>
    %broadcast_in_dim3A_836 = vector.shape_cast %reduce_min3A_835 : vector<128xf32> to vector<128x1xf32>
    %min3A_837 = arith.minimumf %broadcast_in_dim3A_830, %broadcast_in_dim3A_836 : vector<128x1xf32>
    %get3A_838 = arith.constant 0 : index
    %get3A_839 = arith.constant 512 : index
    %get3A_840 = vector.load %arg4[%get3A_838, %get3A_839] : memref<128x2048xf32, #tpu.memory_space<vmem>>, vector<128x512xf32>
    %reduce_min3A_841 = arith.constant dense<0x7F800000> : vector<128xf32>
    %reduce_min3A_842 = vector.multi_reduction <minimumf>, %get3A_840, %reduce_min3A_841 [1] : vector<128x512xf32> to vector<128xf32>
    %broadcast_in_dim3A_843 = vector.shape_cast %reduce_min3A_842 : vector<128xf32> to vector<128x1xf32>
    %min3A_844 = arith.minimumf %min3A_837, %broadcast_in_dim3A_843 : vector<128x1xf32>
    %get3A_845 = arith.constant 0 : index
    %get3A_846 = arith.constant 1024 : index
    %get3A_847 = vector.load %arg4[%get3A_845, %get3A_846] : memref<128x2048xf32, #tpu.memory_space<vmem>>, vector<128x512xf32>
    %reduce_min3A_848 = arith.constant dense<0x7F800000> : vector<128xf32>
    %reduce_min3A_849 = vector.multi_reduction <minimumf>, %get3A_847, %reduce_min3A_848 [1] : vector<128x512xf32> to vector<128xf32>
    %broadcast_in_dim3A_850 = vector.shape_cast %reduce_min3A_849 : vector<128xf32> to vector<128x1xf32>
    %min3A_851 = arith.minimumf %min3A_844, %broadcast_in_dim3A_850 : vector<128x1xf32>
    %get3A_852 = arith.constant 0 : index
    %get3A_853 = arith.constant 1536 : index
    %get3A_854 = vector.load %arg4[%get3A_852, %get3A_853] : memref<128x2048xf32, #tpu.memory_space<vmem>>, vector<128x512xf32>
    %reduce_min3A_855 = arith.constant dense<0x7F800000> : vector<128xf32>
    %reduce_min3A_856 = vector.multi_reduction <minimumf>, %get3A_854, %reduce_min3A_855 [1] : vector<128x512xf32> to vector<128xf32>
    %broadcast_in_dim3A_857 = vector.shape_cast %reduce_min3A_856 : vector<128xf32> to vector<128x1xf32>
    %min3A_858 = arith.minimumf %min3A_851, %broadcast_in_dim3A_857 : vector<128x1xf32>
    %broadcast_in_dim3A_859 = arith.constant 2147483647 : i32
    %broadcast_in_dim3A_860 = vector.broadcast %broadcast_in_dim3A_859 : i32 to vector<128x1xi32>
    %get3A_861 = arith.constant 0 : index
    %get3A_862 = arith.constant 0 : index
    %get3A_863 = vector.load %arg4[%get3A_861, %get3A_862] : memref<128x2048xf32, #tpu.memory_space<vmem>>, vector<128x512xf32>
    %eq3A_864 = vector.broadcast %min3A_858 : vector<128x1xf32> to vector<128x512xf32>
    %eq3A_865 = arith.cmpf oeq, %get3A_863, %eq3A_864 : vector<128x512xf32>
    %get3A_866 = arith.constant 0 : index
    %get3A_867 = arith.constant 0 : index
    %get3A_868 = vector.load %arg2[%get3A_866, %get3A_867] : memref<128x2048xi32, #tpu.memory_space<vmem>>, vector<128x512xi32>
    %jit3A_869 = arith.constant 2147483647 : i32
    %broadcast_in_dim3A_870 = vector.broadcast %jit3A_869 : i32 to vector<128x512xi32>
    %select_n3A_871 = arith.select %eq3A_865, %get3A_868, %broadcast_in_dim3A_870 : vector<128x512xi1>, vector<128x512xi32>
    %reduce_min3A_872 = arith.constant dense<2147483647> : vector<128xi32>
    %reduce_min3A_873 = vector.multi_reduction <minsi>, %select_n3A_871, %reduce_min3A_872 [1] : vector<128x512xi32> to vector<128xi32>
    %broadcast_in_dim3A_874 = vector.shape_cast %reduce_min3A_873 : vector<128xi32> to vector<128x1xi32>
    %min3A_875 = arith.minsi %broadcast_in_dim3A_860, %broadcast_in_dim3A_874 : vector<128x1xi32>
    %get3A_876 = arith.constant 0 : index
    %get3A_877 = arith.constant 512 : index
    %get3A_878 = vector.load %arg4[%get3A_876, %get3A_877] : memref<128x2048xf32, #tpu.memory_space<vmem>>, vector<128x512xf32>
    %eq3A_879 = vector.broadcast %min3A_858 : vector<128x1xf32> to vector<128x512xf32>
    %eq3A_880 = arith.cmpf oeq, %get3A_878, %eq3A_879 : vector<128x512xf32>
    %get3A_881 = arith.constant 0 : index
    %get3A_882 = arith.constant 512 : index
    %get3A_883 = vector.load %arg2[%get3A_881, %get3A_882] : memref<128x2048xi32, #tpu.memory_space<vmem>>, vector<128x512xi32>
    %jit3A_884 = arith.constant 2147483647 : i32
    %broadcast_in_dim3A_885 = vector.broadcast %jit3A_884 : i32 to vector<128x512xi32>
    %select_n3A_886 = arith.select %eq3A_880, %get3A_883, %broadcast_in_dim3A_885 : vector<128x512xi1>, vector<128x512xi32>
    %reduce_min3A_887 = arith.constant dense<2147483647> : vector<128xi32>
    %reduce_min3A_888 = vector.multi_reduction <minsi>, %select_n3A_886, %reduce_min3A_887 [1] : vector<128x512xi32> to vector<128xi32>
    %broadcast_in_dim3A_889 = vector.shape_cast %reduce_min3A_888 : vector<128xi32> to vector<128x1xi32>
    %min3A_890 = arith.minsi %min3A_875, %broadcast_in_dim3A_889 : vector<128x1xi32>
    %get3A_891 = arith.constant 0 : index
    %get3A_892 = arith.constant 1024 : index
    %get3A_893 = vector.load %arg4[%get3A_891, %get3A_892] : memref<128x2048xf32, #tpu.memory_space<vmem>>, vector<128x512xf32>
    %eq3A_894 = vector.broadcast %min3A_858 : vector<128x1xf32> to vector<128x512xf32>
    %eq3A_895 = arith.cmpf oeq, %get3A_893, %eq3A_894 : vector<128x512xf32>
    %get3A_896 = arith.constant 0 : index
    %get3A_897 = arith.constant 1024 : index
    %get3A_898 = vector.load %arg2[%get3A_896, %get3A_897] : memref<128x2048xi32, #tpu.memory_space<vmem>>, vector<128x512xi32>
    %jit3A_899 = arith.constant 2147483647 : i32
    %broadcast_in_dim3A_900 = vector.broadcast %jit3A_899 : i32 to vector<128x512xi32>
    %select_n3A_901 = arith.select %eq3A_895, %get3A_898, %broadcast_in_dim3A_900 : vector<128x512xi1>, vector<128x512xi32>
    %reduce_min3A_902 = arith.constant dense<2147483647> : vector<128xi32>
    %reduce_min3A_903 = vector.multi_reduction <minsi>, %select_n3A_901, %reduce_min3A_902 [1] : vector<128x512xi32> to vector<128xi32>
    %broadcast_in_dim3A_904 = vector.shape_cast %reduce_min3A_903 : vector<128xi32> to vector<128x1xi32>
    %min3A_905 = arith.minsi %min3A_890, %broadcast_in_dim3A_904 : vector<128x1xi32>
    %get3A_906 = arith.constant 0 : index
    %get3A_907 = arith.constant 1536 : index
    %get3A_908 = vector.load %arg4[%get3A_906, %get3A_907] : memref<128x2048xf32, #tpu.memory_space<vmem>>, vector<128x512xf32>
    %eq3A_909 = vector.broadcast %min3A_858 : vector<128x1xf32> to vector<128x512xf32>
    %eq3A_910 = arith.cmpf oeq, %get3A_908, %eq3A_909 : vector<128x512xf32>
    %get3A_911 = arith.constant 0 : index
    %get3A_912 = arith.constant 1536 : index
    %get3A_913 = vector.load %arg2[%get3A_911, %get3A_912] : memref<128x2048xi32, #tpu.memory_space<vmem>>, vector<128x512xi32>
    %jit3A_914 = arith.constant 2147483647 : i32
    %broadcast_in_dim3A_915 = vector.broadcast %jit3A_914 : i32 to vector<128x512xi32>
    %select_n3A_916 = arith.select %eq3A_910, %get3A_913, %broadcast_in_dim3A_915 : vector<128x512xi1>, vector<128x512xi32>
    %reduce_min3A_917 = arith.constant dense<2147483647> : vector<128xi32>
    %reduce_min3A_918 = vector.multi_reduction <minsi>, %select_n3A_916, %reduce_min3A_917 [1] : vector<128x512xi32> to vector<128xi32>
    %broadcast_in_dim3A_919 = vector.shape_cast %reduce_min3A_918 : vector<128xi32> to vector<128x1xi32>
    %min3A_920 = arith.minsi %min3A_905, %broadcast_in_dim3A_919 : vector<128x1xi32>
    %get3A_921 = arith.constant 0 : index
    %get3A_922 = arith.constant 0 : index
    %get3A_923 = vector.load %arg4[%get3A_921, %get3A_922] : memref<128x2048xf32, #tpu.memory_space<vmem>>, vector<128x512xf32>
    %eq3A_924 = vector.broadcast %min3A_858 : vector<128x1xf32> to vector<128x512xf32>
    %eq3A_925 = arith.cmpf oeq, %get3A_923, %eq3A_924 : vector<128x512xf32>
    %get3A_926 = arith.constant 0 : index
    %get3A_927 = arith.constant 0 : index
    %get3A_928 = vector.load %arg2[%get3A_926, %get3A_927] : memref<128x2048xi32, #tpu.memory_space<vmem>>, vector<128x512xi32>
    %eq3A_929 = vector.broadcast %min3A_920 : vector<128x1xi32> to vector<128x512xi32>
    %eq3A_930 = arith.cmpi eq, %get3A_928, %eq3A_929 : vector<128x512xi32>
    %and3A_931 = arith.andi %eq3A_925, %eq3A_930 : vector<128x512xi1>
    %jit3A_932 = arith.constant 0x7F800000 : f32
    %broadcast_in_dim3A_933 = vector.broadcast %jit3A_932 : f32 to vector<128x512xf32>
    %select_n3A_934 = arith.select %and3A_931, %broadcast_in_dim3A_933, %get3A_923 : vector<128x512xi1>, vector<128x512xf32>
    %swap3A_935 = arith.constant 0 : index
    %swap3A_936 = arith.constant 0 : index
    %swap3A_937 = vector.load %arg4[%swap3A_935, %swap3A_936] : memref<128x2048xf32, #tpu.memory_space<vmem>>, vector<128x512xf32>
    tpu.vector_store %arg4[%swap3A_935, %swap3A_936], %select_n3A_934 {strides = array<i32>} : memref<128x2048xf32, #tpu.memory_space<vmem>>, vector<128x512xf32>,
    %get3A_938 = arith.constant 0 : index
    %get3A_939 = arith.constant 512 : index
    %get3A_940 = vector.load %arg4[%get3A_938, %get3A_939] : memref<128x2048xf32, #tpu.memory_space<vmem>>, vector<128x512xf32>
    %eq3A_941 = vector.broadcast %min3A_858 : vector<128x1xf32> to vector<128x512xf32>
    %eq3A_942 = arith.cmpf oeq, %get3A_940, %eq3A_941 : vector<128x512xf32>
    %get3A_943 = arith.constant 0 : index
    %get3A_944 = arith.constant 512 : index
    %get3A_945 = vector.load %arg2[%get3A_943, %get3A_944] : memref<128x2048xi32, #tpu.memory_space<vmem>>, vector<128x512xi32>
    %eq3A_946 = vector.broadcast %min3A_920 : vector<128x1xi32> to vector<128x512xi32>
    %eq3A_947 = arith.cmpi eq, %get3A_945, %eq3A_946 : vector<128x512xi32>
    %and3A_948 = arith.andi %eq3A_942, %eq3A_947 : vector<128x512xi1>
    %jit3A_949 = arith.constant 0x7F800000 : f32
    %broadcast_in_dim3A_950 = vector.broadcast %jit3A_949 : f32 to vector<128x512xf32>
    %select_n3A_951 = arith.select %and3A_948, %broadcast_in_dim3A_950, %get3A_940 : vector<128x512xi1>, vector<128x512xf32>
    %swap3A_952 = arith.constant 0 : index
    %swap3A_953 = arith.constant 512 : index
    %swap3A_954 = vector.load %arg4[%swap3A_952, %swap3A_953] : memref<128x2048xf32, #tpu.memory_space<vmem>>, vector<128x512xf32>
    tpu.vector_store %arg4[%swap3A_952, %swap3A_953], %select_n3A_951 {strides = array<i32>} : memref<128x2048xf32, #tpu.memory_space<vmem>>, vector<128x512xf32>,
    %get3A_955 = arith.constant 0 : index
    %get3A_956 = arith.constant 1024 : index
    %get3A_957 = vector.load %arg4[%get3A_955, %get3A_956] : memref<128x2048xf32, #tpu.memory_space<vmem>>, vector<128x512xf32>
    %eq3A_958 = vector.broadcast %min3A_858 : vector<128x1xf32> to vector<128x512xf32>
    %eq3A_959 = arith.cmpf oeq, %get3A_957, %eq3A_958 : vector<128x512xf32>
    %get3A_960 = arith.constant 0 : index
    %get3A_961 = arith.constant 1024 : index
    %get3A_962 = vector.load %arg2[%get3A_960, %get3A_961] : memref<128x2048xi32, #tpu.memory_space<vmem>>, vector<128x512xi32>
    %eq3A_963 = vector.broadcast %min3A_920 : vector<128x1xi32> to vector<128x512xi32>
    %eq3A_964 = arith.cmpi eq, %get3A_962, %eq3A_963 : vector<128x512xi32>
    %and3A_965 = arith.andi %eq3A_959, %eq3A_964 : vector<128x512xi1>
    %jit3A_966 = arith.constant 0x7F800000 : f32
    %broadcast_in_dim3A_967 = vector.broadcast %jit3A_966 : f32 to vector<128x512xf32>
    %select_n3A_968 = arith.select %and3A_965, %broadcast_in_dim3A_967, %get3A_957 : vector<128x512xi1>, vector<128x512xf32>
    %swap3A_969 = arith.constant 0 : index
    %swap3A_970 = arith.constant 1024 : index
    %swap3A_971 = vector.load %arg4[%swap3A_969, %swap3A_970] : memref<128x2048xf32, #tpu.memory_space<vmem>>, vector<128x512xf32>
    tpu.vector_store %arg4[%swap3A_969, %swap3A_970], %select_n3A_968 {strides = array<i32>} : memref<128x2048xf32, #tpu.memory_space<vmem>>, vector<128x512xf32>,
    %get3A_972 = arith.constant 0 : index
    %get3A_973 = arith.constant 1536 : index
    %get3A_974 = vector.load %arg4[%get3A_972, %get3A_973] : memref<128x2048xf32, #tpu.memory_space<vmem>>, vector<128x512xf32>
    %eq3A_975 = vector.broadcast %min3A_858 : vector<128x1xf32> to vector<128x512xf32>
    %eq3A_976 = arith.cmpf oeq, %get3A_974, %eq3A_975 : vector<128x512xf32>
    %get3A_977 = arith.constant 0 : index
    %get3A_978 = arith.constant 1536 : index
    %get3A_979 = vector.load %arg2[%get3A_977, %get3A_978] : memref<128x2048xi32, #tpu.memory_space<vmem>>, vector<128x512xi32>
    %eq3A_980 = vector.broadcast %min3A_920 : vector<128x1xi32> to vector<128x512xi32>
    %eq3A_981 = arith.cmpi eq, %get3A_979, %eq3A_980 : vector<128x512xi32>
    %and3A_982 = arith.andi %eq3A_976, %eq3A_981 : vector<128x512xi1>
    %jit3A_983 = arith.constant 0x7F800000 : f32
    %broadcast_in_dim3A_984 = vector.broadcast %jit3A_983 : f32 to vector<128x512xf32>
    %select_n3A_985 = arith.select %and3A_982, %broadcast_in_dim3A_984, %get3A_974 : vector<128x512xi1>, vector<128x512xf32>
    %swap3A_986 = arith.constant 0 : index
    %swap3A_987 = arith.constant 1536 : index
    %swap3A_988 = vector.load %arg4[%swap3A_986, %swap3A_987] : memref<128x2048xf32, #tpu.memory_space<vmem>>, vector<128x512xf32>
    tpu.vector_store %arg4[%swap3A_986, %swap3A_987], %select_n3A_985 {strides = array<i32>} : memref<128x2048xf32, #tpu.memory_space<vmem>>, vector<128x512xf32>,
    %eq3A_989 = arith.constant 5 : i32
    %eq3A_990 = vector.broadcast %eq3A_989 : i32 to vector<128x16xi32>
    %eq3A_991 = arith.cmpi eq, %iota3A, %eq3A_990 : vector<128x16xi32>
    %broadcast_in_dim3A_992 = vector.shape_cast %min3A_920 : vector<128x1xi32> to vector<128x1xi32>
    %broadcast_in_dim3A_993 = vector.broadcast %broadcast_in_dim3A_992 : vector<128x1xi32> to vector<128x16xi32>
    %select_n3A_994 = arith.select %eq3A_991, %broadcast_in_dim3A_993, %select_n3A_828 : vector<128x16xi1>, vector<128x16xi32>
    %broadcast_in_dim3A_995 = arith.constant 0x7F800000 : f32
    %broadcast_in_dim3A_996 = vector.broadcast %broadcast_in_dim3A_995 : f32 to vector<128x1xf32>
    %get3A_997 = arith.constant 0 : index
    %get3A_998 = arith.constant 0 : index
    %get3A_999 = vector.load %arg4[%get3A_997, %get3A_998] : memref<128x2048xf32, #tpu.memory_space<vmem>>, vector<128x512xf32>
    %reduce_min3A_1000 = arith.constant dense<0x7F800000> : vector<128xf32>
    %reduce_min3A_1001 = vector.multi_reduction <minimumf>, %get3A_999, %reduce_min3A_1000 [1] : vector<128x512xf32> to vector<128xf32>
    %broadcast_in_dim3A_1002 = vector.shape_cast %reduce_min3A_1001 : vector<128xf32> to vector<128x1xf32>
    %min3A_1003 = arith.minimumf %broadcast_in_dim3A_996, %broadcast_in_dim3A_1002 : vector<128x1xf32>
    %get3A_1004 = arith.constant 0 : index
    %get3A_1005 = arith.constant 512 : index
    %get3A_1006 = vector.load %arg4[%get3A_1004, %get3A_1005] : memref<128x2048xf32, #tpu.memory_space<vmem>>, vector<128x512xf32>
    %reduce_min3A_1007 = arith.constant dense<0x7F800000> : vector<128xf32>
    %reduce_min3A_1008 = vector.multi_reduction <minimumf>, %get3A_1006, %reduce_min3A_1007 [1] : vector<128x512xf32> to vector<128xf32>
    %broadcast_in_dim3A_1009 = vector.shape_cast %reduce_min3A_1008 : vector<128xf32> to vector<128x1xf32>
    %min3A_1010 = arith.minimumf %min3A_1003, %broadcast_in_dim3A_1009 : vector<128x1xf32>
    %get3A_1011 = arith.constant 0 : index
    %get3A_1012 = arith.constant 1024 : index
    %get3A_1013 = vector.load %arg4[%get3A_1011, %get3A_1012] : memref<128x2048xf32, #tpu.memory_space<vmem>>, vector<128x512xf32>
    %reduce_min3A_1014 = arith.constant dense<0x7F800000> : vector<128xf32>
    %reduce_min3A_1015 = vector.multi_reduction <minimumf>, %get3A_1013, %reduce_min3A_1014 [1] : vector<128x512xf32> to vector<128xf32>
    %broadcast_in_dim3A_1016 = vector.shape_cast %reduce_min3A_1015 : vector<128xf32> to vector<128x1xf32>
    %min3A_1017 = arith.minimumf %min3A_1010, %broadcast_in_dim3A_1016 : vector<128x1xf32>
    %get3A_1018 = arith.constant 0 : index
    %get3A_1019 = arith.constant 1536 : index
    %get3A_1020 = vector.load %arg4[%get3A_1018, %get3A_1019] : memref<128x2048xf32, #tpu.memory_space<vmem>>, vector<128x512xf32>
    %reduce_min3A_1021 = arith.constant dense<0x7F800000> : vector<128xf32>
    %reduce_min3A_1022 = vector.multi_reduction <minimumf>, %get3A_1020, %reduce_min3A_1021 [1] : vector<128x512xf32> to vector<128xf32>
    %broadcast_in_dim3A_1023 = vector.shape_cast %reduce_min3A_1022 : vector<128xf32> to vector<128x1xf32>
    %min3A_1024 = arith.minimumf %min3A_1017, %broadcast_in_dim3A_1023 : vector<128x1xf32>
    %broadcast_in_dim3A_1025 = arith.constant 2147483647 : i32
    %broadcast_in_dim3A_1026 = vector.broadcast %broadcast_in_dim3A_1025 : i32 to vector<128x1xi32>
    %get3A_1027 = arith.constant 0 : index
    %get3A_1028 = arith.constant 0 : index
    %get3A_1029 = vector.load %arg4[%get3A_1027, %get3A_1028] : memref<128x2048xf32, #tpu.memory_space<vmem>>, vector<128x512xf32>
    %eq3A_1030 = vector.broadcast %min3A_1024 : vector<128x1xf32> to vector<128x512xf32>
    %eq3A_1031 = arith.cmpf oeq, %get3A_1029, %eq3A_1030 : vector<128x512xf32>
    %get3A_1032 = arith.constant 0 : index
    %get3A_1033 = arith.constant 0 : index
    %get3A_1034 = vector.load %arg2[%get3A_1032, %get3A_1033] : memref<128x2048xi32, #tpu.memory_space<vmem>>, vector<128x512xi32>
    %jit3A_1035 = arith.constant 2147483647 : i32
    %broadcast_in_dim3A_1036 = vector.broadcast %jit3A_1035 : i32 to vector<128x512xi32>
    %select_n3A_1037 = arith.select %eq3A_1031, %get3A_1034, %broadcast_in_dim3A_1036 : vector<128x512xi1>, vector<128x512xi32>
    %reduce_min3A_1038 = arith.constant dense<2147483647> : vector<128xi32>
    %reduce_min3A_1039 = vector.multi_reduction <minsi>, %select_n3A_1037, %reduce_min3A_1038 [1] : vector<128x512xi32> to vector<128xi32>
    %broadcast_in_dim3A_1040 = vector.shape_cast %reduce_min3A_1039 : vector<128xi32> to vector<128x1xi32>
    %min3A_1041 = arith.minsi %broadcast_in_dim3A_1026, %broadcast_in_dim3A_1040 : vector<128x1xi32>
    %get3A_1042 = arith.constant 0 : index
    %get3A_1043 = arith.constant 512 : index
    %get3A_1044 = vector.load %arg4[%get3A_1042, %get3A_1043] : memref<128x2048xf32, #tpu.memory_space<vmem>>, vector<128x512xf32>
    %eq3A_1045 = vector.broadcast %min3A_1024 : vector<128x1xf32> to vector<128x512xf32>
    %eq3A_1046 = arith.cmpf oeq, %get3A_1044, %eq3A_1045 : vector<128x512xf32>
    %get3A_1047 = arith.constant 0 : index
    %get3A_1048 = arith.constant 512 : index
    %get3A_1049 = vector.load %arg2[%get3A_1047, %get3A_1048] : memref<128x2048xi32, #tpu.memory_space<vmem>>, vector<128x512xi32>
    %jit3A_1050 = arith.constant 2147483647 : i32
    %broadcast_in_dim3A_1051 = vector.broadcast %jit3A_1050 : i32 to vector<128x512xi32>
    %select_n3A_1052 = arith.select %eq3A_1046, %get3A_1049, %broadcast_in_dim3A_1051 : vector<128x512xi1>, vector<128x512xi32>
    %reduce_min3A_1053 = arith.constant dense<2147483647> : vector<128xi32>
    %reduce_min3A_1054 = vector.multi_reduction <minsi>, %select_n3A_1052, %reduce_min3A_1053 [1] : vector<128x512xi32> to vector<128xi32>
    %broadcast_in_dim3A_1055 = vector.shape_cast %reduce_min3A_1054 : vector<128xi32> to vector<128x1xi32>
    %min3A_1056 = arith.minsi %min3A_1041, %broadcast_in_dim3A_1055 : vector<128x1xi32>
    %get3A_1057 = arith.constant 0 : index
    %get3A_1058 = arith.constant 1024 : index
    %get3A_1059 = vector.load %arg4[%get3A_1057, %get3A_1058] : memref<128x2048xf32, #tpu.memory_space<vmem>>, vector<128x512xf32>
    %eq3A_1060 = vector.broadcast %min3A_1024 : vector<128x1xf32> to vector<128x512xf32>
    %eq3A_1061 = arith.cmpf oeq, %get3A_1059, %eq3A_1060 : vector<128x512xf32>
    %get3A_1062 = arith.constant 0 : index
    %get3A_1063 = arith.constant 1024 : index
    %get3A_1064 = vector.load %arg2[%get3A_1062, %get3A_1063] : memref<128x2048xi32, #tpu.memory_space<vmem>>, vector<128x512xi32>
    %jit3A_1065 = arith.constant 2147483647 : i32
    %broadcast_in_dim3A_1066 = vector.broadcast %jit3A_1065 : i32 to vector<128x512xi32>
    %select_n3A_1067 = arith.select %eq3A_1061, %get3A_1064, %broadcast_in_dim3A_1066 : vector<128x512xi1>, vector<128x512xi32>
    %reduce_min3A_1068 = arith.constant dense<2147483647> : vector<128xi32>
    %reduce_min3A_1069 = vector.multi_reduction <minsi>, %select_n3A_1067, %reduce_min3A_1068 [1] : vector<128x512xi32> to vector<128xi32>
    %broadcast_in_dim3A_1070 = vector.shape_cast %reduce_min3A_1069 : vector<128xi32> to vector<128x1xi32>
    %min3A_1071 = arith.minsi %min3A_1056, %broadcast_in_dim3A_1070 : vector<128x1xi32>
    %get3A_1072 = arith.constant 0 : index
    %get3A_1073 = arith.constant 1536 : index
    %get3A_1074 = vector.load %arg4[%get3A_1072, %get3A_1073] : memref<128x2048xf32, #tpu.memory_space<vmem>>, vector<128x512xf32>
    %eq3A_1075 = vector.broadcast %min3A_1024 : vector<128x1xf32> to vector<128x512xf32>
    %eq3A_1076 = arith.cmpf oeq, %get3A_1074, %eq3A_1075 : vector<128x512xf32>
    %get3A_1077 = arith.constant 0 : index
    %get3A_1078 = arith.constant 1536 : index
    %get3A_1079 = vector.load %arg2[%get3A_1077, %get3A_1078] : memref<128x2048xi32, #tpu.memory_space<vmem>>, vector<128x512xi32>
    %jit3A_1080 = arith.constant 2147483647 : i32
    %broadcast_in_dim3A_1081 = vector.broadcast %jit3A_1080 : i32 to vector<128x512xi32>
    %select_n3A_1082 = arith.select %eq3A_1076, %get3A_1079, %broadcast_in_dim3A_1081 : vector<128x512xi1>, vector<128x512xi32>
    %reduce_min3A_1083 = arith.constant dense<2147483647> : vector<128xi32>
    %reduce_min3A_1084 = vector.multi_reduction <minsi>, %select_n3A_1082, %reduce_min3A_1083 [1] : vector<128x512xi32> to vector<128xi32>
    %broadcast_in_dim3A_1085 = vector.shape_cast %reduce_min3A_1084 : vector<128xi32> to vector<128x1xi32>
    %min3A_1086 = arith.minsi %min3A_1071, %broadcast_in_dim3A_1085 : vector<128x1xi32>
    %get3A_1087 = arith.constant 0 : index
    %get3A_1088 = arith.constant 0 : index
    %get3A_1089 = vector.load %arg4[%get3A_1087, %get3A_1088] : memref<128x2048xf32, #tpu.memory_space<vmem>>, vector<128x512xf32>
    %eq3A_1090 = vector.broadcast %min3A_1024 : vector<128x1xf32> to vector<128x512xf32>
    %eq3A_1091 = arith.cmpf oeq, %get3A_1089, %eq3A_1090 : vector<128x512xf32>
    %get3A_1092 = arith.constant 0 : index
    %get3A_1093 = arith.constant 0 : index
    %get3A_1094 = vector.load %arg2[%get3A_1092, %get3A_1093] : memref<128x2048xi32, #tpu.memory_space<vmem>>, vector<128x512xi32>
    %eq3A_1095 = vector.broadcast %min3A_1086 : vector<128x1xi32> to vector<128x512xi32>
    %eq3A_1096 = arith.cmpi eq, %get3A_1094, %eq3A_1095 : vector<128x512xi32>
    %and3A_1097 = arith.andi %eq3A_1091, %eq3A_1096 : vector<128x512xi1>
    %jit3A_1098 = arith.constant 0x7F800000 : f32
    %broadcast_in_dim3A_1099 = vector.broadcast %jit3A_1098 : f32 to vector<128x512xf32>
    %select_n3A_1100 = arith.select %and3A_1097, %broadcast_in_dim3A_1099, %get3A_1089 : vector<128x512xi1>, vector<128x512xf32>
    %swap3A_1101 = arith.constant 0 : index
    %swap3A_1102 = arith.constant 0 : index
    %swap3A_1103 = vector.load %arg4[%swap3A_1101, %swap3A_1102] : memref<128x2048xf32, #tpu.memory_space<vmem>>, vector<128x512xf32>
    tpu.vector_store %arg4[%swap3A_1101, %swap3A_1102], %select_n3A_1100 {strides = array<i32>} : memref<128x2048xf32, #tpu.memory_space<vmem>>, vector<128x512xf32>,
    %get3A_1104 = arith.constant 0 : index
    %get3A_1105 = arith.constant 512 : index
    %get3A_1106 = vector.load %arg4[%get3A_1104, %get3A_1105] : memref<128x2048xf32, #tpu.memory_space<vmem>>, vector<128x512xf32>
    %eq3A_1107 = vector.broadcast %min3A_1024 : vector<128x1xf32> to vector<128x512xf32>
    %eq3A_1108 = arith.cmpf oeq, %get3A_1106, %eq3A_1107 : vector<128x512xf32>
    %get3A_1109 = arith.constant 0 : index
    %get3A_1110 = arith.constant 512 : index
    %get3A_1111 = vector.load %arg2[%get3A_1109, %get3A_1110] : memref<128x2048xi32, #tpu.memory_space<vmem>>, vector<128x512xi32>
    %eq3A_1112 = vector.broadcast %min3A_1086 : vector<128x1xi32> to vector<128x512xi32>
    %eq3A_1113 = arith.cmpi eq, %get3A_1111, %eq3A_1112 : vector<128x512xi32>
    %and3A_1114 = arith.andi %eq3A_1108, %eq3A_1113 : vector<128x512xi1>
    %jit3A_1115 = arith.constant 0x7F800000 : f32
    %broadcast_in_dim3A_1116 = vector.broadcast %jit3A_1115 : f32 to vector<128x512xf32>
    %select_n3A_1117 = arith.select %and3A_1114, %broadcast_in_dim3A_1116, %get3A_1106 : vector<128x512xi1>, vector<128x512xf32>
    %swap3A_1118 = arith.constant 0 : index
    %swap3A_1119 = arith.constant 512 : index
    %swap3A_1120 = vector.load %arg4[%swap3A_1118, %swap3A_1119] : memref<128x2048xf32, #tpu.memory_space<vmem>>, vector<128x512xf32>
    tpu.vector_store %arg4[%swap3A_1118, %swap3A_1119], %select_n3A_1117 {strides = array<i32>} : memref<128x2048xf32, #tpu.memory_space<vmem>>, vector<128x512xf32>,
    %get3A_1121 = arith.constant 0 : index
    %get3A_1122 = arith.constant 1024 : index
    %get3A_1123 = vector.load %arg4[%get3A_1121, %get3A_1122] : memref<128x2048xf32, #tpu.memory_space<vmem>>, vector<128x512xf32>
    %eq3A_1124 = vector.broadcast %min3A_1024 : vector<128x1xf32> to vector<128x512xf32>
    %eq3A_1125 = arith.cmpf oeq, %get3A_1123, %eq3A_1124 : vector<128x512xf32>
    %get3A_1126 = arith.constant 0 : index
    %get3A_1127 = arith.constant 1024 : index
    %get3A_1128 = vector.load %arg2[%get3A_1126, %get3A_1127] : memref<128x2048xi32, #tpu.memory_space<vmem>>, vector<128x512xi32>
    %eq3A_1129 = vector.broadcast %min3A_1086 : vector<128x1xi32> to vector<128x512xi32>
    %eq3A_1130 = arith.cmpi eq, %get3A_1128, %eq3A_1129 : vector<128x512xi32>
    %and3A_1131 = arith.andi %eq3A_1125, %eq3A_1130 : vector<128x512xi1>
    %jit3A_1132 = arith.constant 0x7F800000 : f32
    %broadcast_in_dim3A_1133 = vector.broadcast %jit3A_1132 : f32 to vector<128x512xf32>
    %select_n3A_1134 = arith.select %and3A_1131, %broadcast_in_dim3A_1133, %get3A_1123 : vector<128x512xi1>, vector<128x512xf32>
    %swap3A_1135 = arith.constant 0 : index
    %swap3A_1136 = arith.constant 1024 : index
    %swap3A_1137 = vector.load %arg4[%swap3A_1135, %swap3A_1136] : memref<128x2048xf32, #tpu.memory_space<vmem>>, vector<128x512xf32>
    tpu.vector_store %arg4[%swap3A_1135, %swap3A_1136], %select_n3A_1134 {strides = array<i32>} : memref<128x2048xf32, #tpu.memory_space<vmem>>, vector<128x512xf32>,
    %get3A_1138 = arith.constant 0 : index
    %get3A_1139 = arith.constant 1536 : index
    %get3A_1140 = vector.load %arg4[%get3A_1138, %get3A_1139] : memref<128x2048xf32, #tpu.memory_space<vmem>>, vector<128x512xf32>
    %eq3A_1141 = vector.broadcast %min3A_1024 : vector<128x1xf32> to vector<128x512xf32>
    %eq3A_1142 = arith.cmpf oeq, %get3A_1140, %eq3A_1141 : vector<128x512xf32>
    %get3A_1143 = arith.constant 0 : index
    %get3A_1144 = arith.constant 1536 : index
    %get3A_1145 = vector.load %arg2[%get3A_1143, %get3A_1144] : memref<128x2048xi32, #tpu.memory_space<vmem>>, vector<128x512xi32>
    %eq3A_1146 = vector.broadcast %min3A_1086 : vector<128x1xi32> to vector<128x512xi32>
    %eq3A_1147 = arith.cmpi eq, %get3A_1145, %eq3A_1146 : vector<128x512xi32>
    %and3A_1148 = arith.andi %eq3A_1142, %eq3A_1147 : vector<128x512xi1>
    %jit3A_1149 = arith.constant 0x7F800000 : f32
    %broadcast_in_dim3A_1150 = vector.broadcast %jit3A_1149 : f32 to vector<128x512xf32>
    %select_n3A_1151 = arith.select %and3A_1148, %broadcast_in_dim3A_1150, %get3A_1140 : vector<128x512xi1>, vector<128x512xf32>
    %swap3A_1152 = arith.constant 0 : index
    %swap3A_1153 = arith.constant 1536 : index
    %swap3A_1154 = vector.load %arg4[%swap3A_1152, %swap3A_1153] : memref<128x2048xf32, #tpu.memory_space<vmem>>, vector<128x512xf32>
    tpu.vector_store %arg4[%swap3A_1152, %swap3A_1153], %select_n3A_1151 {strides = array<i32>} : memref<128x2048xf32, #tpu.memory_space<vmem>>, vector<128x512xf32>,
    %eq3A_1155 = arith.constant 6 : i32
    %eq3A_1156 = vector.broadcast %eq3A_1155 : i32 to vector<128x16xi32>
    %eq3A_1157 = arith.cmpi eq, %iota3A, %eq3A_1156 : vector<128x16xi32>
    %broadcast_in_dim3A_1158 = vector.shape_cast %min3A_1086 : vector<128x1xi32> to vector<128x1xi32>
    %broadcast_in_dim3A_1159 = vector.broadcast %broadcast_in_dim3A_1158 : vector<128x1xi32> to vector<128x16xi32>
    %select_n3A_1160 = arith.select %eq3A_1157, %broadcast_in_dim3A_1159, %select_n3A_994 : vector<128x16xi1>, vector<128x16xi32>
    %broadcast_in_dim3A_1161 = arith.constant 0x7F800000 : f32
    %broadcast_in_dim3A_1162 = vector.broadcast %broadcast_in_dim3A_1161 : f32 to vector<128x1xf32>
    %get3A_1163 = arith.constant 0 : index
    %get3A_1164 = arith.constant 0 : index
    %get3A_1165 = vector.load %arg4[%get3A_1163, %get3A_1164] : memref<128x2048xf32, #tpu.memory_space<vmem>>, vector<128x512xf32>
    %reduce_min3A_1166 = arith.constant dense<0x7F800000> : vector<128xf32>
    %reduce_min3A_1167 = vector.multi_reduction <minimumf>, %get3A_1165, %reduce_min3A_1166 [1] : vector<128x512xf32> to vector<128xf32>
    %broadcast_in_dim3A_1168 = vector.shape_cast %reduce_min3A_1167 : vector<128xf32> to vector<128x1xf32>
    %min3A_1169 = arith.minimumf %broadcast_in_dim3A_1162, %broadcast_in_dim3A_1168 : vector<128x1xf32>
    %get3A_1170 = arith.constant 0 : index
    %get3A_1171 = arith.constant 512 : index
    %get3A_1172 = vector.load %arg4[%get3A_1170, %get3A_1171] : memref<128x2048xf32, #tpu.memory_space<vmem>>, vector<128x512xf32>
    %reduce_min3A_1173 = arith.constant dense<0x7F800000> : vector<128xf32>
    %reduce_min3A_1174 = vector.multi_reduction <minimumf>, %get3A_1172, %reduce_min3A_1173 [1] : vector<128x512xf32> to vector<128xf32>
    %broadcast_in_dim3A_1175 = vector.shape_cast %reduce_min3A_1174 : vector<128xf32> to vector<128x1xf32>
    %min3A_1176 = arith.minimumf %min3A_1169, %broadcast_in_dim3A_1175 : vector<128x1xf32>
    %get3A_1177 = arith.constant 0 : index
    %get3A_1178 = arith.constant 1024 : index
    %get3A_1179 = vector.load %arg4[%get3A_1177, %get3A_1178] : memref<128x2048xf32, #tpu.memory_space<vmem>>, vector<128x512xf32>
    %reduce_min3A_1180 = arith.constant dense<0x7F800000> : vector<128xf32>
    %reduce_min3A_1181 = vector.multi_reduction <minimumf>, %get3A_1179, %reduce_min3A_1180 [1] : vector<128x512xf32> to vector<128xf32>
    %broadcast_in_dim3A_1182 = vector.shape_cast %reduce_min3A_1181 : vector<128xf32> to vector<128x1xf32>
    %min3A_1183 = arith.minimumf %min3A_1176, %broadcast_in_dim3A_1182 : vector<128x1xf32>
    %get3A_1184 = arith.constant 0 : index
    %get3A_1185 = arith.constant 1536 : index
    %get3A_1186 = vector.load %arg4[%get3A_1184, %get3A_1185] : memref<128x2048xf32, #tpu.memory_space<vmem>>, vector<128x512xf32>
    %reduce_min3A_1187 = arith.constant dense<0x7F800000> : vector<128xf32>
    %reduce_min3A_1188 = vector.multi_reduction <minimumf>, %get3A_1186, %reduce_min3A_1187 [1] : vector<128x512xf32> to vector<128xf32>
    %broadcast_in_dim3A_1189 = vector.shape_cast %reduce_min3A_1188 : vector<128xf32> to vector<128x1xf32>
    %min3A_1190 = arith.minimumf %min3A_1183, %broadcast_in_dim3A_1189 : vector<128x1xf32>
    %broadcast_in_dim3A_1191 = arith.constant 2147483647 : i32
    %broadcast_in_dim3A_1192 = vector.broadcast %broadcast_in_dim3A_1191 : i32 to vector<128x1xi32>
    %get3A_1193 = arith.constant 0 : index
    %get3A_1194 = arith.constant 0 : index
    %get3A_1195 = vector.load %arg4[%get3A_1193, %get3A_1194] : memref<128x2048xf32, #tpu.memory_space<vmem>>, vector<128x512xf32>
    %eq3A_1196 = vector.broadcast %min3A_1190 : vector<128x1xf32> to vector<128x512xf32>
    %eq3A_1197 = arith.cmpf oeq, %get3A_1195, %eq3A_1196 : vector<128x512xf32>
    %get3A_1198 = arith.constant 0 : index
    %get3A_1199 = arith.constant 0 : index
    %get3A_1200 = vector.load %arg2[%get3A_1198, %get3A_1199] : memref<128x2048xi32, #tpu.memory_space<vmem>>, vector<128x512xi32>
    %jit3A_1201 = arith.constant 2147483647 : i32
    %broadcast_in_dim3A_1202 = vector.broadcast %jit3A_1201 : i32 to vector<128x512xi32>
    %select_n3A_1203 = arith.select %eq3A_1197, %get3A_1200, %broadcast_in_dim3A_1202 : vector<128x512xi1>, vector<128x512xi32>
    %reduce_min3A_1204 = arith.constant dense<2147483647> : vector<128xi32>
    %reduce_min3A_1205 = vector.multi_reduction <minsi>, %select_n3A_1203, %reduce_min3A_1204 [1] : vector<128x512xi32> to vector<128xi32>
    %broadcast_in_dim3A_1206 = vector.shape_cast %reduce_min3A_1205 : vector<128xi32> to vector<128x1xi32>
    %min3A_1207 = arith.minsi %broadcast_in_dim3A_1192, %broadcast_in_dim3A_1206 : vector<128x1xi32>
    %get3A_1208 = arith.constant 0 : index
    %get3A_1209 = arith.constant 512 : index
    %get3A_1210 = vector.load %arg4[%get3A_1208, %get3A_1209] : memref<128x2048xf32, #tpu.memory_space<vmem>>, vector<128x512xf32>
    %eq3A_1211 = vector.broadcast %min3A_1190 : vector<128x1xf32> to vector<128x512xf32>
    %eq3A_1212 = arith.cmpf oeq, %get3A_1210, %eq3A_1211 : vector<128x512xf32>
    %get3A_1213 = arith.constant 0 : index
    %get3A_1214 = arith.constant 512 : index
    %get3A_1215 = vector.load %arg2[%get3A_1213, %get3A_1214] : memref<128x2048xi32, #tpu.memory_space<vmem>>, vector<128x512xi32>
    %jit3A_1216 = arith.constant 2147483647 : i32
    %broadcast_in_dim3A_1217 = vector.broadcast %jit3A_1216 : i32 to vector<128x512xi32>
    %select_n3A_1218 = arith.select %eq3A_1212, %get3A_1215, %broadcast_in_dim3A_1217 : vector<128x512xi1>, vector<128x512xi32>
    %reduce_min3A_1219 = arith.constant dense<2147483647> : vector<128xi32>
    %reduce_min3A_1220 = vector.multi_reduction <minsi>, %select_n3A_1218, %reduce_min3A_1219 [1] : vector<128x512xi32> to vector<128xi32>
    %broadcast_in_dim3A_1221 = vector.shape_cast %reduce_min3A_1220 : vector<128xi32> to vector<128x1xi32>
    %min3A_1222 = arith.minsi %min3A_1207, %broadcast_in_dim3A_1221 : vector<128x1xi32>
    %get3A_1223 = arith.constant 0 : index
    %get3A_1224 = arith.constant 1024 : index
    %get3A_1225 = vector.load %arg4[%get3A_1223, %get3A_1224] : memref<128x2048xf32, #tpu.memory_space<vmem>>, vector<128x512xf32>
    %eq3A_1226 = vector.broadcast %min3A_1190 : vector<128x1xf32> to vector<128x512xf32>
    %eq3A_1227 = arith.cmpf oeq, %get3A_1225, %eq3A_1226 : vector<128x512xf32>
    %get3A_1228 = arith.constant 0 : index
    %get3A_1229 = arith.constant 1024 : index
    %get3A_1230 = vector.load %arg2[%get3A_1228, %get3A_1229] : memref<128x2048xi32, #tpu.memory_space<vmem>>, vector<128x512xi32>
    %jit3A_1231 = arith.constant 2147483647 : i32
    %broadcast_in_dim3A_1232 = vector.broadcast %jit3A_1231 : i32 to vector<128x512xi32>
    %select_n3A_1233 = arith.select %eq3A_1227, %get3A_1230, %broadcast_in_dim3A_1232 : vector<128x512xi1>, vector<128x512xi32>
    %reduce_min3A_1234 = arith.constant dense<2147483647> : vector<128xi32>
    %reduce_min3A_1235 = vector.multi_reduction <minsi>, %select_n3A_1233, %reduce_min3A_1234 [1] : vector<128x512xi32> to vector<128xi32>
    %broadcast_in_dim3A_1236 = vector.shape_cast %reduce_min3A_1235 : vector<128xi32> to vector<128x1xi32>
    %min3A_1237 = arith.minsi %min3A_1222, %broadcast_in_dim3A_1236 : vector<128x1xi32>
    %get3A_1238 = arith.constant 0 : index
    %get3A_1239 = arith.constant 1536 : index
    %get3A_1240 = vector.load %arg4[%get3A_1238, %get3A_1239] : memref<128x2048xf32, #tpu.memory_space<vmem>>, vector<128x512xf32>
    %eq3A_1241 = vector.broadcast %min3A_1190 : vector<128x1xf32> to vector<128x512xf32>
    %eq3A_1242 = arith.cmpf oeq, %get3A_1240, %eq3A_1241 : vector<128x512xf32>
    %get3A_1243 = arith.constant 0 : index
    %get3A_1244 = arith.constant 1536 : index
    %get3A_1245 = vector.load %arg2[%get3A_1243, %get3A_1244] : memref<128x2048xi32, #tpu.memory_space<vmem>>, vector<128x512xi32>
    %jit3A_1246 = arith.constant 2147483647 : i32
    %broadcast_in_dim3A_1247 = vector.broadcast %jit3A_1246 : i32 to vector<128x512xi32>
    %select_n3A_1248 = arith.select %eq3A_1242, %get3A_1245, %broadcast_in_dim3A_1247 : vector<128x512xi1>, vector<128x512xi32>
    %reduce_min3A_1249 = arith.constant dense<2147483647> : vector<128xi32>
    %reduce_min3A_1250 = vector.multi_reduction <minsi>, %select_n3A_1248, %reduce_min3A_1249 [1] : vector<128x512xi32> to vector<128xi32>
    %broadcast_in_dim3A_1251 = vector.shape_cast %reduce_min3A_1250 : vector<128xi32> to vector<128x1xi32>
    %min3A_1252 = arith.minsi %min3A_1237, %broadcast_in_dim3A_1251 : vector<128x1xi32>
    %get3A_1253 = arith.constant 0 : index
    %get3A_1254 = arith.constant 0 : index
    %get3A_1255 = vector.load %arg4[%get3A_1253, %get3A_1254] : memref<128x2048xf32, #tpu.memory_space<vmem>>, vector<128x512xf32>
    %eq3A_1256 = vector.broadcast %min3A_1190 : vector<128x1xf32> to vector<128x512xf32>
    %eq3A_1257 = arith.cmpf oeq, %get3A_1255, %eq3A_1256 : vector<128x512xf32>
    %get3A_1258 = arith.constant 0 : index
    %get3A_1259 = arith.constant 0 : index
    %get3A_1260 = vector.load %arg2[%get3A_1258, %get3A_1259] : memref<128x2048xi32, #tpu.memory_space<vmem>>, vector<128x512xi32>
    %eq3A_1261 = vector.broadcast %min3A_1252 : vector<128x1xi32> to vector<128x512xi32>
    %eq3A_1262 = arith.cmpi eq, %get3A_1260, %eq3A_1261 : vector<128x512xi32>
    %and3A_1263 = arith.andi %eq3A_1257, %eq3A_1262 : vector<128x512xi1>
    %jit3A_1264 = arith.constant 0x7F800000 : f32
    %broadcast_in_dim3A_1265 = vector.broadcast %jit3A_1264 : f32 to vector<128x512xf32>
    %select_n3A_1266 = arith.select %and3A_1263, %broadcast_in_dim3A_1265, %get3A_1255 : vector<128x512xi1>, vector<128x512xf32>
    %swap3A_1267 = arith.constant 0 : index
    %swap3A_1268 = arith.constant 0 : index
    %swap3A_1269 = vector.load %arg4[%swap3A_1267, %swap3A_1268] : memref<128x2048xf32, #tpu.memory_space<vmem>>, vector<128x512xf32>
    tpu.vector_store %arg4[%swap3A_1267, %swap3A_1268], %select_n3A_1266 {strides = array<i32>} : memref<128x2048xf32, #tpu.memory_space<vmem>>, vector<128x512xf32>,
    %get3A_1270 = arith.constant 0 : index
    %get3A_1271 = arith.constant 512 : index
    %get3A_1272 = vector.load %arg4[%get3A_1270, %get3A_1271] : memref<128x2048xf32, #tpu.memory_space<vmem>>, vector<128x512xf32>
    %eq3A_1273 = vector.broadcast %min3A_1190 : vector<128x1xf32> to vector<128x512xf32>
    %eq3A_1274 = arith.cmpf oeq, %get3A_1272, %eq3A_1273 : vector<128x512xf32>
    %get3A_1275 = arith.constant 0 : index
    %get3A_1276 = arith.constant 512 : index
    %get3A_1277 = vector.load %arg2[%get3A_1275, %get3A_1276] : memref<128x2048xi32, #tpu.memory_space<vmem>>, vector<128x512xi32>
    %eq3A_1278 = vector.broadcast %min3A_1252 : vector<128x1xi32> to vector<128x512xi32>
    %eq3A_1279 = arith.cmpi eq, %get3A_1277, %eq3A_1278 : vector<128x512xi32>
    %and3A_1280 = arith.andi %eq3A_1274, %eq3A_1279 : vector<128x512xi1>
    %jit3A_1281 = arith.constant 0x7F800000 : f32
    %broadcast_in_dim3A_1282 = vector.broadcast %jit3A_1281 : f32 to vector<128x512xf32>
    %select_n3A_1283 = arith.select %and3A_1280, %broadcast_in_dim3A_1282, %get3A_1272 : vector<128x512xi1>, vector<128x512xf32>
    %swap3A_1284 = arith.constant 0 : index
    %swap3A_1285 = arith.constant 512 : index
    %swap3A_1286 = vector.load %arg4[%swap3A_1284, %swap3A_1285] : memref<128x2048xf32, #tpu.memory_space<vmem>>, vector<128x512xf32>
    tpu.vector_store %arg4[%swap3A_1284, %swap3A_1285], %select_n3A_1283 {strides = array<i32>} : memref<128x2048xf32, #tpu.memory_space<vmem>>, vector<128x512xf32>,
    %get3A_1287 = arith.constant 0 : index
    %get3A_1288 = arith.constant 1024 : index
    %get3A_1289 = vector.load %arg4[%get3A_1287, %get3A_1288] : memref<128x2048xf32, #tpu.memory_space<vmem>>, vector<128x512xf32>
    %eq3A_1290 = vector.broadcast %min3A_1190 : vector<128x1xf32> to vector<128x512xf32>
    %eq3A_1291 = arith.cmpf oeq, %get3A_1289, %eq3A_1290 : vector<128x512xf32>
    %get3A_1292 = arith.constant 0 : index
    %get3A_1293 = arith.constant 1024 : index
    %get3A_1294 = vector.load %arg2[%get3A_1292, %get3A_1293] : memref<128x2048xi32, #tpu.memory_space<vmem>>, vector<128x512xi32>
    %eq3A_1295 = vector.broadcast %min3A_1252 : vector<128x1xi32> to vector<128x512xi32>
    %eq3A_1296 = arith.cmpi eq, %get3A_1294, %eq3A_1295 : vector<128x512xi32>
    %and3A_1297 = arith.andi %eq3A_1291, %eq3A_1296 : vector<128x512xi1>
    %jit3A_1298 = arith.constant 0x7F800000 : f32
    %broadcast_in_dim3A_1299 = vector.broadcast %jit3A_1298 : f32 to vector<128x512xf32>
    %select_n3A_1300 = arith.select %and3A_1297, %broadcast_in_dim3A_1299, %get3A_1289 : vector<128x512xi1>, vector<128x512xf32>
    %swap3A_1301 = arith.constant 0 : index
    %swap3A_1302 = arith.constant 1024 : index
    %swap3A_1303 = vector.load %arg4[%swap3A_1301, %swap3A_1302] : memref<128x2048xf32, #tpu.memory_space<vmem>>, vector<128x512xf32>
    tpu.vector_store %arg4[%swap3A_1301, %swap3A_1302], %select_n3A_1300 {strides = array<i32>} : memref<128x2048xf32, #tpu.memory_space<vmem>>, vector<128x512xf32>,
    %get3A_1304 = arith.constant 0 : index
    %get3A_1305 = arith.constant 1536 : index
    %get3A_1306 = vector.load %arg4[%get3A_1304, %get3A_1305] : memref<128x2048xf32, #tpu.memory_space<vmem>>, vector<128x512xf32>
    %eq3A_1307 = vector.broadcast %min3A_1190 : vector<128x1xf32> to vector<128x512xf32>
    %eq3A_1308 = arith.cmpf oeq, %get3A_1306, %eq3A_1307 : vector<128x512xf32>
    %get3A_1309 = arith.constant 0 : index
    %get3A_1310 = arith.constant 1536 : index
    %get3A_1311 = vector.load %arg2[%get3A_1309, %get3A_1310] : memref<128x2048xi32, #tpu.memory_space<vmem>>, vector<128x512xi32>
    %eq3A_1312 = vector.broadcast %min3A_1252 : vector<128x1xi32> to vector<128x512xi32>
    %eq3A_1313 = arith.cmpi eq, %get3A_1311, %eq3A_1312 : vector<128x512xi32>
    %and3A_1314 = arith.andi %eq3A_1308, %eq3A_1313 : vector<128x512xi1>
    %jit3A_1315 = arith.constant 0x7F800000 : f32
    %broadcast_in_dim3A_1316 = vector.broadcast %jit3A_1315 : f32 to vector<128x512xf32>
    %select_n3A_1317 = arith.select %and3A_1314, %broadcast_in_dim3A_1316, %get3A_1306 : vector<128x512xi1>, vector<128x512xf32>
    %swap3A_1318 = arith.constant 0 : index
    %swap3A_1319 = arith.constant 1536 : index
    %swap3A_1320 = vector.load %arg4[%swap3A_1318, %swap3A_1319] : memref<128x2048xf32, #tpu.memory_space<vmem>>, vector<128x512xf32>
    tpu.vector_store %arg4[%swap3A_1318, %swap3A_1319], %select_n3A_1317 {strides = array<i32>} : memref<128x2048xf32, #tpu.memory_space<vmem>>, vector<128x512xf32>,
    %eq3A_1321 = arith.constant 7 : i32
    %eq3A_1322 = vector.broadcast %eq3A_1321 : i32 to vector<128x16xi32>
    %eq3A_1323 = arith.cmpi eq, %iota3A, %eq3A_1322 : vector<128x16xi32>
    %broadcast_in_dim3A_1324 = vector.shape_cast %min3A_1252 : vector<128x1xi32> to vector<128x1xi32>
    %broadcast_in_dim3A_1325 = vector.broadcast %broadcast_in_dim3A_1324 : vector<128x1xi32> to vector<128x16xi32>
    %select_n3A_1326 = arith.select %eq3A_1323, %broadcast_in_dim3A_1325, %select_n3A_1160 : vector<128x16xi1>, vector<128x16xi32>
    %broadcast_in_dim3A_1327 = arith.constant 0x7F800000 : f32
    %broadcast_in_dim3A_1328 = vector.broadcast %broadcast_in_dim3A_1327 : f32 to vector<128x1xf32>
    %get3A_1329 = arith.constant 0 : index
    %get3A_1330 = arith.constant 0 : index
    %get3A_1331 = vector.load %arg4[%get3A_1329, %get3A_1330] : memref<128x2048xf32, #tpu.memory_space<vmem>>, vector<128x512xf32>
    %reduce_min3A_1332 = arith.constant dense<0x7F800000> : vector<128xf32>
    %reduce_min3A_1333 = vector.multi_reduction <minimumf>, %get3A_1331, %reduce_min3A_1332 [1] : vector<128x512xf32> to vector<128xf32>
    %broadcast_in_dim3A_1334 = vector.shape_cast %reduce_min3A_1333 : vector<128xf32> to vector<128x1xf32>
    %min3A_1335 = arith.minimumf %broadcast_in_dim3A_1328, %broadcast_in_dim3A_1334 : vector<128x1xf32>
    %get3A_1336 = arith.constant 0 : index
    %get3A_1337 = arith.constant 512 : index
    %get3A_1338 = vector.load %arg4[%get3A_1336, %get3A_1337] : memref<128x2048xf32, #tpu.memory_space<vmem>>, vector<128x512xf32>
    %reduce_min3A_1339 = arith.constant dense<0x7F800000> : vector<128xf32>
    %reduce_min3A_1340 = vector.multi_reduction <minimumf>, %get3A_1338, %reduce_min3A_1339 [1] : vector<128x512xf32> to vector<128xf32>
    %broadcast_in_dim3A_1341 = vector.shape_cast %reduce_min3A_1340 : vector<128xf32> to vector<128x1xf32>
    %min3A_1342 = arith.minimumf %min3A_1335, %broadcast_in_dim3A_1341 : vector<128x1xf32>
    %get3A_1343 = arith.constant 0 : index
    %get3A_1344 = arith.constant 1024 : index
    %get3A_1345 = vector.load %arg4[%get3A_1343, %get3A_1344] : memref<128x2048xf32, #tpu.memory_space<vmem>>, vector<128x512xf32>
    %reduce_min3A_1346 = arith.constant dense<0x7F800000> : vector<128xf32>
    %reduce_min3A_1347 = vector.multi_reduction <minimumf>, %get3A_1345, %reduce_min3A_1346 [1] : vector<128x512xf32> to vector<128xf32>
    %broadcast_in_dim3A_1348 = vector.shape_cast %reduce_min3A_1347 : vector<128xf32> to vector<128x1xf32>
    %min3A_1349 = arith.minimumf %min3A_1342, %broadcast_in_dim3A_1348 : vector<128x1xf32>
    %get3A_1350 = arith.constant 0 : index
    %get3A_1351 = arith.constant 1536 : index
    %get3A_1352 = vector.load %arg4[%get3A_1350, %get3A_1351] : memref<128x2048xf32, #tpu.memory_space<vmem>>, vector<128x512xf32>
    %reduce_min3A_1353 = arith.constant dense<0x7F800000> : vector<128xf32>
    %reduce_min3A_1354 = vector.multi_reduction <minimumf>, %get3A_1352, %reduce_min3A_1353 [1] : vector<128x512xf32> to vector<128xf32>
    %broadcast_in_dim3A_1355 = vector.shape_cast %reduce_min3A_1354 : vector<128xf32> to vector<128x1xf32>
    %min3A_1356 = arith.minimumf %min3A_1349, %broadcast_in_dim3A_1355 : vector<128x1xf32>
    %broadcast_in_dim3A_1357 = arith.constant 2147483647 : i32
    %broadcast_in_dim3A_1358 = vector.broadcast %broadcast_in_dim3A_1357 : i32 to vector<128x1xi32>
    %get3A_1359 = arith.constant 0 : index
    %get3A_1360 = arith.constant 0 : index
    %get3A_1361 = vector.load %arg4[%get3A_1359, %get3A_1360] : memref<128x2048xf32, #tpu.memory_space<vmem>>, vector<128x512xf32>
    %eq3A_1362 = vector.broadcast %min3A_1356 : vector<128x1xf32> to vector<128x512xf32>
    %eq3A_1363 = arith.cmpf oeq, %get3A_1361, %eq3A_1362 : vector<128x512xf32>
    %get3A_1364 = arith.constant 0 : index
    %get3A_1365 = arith.constant 0 : index
    %get3A_1366 = vector.load %arg2[%get3A_1364, %get3A_1365] : memref<128x2048xi32, #tpu.memory_space<vmem>>, vector<128x512xi32>
    %jit3A_1367 = arith.constant 2147483647 : i32
    %broadcast_in_dim3A_1368 = vector.broadcast %jit3A_1367 : i32 to vector<128x512xi32>
    %select_n3A_1369 = arith.select %eq3A_1363, %get3A_1366, %broadcast_in_dim3A_1368 : vector<128x512xi1>, vector<128x512xi32>
    %reduce_min3A_1370 = arith.constant dense<2147483647> : vector<128xi32>
    %reduce_min3A_1371 = vector.multi_reduction <minsi>, %select_n3A_1369, %reduce_min3A_1370 [1] : vector<128x512xi32> to vector<128xi32>
    %broadcast_in_dim3A_1372 = vector.shape_cast %reduce_min3A_1371 : vector<128xi32> to vector<128x1xi32>
    %min3A_1373 = arith.minsi %broadcast_in_dim3A_1358, %broadcast_in_dim3A_1372 : vector<128x1xi32>
    %get3A_1374 = arith.constant 0 : index
    %get3A_1375 = arith.constant 512 : index
    %get3A_1376 = vector.load %arg4[%get3A_1374, %get3A_1375] : memref<128x2048xf32, #tpu.memory_space<vmem>>, vector<128x512xf32>
    %eq3A_1377 = vector.broadcast %min3A_1356 : vector<128x1xf32> to vector<128x512xf32>
    %eq3A_1378 = arith.cmpf oeq, %get3A_1376, %eq3A_1377 : vector<128x512xf32>
    %get3A_1379 = arith.constant 0 : index
    %get3A_1380 = arith.constant 512 : index
    %get3A_1381 = vector.load %arg2[%get3A_1379, %get3A_1380] : memref<128x2048xi32, #tpu.memory_space<vmem>>, vector<128x512xi32>
    %jit3A_1382 = arith.constant 2147483647 : i32
    %broadcast_in_dim3A_1383 = vector.broadcast %jit3A_1382 : i32 to vector<128x512xi32>
    %select_n3A_1384 = arith.select %eq3A_1378, %get3A_1381, %broadcast_in_dim3A_1383 : vector<128x512xi1>, vector<128x512xi32>
    %reduce_min3A_1385 = arith.constant dense<2147483647> : vector<128xi32>
    %reduce_min3A_1386 = vector.multi_reduction <minsi>, %select_n3A_1384, %reduce_min3A_1385 [1] : vector<128x512xi32> to vector<128xi32>
    %broadcast_in_dim3A_1387 = vector.shape_cast %reduce_min3A_1386 : vector<128xi32> to vector<128x1xi32>
    %min3A_1388 = arith.minsi %min3A_1373, %broadcast_in_dim3A_1387 : vector<128x1xi32>
    %get3A_1389 = arith.constant 0 : index
    %get3A_1390 = arith.constant 1024 : index
    %get3A_1391 = vector.load %arg4[%get3A_1389, %get3A_1390] : memref<128x2048xf32, #tpu.memory_space<vmem>>, vector<128x512xf32>
    %eq3A_1392 = vector.broadcast %min3A_1356 : vector<128x1xf32> to vector<128x512xf32>
    %eq3A_1393 = arith.cmpf oeq, %get3A_1391, %eq3A_1392 : vector<128x512xf32>
    %get3A_1394 = arith.constant 0 : index
    %get3A_1395 = arith.constant 1024 : index
    %get3A_1396 = vector.load %arg2[%get3A_1394, %get3A_1395] : memref<128x2048xi32, #tpu.memory_space<vmem>>, vector<128x512xi32>
    %jit3A_1397 = arith.constant 2147483647 : i32
    %broadcast_in_dim3A_1398 = vector.broadcast %jit3A_1397 : i32 to vector<128x512xi32>
    %select_n3A_1399 = arith.select %eq3A_1393, %get3A_1396, %broadcast_in_dim3A_1398 : vector<128x512xi1>, vector<128x512xi32>
    %reduce_min3A_1400 = arith.constant dense<2147483647> : vector<128xi32>
    %reduce_min3A_1401 = vector.multi_reduction <minsi>, %select_n3A_1399, %reduce_min3A_1400 [1] : vector<128x512xi32> to vector<128xi32>
    %broadcast_in_dim3A_1402 = vector.shape_cast %reduce_min3A_1401 : vector<128xi32> to vector<128x1xi32>
    %min3A_1403 = arith.minsi %min3A_1388, %broadcast_in_dim3A_1402 : vector<128x1xi32>
    %get3A_1404 = arith.constant 0 : index
    %get3A_1405 = arith.constant 1536 : index
    %get3A_1406 = vector.load %arg4[%get3A_1404, %get3A_1405] : memref<128x2048xf32, #tpu.memory_space<vmem>>, vector<128x512xf32>
    %eq3A_1407 = vector.broadcast %min3A_1356 : vector<128x1xf32> to vector<128x512xf32>
    %eq3A_1408 = arith.cmpf oeq, %get3A_1406, %eq3A_1407 : vector<128x512xf32>
    %get3A_1409 = arith.constant 0 : index
    %get3A_1410 = arith.constant 1536 : index
    %get3A_1411 = vector.load %arg2[%get3A_1409, %get3A_1410] : memref<128x2048xi32, #tpu.memory_space<vmem>>, vector<128x512xi32>
    %jit3A_1412 = arith.constant 2147483647 : i32
    %broadcast_in_dim3A_1413 = vector.broadcast %jit3A_1412 : i32 to vector<128x512xi32>
    %select_n3A_1414 = arith.select %eq3A_1408, %get3A_1411, %broadcast_in_dim3A_1413 : vector<128x512xi1>, vector<128x512xi32>
    %reduce_min3A_1415 = arith.constant dense<2147483647> : vector<128xi32>
    %reduce_min3A_1416 = vector.multi_reduction <minsi>, %select_n3A_1414, %reduce_min3A_1415 [1] : vector<128x512xi32> to vector<128xi32>
    %broadcast_in_dim3A_1417 = vector.shape_cast %reduce_min3A_1416 : vector<128xi32> to vector<128x1xi32>
    %min3A_1418 = arith.minsi %min3A_1403, %broadcast_in_dim3A_1417 : vector<128x1xi32>
    %get3A_1419 = arith.constant 0 : index
    %get3A_1420 = arith.constant 0 : index
    %get3A_1421 = vector.load %arg4[%get3A_1419, %get3A_1420] : memref<128x2048xf32, #tpu.memory_space<vmem>>, vector<128x512xf32>
    %eq3A_1422 = vector.broadcast %min3A_1356 : vector<128x1xf32> to vector<128x512xf32>
    %eq3A_1423 = arith.cmpf oeq, %get3A_1421, %eq3A_1422 : vector<128x512xf32>
    %get3A_1424 = arith.constant 0 : index
    %get3A_1425 = arith.constant 0 : index
    %get3A_1426 = vector.load %arg2[%get3A_1424, %get3A_1425] : memref<128x2048xi32, #tpu.memory_space<vmem>>, vector<128x512xi32>
    %eq3A_1427 = vector.broadcast %min3A_1418 : vector<128x1xi32> to vector<128x512xi32>
    %eq3A_1428 = arith.cmpi eq, %get3A_1426, %eq3A_1427 : vector<128x512xi32>
    %and3A_1429 = arith.andi %eq3A_1423, %eq3A_1428 : vector<128x512xi1>
    %jit3A_1430 = arith.constant 0x7F800000 : f32
    %broadcast_in_dim3A_1431 = vector.broadcast %jit3A_1430 : f32 to vector<128x512xf32>
    %select_n3A_1432 = arith.select %and3A_1429, %broadcast_in_dim3A_1431, %get3A_1421 : vector<128x512xi1>, vector<128x512xf32>
    %swap3A_1433 = arith.constant 0 : index
    %swap3A_1434 = arith.constant 0 : index
    %swap3A_1435 = vector.load %arg4[%swap3A_1433, %swap3A_1434] : memref<128x2048xf32, #tpu.memory_space<vmem>>, vector<128x512xf32>
    tpu.vector_store %arg4[%swap3A_1433, %swap3A_1434], %select_n3A_1432 {strides = array<i32>} : memref<128x2048xf32, #tpu.memory_space<vmem>>, vector<128x512xf32>,
    %get3A_1436 = arith.constant 0 : index
    %get3A_1437 = arith.constant 512 : index
    %get3A_1438 = vector.load %arg4[%get3A_1436, %get3A_1437] : memref<128x2048xf32, #tpu.memory_space<vmem>>, vector<128x512xf32>
    %eq3A_1439 = vector.broadcast %min3A_1356 : vector<128x1xf32> to vector<128x512xf32>
    %eq3A_1440 = arith.cmpf oeq, %get3A_1438, %eq3A_1439 : vector<128x512xf32>
    %get3A_1441 = arith.constant 0 : index
    %get3A_1442 = arith.constant 512 : index
    %get3A_1443 = vector.load %arg2[%get3A_1441, %get3A_1442] : memref<128x2048xi32, #tpu.memory_space<vmem>>, vector<128x512xi32>
    %eq3A_1444 = vector.broadcast %min3A_1418 : vector<128x1xi32> to vector<128x512xi32>
    %eq3A_1445 = arith.cmpi eq, %get3A_1443, %eq3A_1444 : vector<128x512xi32>
    %and3A_1446 = arith.andi %eq3A_1440, %eq3A_1445 : vector<128x512xi1>
    %jit3A_1447 = arith.constant 0x7F800000 : f32
    %broadcast_in_dim3A_1448 = vector.broadcast %jit3A_1447 : f32 to vector<128x512xf32>
    %select_n3A_1449 = arith.select %and3A_1446, %broadcast_in_dim3A_1448, %get3A_1438 : vector<128x512xi1>, vector<128x512xf32>
    %swap3A_1450 = arith.constant 0 : index
    %swap3A_1451 = arith.constant 512 : index
    %swap3A_1452 = vector.load %arg4[%swap3A_1450, %swap3A_1451] : memref<128x2048xf32, #tpu.memory_space<vmem>>, vector<128x512xf32>
    tpu.vector_store %arg4[%swap3A_1450, %swap3A_1451], %select_n3A_1449 {strides = array<i32>} : memref<128x2048xf32, #tpu.memory_space<vmem>>, vector<128x512xf32>,
    %get3A_1453 = arith.constant 0 : index
    %get3A_1454 = arith.constant 1024 : index
    %get3A_1455 = vector.load %arg4[%get3A_1453, %get3A_1454] : memref<128x2048xf32, #tpu.memory_space<vmem>>, vector<128x512xf32>
    %eq3A_1456 = vector.broadcast %min3A_1356 : vector<128x1xf32> to vector<128x512xf32>
    %eq3A_1457 = arith.cmpf oeq, %get3A_1455, %eq3A_1456 : vector<128x512xf32>
    %get3A_1458 = arith.constant 0 : index
    %get3A_1459 = arith.constant 1024 : index
    %get3A_1460 = vector.load %arg2[%get3A_1458, %get3A_1459] : memref<128x2048xi32, #tpu.memory_space<vmem>>, vector<128x512xi32>
    %eq3A_1461 = vector.broadcast %min3A_1418 : vector<128x1xi32> to vector<128x512xi32>
    %eq3A_1462 = arith.cmpi eq, %get3A_1460, %eq3A_1461 : vector<128x512xi32>
    %and3A_1463 = arith.andi %eq3A_1457, %eq3A_1462 : vector<128x512xi1>
    %jit3A_1464 = arith.constant 0x7F800000 : f32
    %broadcast_in_dim3A_1465 = vector.broadcast %jit3A_1464 : f32 to vector<128x512xf32>
    %select_n3A_1466 = arith.select %and3A_1463, %broadcast_in_dim3A_1465, %get3A_1455 : vector<128x512xi1>, vector<128x512xf32>
    %swap3A_1467 = arith.constant 0 : index
    %swap3A_1468 = arith.constant 1024 : index
    %swap3A_1469 = vector.load %arg4[%swap3A_1467, %swap3A_1468] : memref<128x2048xf32, #tpu.memory_space<vmem>>, vector<128x512xf32>
    tpu.vector_store %arg4[%swap3A_1467, %swap3A_1468], %select_n3A_1466 {strides = array<i32>} : memref<128x2048xf32, #tpu.memory_space<vmem>>, vector<128x512xf32>,
    %get3A_1470 = arith.constant 0 : index
    %get3A_1471 = arith.constant 1536 : index
    %get3A_1472 = vector.load %arg4[%get3A_1470, %get3A_1471] : memref<128x2048xf32, #tpu.memory_space<vmem>>, vector<128x512xf32>
    %eq3A_1473 = vector.broadcast %min3A_1356 : vector<128x1xf32> to vector<128x512xf32>
    %eq3A_1474 = arith.cmpf oeq, %get3A_1472, %eq3A_1473 : vector<128x512xf32>
    %get3A_1475 = arith.constant 0 : index
    %get3A_1476 = arith.constant 1536 : index
    %get3A_1477 = vector.load %arg2[%get3A_1475, %get3A_1476] : memref<128x2048xi32, #tpu.memory_space<vmem>>, vector<128x512xi32>
    %eq3A_1478 = vector.broadcast %min3A_1418 : vector<128x1xi32> to vector<128x512xi32>
    %eq3A_1479 = arith.cmpi eq, %get3A_1477, %eq3A_1478 : vector<128x512xi32>
    %and3A_1480 = arith.andi %eq3A_1474, %eq3A_1479 : vector<128x512xi1>
    %jit3A_1481 = arith.constant 0x7F800000 : f32
    %broadcast_in_dim3A_1482 = vector.broadcast %jit3A_1481 : f32 to vector<128x512xf32>
    %select_n3A_1483 = arith.select %and3A_1480, %broadcast_in_dim3A_1482, %get3A_1472 : vector<128x512xi1>, vector<128x512xf32>
    %swap3A_1484 = arith.constant 0 : index
    %swap3A_1485 = arith.constant 1536 : index
    %swap3A_1486 = vector.load %arg4[%swap3A_1484, %swap3A_1485] : memref<128x2048xf32, #tpu.memory_space<vmem>>, vector<128x512xf32>
    tpu.vector_store %arg4[%swap3A_1484, %swap3A_1485], %select_n3A_1483 {strides = array<i32>} : memref<128x2048xf32, #tpu.memory_space<vmem>>, vector<128x512xf32>,
    %eq3A_1487 = arith.constant 8 : i32
    %eq3A_1488 = vector.broadcast %eq3A_1487 : i32 to vector<128x16xi32>
    %eq3A_1489 = arith.cmpi eq, %iota3A, %eq3A_1488 : vector<128x16xi32>
    %broadcast_in_dim3A_1490 = vector.shape_cast %min3A_1418 : vector<128x1xi32> to vector<128x1xi32>
    %broadcast_in_dim3A_1491 = vector.broadcast %broadcast_in_dim3A_1490 : vector<128x1xi32> to vector<128x16xi32>
    %select_n3A_1492 = arith.select %eq3A_1489, %broadcast_in_dim3A_1491, %select_n3A_1326 : vector<128x16xi1>, vector<128x16xi32>
    %broadcast_in_dim3A_1493 = arith.constant 0x7F800000 : f32
    %broadcast_in_dim3A_1494 = vector.broadcast %broadcast_in_dim3A_1493 : f32 to vector<128x1xf32>
    %get3A_1495 = arith.constant 0 : index
    %get3A_1496 = arith.constant 0 : index
    %get3A_1497 = vector.load %arg4[%get3A_1495, %get3A_1496] : memref<128x2048xf32, #tpu.memory_space<vmem>>, vector<128x512xf32>
    %reduce_min3A_1498 = arith.constant dense<0x7F800000> : vector<128xf32>
    %reduce_min3A_1499 = vector.multi_reduction <minimumf>, %get3A_1497, %reduce_min3A_1498 [1] : vector<128x512xf32> to vector<128xf32>
    %broadcast_in_dim3A_1500 = vector.shape_cast %reduce_min3A_1499 : vector<128xf32> to vector<128x1xf32>
    %min3A_1501 = arith.minimumf %broadcast_in_dim3A_1494, %broadcast_in_dim3A_1500 : vector<128x1xf32>
    %get3A_1502 = arith.constant 0 : index
    %get3A_1503 = arith.constant 512 : index
    %get3A_1504 = vector.load %arg4[%get3A_1502, %get3A_1503] : memref<128x2048xf32, #tpu.memory_space<vmem>>, vector<128x512xf32>
    %reduce_min3A_1505 = arith.constant dense<0x7F800000> : vector<128xf32>
    %reduce_min3A_1506 = vector.multi_reduction <minimumf>, %get3A_1504, %reduce_min3A_1505 [1] : vector<128x512xf32> to vector<128xf32>
    %broadcast_in_dim3A_1507 = vector.shape_cast %reduce_min3A_1506 : vector<128xf32> to vector<128x1xf32>
    %min3A_1508 = arith.minimumf %min3A_1501, %broadcast_in_dim3A_1507 : vector<128x1xf32>
    %get3A_1509 = arith.constant 0 : index
    %get3A_1510 = arith.constant 1024 : index
    %get3A_1511 = vector.load %arg4[%get3A_1509, %get3A_1510] : memref<128x2048xf32, #tpu.memory_space<vmem>>, vector<128x512xf32>
    %reduce_min3A_1512 = arith.constant dense<0x7F800000> : vector<128xf32>
    %reduce_min3A_1513 = vector.multi_reduction <minimumf>, %get3A_1511, %reduce_min3A_1512 [1] : vector<128x512xf32> to vector<128xf32>
    %broadcast_in_dim3A_1514 = vector.shape_cast %reduce_min3A_1513 : vector<128xf32> to vector<128x1xf32>
    %min3A_1515 = arith.minimumf %min3A_1508, %broadcast_in_dim3A_1514 : vector<128x1xf32>
    %get3A_1516 = arith.constant 0 : index
    %get3A_1517 = arith.constant 1536 : index
    %get3A_1518 = vector.load %arg4[%get3A_1516, %get3A_1517] : memref<128x2048xf32, #tpu.memory_space<vmem>>, vector<128x512xf32>
    %reduce_min3A_1519 = arith.constant dense<0x7F800000> : vector<128xf32>
    %reduce_min3A_1520 = vector.multi_reduction <minimumf>, %get3A_1518, %reduce_min3A_1519 [1] : vector<128x512xf32> to vector<128xf32>
    %broadcast_in_dim3A_1521 = vector.shape_cast %reduce_min3A_1520 : vector<128xf32> to vector<128x1xf32>
    %min3A_1522 = arith.minimumf %min3A_1515, %broadcast_in_dim3A_1521 : vector<128x1xf32>
    %broadcast_in_dim3A_1523 = arith.constant 2147483647 : i32
    %broadcast_in_dim3A_1524 = vector.broadcast %broadcast_in_dim3A_1523 : i32 to vector<128x1xi32>
    %get3A_1525 = arith.constant 0 : index
    %get3A_1526 = arith.constant 0 : index
    %get3A_1527 = vector.load %arg4[%get3A_1525, %get3A_1526] : memref<128x2048xf32, #tpu.memory_space<vmem>>, vector<128x512xf32>
    %eq3A_1528 = vector.broadcast %min3A_1522 : vector<128x1xf32> to vector<128x512xf32>
    %eq3A_1529 = arith.cmpf oeq, %get3A_1527, %eq3A_1528 : vector<128x512xf32>
    %get3A_1530 = arith.constant 0 : index
    %get3A_1531 = arith.constant 0 : index
    %get3A_1532 = vector.load %arg2[%get3A_1530, %get3A_1531] : memref<128x2048xi32, #tpu.memory_space<vmem>>, vector<128x512xi32>
    %jit3A_1533 = arith.constant 2147483647 : i32
    %broadcast_in_dim3A_1534 = vector.broadcast %jit3A_1533 : i32 to vector<128x512xi32>
    %select_n3A_1535 = arith.select %eq3A_1529, %get3A_1532, %broadcast_in_dim3A_1534 : vector<128x512xi1>, vector<128x512xi32>
    %reduce_min3A_1536 = arith.constant dense<2147483647> : vector<128xi32>
    %reduce_min3A_1537 = vector.multi_reduction <minsi>, %select_n3A_1535, %reduce_min3A_1536 [1] : vector<128x512xi32> to vector<128xi32>
    %broadcast_in_dim3A_1538 = vector.shape_cast %reduce_min3A_1537 : vector<128xi32> to vector<128x1xi32>
    %min3A_1539 = arith.minsi %broadcast_in_dim3A_1524, %broadcast_in_dim3A_1538 : vector<128x1xi32>
    %get3A_1540 = arith.constant 0 : index
    %get3A_1541 = arith.constant 512 : index
    %get3A_1542 = vector.load %arg4[%get3A_1540, %get3A_1541] : memref<128x2048xf32, #tpu.memory_space<vmem>>, vector<128x512xf32>
    %eq3A_1543 = vector.broadcast %min3A_1522 : vector<128x1xf32> to vector<128x512xf32>
    %eq3A_1544 = arith.cmpf oeq, %get3A_1542, %eq3A_1543 : vector<128x512xf32>
    %get3A_1545 = arith.constant 0 : index
    %get3A_1546 = arith.constant 512 : index
    %get3A_1547 = vector.load %arg2[%get3A_1545, %get3A_1546] : memref<128x2048xi32, #tpu.memory_space<vmem>>, vector<128x512xi32>
    %jit3A_1548 = arith.constant 2147483647 : i32
    %broadcast_in_dim3A_1549 = vector.broadcast %jit3A_1548 : i32 to vector<128x512xi32>
    %select_n3A_1550 = arith.select %eq3A_1544, %get3A_1547, %broadcast_in_dim3A_1549 : vector<128x512xi1>, vector<128x512xi32>
    %reduce_min3A_1551 = arith.constant dense<2147483647> : vector<128xi32>
    %reduce_min3A_1552 = vector.multi_reduction <minsi>, %select_n3A_1550, %reduce_min3A_1551 [1] : vector<128x512xi32> to vector<128xi32>
    %broadcast_in_dim3A_1553 = vector.shape_cast %reduce_min3A_1552 : vector<128xi32> to vector<128x1xi32>
    %min3A_1554 = arith.minsi %min3A_1539, %broadcast_in_dim3A_1553 : vector<128x1xi32>
    %get3A_1555 = arith.constant 0 : index
    %get3A_1556 = arith.constant 1024 : index
    %get3A_1557 = vector.load %arg4[%get3A_1555, %get3A_1556] : memref<128x2048xf32, #tpu.memory_space<vmem>>, vector<128x512xf32>
    %eq3A_1558 = vector.broadcast %min3A_1522 : vector<128x1xf32> to vector<128x512xf32>
    %eq3A_1559 = arith.cmpf oeq, %get3A_1557, %eq3A_1558 : vector<128x512xf32>
    %get3A_1560 = arith.constant 0 : index
    %get3A_1561 = arith.constant 1024 : index
    %get3A_1562 = vector.load %arg2[%get3A_1560, %get3A_1561] : memref<128x2048xi32, #tpu.memory_space<vmem>>, vector<128x512xi32>
    %jit3A_1563 = arith.constant 2147483647 : i32
    %broadcast_in_dim3A_1564 = vector.broadcast %jit3A_1563 : i32 to vector<128x512xi32>
    %select_n3A_1565 = arith.select %eq3A_1559, %get3A_1562, %broadcast_in_dim3A_1564 : vector<128x512xi1>, vector<128x512xi32>
    %reduce_min3A_1566 = arith.constant dense<2147483647> : vector<128xi32>
    %reduce_min3A_1567 = vector.multi_reduction <minsi>, %select_n3A_1565, %reduce_min3A_1566 [1] : vector<128x512xi32> to vector<128xi32>
    %broadcast_in_dim3A_1568 = vector.shape_cast %reduce_min3A_1567 : vector<128xi32> to vector<128x1xi32>
    %min3A_1569 = arith.minsi %min3A_1554, %broadcast_in_dim3A_1568 : vector<128x1xi32>
    %get3A_1570 = arith.constant 0 : index
    %get3A_1571 = arith.constant 1536 : index
    %get3A_1572 = vector.load %arg4[%get3A_1570, %get3A_1571] : memref<128x2048xf32, #tpu.memory_space<vmem>>, vector<128x512xf32>
    %eq3A_1573 = vector.broadcast %min3A_1522 : vector<128x1xf32> to vector<128x512xf32>
    %eq3A_1574 = arith.cmpf oeq, %get3A_1572, %eq3A_1573 : vector<128x512xf32>
    %get3A_1575 = arith.constant 0 : index
    %get3A_1576 = arith.constant 1536 : index
    %get3A_1577 = vector.load %arg2[%get3A_1575, %get3A_1576] : memref<128x2048xi32, #tpu.memory_space<vmem>>, vector<128x512xi32>
    %jit3A_1578 = arith.constant 2147483647 : i32
    %broadcast_in_dim3A_1579 = vector.broadcast %jit3A_1578 : i32 to vector<128x512xi32>
    %select_n3A_1580 = arith.select %eq3A_1574, %get3A_1577, %broadcast_in_dim3A_1579 : vector<128x512xi1>, vector<128x512xi32>
    %reduce_min3A_1581 = arith.constant dense<2147483647> : vector<128xi32>
    %reduce_min3A_1582 = vector.multi_reduction <minsi>, %select_n3A_1580, %reduce_min3A_1581 [1] : vector<128x512xi32> to vector<128xi32>
    %broadcast_in_dim3A_1583 = vector.shape_cast %reduce_min3A_1582 : vector<128xi32> to vector<128x1xi32>
    %min3A_1584 = arith.minsi %min3A_1569, %broadcast_in_dim3A_1583 : vector<128x1xi32>
    %get3A_1585 = arith.constant 0 : index
    %get3A_1586 = arith.constant 0 : index
    %get3A_1587 = vector.load %arg4[%get3A_1585, %get3A_1586] : memref<128x2048xf32, #tpu.memory_space<vmem>>, vector<128x512xf32>
    %eq3A_1588 = vector.broadcast %min3A_1522 : vector<128x1xf32> to vector<128x512xf32>
    %eq3A_1589 = arith.cmpf oeq, %get3A_1587, %eq3A_1588 : vector<128x512xf32>
    %get3A_1590 = arith.constant 0 : index
    %get3A_1591 = arith.constant 0 : index
    %get3A_1592 = vector.load %arg2[%get3A_1590, %get3A_1591] : memref<128x2048xi32, #tpu.memory_space<vmem>>, vector<128x512xi32>
    %eq3A_1593 = vector.broadcast %min3A_1584 : vector<128x1xi32> to vector<128x512xi32>
    %eq3A_1594 = arith.cmpi eq, %get3A_1592, %eq3A_1593 : vector<128x512xi32>
    %and3A_1595 = arith.andi %eq3A_1589, %eq3A_1594 : vector<128x512xi1>
    %jit3A_1596 = arith.constant 0x7F800000 : f32
    %broadcast_in_dim3A_1597 = vector.broadcast %jit3A_1596 : f32 to vector<128x512xf32>
    %select_n3A_1598 = arith.select %and3A_1595, %broadcast_in_dim3A_1597, %get3A_1587 : vector<128x512xi1>, vector<128x512xf32>
    %swap3A_1599 = arith.constant 0 : index
    %swap3A_1600 = arith.constant 0 : index
    %swap3A_1601 = vector.load %arg4[%swap3A_1599, %swap3A_1600] : memref<128x2048xf32, #tpu.memory_space<vmem>>, vector<128x512xf32>
    tpu.vector_store %arg4[%swap3A_1599, %swap3A_1600], %select_n3A_1598 {strides = array<i32>} : memref<128x2048xf32, #tpu.memory_space<vmem>>, vector<128x512xf32>,
    %get3A_1602 = arith.constant 0 : index
    %get3A_1603 = arith.constant 512 : index
    %get3A_1604 = vector.load %arg4[%get3A_1602, %get3A_1603] : memref<128x2048xf32, #tpu.memory_space<vmem>>, vector<128x512xf32>
    %eq3A_1605 = vector.broadcast %min3A_1522 : vector<128x1xf32> to vector<128x512xf32>
    %eq3A_1606 = arith.cmpf oeq, %get3A_1604, %eq3A_1605 : vector<128x512xf32>
    %get3A_1607 = arith.constant 0 : index
    %get3A_1608 = arith.constant 512 : index
    %get3A_1609 = vector.load %arg2[%get3A_1607, %get3A_1608] : memref<128x2048xi32, #tpu.memory_space<vmem>>, vector<128x512xi32>
    %eq3A_1610 = vector.broadcast %min3A_1584 : vector<128x1xi32> to vector<128x512xi32>
    %eq3A_1611 = arith.cmpi eq, %get3A_1609, %eq3A_1610 : vector<128x512xi32>
    %and3A_1612 = arith.andi %eq3A_1606, %eq3A_1611 : vector<128x512xi1>
    %jit3A_1613 = arith.constant 0x7F800000 : f32
    %broadcast_in_dim3A_1614 = vector.broadcast %jit3A_1613 : f32 to vector<128x512xf32>
    %select_n3A_1615 = arith.select %and3A_1612, %broadcast_in_dim3A_1614, %get3A_1604 : vector<128x512xi1>, vector<128x512xf32>
    %swap3A_1616 = arith.constant 0 : index
    %swap3A_1617 = arith.constant 512 : index
    %swap3A_1618 = vector.load %arg4[%swap3A_1616, %swap3A_1617] : memref<128x2048xf32, #tpu.memory_space<vmem>>, vector<128x512xf32>
    tpu.vector_store %arg4[%swap3A_1616, %swap3A_1617], %select_n3A_1615 {strides = array<i32>} : memref<128x2048xf32, #tpu.memory_space<vmem>>, vector<128x512xf32>,
    %get3A_1619 = arith.constant 0 : index
    %get3A_1620 = arith.constant 1024 : index
    %get3A_1621 = vector.load %arg4[%get3A_1619, %get3A_1620] : memref<128x2048xf32, #tpu.memory_space<vmem>>, vector<128x512xf32>
    %eq3A_1622 = vector.broadcast %min3A_1522 : vector<128x1xf32> to vector<128x512xf32>
    %eq3A_1623 = arith.cmpf oeq, %get3A_1621, %eq3A_1622 : vector<128x512xf32>
    %get3A_1624 = arith.constant 0 : index
    %get3A_1625 = arith.constant 1024 : index
    %get3A_1626 = vector.load %arg2[%get3A_1624, %get3A_1625] : memref<128x2048xi32, #tpu.memory_space<vmem>>, vector<128x512xi32>
    %eq3A_1627 = vector.broadcast %min3A_1584 : vector<128x1xi32> to vector<128x512xi32>
    %eq3A_1628 = arith.cmpi eq, %get3A_1626, %eq3A_1627 : vector<128x512xi32>
    %and3A_1629 = arith.andi %eq3A_1623, %eq3A_1628 : vector<128x512xi1>
    %jit3A_1630 = arith.constant 0x7F800000 : f32
    %broadcast_in_dim3A_1631 = vector.broadcast %jit3A_1630 : f32 to vector<128x512xf32>
    %select_n3A_1632 = arith.select %and3A_1629, %broadcast_in_dim3A_1631, %get3A_1621 : vector<128x512xi1>, vector<128x512xf32>
    %swap3A_1633 = arith.constant 0 : index
    %swap3A_1634 = arith.constant 1024 : index
    %swap3A_1635 = vector.load %arg4[%swap3A_1633, %swap3A_1634] : memref<128x2048xf32, #tpu.memory_space<vmem>>, vector<128x512xf32>
    tpu.vector_store %arg4[%swap3A_1633, %swap3A_1634], %select_n3A_1632 {strides = array<i32>} : memref<128x2048xf32, #tpu.memory_space<vmem>>, vector<128x512xf32>,
    %get3A_1636 = arith.constant 0 : index
    %get3A_1637 = arith.constant 1536 : index
    %get3A_1638 = vector.load %arg4[%get3A_1636, %get3A_1637] : memref<128x2048xf32, #tpu.memory_space<vmem>>, vector<128x512xf32>
    %eq3A_1639 = vector.broadcast %min3A_1522 : vector<128x1xf32> to vector<128x512xf32>
    %eq3A_1640 = arith.cmpf oeq, %get3A_1638, %eq3A_1639 : vector<128x512xf32>
    %get3A_1641 = arith.constant 0 : index
    %get3A_1642 = arith.constant 1536 : index
    %get3A_1643 = vector.load %arg2[%get3A_1641, %get3A_1642] : memref<128x2048xi32, #tpu.memory_space<vmem>>, vector<128x512xi32>
    %eq3A_1644 = vector.broadcast %min3A_1584 : vector<128x1xi32> to vector<128x512xi32>
    %eq3A_1645 = arith.cmpi eq, %get3A_1643, %eq3A_1644 : vector<128x512xi32>
    %and3A_1646 = arith.andi %eq3A_1640, %eq3A_1645 : vector<128x512xi1>
    %jit3A_1647 = arith.constant 0x7F800000 : f32
    %broadcast_in_dim3A_1648 = vector.broadcast %jit3A_1647 : f32 to vector<128x512xf32>
    %select_n3A_1649 = arith.select %and3A_1646, %broadcast_in_dim3A_1648, %get3A_1638 : vector<128x512xi1>, vector<128x512xf32>
    %swap3A_1650 = arith.constant 0 : index
    %swap3A_1651 = arith.constant 1536 : index
    %swap3A_1652 = vector.load %arg4[%swap3A_1650, %swap3A_1651] : memref<128x2048xf32, #tpu.memory_space<vmem>>, vector<128x512xf32>
    tpu.vector_store %arg4[%swap3A_1650, %swap3A_1651], %select_n3A_1649 {strides = array<i32>} : memref<128x2048xf32, #tpu.memory_space<vmem>>, vector<128x512xf32>,
    %eq3A_1653 = arith.constant 9 : i32
    %eq3A_1654 = vector.broadcast %eq3A_1653 : i32 to vector<128x16xi32>
    %eq3A_1655 = arith.cmpi eq, %iota3A, %eq3A_1654 : vector<128x16xi32>
    %broadcast_in_dim3A_1656 = vector.shape_cast %min3A_1584 : vector<128x1xi32> to vector<128x1xi32>
    %broadcast_in_dim3A_1657 = vector.broadcast %broadcast_in_dim3A_1656 : vector<128x1xi32> to vector<128x16xi32>
    %select_n3A_1658 = arith.select %eq3A_1655, %broadcast_in_dim3A_1657, %select_n3A_1492 : vector<128x16xi1>, vector<128x16xi32>
    %broadcast_in_dim3A_1659 = arith.constant 0x7F800000 : f32
    %broadcast_in_dim3A_1660 = vector.broadcast %broadcast_in_dim3A_1659 : f32 to vector<128x1xf32>
    %get3A_1661 = arith.constant 0 : index
    %get3A_1662 = arith.constant 0 : index
    %get3A_1663 = vector.load %arg4[%get3A_1661, %get3A_1662] : memref<128x2048xf32, #tpu.memory_space<vmem>>, vector<128x512xf32>
    %reduce_min3A_1664 = arith.constant dense<0x7F800000> : vector<128xf32>
    %reduce_min3A_1665 = vector.multi_reduction <minimumf>, %get3A_1663, %reduce_min3A_1664 [1] : vector<128x512xf32> to vector<128xf32>
    %broadcast_in_dim3A_1666 = vector.shape_cast %reduce_min3A_1665 : vector<128xf32> to vector<128x1xf32>
    %min3A_1667 = arith.minimumf %broadcast_in_dim3A_1660, %broadcast_in_dim3A_1666 : vector<128x1xf32>
    %get3A_1668 = arith.constant 0 : index
    %get3A_1669 = arith.constant 512 : index
    %get3A_1670 = vector.load %arg4[%get3A_1668, %get3A_1669] : memref<128x2048xf32, #tpu.memory_space<vmem>>, vector<128x512xf32>
    %reduce_min3A_1671 = arith.constant dense<0x7F800000> : vector<128xf32>
    %reduce_min3A_1672 = vector.multi_reduction <minimumf>, %get3A_1670, %reduce_min3A_1671 [1] : vector<128x512xf32> to vector<128xf32>
    %broadcast_in_dim3A_1673 = vector.shape_cast %reduce_min3A_1672 : vector<128xf32> to vector<128x1xf32>
    %min3A_1674 = arith.minimumf %min3A_1667, %broadcast_in_dim3A_1673 : vector<128x1xf32>
    %get3A_1675 = arith.constant 0 : index
    %get3A_1676 = arith.constant 1024 : index
    %get3A_1677 = vector.load %arg4[%get3A_1675, %get3A_1676] : memref<128x2048xf32, #tpu.memory_space<vmem>>, vector<128x512xf32>
    %reduce_min3A_1678 = arith.constant dense<0x7F800000> : vector<128xf32>
    %reduce_min3A_1679 = vector.multi_reduction <minimumf>, %get3A_1677, %reduce_min3A_1678 [1] : vector<128x512xf32> to vector<128xf32>
    %broadcast_in_dim3A_1680 = vector.shape_cast %reduce_min3A_1679 : vector<128xf32> to vector<128x1xf32>
    %min3A_1681 = arith.minimumf %min3A_1674, %broadcast_in_dim3A_1680 : vector<128x1xf32>
    %get3A_1682 = arith.constant 0 : index
    %get3A_1683 = arith.constant 1536 : index
    %get3A_1684 = vector.load %arg4[%get3A_1682, %get3A_1683] : memref<128x2048xf32, #tpu.memory_space<vmem>>, vector<128x512xf32>
    %reduce_min3A_1685 = arith.constant dense<0x7F800000> : vector<128xf32>
    %reduce_min3A_1686 = vector.multi_reduction <minimumf>, %get3A_1684, %reduce_min3A_1685 [1] : vector<128x512xf32> to vector<128xf32>
    %broadcast_in_dim3A_1687 = vector.shape_cast %reduce_min3A_1686 : vector<128xf32> to vector<128x1xf32>
    %min3A_1688 = arith.minimumf %min3A_1681, %broadcast_in_dim3A_1687 : vector<128x1xf32>
    %broadcast_in_dim3A_1689 = arith.constant 2147483647 : i32
    %broadcast_in_dim3A_1690 = vector.broadcast %broadcast_in_dim3A_1689 : i32 to vector<128x1xi32>
    %get3A_1691 = arith.constant 0 : index
    %get3A_1692 = arith.constant 0 : index
    %get3A_1693 = vector.load %arg4[%get3A_1691, %get3A_1692] : memref<128x2048xf32, #tpu.memory_space<vmem>>, vector<128x512xf32>
    %eq3A_1694 = vector.broadcast %min3A_1688 : vector<128x1xf32> to vector<128x512xf32>
    %eq3A_1695 = arith.cmpf oeq, %get3A_1693, %eq3A_1694 : vector<128x512xf32>
    %get3A_1696 = arith.constant 0 : index
    %get3A_1697 = arith.constant 0 : index
    %get3A_1698 = vector.load %arg2[%get3A_1696, %get3A_1697] : memref<128x2048xi32, #tpu.memory_space<vmem>>, vector<128x512xi32>
    %jit3A_1699 = arith.constant 2147483647 : i32
    %broadcast_in_dim3A_1700 = vector.broadcast %jit3A_1699 : i32 to vector<128x512xi32>
    %select_n3A_1701 = arith.select %eq3A_1695, %get3A_1698, %broadcast_in_dim3A_1700 : vector<128x512xi1>, vector<128x512xi32>
    %reduce_min3A_1702 = arith.constant dense<2147483647> : vector<128xi32>
    %reduce_min3A_1703 = vector.multi_reduction <minsi>, %select_n3A_1701, %reduce_min3A_1702 [1] : vector<128x512xi32> to vector<128xi32>
    %broadcast_in_dim3A_1704 = vector.shape_cast %reduce_min3A_1703 : vector<128xi32> to vector<128x1xi32>
    %min3A_1705 = arith.minsi %broadcast_in_dim3A_1690, %broadcast_in_dim3A_1704 : vector<128x1xi32>
    %get3A_1706 = arith.constant 0 : index
    %get3A_1707 = arith.constant 512 : index
    %get3A_1708 = vector.load %arg4[%get3A_1706, %get3A_1707] : memref<128x2048xf32, #tpu.memory_space<vmem>>, vector<128x512xf32>
    %eq3A_1709 = vector.broadcast %min3A_1688 : vector<128x1xf32> to vector<128x512xf32>
    %eq3A_1710 = arith.cmpf oeq, %get3A_1708, %eq3A_1709 : vector<128x512xf32>
    %get3A_1711 = arith.constant 0 : index
    %get3A_1712 = arith.constant 512 : index
    %get3A_1713 = vector.load %arg2[%get3A_1711, %get3A_1712] : memref<128x2048xi32, #tpu.memory_space<vmem>>, vector<128x512xi32>
    %jit3A_1714 = arith.constant 2147483647 : i32
    %broadcast_in_dim3A_1715 = vector.broadcast %jit3A_1714 : i32 to vector<128x512xi32>
    %select_n3A_1716 = arith.select %eq3A_1710, %get3A_1713, %broadcast_in_dim3A_1715 : vector<128x512xi1>, vector<128x512xi32>
    %reduce_min3A_1717 = arith.constant dense<2147483647> : vector<128xi32>
    %reduce_min3A_1718 = vector.multi_reduction <minsi>, %select_n3A_1716, %reduce_min3A_1717 [1] : vector<128x512xi32> to vector<128xi32>
    %broadcast_in_dim3A_1719 = vector.shape_cast %reduce_min3A_1718 : vector<128xi32> to vector<128x1xi32>
    %min3A_1720 = arith.minsi %min3A_1705, %broadcast_in_dim3A_1719 : vector<128x1xi32>
    %get3A_1721 = arith.constant 0 : index
    %get3A_1722 = arith.constant 1024 : index
    %get3A_1723 = vector.load %arg4[%get3A_1721, %get3A_1722] : memref<128x2048xf32, #tpu.memory_space<vmem>>, vector<128x512xf32>
    %eq3A_1724 = vector.broadcast %min3A_1688 : vector<128x1xf32> to vector<128x512xf32>
    %eq3A_1725 = arith.cmpf oeq, %get3A_1723, %eq3A_1724 : vector<128x512xf32>
    %get3A_1726 = arith.constant 0 : index
    %get3A_1727 = arith.constant 1024 : index
    %get3A_1728 = vector.load %arg2[%get3A_1726, %get3A_1727] : memref<128x2048xi32, #tpu.memory_space<vmem>>, vector<128x512xi32>
    %jit3A_1729 = arith.constant 2147483647 : i32
    %broadcast_in_dim3A_1730 = vector.broadcast %jit3A_1729 : i32 to vector<128x512xi32>
    %select_n3A_1731 = arith.select %eq3A_1725, %get3A_1728, %broadcast_in_dim3A_1730 : vector<128x512xi1>, vector<128x512xi32>
    %reduce_min3A_1732 = arith.constant dense<2147483647> : vector<128xi32>
    %reduce_min3A_1733 = vector.multi_reduction <minsi>, %select_n3A_1731, %reduce_min3A_1732 [1] : vector<128x512xi32> to vector<128xi32>
    %broadcast_in_dim3A_1734 = vector.shape_cast %reduce_min3A_1733 : vector<128xi32> to vector<128x1xi32>
    %min3A_1735 = arith.minsi %min3A_1720, %broadcast_in_dim3A_1734 : vector<128x1xi32>
    %get3A_1736 = arith.constant 0 : index
    %get3A_1737 = arith.constant 1536 : index
    %get3A_1738 = vector.load %arg4[%get3A_1736, %get3A_1737] : memref<128x2048xf32, #tpu.memory_space<vmem>>, vector<128x512xf32>
    %eq3A_1739 = vector.broadcast %min3A_1688 : vector<128x1xf32> to vector<128x512xf32>
    %eq3A_1740 = arith.cmpf oeq, %get3A_1738, %eq3A_1739 : vector<128x512xf32>
    %get3A_1741 = arith.constant 0 : index
    %get3A_1742 = arith.constant 1536 : index
    %get3A_1743 = vector.load %arg2[%get3A_1741, %get3A_1742] : memref<128x2048xi32, #tpu.memory_space<vmem>>, vector<128x512xi32>
    %jit3A_1744 = arith.constant 2147483647 : i32
    %broadcast_in_dim3A_1745 = vector.broadcast %jit3A_1744 : i32 to vector<128x512xi32>
    %select_n3A_1746 = arith.select %eq3A_1740, %get3A_1743, %broadcast_in_dim3A_1745 : vector<128x512xi1>, vector<128x512xi32>
    %reduce_min3A_1747 = arith.constant dense<2147483647> : vector<128xi32>
    %reduce_min3A_1748 = vector.multi_reduction <minsi>, %select_n3A_1746, %reduce_min3A_1747 [1] : vector<128x512xi32> to vector<128xi32>
    %broadcast_in_dim3A_1749 = vector.shape_cast %reduce_min3A_1748 : vector<128xi32> to vector<128x1xi32>
    %min3A_1750 = arith.minsi %min3A_1735, %broadcast_in_dim3A_1749 : vector<128x1xi32>
    %get3A_1751 = arith.constant 0 : index
    %get3A_1752 = arith.constant 0 : index
    %get3A_1753 = vector.load %arg4[%get3A_1751, %get3A_1752] : memref<128x2048xf32, #tpu.memory_space<vmem>>, vector<128x512xf32>
    %eq3A_1754 = vector.broadcast %min3A_1688 : vector<128x1xf32> to vector<128x512xf32>
    %eq3A_1755 = arith.cmpf oeq, %get3A_1753, %eq3A_1754 : vector<128x512xf32>
    %get3A_1756 = arith.constant 0 : index
    %get3A_1757 = arith.constant 0 : index
    %get3A_1758 = vector.load %arg2[%get3A_1756, %get3A_1757] : memref<128x2048xi32, #tpu.memory_space<vmem>>, vector<128x512xi32>
    %eq3A_1759 = vector.broadcast %min3A_1750 : vector<128x1xi32> to vector<128x512xi32>
    %eq3A_1760 = arith.cmpi eq, %get3A_1758, %eq3A_1759 : vector<128x512xi32>
    %and3A_1761 = arith.andi %eq3A_1755, %eq3A_1760 : vector<128x512xi1>
    %jit3A_1762 = arith.constant 0x7F800000 : f32
    %broadcast_in_dim3A_1763 = vector.broadcast %jit3A_1762 : f32 to vector<128x512xf32>
    %select_n3A_1764 = arith.select %and3A_1761, %broadcast_in_dim3A_1763, %get3A_1753 : vector<128x512xi1>, vector<128x512xf32>
    %swap3A_1765 = arith.constant 0 : index
    %swap3A_1766 = arith.constant 0 : index
    %swap3A_1767 = vector.load %arg4[%swap3A_1765, %swap3A_1766] : memref<128x2048xf32, #tpu.memory_space<vmem>>, vector<128x512xf32>
    tpu.vector_store %arg4[%swap3A_1765, %swap3A_1766], %select_n3A_1764 {strides = array<i32>} : memref<128x2048xf32, #tpu.memory_space<vmem>>, vector<128x512xf32>,
    %get3A_1768 = arith.constant 0 : index
    %get3A_1769 = arith.constant 512 : index
    %get3A_1770 = vector.load %arg4[%get3A_1768, %get3A_1769] : memref<128x2048xf32, #tpu.memory_space<vmem>>, vector<128x512xf32>
    %eq3A_1771 = vector.broadcast %min3A_1688 : vector<128x1xf32> to vector<128x512xf32>
    %eq3A_1772 = arith.cmpf oeq, %get3A_1770, %eq3A_1771 : vector<128x512xf32>
    %get3A_1773 = arith.constant 0 : index
    %get3A_1774 = arith.constant 512 : index
    %get3A_1775 = vector.load %arg2[%get3A_1773, %get3A_1774] : memref<128x2048xi32, #tpu.memory_space<vmem>>, vector<128x512xi32>
    %eq3A_1776 = vector.broadcast %min3A_1750 : vector<128x1xi32> to vector<128x512xi32>
    %eq3A_1777 = arith.cmpi eq, %get3A_1775, %eq3A_1776 : vector<128x512xi32>
    %and3A_1778 = arith.andi %eq3A_1772, %eq3A_1777 : vector<128x512xi1>
    %jit3A_1779 = arith.constant 0x7F800000 : f32
    %broadcast_in_dim3A_1780 = vector.broadcast %jit3A_1779 : f32 to vector<128x512xf32>
    %select_n3A_1781 = arith.select %and3A_1778, %broadcast_in_dim3A_1780, %get3A_1770 : vector<128x512xi1>, vector<128x512xf32>
    %swap3A_1782 = arith.constant 0 : index
    %swap3A_1783 = arith.constant 512 : index
    %swap3A_1784 = vector.load %arg4[%swap3A_1782, %swap3A_1783] : memref<128x2048xf32, #tpu.memory_space<vmem>>, vector<128x512xf32>
    tpu.vector_store %arg4[%swap3A_1782, %swap3A_1783], %select_n3A_1781 {strides = array<i32>} : memref<128x2048xf32, #tpu.memory_space<vmem>>, vector<128x512xf32>,
    %get3A_1785 = arith.constant 0 : index
    %get3A_1786 = arith.constant 1024 : index
    %get3A_1787 = vector.load %arg4[%get3A_1785, %get3A_1786] : memref<128x2048xf32, #tpu.memory_space<vmem>>, vector<128x512xf32>
    %eq3A_1788 = vector.broadcast %min3A_1688 : vector<128x1xf32> to vector<128x512xf32>
    %eq3A_1789 = arith.cmpf oeq, %get3A_1787, %eq3A_1788 : vector<128x512xf32>
    %get3A_1790 = arith.constant 0 : index
    %get3A_1791 = arith.constant 1024 : index
    %get3A_1792 = vector.load %arg2[%get3A_1790, %get3A_1791] : memref<128x2048xi32, #tpu.memory_space<vmem>>, vector<128x512xi32>
    %eq3A_1793 = vector.broadcast %min3A_1750 : vector<128x1xi32> to vector<128x512xi32>
    %eq3A_1794 = arith.cmpi eq, %get3A_1792, %eq3A_1793 : vector<128x512xi32>
    %and3A_1795 = arith.andi %eq3A_1789, %eq3A_1794 : vector<128x512xi1>
    %jit3A_1796 = arith.constant 0x7F800000 : f32
    %broadcast_in_dim3A_1797 = vector.broadcast %jit3A_1796 : f32 to vector<128x512xf32>
    %select_n3A_1798 = arith.select %and3A_1795, %broadcast_in_dim3A_1797, %get3A_1787 : vector<128x512xi1>, vector<128x512xf32>
    %swap3A_1799 = arith.constant 0 : index
    %swap3A_1800 = arith.constant 1024 : index
    %swap3A_1801 = vector.load %arg4[%swap3A_1799, %swap3A_1800] : memref<128x2048xf32, #tpu.memory_space<vmem>>, vector<128x512xf32>
    tpu.vector_store %arg4[%swap3A_1799, %swap3A_1800], %select_n3A_1798 {strides = array<i32>} : memref<128x2048xf32, #tpu.memory_space<vmem>>, vector<128x512xf32>,
    %get3A_1802 = arith.constant 0 : index
    %get3A_1803 = arith.constant 1536 : index
    %get3A_1804 = vector.load %arg4[%get3A_1802, %get3A_1803] : memref<128x2048xf32, #tpu.memory_space<vmem>>, vector<128x512xf32>
    %eq3A_1805 = vector.broadcast %min3A_1688 : vector<128x1xf32> to vector<128x512xf32>
    %eq3A_1806 = arith.cmpf oeq, %get3A_1804, %eq3A_1805 : vector<128x512xf32>
    %get3A_1807 = arith.constant 0 : index
    %get3A_1808 = arith.constant 1536 : index
    %get3A_1809 = vector.load %arg2[%get3A_1807, %get3A_1808] : memref<128x2048xi32, #tpu.memory_space<vmem>>, vector<128x512xi32>
    %eq3A_1810 = vector.broadcast %min3A_1750 : vector<128x1xi32> to vector<128x512xi32>
    %eq3A_1811 = arith.cmpi eq, %get3A_1809, %eq3A_1810 : vector<128x512xi32>
    %and3A_1812 = arith.andi %eq3A_1806, %eq3A_1811 : vector<128x512xi1>
    %jit3A_1813 = arith.constant 0x7F800000 : f32
    %broadcast_in_dim3A_1814 = vector.broadcast %jit3A_1813 : f32 to vector<128x512xf32>
    %select_n3A_1815 = arith.select %and3A_1812, %broadcast_in_dim3A_1814, %get3A_1804 : vector<128x512xi1>, vector<128x512xf32>
    %swap3A_1816 = arith.constant 0 : index
    %swap3A_1817 = arith.constant 1536 : index
    %swap3A_1818 = vector.load %arg4[%swap3A_1816, %swap3A_1817] : memref<128x2048xf32, #tpu.memory_space<vmem>>, vector<128x512xf32>
    tpu.vector_store %arg4[%swap3A_1816, %swap3A_1817], %select_n3A_1815 {strides = array<i32>} : memref<128x2048xf32, #tpu.memory_space<vmem>>, vector<128x512xf32>,
    %eq3A_1819 = arith.constant 10 : i32
    %eq3A_1820 = vector.broadcast %eq3A_1819 : i32 to vector<128x16xi32>
    %eq3A_1821 = arith.cmpi eq, %iota3A, %eq3A_1820 : vector<128x16xi32>
    %broadcast_in_dim3A_1822 = vector.shape_cast %min3A_1750 : vector<128x1xi32> to vector<128x1xi32>
    %broadcast_in_dim3A_1823 = vector.broadcast %broadcast_in_dim3A_1822 : vector<128x1xi32> to vector<128x16xi32>
    %select_n3A_1824 = arith.select %eq3A_1821, %broadcast_in_dim3A_1823, %select_n3A_1658 : vector<128x16xi1>, vector<128x16xi32>
    %broadcast_in_dim3A_1825 = arith.constant 0x7F800000 : f32
    %broadcast_in_dim3A_1826 = vector.broadcast %broadcast_in_dim3A_1825 : f32 to vector<128x1xf32>
    %get3A_1827 = arith.constant 0 : index
    %get3A_1828 = arith.constant 0 : index
    %get3A_1829 = vector.load %arg4[%get3A_1827, %get3A_1828] : memref<128x2048xf32, #tpu.memory_space<vmem>>, vector<128x512xf32>
    %reduce_min3A_1830 = arith.constant dense<0x7F800000> : vector<128xf32>
    %reduce_min3A_1831 = vector.multi_reduction <minimumf>, %get3A_1829, %reduce_min3A_1830 [1] : vector<128x512xf32> to vector<128xf32>
    %broadcast_in_dim3A_1832 = vector.shape_cast %reduce_min3A_1831 : vector<128xf32> to vector<128x1xf32>
    %min3A_1833 = arith.minimumf %broadcast_in_dim3A_1826, %broadcast_in_dim3A_1832 : vector<128x1xf32>
    %get3A_1834 = arith.constant 0 : index
    %get3A_1835 = arith.constant 512 : index
    %get3A_1836 = vector.load %arg4[%get3A_1834, %get3A_1835] : memref<128x2048xf32, #tpu.memory_space<vmem>>, vector<128x512xf32>
    %reduce_min3A_1837 = arith.constant dense<0x7F800000> : vector<128xf32>
    %reduce_min3A_1838 = vector.multi_reduction <minimumf>, %get3A_1836, %reduce_min3A_1837 [1] : vector<128x512xf32> to vector<128xf32>
    %broadcast_in_dim3A_1839 = vector.shape_cast %reduce_min3A_1838 : vector<128xf32> to vector<128x1xf32>
    %min3A_1840 = arith.minimumf %min3A_1833, %broadcast_in_dim3A_1839 : vector<128x1xf32>
    %get3A_1841 = arith.constant 0 : index
    %get3A_1842 = arith.constant 1024 : index
    %get3A_1843 = vector.load %arg4[%get3A_1841, %get3A_1842] : memref<128x2048xf32, #tpu.memory_space<vmem>>, vector<128x512xf32>
    %reduce_min3A_1844 = arith.constant dense<0x7F800000> : vector<128xf32>
    %reduce_min3A_1845 = vector.multi_reduction <minimumf>, %get3A_1843, %reduce_min3A_1844 [1] : vector<128x512xf32> to vector<128xf32>
    %broadcast_in_dim3A_1846 = vector.shape_cast %reduce_min3A_1845 : vector<128xf32> to vector<128x1xf32>
    %min3A_1847 = arith.minimumf %min3A_1840, %broadcast_in_dim3A_1846 : vector<128x1xf32>
    %get3A_1848 = arith.constant 0 : index
    %get3A_1849 = arith.constant 1536 : index
    %get3A_1850 = vector.load %arg4[%get3A_1848, %get3A_1849] : memref<128x2048xf32, #tpu.memory_space<vmem>>, vector<128x512xf32>
    %reduce_min3A_1851 = arith.constant dense<0x7F800000> : vector<128xf32>
    %reduce_min3A_1852 = vector.multi_reduction <minimumf>, %get3A_1850, %reduce_min3A_1851 [1] : vector<128x512xf32> to vector<128xf32>
    %broadcast_in_dim3A_1853 = vector.shape_cast %reduce_min3A_1852 : vector<128xf32> to vector<128x1xf32>
    %min3A_1854 = arith.minimumf %min3A_1847, %broadcast_in_dim3A_1853 : vector<128x1xf32>
    %broadcast_in_dim3A_1855 = arith.constant 2147483647 : i32
    %broadcast_in_dim3A_1856 = vector.broadcast %broadcast_in_dim3A_1855 : i32 to vector<128x1xi32>
    %get3A_1857 = arith.constant 0 : index
    %get3A_1858 = arith.constant 0 : index
    %get3A_1859 = vector.load %arg4[%get3A_1857, %get3A_1858] : memref<128x2048xf32, #tpu.memory_space<vmem>>, vector<128x512xf32>
    %eq3A_1860 = vector.broadcast %min3A_1854 : vector<128x1xf32> to vector<128x512xf32>
    %eq3A_1861 = arith.cmpf oeq, %get3A_1859, %eq3A_1860 : vector<128x512xf32>
    %get3A_1862 = arith.constant 0 : index
    %get3A_1863 = arith.constant 0 : index
    %get3A_1864 = vector.load %arg2[%get3A_1862, %get3A_1863] : memref<128x2048xi32, #tpu.memory_space<vmem>>, vector<128x512xi32>
    %jit3A_1865 = arith.constant 2147483647 : i32
    %broadcast_in_dim3A_1866 = vector.broadcast %jit3A_1865 : i32 to vector<128x512xi32>
    %select_n3A_1867 = arith.select %eq3A_1861, %get3A_1864, %broadcast_in_dim3A_1866 : vector<128x512xi1>, vector<128x512xi32>
    %reduce_min3A_1868 = arith.constant dense<2147483647> : vector<128xi32>
    %reduce_min3A_1869 = vector.multi_reduction <minsi>, %select_n3A_1867, %reduce_min3A_1868 [1] : vector<128x512xi32> to vector<128xi32>
    %broadcast_in_dim3A_1870 = vector.shape_cast %reduce_min3A_1869 : vector<128xi32> to vector<128x1xi32>
    %min3A_1871 = arith.minsi %broadcast_in_dim3A_1856, %broadcast_in_dim3A_1870 : vector<128x1xi32>
    %get3A_1872 = arith.constant 0 : index
    %get3A_1873 = arith.constant 512 : index
    %get3A_1874 = vector.load %arg4[%get3A_1872, %get3A_1873] : memref<128x2048xf32, #tpu.memory_space<vmem>>, vector<128x512xf32>
    %eq3A_1875 = vector.broadcast %min3A_1854 : vector<128x1xf32> to vector<128x512xf32>
    %eq3A_1876 = arith.cmpf oeq, %get3A_1874, %eq3A_1875 : vector<128x512xf32>
    %get3A_1877 = arith.constant 0 : index
    %get3A_1878 = arith.constant 512 : index
    %get3A_1879 = vector.load %arg2[%get3A_1877, %get3A_1878] : memref<128x2048xi32, #tpu.memory_space<vmem>>, vector<128x512xi32>
    %jit3A_1880 = arith.constant 2147483647 : i32
    %broadcast_in_dim3A_1881 = vector.broadcast %jit3A_1880 : i32 to vector<128x512xi32>
    %select_n3A_1882 = arith.select %eq3A_1876, %get3A_1879, %broadcast_in_dim3A_1881 : vector<128x512xi1>, vector<128x512xi32>
    %reduce_min3A_1883 = arith.constant dense<2147483647> : vector<128xi32>
    %reduce_min3A_1884 = vector.multi_reduction <minsi>, %select_n3A_1882, %reduce_min3A_1883 [1] : vector<128x512xi32> to vector<128xi32>
    %broadcast_in_dim3A_1885 = vector.shape_cast %reduce_min3A_1884 : vector<128xi32> to vector<128x1xi32>
    %min3A_1886 = arith.minsi %min3A_1871, %broadcast_in_dim3A_1885 : vector<128x1xi32>
    %get3A_1887 = arith.constant 0 : index
    %get3A_1888 = arith.constant 1024 : index
    %get3A_1889 = vector.load %arg4[%get3A_1887, %get3A_1888] : memref<128x2048xf32, #tpu.memory_space<vmem>>, vector<128x512xf32>
    %eq3A_1890 = vector.broadcast %min3A_1854 : vector<128x1xf32> to vector<128x512xf32>
    %eq3A_1891 = arith.cmpf oeq, %get3A_1889, %eq3A_1890 : vector<128x512xf32>
    %get3A_1892 = arith.constant 0 : index
    %get3A_1893 = arith.constant 1024 : index
    %get3A_1894 = vector.load %arg2[%get3A_1892, %get3A_1893] : memref<128x2048xi32, #tpu.memory_space<vmem>>, vector<128x512xi32>
    %jit3A_1895 = arith.constant 2147483647 : i32
    %broadcast_in_dim3A_1896 = vector.broadcast %jit3A_1895 : i32 to vector<128x512xi32>
    %select_n3A_1897 = arith.select %eq3A_1891, %get3A_1894, %broadcast_in_dim3A_1896 : vector<128x512xi1>, vector<128x512xi32>
    %reduce_min3A_1898 = arith.constant dense<2147483647> : vector<128xi32>
    %reduce_min3A_1899 = vector.multi_reduction <minsi>, %select_n3A_1897, %reduce_min3A_1898 [1] : vector<128x512xi32> to vector<128xi32>
    %broadcast_in_dim3A_1900 = vector.shape_cast %reduce_min3A_1899 : vector<128xi32> to vector<128x1xi32>
    %min3A_1901 = arith.minsi %min3A_1886, %broadcast_in_dim3A_1900 : vector<128x1xi32>
    %get3A_1902 = arith.constant 0 : index
    %get3A_1903 = arith.constant 1536 : index
    %get3A_1904 = vector.load %arg4[%get3A_1902, %get3A_1903] : memref<128x2048xf32, #tpu.memory_space<vmem>>, vector<128x512xf32>
    %eq3A_1905 = vector.broadcast %min3A_1854 : vector<128x1xf32> to vector<128x512xf32>
    %eq3A_1906 = arith.cmpf oeq, %get3A_1904, %eq3A_1905 : vector<128x512xf32>
    %get3A_1907 = arith.constant 0 : index
    %get3A_1908 = arith.constant 1536 : index
    %get3A_1909 = vector.load %arg2[%get3A_1907, %get3A_1908] : memref<128x2048xi32, #tpu.memory_space<vmem>>, vector<128x512xi32>
    %jit3A_1910 = arith.constant 2147483647 : i32
    %broadcast_in_dim3A_1911 = vector.broadcast %jit3A_1910 : i32 to vector<128x512xi32>
    %select_n3A_1912 = arith.select %eq3A_1906, %get3A_1909, %broadcast_in_dim3A_1911 : vector<128x512xi1>, vector<128x512xi32>
    %reduce_min3A_1913 = arith.constant dense<2147483647> : vector<128xi32>
    %reduce_min3A_1914 = vector.multi_reduction <minsi>, %select_n3A_1912, %reduce_min3A_1913 [1] : vector<128x512xi32> to vector<128xi32>
    %broadcast_in_dim3A_1915 = vector.shape_cast %reduce_min3A_1914 : vector<128xi32> to vector<128x1xi32>
    %min3A_1916 = arith.minsi %min3A_1901, %broadcast_in_dim3A_1915 : vector<128x1xi32>
    %get3A_1917 = arith.constant 0 : index
    %get3A_1918 = arith.constant 0 : index
    %get3A_1919 = vector.load %arg4[%get3A_1917, %get3A_1918] : memref<128x2048xf32, #tpu.memory_space<vmem>>, vector<128x512xf32>
    %eq3A_1920 = vector.broadcast %min3A_1854 : vector<128x1xf32> to vector<128x512xf32>
    %eq3A_1921 = arith.cmpf oeq, %get3A_1919, %eq3A_1920 : vector<128x512xf32>
    %get3A_1922 = arith.constant 0 : index
    %get3A_1923 = arith.constant 0 : index
    %get3A_1924 = vector.load %arg2[%get3A_1922, %get3A_1923] : memref<128x2048xi32, #tpu.memory_space<vmem>>, vector<128x512xi32>
    %eq3A_1925 = vector.broadcast %min3A_1916 : vector<128x1xi32> to vector<128x512xi32>
    %eq3A_1926 = arith.cmpi eq, %get3A_1924, %eq3A_1925 : vector<128x512xi32>
    %and3A_1927 = arith.andi %eq3A_1921, %eq3A_1926 : vector<128x512xi1>
    %jit3A_1928 = arith.constant 0x7F800000 : f32
    %broadcast_in_dim3A_1929 = vector.broadcast %jit3A_1928 : f32 to vector<128x512xf32>
    %select_n3A_1930 = arith.select %and3A_1927, %broadcast_in_dim3A_1929, %get3A_1919 : vector<128x512xi1>, vector<128x512xf32>
    %swap3A_1931 = arith.constant 0 : index
    %swap3A_1932 = arith.constant 0 : index
    %swap3A_1933 = vector.load %arg4[%swap3A_1931, %swap3A_1932] : memref<128x2048xf32, #tpu.memory_space<vmem>>, vector<128x512xf32>
    tpu.vector_store %arg4[%swap3A_1931, %swap3A_1932], %select_n3A_1930 {strides = array<i32>} : memref<128x2048xf32, #tpu.memory_space<vmem>>, vector<128x512xf32>,
    %get3A_1934 = arith.constant 0 : index
    %get3A_1935 = arith.constant 512 : index
    %get3A_1936 = vector.load %arg4[%get3A_1934, %get3A_1935] : memref<128x2048xf32, #tpu.memory_space<vmem>>, vector<128x512xf32>
    %eq3A_1937 = vector.broadcast %min3A_1854 : vector<128x1xf32> to vector<128x512xf32>
    %eq3A_1938 = arith.cmpf oeq, %get3A_1936, %eq3A_1937 : vector<128x512xf32>
    %get3A_1939 = arith.constant 0 : index
    %get3A_1940 = arith.constant 512 : index
    %get3A_1941 = vector.load %arg2[%get3A_1939, %get3A_1940] : memref<128x2048xi32, #tpu.memory_space<vmem>>, vector<128x512xi32>
    %eq3A_1942 = vector.broadcast %min3A_1916 : vector<128x1xi32> to vector<128x512xi32>
    %eq3A_1943 = arith.cmpi eq, %get3A_1941, %eq3A_1942 : vector<128x512xi32>
    %and3A_1944 = arith.andi %eq3A_1938, %eq3A_1943 : vector<128x512xi1>
    %jit3A_1945 = arith.constant 0x7F800000 : f32
    %broadcast_in_dim3A_1946 = vector.broadcast %jit3A_1945 : f32 to vector<128x512xf32>
    %select_n3A_1947 = arith.select %and3A_1944, %broadcast_in_dim3A_1946, %get3A_1936 : vector<128x512xi1>, vector<128x512xf32>
    %swap3A_1948 = arith.constant 0 : index
    %swap3A_1949 = arith.constant 512 : index
    %swap3A_1950 = vector.load %arg4[%swap3A_1948, %swap3A_1949] : memref<128x2048xf32, #tpu.memory_space<vmem>>, vector<128x512xf32>
    tpu.vector_store %arg4[%swap3A_1948, %swap3A_1949], %select_n3A_1947 {strides = array<i32>} : memref<128x2048xf32, #tpu.memory_space<vmem>>, vector<128x512xf32>,
    %get3A_1951 = arith.constant 0 : index
    %get3A_1952 = arith.constant 1024 : index
    %get3A_1953 = vector.load %arg4[%get3A_1951, %get3A_1952] : memref<128x2048xf32, #tpu.memory_space<vmem>>, vector<128x512xf32>
    %eq3A_1954 = vector.broadcast %min3A_1854 : vector<128x1xf32> to vector<128x512xf32>
    %eq3A_1955 = arith.cmpf oeq, %get3A_1953, %eq3A_1954 : vector<128x512xf32>
    %get3A_1956 = arith.constant 0 : index
    %get3A_1957 = arith.constant 1024 : index
    %get3A_1958 = vector.load %arg2[%get3A_1956, %get3A_1957] : memref<128x2048xi32, #tpu.memory_space<vmem>>, vector<128x512xi32>
    %eq3A_1959 = vector.broadcast %min3A_1916 : vector<128x1xi32> to vector<128x512xi32>
    %eq3A_1960 = arith.cmpi eq, %get3A_1958, %eq3A_1959 : vector<128x512xi32>
    %and3A_1961 = arith.andi %eq3A_1955, %eq3A_1960 : vector<128x512xi1>
    %jit3A_1962 = arith.constant 0x7F800000 : f32
    %broadcast_in_dim3A_1963 = vector.broadcast %jit3A_1962 : f32 to vector<128x512xf32>
    %select_n3A_1964 = arith.select %and3A_1961, %broadcast_in_dim3A_1963, %get3A_1953 : vector<128x512xi1>, vector<128x512xf32>
    %swap3A_1965 = arith.constant 0 : index
    %swap3A_1966 = arith.constant 1024 : index
    %swap3A_1967 = vector.load %arg4[%swap3A_1965, %swap3A_1966] : memref<128x2048xf32, #tpu.memory_space<vmem>>, vector<128x512xf32>
    tpu.vector_store %arg4[%swap3A_1965, %swap3A_1966], %select_n3A_1964 {strides = array<i32>} : memref<128x2048xf32, #tpu.memory_space<vmem>>, vector<128x512xf32>,
    %get3A_1968 = arith.constant 0 : index
    %get3A_1969 = arith.constant 1536 : index
    %get3A_1970 = vector.load %arg4[%get3A_1968, %get3A_1969] : memref<128x2048xf32, #tpu.memory_space<vmem>>, vector<128x512xf32>
    %eq3A_1971 = vector.broadcast %min3A_1854 : vector<128x1xf32> to vector<128x512xf32>
    %eq3A_1972 = arith.cmpf oeq, %get3A_1970, %eq3A_1971 : vector<128x512xf32>
    %get3A_1973 = arith.constant 0 : index
    %get3A_1974 = arith.constant 1536 : index
    %get3A_1975 = vector.load %arg2[%get3A_1973, %get3A_1974] : memref<128x2048xi32, #tpu.memory_space<vmem>>, vector<128x512xi32>
    %eq3A_1976 = vector.broadcast %min3A_1916 : vector<128x1xi32> to vector<128x512xi32>
    %eq3A_1977 = arith.cmpi eq, %get3A_1975, %eq3A_1976 : vector<128x512xi32>
    %and3A_1978 = arith.andi %eq3A_1972, %eq3A_1977 : vector<128x512xi1>
    %jit3A_1979 = arith.constant 0x7F800000 : f32
    %broadcast_in_dim3A_1980 = vector.broadcast %jit3A_1979 : f32 to vector<128x512xf32>
    %select_n3A_1981 = arith.select %and3A_1978, %broadcast_in_dim3A_1980, %get3A_1970 : vector<128x512xi1>, vector<128x512xf32>
    %swap3A_1982 = arith.constant 0 : index
    %swap3A_1983 = arith.constant 1536 : index
    %swap3A_1984 = vector.load %arg4[%swap3A_1982, %swap3A_1983] : memref<128x2048xf32, #tpu.memory_space<vmem>>, vector<128x512xf32>
    tpu.vector_store %arg4[%swap3A_1982, %swap3A_1983], %select_n3A_1981 {strides = array<i32>} : memref<128x2048xf32, #tpu.memory_space<vmem>>, vector<128x512xf32>,
    %eq3A_1985 = arith.constant 11 : i32
    %eq3A_1986 = vector.broadcast %eq3A_1985 : i32 to vector<128x16xi32>
    %eq3A_1987 = arith.cmpi eq, %iota3A, %eq3A_1986 : vector<128x16xi32>
    %broadcast_in_dim3A_1988 = vector.shape_cast %min3A_1916 : vector<128x1xi32> to vector<128x1xi32>
    %broadcast_in_dim3A_1989 = vector.broadcast %broadcast_in_dim3A_1988 : vector<128x1xi32> to vector<128x16xi32>
    %select_n3A_1990 = arith.select %eq3A_1987, %broadcast_in_dim3A_1989, %select_n3A_1824 : vector<128x16xi1>, vector<128x16xi32>
    %broadcast_in_dim3A_1991 = arith.constant 0x7F800000 : f32
    %broadcast_in_dim3A_1992 = vector.broadcast %broadcast_in_dim3A_1991 : f32 to vector<128x1xf32>
    %get3A_1993 = arith.constant 0 : index
    %get3A_1994 = arith.constant 0 : index
    %get3A_1995 = vector.load %arg4[%get3A_1993, %get3A_1994] : memref<128x2048xf32, #tpu.memory_space<vmem>>, vector<128x512xf32>
    %reduce_min3A_1996 = arith.constant dense<0x7F800000> : vector<128xf32>
    %reduce_min3A_1997 = vector.multi_reduction <minimumf>, %get3A_1995, %reduce_min3A_1996 [1] : vector<128x512xf32> to vector<128xf32>
    %broadcast_in_dim3A_1998 = vector.shape_cast %reduce_min3A_1997 : vector<128xf32> to vector<128x1xf32>
    %min3A_1999 = arith.minimumf %broadcast_in_dim3A_1992, %broadcast_in_dim3A_1998 : vector<128x1xf32>
    %get3A_2000 = arith.constant 0 : index
    %get3A_2001 = arith.constant 512 : index
    %get3A_2002 = vector.load %arg4[%get3A_2000, %get3A_2001] : memref<128x2048xf32, #tpu.memory_space<vmem>>, vector<128x512xf32>
    %reduce_min3A_2003 = arith.constant dense<0x7F800000> : vector<128xf32>
    %reduce_min3A_2004 = vector.multi_reduction <minimumf>, %get3A_2002, %reduce_min3A_2003 [1] : vector<128x512xf32> to vector<128xf32>
    %broadcast_in_dim3A_2005 = vector.shape_cast %reduce_min3A_2004 : vector<128xf32> to vector<128x1xf32>
    %min3A_2006 = arith.minimumf %min3A_1999, %broadcast_in_dim3A_2005 : vector<128x1xf32>
    %get3A_2007 = arith.constant 0 : index
    %get3A_2008 = arith.constant 1024 : index
    %get3A_2009 = vector.load %arg4[%get3A_2007, %get3A_2008] : memref<128x2048xf32, #tpu.memory_space<vmem>>, vector<128x512xf32>
    %reduce_min3A_2010 = arith.constant dense<0x7F800000> : vector<128xf32>
    %reduce_min3A_2011 = vector.multi_reduction <minimumf>, %get3A_2009, %reduce_min3A_2010 [1] : vector<128x512xf32> to vector<128xf32>
    %broadcast_in_dim3A_2012 = vector.shape_cast %reduce_min3A_2011 : vector<128xf32> to vector<128x1xf32>
    %min3A_2013 = arith.minimumf %min3A_2006, %broadcast_in_dim3A_2012 : vector<128x1xf32>
    %get3A_2014 = arith.constant 0 : index
    %get3A_2015 = arith.constant 1536 : index
    %get3A_2016 = vector.load %arg4[%get3A_2014, %get3A_2015] : memref<128x2048xf32, #tpu.memory_space<vmem>>, vector<128x512xf32>
    %reduce_min3A_2017 = arith.constant dense<0x7F800000> : vector<128xf32>
    %reduce_min3A_2018 = vector.multi_reduction <minimumf>, %get3A_2016, %reduce_min3A_2017 [1] : vector<128x512xf32> to vector<128xf32>
    %broadcast_in_dim3A_2019 = vector.shape_cast %reduce_min3A_2018 : vector<128xf32> to vector<128x1xf32>
    %min3A_2020 = arith.minimumf %min3A_2013, %broadcast_in_dim3A_2019 : vector<128x1xf32>
    %broadcast_in_dim3A_2021 = arith.constant 2147483647 : i32
    %broadcast_in_dim3A_2022 = vector.broadcast %broadcast_in_dim3A_2021 : i32 to vector<128x1xi32>
    %get3A_2023 = arith.constant 0 : index
    %get3A_2024 = arith.constant 0 : index
    %get3A_2025 = vector.load %arg4[%get3A_2023, %get3A_2024] : memref<128x2048xf32, #tpu.memory_space<vmem>>, vector<128x512xf32>
    %eq3A_2026 = vector.broadcast %min3A_2020 : vector<128x1xf32> to vector<128x512xf32>
    %eq3A_2027 = arith.cmpf oeq, %get3A_2025, %eq3A_2026 : vector<128x512xf32>
    %get3A_2028 = arith.constant 0 : index
    %get3A_2029 = arith.constant 0 : index
    %get3A_2030 = vector.load %arg2[%get3A_2028, %get3A_2029] : memref<128x2048xi32, #tpu.memory_space<vmem>>, vector<128x512xi32>
    %jit3A_2031 = arith.constant 2147483647 : i32
    %broadcast_in_dim3A_2032 = vector.broadcast %jit3A_2031 : i32 to vector<128x512xi32>
    %select_n3A_2033 = arith.select %eq3A_2027, %get3A_2030, %broadcast_in_dim3A_2032 : vector<128x512xi1>, vector<128x512xi32>
    %reduce_min3A_2034 = arith.constant dense<2147483647> : vector<128xi32>
    %reduce_min3A_2035 = vector.multi_reduction <minsi>, %select_n3A_2033, %reduce_min3A_2034 [1] : vector<128x512xi32> to vector<128xi32>
    %broadcast_in_dim3A_2036 = vector.shape_cast %reduce_min3A_2035 : vector<128xi32> to vector<128x1xi32>
    %min3A_2037 = arith.minsi %broadcast_in_dim3A_2022, %broadcast_in_dim3A_2036 : vector<128x1xi32>
    %get3A_2038 = arith.constant 0 : index
    %get3A_2039 = arith.constant 512 : index
    %get3A_2040 = vector.load %arg4[%get3A_2038, %get3A_2039] : memref<128x2048xf32, #tpu.memory_space<vmem>>, vector<128x512xf32>
    %eq3A_2041 = vector.broadcast %min3A_2020 : vector<128x1xf32> to vector<128x512xf32>
    %eq3A_2042 = arith.cmpf oeq, %get3A_2040, %eq3A_2041 : vector<128x512xf32>
    %get3A_2043 = arith.constant 0 : index
    %get3A_2044 = arith.constant 512 : index
    %get3A_2045 = vector.load %arg2[%get3A_2043, %get3A_2044] : memref<128x2048xi32, #tpu.memory_space<vmem>>, vector<128x512xi32>
    %jit3A_2046 = arith.constant 2147483647 : i32
    %broadcast_in_dim3A_2047 = vector.broadcast %jit3A_2046 : i32 to vector<128x512xi32>
    %select_n3A_2048 = arith.select %eq3A_2042, %get3A_2045, %broadcast_in_dim3A_2047 : vector<128x512xi1>, vector<128x512xi32>
    %reduce_min3A_2049 = arith.constant dense<2147483647> : vector<128xi32>
    %reduce_min3A_2050 = vector.multi_reduction <minsi>, %select_n3A_2048, %reduce_min3A_2049 [1] : vector<128x512xi32> to vector<128xi32>
    %broadcast_in_dim3A_2051 = vector.shape_cast %reduce_min3A_2050 : vector<128xi32> to vector<128x1xi32>
    %min3A_2052 = arith.minsi %min3A_2037, %broadcast_in_dim3A_2051 : vector<128x1xi32>
    %get3A_2053 = arith.constant 0 : index
    %get3A_2054 = arith.constant 1024 : index
    %get3A_2055 = vector.load %arg4[%get3A_2053, %get3A_2054] : memref<128x2048xf32, #tpu.memory_space<vmem>>, vector<128x512xf32>
    %eq3A_2056 = vector.broadcast %min3A_2020 : vector<128x1xf32> to vector<128x512xf32>
    %eq3A_2057 = arith.cmpf oeq, %get3A_2055, %eq3A_2056 : vector<128x512xf32>
    %get3A_2058 = arith.constant 0 : index
    %get3A_2059 = arith.constant 1024 : index
    %get3A_2060 = vector.load %arg2[%get3A_2058, %get3A_2059] : memref<128x2048xi32, #tpu.memory_space<vmem>>, vector<128x512xi32>
    %jit3A_2061 = arith.constant 2147483647 : i32
    %broadcast_in_dim3A_2062 = vector.broadcast %jit3A_2061 : i32 to vector<128x512xi32>
    %select_n3A_2063 = arith.select %eq3A_2057, %get3A_2060, %broadcast_in_dim3A_2062 : vector<128x512xi1>, vector<128x512xi32>
    %reduce_min3A_2064 = arith.constant dense<2147483647> : vector<128xi32>
    %reduce_min3A_2065 = vector.multi_reduction <minsi>, %select_n3A_2063, %reduce_min3A_2064 [1] : vector<128x512xi32> to vector<128xi32>
    %broadcast_in_dim3A_2066 = vector.shape_cast %reduce_min3A_2065 : vector<128xi32> to vector<128x1xi32>
    %min3A_2067 = arith.minsi %min3A_2052, %broadcast_in_dim3A_2066 : vector<128x1xi32>
    %get3A_2068 = arith.constant 0 : index
    %get3A_2069 = arith.constant 1536 : index
    %get3A_2070 = vector.load %arg4[%get3A_2068, %get3A_2069] : memref<128x2048xf32, #tpu.memory_space<vmem>>, vector<128x512xf32>
    %eq3A_2071 = vector.broadcast %min3A_2020 : vector<128x1xf32> to vector<128x512xf32>
    %eq3A_2072 = arith.cmpf oeq, %get3A_2070, %eq3A_2071 : vector<128x512xf32>
    %get3A_2073 = arith.constant 0 : index
    %get3A_2074 = arith.constant 1536 : index
    %get3A_2075 = vector.load %arg2[%get3A_2073, %get3A_2074] : memref<128x2048xi32, #tpu.memory_space<vmem>>, vector<128x512xi32>
    %jit3A_2076 = arith.constant 2147483647 : i32
    %broadcast_in_dim3A_2077 = vector.broadcast %jit3A_2076 : i32 to vector<128x512xi32>
    %select_n3A_2078 = arith.select %eq3A_2072, %get3A_2075, %broadcast_in_dim3A_2077 : vector<128x512xi1>, vector<128x512xi32>
    %reduce_min3A_2079 = arith.constant dense<2147483647> : vector<128xi32>
    %reduce_min3A_2080 = vector.multi_reduction <minsi>, %select_n3A_2078, %reduce_min3A_2079 [1] : vector<128x512xi32> to vector<128xi32>
    %broadcast_in_dim3A_2081 = vector.shape_cast %reduce_min3A_2080 : vector<128xi32> to vector<128x1xi32>
    %min3A_2082 = arith.minsi %min3A_2067, %broadcast_in_dim3A_2081 : vector<128x1xi32>
    %get3A_2083 = arith.constant 0 : index
    %get3A_2084 = arith.constant 0 : index
    %get3A_2085 = vector.load %arg4[%get3A_2083, %get3A_2084] : memref<128x2048xf32, #tpu.memory_space<vmem>>, vector<128x512xf32>
    %eq3A_2086 = vector.broadcast %min3A_2020 : vector<128x1xf32> to vector<128x512xf32>
    %eq3A_2087 = arith.cmpf oeq, %get3A_2085, %eq3A_2086 : vector<128x512xf32>
    %get3A_2088 = arith.constant 0 : index
    %get3A_2089 = arith.constant 0 : index
    %get3A_2090 = vector.load %arg2[%get3A_2088, %get3A_2089] : memref<128x2048xi32, #tpu.memory_space<vmem>>, vector<128x512xi32>
    %eq3A_2091 = vector.broadcast %min3A_2082 : vector<128x1xi32> to vector<128x512xi32>
    %eq3A_2092 = arith.cmpi eq, %get3A_2090, %eq3A_2091 : vector<128x512xi32>
    %and3A_2093 = arith.andi %eq3A_2087, %eq3A_2092 : vector<128x512xi1>
    %jit3A_2094 = arith.constant 0x7F800000 : f32
    %broadcast_in_dim3A_2095 = vector.broadcast %jit3A_2094 : f32 to vector<128x512xf32>
    %select_n3A_2096 = arith.select %and3A_2093, %broadcast_in_dim3A_2095, %get3A_2085 : vector<128x512xi1>, vector<128x512xf32>
    %swap3A_2097 = arith.constant 0 : index
    %swap3A_2098 = arith.constant 0 : index
    %swap3A_2099 = vector.load %arg4[%swap3A_2097, %swap3A_2098] : memref<128x2048xf32, #tpu.memory_space<vmem>>, vector<128x512xf32>
    tpu.vector_store %arg4[%swap3A_2097, %swap3A_2098], %select_n3A_2096 {strides = array<i32>} : memref<128x2048xf32, #tpu.memory_space<vmem>>, vector<128x512xf32>,
    %get3A_2100 = arith.constant 0 : index
    %get3A_2101 = arith.constant 512 : index
    %get3A_2102 = vector.load %arg4[%get3A_2100, %get3A_2101] : memref<128x2048xf32, #tpu.memory_space<vmem>>, vector<128x512xf32>
    %eq3A_2103 = vector.broadcast %min3A_2020 : vector<128x1xf32> to vector<128x512xf32>
    %eq3A_2104 = arith.cmpf oeq, %get3A_2102, %eq3A_2103 : vector<128x512xf32>
    %get3A_2105 = arith.constant 0 : index
    %get3A_2106 = arith.constant 512 : index
    %get3A_2107 = vector.load %arg2[%get3A_2105, %get3A_2106] : memref<128x2048xi32, #tpu.memory_space<vmem>>, vector<128x512xi32>
    %eq3A_2108 = vector.broadcast %min3A_2082 : vector<128x1xi32> to vector<128x512xi32>
    %eq3A_2109 = arith.cmpi eq, %get3A_2107, %eq3A_2108 : vector<128x512xi32>
    %and3A_2110 = arith.andi %eq3A_2104, %eq3A_2109 : vector<128x512xi1>
    %jit3A_2111 = arith.constant 0x7F800000 : f32
    %broadcast_in_dim3A_2112 = vector.broadcast %jit3A_2111 : f32 to vector<128x512xf32>
    %select_n3A_2113 = arith.select %and3A_2110, %broadcast_in_dim3A_2112, %get3A_2102 : vector<128x512xi1>, vector<128x512xf32>
    %swap3A_2114 = arith.constant 0 : index
    %swap3A_2115 = arith.constant 512 : index
    %swap3A_2116 = vector.load %arg4[%swap3A_2114, %swap3A_2115] : memref<128x2048xf32, #tpu.memory_space<vmem>>, vector<128x512xf32>
    tpu.vector_store %arg4[%swap3A_2114, %swap3A_2115], %select_n3A_2113 {strides = array<i32>} : memref<128x2048xf32, #tpu.memory_space<vmem>>, vector<128x512xf32>,
    %get3A_2117 = arith.constant 0 : index
    %get3A_2118 = arith.constant 1024 : index
    %get3A_2119 = vector.load %arg4[%get3A_2117, %get3A_2118] : memref<128x2048xf32, #tpu.memory_space<vmem>>, vector<128x512xf32>
    %eq3A_2120 = vector.broadcast %min3A_2020 : vector<128x1xf32> to vector<128x512xf32>
    %eq3A_2121 = arith.cmpf oeq, %get3A_2119, %eq3A_2120 : vector<128x512xf32>
    %get3A_2122 = arith.constant 0 : index
    %get3A_2123 = arith.constant 1024 : index
    %get3A_2124 = vector.load %arg2[%get3A_2122, %get3A_2123] : memref<128x2048xi32, #tpu.memory_space<vmem>>, vector<128x512xi32>
    %eq3A_2125 = vector.broadcast %min3A_2082 : vector<128x1xi32> to vector<128x512xi32>
    %eq3A_2126 = arith.cmpi eq, %get3A_2124, %eq3A_2125 : vector<128x512xi32>
    %and3A_2127 = arith.andi %eq3A_2121, %eq3A_2126 : vector<128x512xi1>
    %jit3A_2128 = arith.constant 0x7F800000 : f32
    %broadcast_in_dim3A_2129 = vector.broadcast %jit3A_2128 : f32 to vector<128x512xf32>
    %select_n3A_2130 = arith.select %and3A_2127, %broadcast_in_dim3A_2129, %get3A_2119 : vector<128x512xi1>, vector<128x512xf32>
    %swap3A_2131 = arith.constant 0 : index
    %swap3A_2132 = arith.constant 1024 : index
    %swap3A_2133 = vector.load %arg4[%swap3A_2131, %swap3A_2132] : memref<128x2048xf32, #tpu.memory_space<vmem>>, vector<128x512xf32>
    tpu.vector_store %arg4[%swap3A_2131, %swap3A_2132], %select_n3A_2130 {strides = array<i32>} : memref<128x2048xf32, #tpu.memory_space<vmem>>, vector<128x512xf32>,
    %get3A_2134 = arith.constant 0 : index
    %get3A_2135 = arith.constant 1536 : index
    %get3A_2136 = vector.load %arg4[%get3A_2134, %get3A_2135] : memref<128x2048xf32, #tpu.memory_space<vmem>>, vector<128x512xf32>
    %eq3A_2137 = vector.broadcast %min3A_2020 : vector<128x1xf32> to vector<128x512xf32>
    %eq3A_2138 = arith.cmpf oeq, %get3A_2136, %eq3A_2137 : vector<128x512xf32>
    %get3A_2139 = arith.constant 0 : index
    %get3A_2140 = arith.constant 1536 : index
    %get3A_2141 = vector.load %arg2[%get3A_2139, %get3A_2140] : memref<128x2048xi32, #tpu.memory_space<vmem>>, vector<128x512xi32>
    %eq3A_2142 = vector.broadcast %min3A_2082 : vector<128x1xi32> to vector<128x512xi32>
    %eq3A_2143 = arith.cmpi eq, %get3A_2141, %eq3A_2142 : vector<128x512xi32>
    %and3A_2144 = arith.andi %eq3A_2138, %eq3A_2143 : vector<128x512xi1>
    %jit3A_2145 = arith.constant 0x7F800000 : f32
    %broadcast_in_dim3A_2146 = vector.broadcast %jit3A_2145 : f32 to vector<128x512xf32>
    %select_n3A_2147 = arith.select %and3A_2144, %broadcast_in_dim3A_2146, %get3A_2136 : vector<128x512xi1>, vector<128x512xf32>
    %swap3A_2148 = arith.constant 0 : index
    %swap3A_2149 = arith.constant 1536 : index
    %swap3A_2150 = vector.load %arg4[%swap3A_2148, %swap3A_2149] : memref<128x2048xf32, #tpu.memory_space<vmem>>, vector<128x512xf32>
    tpu.vector_store %arg4[%swap3A_2148, %swap3A_2149], %select_n3A_2147 {strides = array<i32>} : memref<128x2048xf32, #tpu.memory_space<vmem>>, vector<128x512xf32>,
    %eq3A_2151 = arith.constant 12 : i32
    %eq3A_2152 = vector.broadcast %eq3A_2151 : i32 to vector<128x16xi32>
    %eq3A_2153 = arith.cmpi eq, %iota3A, %eq3A_2152 : vector<128x16xi32>
    %broadcast_in_dim3A_2154 = vector.shape_cast %min3A_2082 : vector<128x1xi32> to vector<128x1xi32>
    %broadcast_in_dim3A_2155 = vector.broadcast %broadcast_in_dim3A_2154 : vector<128x1xi32> to vector<128x16xi32>
    %select_n3A_2156 = arith.select %eq3A_2153, %broadcast_in_dim3A_2155, %select_n3A_1990 : vector<128x16xi1>, vector<128x16xi32>
    %broadcast_in_dim3A_2157 = arith.constant 0x7F800000 : f32
    %broadcast_in_dim3A_2158 = vector.broadcast %broadcast_in_dim3A_2157 : f32 to vector<128x1xf32>
    %get3A_2159 = arith.constant 0 : index
    %get3A_2160 = arith.constant 0 : index
    %get3A_2161 = vector.load %arg4[%get3A_2159, %get3A_2160] : memref<128x2048xf32, #tpu.memory_space<vmem>>, vector<128x512xf32>
    %reduce_min3A_2162 = arith.constant dense<0x7F800000> : vector<128xf32>
    %reduce_min3A_2163 = vector.multi_reduction <minimumf>, %get3A_2161, %reduce_min3A_2162 [1] : vector<128x512xf32> to vector<128xf32>
    %broadcast_in_dim3A_2164 = vector.shape_cast %reduce_min3A_2163 : vector<128xf32> to vector<128x1xf32>
    %min3A_2165 = arith.minimumf %broadcast_in_dim3A_2158, %broadcast_in_dim3A_2164 : vector<128x1xf32>
    %get3A_2166 = arith.constant 0 : index
    %get3A_2167 = arith.constant 512 : index
    %get3A_2168 = vector.load %arg4[%get3A_2166, %get3A_2167] : memref<128x2048xf32, #tpu.memory_space<vmem>>, vector<128x512xf32>
    %reduce_min3A_2169 = arith.constant dense<0x7F800000> : vector<128xf32>
    %reduce_min3A_2170 = vector.multi_reduction <minimumf>, %get3A_2168, %reduce_min3A_2169 [1] : vector<128x512xf32> to vector<128xf32>
    %broadcast_in_dim3A_2171 = vector.shape_cast %reduce_min3A_2170 : vector<128xf32> to vector<128x1xf32>
    %min3A_2172 = arith.minimumf %min3A_2165, %broadcast_in_dim3A_2171 : vector<128x1xf32>
    %get3A_2173 = arith.constant 0 : index
    %get3A_2174 = arith.constant 1024 : index
    %get3A_2175 = vector.load %arg4[%get3A_2173, %get3A_2174] : memref<128x2048xf32, #tpu.memory_space<vmem>>, vector<128x512xf32>
    %reduce_min3A_2176 = arith.constant dense<0x7F800000> : vector<128xf32>
    %reduce_min3A_2177 = vector.multi_reduction <minimumf>, %get3A_2175, %reduce_min3A_2176 [1] : vector<128x512xf32> to vector<128xf32>
    %broadcast_in_dim3A_2178 = vector.shape_cast %reduce_min3A_2177 : vector<128xf32> to vector<128x1xf32>
    %min3A_2179 = arith.minimumf %min3A_2172, %broadcast_in_dim3A_2178 : vector<128x1xf32>
    %get3A_2180 = arith.constant 0 : index
    %get3A_2181 = arith.constant 1536 : index
    %get3A_2182 = vector.load %arg4[%get3A_2180, %get3A_2181] : memref<128x2048xf32, #tpu.memory_space<vmem>>, vector<128x512xf32>
    %reduce_min3A_2183 = arith.constant dense<0x7F800000> : vector<128xf32>
    %reduce_min3A_2184 = vector.multi_reduction <minimumf>, %get3A_2182, %reduce_min3A_2183 [1] : vector<128x512xf32> to vector<128xf32>
    %broadcast_in_dim3A_2185 = vector.shape_cast %reduce_min3A_2184 : vector<128xf32> to vector<128x1xf32>
    %min3A_2186 = arith.minimumf %min3A_2179, %broadcast_in_dim3A_2185 : vector<128x1xf32>
    %broadcast_in_dim3A_2187 = arith.constant 2147483647 : i32
    %broadcast_in_dim3A_2188 = vector.broadcast %broadcast_in_dim3A_2187 : i32 to vector<128x1xi32>
    %get3A_2189 = arith.constant 0 : index
    %get3A_2190 = arith.constant 0 : index
    %get3A_2191 = vector.load %arg4[%get3A_2189, %get3A_2190] : memref<128x2048xf32, #tpu.memory_space<vmem>>, vector<128x512xf32>
    %eq3A_2192 = vector.broadcast %min3A_2186 : vector<128x1xf32> to vector<128x512xf32>
    %eq3A_2193 = arith.cmpf oeq, %get3A_2191, %eq3A_2192 : vector<128x512xf32>
    %get3A_2194 = arith.constant 0 : index
    %get3A_2195 = arith.constant 0 : index
    %get3A_2196 = vector.load %arg2[%get3A_2194, %get3A_2195] : memref<128x2048xi32, #tpu.memory_space<vmem>>, vector<128x512xi32>
    %jit3A_2197 = arith.constant 2147483647 : i32
    %broadcast_in_dim3A_2198 = vector.broadcast %jit3A_2197 : i32 to vector<128x512xi32>
    %select_n3A_2199 = arith.select %eq3A_2193, %get3A_2196, %broadcast_in_dim3A_2198 : vector<128x512xi1>, vector<128x512xi32>
    %reduce_min3A_2200 = arith.constant dense<2147483647> : vector<128xi32>
    %reduce_min3A_2201 = vector.multi_reduction <minsi>, %select_n3A_2199, %reduce_min3A_2200 [1] : vector<128x512xi32> to vector<128xi32>
    %broadcast_in_dim3A_2202 = vector.shape_cast %reduce_min3A_2201 : vector<128xi32> to vector<128x1xi32>
    %min3A_2203 = arith.minsi %broadcast_in_dim3A_2188, %broadcast_in_dim3A_2202 : vector<128x1xi32>
    %get3A_2204 = arith.constant 0 : index
    %get3A_2205 = arith.constant 512 : index
    %get3A_2206 = vector.load %arg4[%get3A_2204, %get3A_2205] : memref<128x2048xf32, #tpu.memory_space<vmem>>, vector<128x512xf32>
    %eq3A_2207 = vector.broadcast %min3A_2186 : vector<128x1xf32> to vector<128x512xf32>
    %eq3A_2208 = arith.cmpf oeq, %get3A_2206, %eq3A_2207 : vector<128x512xf32>
    %get3A_2209 = arith.constant 0 : index
    %get3A_2210 = arith.constant 512 : index
    %get3A_2211 = vector.load %arg2[%get3A_2209, %get3A_2210] : memref<128x2048xi32, #tpu.memory_space<vmem>>, vector<128x512xi32>
    %jit3A_2212 = arith.constant 2147483647 : i32
    %broadcast_in_dim3A_2213 = vector.broadcast %jit3A_2212 : i32 to vector<128x512xi32>
    %select_n3A_2214 = arith.select %eq3A_2208, %get3A_2211, %broadcast_in_dim3A_2213 : vector<128x512xi1>, vector<128x512xi32>
    %reduce_min3A_2215 = arith.constant dense<2147483647> : vector<128xi32>
    %reduce_min3A_2216 = vector.multi_reduction <minsi>, %select_n3A_2214, %reduce_min3A_2215 [1] : vector<128x512xi32> to vector<128xi32>
    %broadcast_in_dim3A_2217 = vector.shape_cast %reduce_min3A_2216 : vector<128xi32> to vector<128x1xi32>
    %min3A_2218 = arith.minsi %min3A_2203, %broadcast_in_dim3A_2217 : vector<128x1xi32>
    %get3A_2219 = arith.constant 0 : index
    %get3A_2220 = arith.constant 1024 : index
    %get3A_2221 = vector.load %arg4[%get3A_2219, %get3A_2220] : memref<128x2048xf32, #tpu.memory_space<vmem>>, vector<128x512xf32>
    %eq3A_2222 = vector.broadcast %min3A_2186 : vector<128x1xf32> to vector<128x512xf32>
    %eq3A_2223 = arith.cmpf oeq, %get3A_2221, %eq3A_2222 : vector<128x512xf32>
    %get3A_2224 = arith.constant 0 : index
    %get3A_2225 = arith.constant 1024 : index
    %get3A_2226 = vector.load %arg2[%get3A_2224, %get3A_2225] : memref<128x2048xi32, #tpu.memory_space<vmem>>, vector<128x512xi32>
    %jit3A_2227 = arith.constant 2147483647 : i32
    %broadcast_in_dim3A_2228 = vector.broadcast %jit3A_2227 : i32 to vector<128x512xi32>
    %select_n3A_2229 = arith.select %eq3A_2223, %get3A_2226, %broadcast_in_dim3A_2228 : vector<128x512xi1>, vector<128x512xi32>
    %reduce_min3A_2230 = arith.constant dense<2147483647> : vector<128xi32>
    %reduce_min3A_2231 = vector.multi_reduction <minsi>, %select_n3A_2229, %reduce_min3A_2230 [1] : vector<128x512xi32> to vector<128xi32>
    %broadcast_in_dim3A_2232 = vector.shape_cast %reduce_min3A_2231 : vector<128xi32> to vector<128x1xi32>
    %min3A_2233 = arith.minsi %min3A_2218, %broadcast_in_dim3A_2232 : vector<128x1xi32>
    %get3A_2234 = arith.constant 0 : index
    %get3A_2235 = arith.constant 1536 : index
    %get3A_2236 = vector.load %arg4[%get3A_2234, %get3A_2235] : memref<128x2048xf32, #tpu.memory_space<vmem>>, vector<128x512xf32>
    %eq3A_2237 = vector.broadcast %min3A_2186 : vector<128x1xf32> to vector<128x512xf32>
    %eq3A_2238 = arith.cmpf oeq, %get3A_2236, %eq3A_2237 : vector<128x512xf32>
    %get3A_2239 = arith.constant 0 : index
    %get3A_2240 = arith.constant 1536 : index
    %get3A_2241 = vector.load %arg2[%get3A_2239, %get3A_2240] : memref<128x2048xi32, #tpu.memory_space<vmem>>, vector<128x512xi32>
    %jit3A_2242 = arith.constant 2147483647 : i32
    %broadcast_in_dim3A_2243 = vector.broadcast %jit3A_2242 : i32 to vector<128x512xi32>
    %select_n3A_2244 = arith.select %eq3A_2238, %get3A_2241, %broadcast_in_dim3A_2243 : vector<128x512xi1>, vector<128x512xi32>
    %reduce_min3A_2245 = arith.constant dense<2147483647> : vector<128xi32>
    %reduce_min3A_2246 = vector.multi_reduction <minsi>, %select_n3A_2244, %reduce_min3A_2245 [1] : vector<128x512xi32> to vector<128xi32>
    %broadcast_in_dim3A_2247 = vector.shape_cast %reduce_min3A_2246 : vector<128xi32> to vector<128x1xi32>
    %min3A_2248 = arith.minsi %min3A_2233, %broadcast_in_dim3A_2247 : vector<128x1xi32>
    %get3A_2249 = arith.constant 0 : index
    %get3A_2250 = arith.constant 0 : index
    %get3A_2251 = vector.load %arg4[%get3A_2249, %get3A_2250] : memref<128x2048xf32, #tpu.memory_space<vmem>>, vector<128x512xf32>
    %eq3A_2252 = vector.broadcast %min3A_2186 : vector<128x1xf32> to vector<128x512xf32>
    %eq3A_2253 = arith.cmpf oeq, %get3A_2251, %eq3A_2252 : vector<128x512xf32>
    %get3A_2254 = arith.constant 0 : index
    %get3A_2255 = arith.constant 0 : index
    %get3A_2256 = vector.load %arg2[%get3A_2254, %get3A_2255] : memref<128x2048xi32, #tpu.memory_space<vmem>>, vector<128x512xi32>
    %eq3A_2257 = vector.broadcast %min3A_2248 : vector<128x1xi32> to vector<128x512xi32>
    %eq3A_2258 = arith.cmpi eq, %get3A_2256, %eq3A_2257 : vector<128x512xi32>
    %and3A_2259 = arith.andi %eq3A_2253, %eq3A_2258 : vector<128x512xi1>
    %jit3A_2260 = arith.constant 0x7F800000 : f32
    %broadcast_in_dim3A_2261 = vector.broadcast %jit3A_2260 : f32 to vector<128x512xf32>
    %select_n3A_2262 = arith.select %and3A_2259, %broadcast_in_dim3A_2261, %get3A_2251 : vector<128x512xi1>, vector<128x512xf32>
    %swap3A_2263 = arith.constant 0 : index
    %swap3A_2264 = arith.constant 0 : index
    %swap3A_2265 = vector.load %arg4[%swap3A_2263, %swap3A_2264] : memref<128x2048xf32, #tpu.memory_space<vmem>>, vector<128x512xf32>
    tpu.vector_store %arg4[%swap3A_2263, %swap3A_2264], %select_n3A_2262 {strides = array<i32>} : memref<128x2048xf32, #tpu.memory_space<vmem>>, vector<128x512xf32>,
    %get3A_2266 = arith.constant 0 : index
    %get3A_2267 = arith.constant 512 : index
    %get3A_2268 = vector.load %arg4[%get3A_2266, %get3A_2267] : memref<128x2048xf32, #tpu.memory_space<vmem>>, vector<128x512xf32>
    %eq3A_2269 = vector.broadcast %min3A_2186 : vector<128x1xf32> to vector<128x512xf32>
    %eq3A_2270 = arith.cmpf oeq, %get3A_2268, %eq3A_2269 : vector<128x512xf32>
    %get3A_2271 = arith.constant 0 : index
    %get3A_2272 = arith.constant 512 : index
    %get3A_2273 = vector.load %arg2[%get3A_2271, %get3A_2272] : memref<128x2048xi32, #tpu.memory_space<vmem>>, vector<128x512xi32>
    %eq3A_2274 = vector.broadcast %min3A_2248 : vector<128x1xi32> to vector<128x512xi32>
    %eq3A_2275 = arith.cmpi eq, %get3A_2273, %eq3A_2274 : vector<128x512xi32>
    %and3A_2276 = arith.andi %eq3A_2270, %eq3A_2275 : vector<128x512xi1>
    %jit3A_2277 = arith.constant 0x7F800000 : f32
    %broadcast_in_dim3A_2278 = vector.broadcast %jit3A_2277 : f32 to vector<128x512xf32>
    %select_n3A_2279 = arith.select %and3A_2276, %broadcast_in_dim3A_2278, %get3A_2268 : vector<128x512xi1>, vector<128x512xf32>
    %swap3A_2280 = arith.constant 0 : index
    %swap3A_2281 = arith.constant 512 : index
    %swap3A_2282 = vector.load %arg4[%swap3A_2280, %swap3A_2281] : memref<128x2048xf32, #tpu.memory_space<vmem>>, vector<128x512xf32>
    tpu.vector_store %arg4[%swap3A_2280, %swap3A_2281], %select_n3A_2279 {strides = array<i32>} : memref<128x2048xf32, #tpu.memory_space<vmem>>, vector<128x512xf32>,
    %get3A_2283 = arith.constant 0 : index
    %get3A_2284 = arith.constant 1024 : index
    %get3A_2285 = vector.load %arg4[%get3A_2283, %get3A_2284] : memref<128x2048xf32, #tpu.memory_space<vmem>>, vector<128x512xf32>
    %eq3A_2286 = vector.broadcast %min3A_2186 : vector<128x1xf32> to vector<128x512xf32>
    %eq3A_2287 = arith.cmpf oeq, %get3A_2285, %eq3A_2286 : vector<128x512xf32>
    %get3A_2288 = arith.constant 0 : index
    %get3A_2289 = arith.constant 1024 : index
    %get3A_2290 = vector.load %arg2[%get3A_2288, %get3A_2289] : memref<128x2048xi32, #tpu.memory_space<vmem>>, vector<128x512xi32>
    %eq3A_2291 = vector.broadcast %min3A_2248 : vector<128x1xi32> to vector<128x512xi32>
    %eq3A_2292 = arith.cmpi eq, %get3A_2290, %eq3A_2291 : vector<128x512xi32>
    %and3A_2293 = arith.andi %eq3A_2287, %eq3A_2292 : vector<128x512xi1>
    %jit3A_2294 = arith.constant 0x7F800000 : f32
    %broadcast_in_dim3A_2295 = vector.broadcast %jit3A_2294 : f32 to vector<128x512xf32>
    %select_n3A_2296 = arith.select %and3A_2293, %broadcast_in_dim3A_2295, %get3A_2285 : vector<128x512xi1>, vector<128x512xf32>
    %swap3A_2297 = arith.constant 0 : index
    %swap3A_2298 = arith.constant 1024 : index
    %swap3A_2299 = vector.load %arg4[%swap3A_2297, %swap3A_2298] : memref<128x2048xf32, #tpu.memory_space<vmem>>, vector<128x512xf32>
    tpu.vector_store %arg4[%swap3A_2297, %swap3A_2298], %select_n3A_2296 {strides = array<i32>} : memref<128x2048xf32, #tpu.memory_space<vmem>>, vector<128x512xf32>,
    %get3A_2300 = arith.constant 0 : index
    %get3A_2301 = arith.constant 1536 : index
    %get3A_2302 = vector.load %arg4[%get3A_2300, %get3A_2301] : memref<128x2048xf32, #tpu.memory_space<vmem>>, vector<128x512xf32>
    %eq3A_2303 = vector.broadcast %min3A_2186 : vector<128x1xf32> to vector<128x512xf32>
    %eq3A_2304 = arith.cmpf oeq, %get3A_2302, %eq3A_2303 : vector<128x512xf32>
    %get3A_2305 = arith.constant 0 : index
    %get3A_2306 = arith.constant 1536 : index
    %get3A_2307 = vector.load %arg2[%get3A_2305, %get3A_2306] : memref<128x2048xi32, #tpu.memory_space<vmem>>, vector<128x512xi32>
    %eq3A_2308 = vector.broadcast %min3A_2248 : vector<128x1xi32> to vector<128x512xi32>
    %eq3A_2309 = arith.cmpi eq, %get3A_2307, %eq3A_2308 : vector<128x512xi32>
    %and3A_2310 = arith.andi %eq3A_2304, %eq3A_2309 : vector<128x512xi1>
    %jit3A_2311 = arith.constant 0x7F800000 : f32
    %broadcast_in_dim3A_2312 = vector.broadcast %jit3A_2311 : f32 to vector<128x512xf32>
    %select_n3A_2313 = arith.select %and3A_2310, %broadcast_in_dim3A_2312, %get3A_2302 : vector<128x512xi1>, vector<128x512xf32>
    %swap3A_2314 = arith.constant 0 : index
    %swap3A_2315 = arith.constant 1536 : index
    %swap3A_2316 = vector.load %arg4[%swap3A_2314, %swap3A_2315] : memref<128x2048xf32, #tpu.memory_space<vmem>>, vector<128x512xf32>
    tpu.vector_store %arg4[%swap3A_2314, %swap3A_2315], %select_n3A_2313 {strides = array<i32>} : memref<128x2048xf32, #tpu.memory_space<vmem>>, vector<128x512xf32>,
    %eq3A_2317 = arith.constant 13 : i32
    %eq3A_2318 = vector.broadcast %eq3A_2317 : i32 to vector<128x16xi32>
    %eq3A_2319 = arith.cmpi eq, %iota3A, %eq3A_2318 : vector<128x16xi32>
    %broadcast_in_dim3A_2320 = vector.shape_cast %min3A_2248 : vector<128x1xi32> to vector<128x1xi32>
    %broadcast_in_dim3A_2321 = vector.broadcast %broadcast_in_dim3A_2320 : vector<128x1xi32> to vector<128x16xi32>
    %select_n3A_2322 = arith.select %eq3A_2319, %broadcast_in_dim3A_2321, %select_n3A_2156 : vector<128x16xi1>, vector<128x16xi32>
    %broadcast_in_dim3A_2323 = arith.constant 0x7F800000 : f32
    %broadcast_in_dim3A_2324 = vector.broadcast %broadcast_in_dim3A_2323 : f32 to vector<128x1xf32>
    %get3A_2325 = arith.constant 0 : index
    %get3A_2326 = arith.constant 0 : index
    %get3A_2327 = vector.load %arg4[%get3A_2325, %get3A_2326] : memref<128x2048xf32, #tpu.memory_space<vmem>>, vector<128x512xf32>
    %reduce_min3A_2328 = arith.constant dense<0x7F800000> : vector<128xf32>
    %reduce_min3A_2329 = vector.multi_reduction <minimumf>, %get3A_2327, %reduce_min3A_2328 [1] : vector<128x512xf32> to vector<128xf32>
    %broadcast_in_dim3A_2330 = vector.shape_cast %reduce_min3A_2329 : vector<128xf32> to vector<128x1xf32>
    %min3A_2331 = arith.minimumf %broadcast_in_dim3A_2324, %broadcast_in_dim3A_2330 : vector<128x1xf32>
    %get3A_2332 = arith.constant 0 : index
    %get3A_2333 = arith.constant 512 : index
    %get3A_2334 = vector.load %arg4[%get3A_2332, %get3A_2333] : memref<128x2048xf32, #tpu.memory_space<vmem>>, vector<128x512xf32>
    %reduce_min3A_2335 = arith.constant dense<0x7F800000> : vector<128xf32>
    %reduce_min3A_2336 = vector.multi_reduction <minimumf>, %get3A_2334, %reduce_min3A_2335 [1] : vector<128x512xf32> to vector<128xf32>
    %broadcast_in_dim3A_2337 = vector.shape_cast %reduce_min3A_2336 : vector<128xf32> to vector<128x1xf32>
    %min3A_2338 = arith.minimumf %min3A_2331, %broadcast_in_dim3A_2337 : vector<128x1xf32>
    %get3A_2339 = arith.constant 0 : index
    %get3A_2340 = arith.constant 1024 : index
    %get3A_2341 = vector.load %arg4[%get3A_2339, %get3A_2340] : memref<128x2048xf32, #tpu.memory_space<vmem>>, vector<128x512xf32>
    %reduce_min3A_2342 = arith.constant dense<0x7F800000> : vector<128xf32>
    %reduce_min3A_2343 = vector.multi_reduction <minimumf>, %get3A_2341, %reduce_min3A_2342 [1] : vector<128x512xf32> to vector<128xf32>
    %broadcast_in_dim3A_2344 = vector.shape_cast %reduce_min3A_2343 : vector<128xf32> to vector<128x1xf32>
    %min3A_2345 = arith.minimumf %min3A_2338, %broadcast_in_dim3A_2344 : vector<128x1xf32>
    %get3A_2346 = arith.constant 0 : index
    %get3A_2347 = arith.constant 1536 : index
    %get3A_2348 = vector.load %arg4[%get3A_2346, %get3A_2347] : memref<128x2048xf32, #tpu.memory_space<vmem>>, vector<128x512xf32>
    %reduce_min3A_2349 = arith.constant dense<0x7F800000> : vector<128xf32>
    %reduce_min3A_2350 = vector.multi_reduction <minimumf>, %get3A_2348, %reduce_min3A_2349 [1] : vector<128x512xf32> to vector<128xf32>
    %broadcast_in_dim3A_2351 = vector.shape_cast %reduce_min3A_2350 : vector<128xf32> to vector<128x1xf32>
    %min3A_2352 = arith.minimumf %min3A_2345, %broadcast_in_dim3A_2351 : vector<128x1xf32>
    %broadcast_in_dim3A_2353 = arith.constant 2147483647 : i32
    %broadcast_in_dim3A_2354 = vector.broadcast %broadcast_in_dim3A_2353 : i32 to vector<128x1xi32>
    %get3A_2355 = arith.constant 0 : index
    %get3A_2356 = arith.constant 0 : index
    %get3A_2357 = vector.load %arg4[%get3A_2355, %get3A_2356] : memref<128x2048xf32, #tpu.memory_space<vmem>>, vector<128x512xf32>
    %eq3A_2358 = vector.broadcast %min3A_2352 : vector<128x1xf32> to vector<128x512xf32>
    %eq3A_2359 = arith.cmpf oeq, %get3A_2357, %eq3A_2358 : vector<128x512xf32>
    %get3A_2360 = arith.constant 0 : index
    %get3A_2361 = arith.constant 0 : index
    %get3A_2362 = vector.load %arg2[%get3A_2360, %get3A_2361] : memref<128x2048xi32, #tpu.memory_space<vmem>>, vector<128x512xi32>
    %jit3A_2363 = arith.constant 2147483647 : i32
    %broadcast_in_dim3A_2364 = vector.broadcast %jit3A_2363 : i32 to vector<128x512xi32>
    %select_n3A_2365 = arith.select %eq3A_2359, %get3A_2362, %broadcast_in_dim3A_2364 : vector<128x512xi1>, vector<128x512xi32>
    %reduce_min3A_2366 = arith.constant dense<2147483647> : vector<128xi32>
    %reduce_min3A_2367 = vector.multi_reduction <minsi>, %select_n3A_2365, %reduce_min3A_2366 [1] : vector<128x512xi32> to vector<128xi32>
    %broadcast_in_dim3A_2368 = vector.shape_cast %reduce_min3A_2367 : vector<128xi32> to vector<128x1xi32>
    %min3A_2369 = arith.minsi %broadcast_in_dim3A_2354, %broadcast_in_dim3A_2368 : vector<128x1xi32>
    %get3A_2370 = arith.constant 0 : index
    %get3A_2371 = arith.constant 512 : index
    %get3A_2372 = vector.load %arg4[%get3A_2370, %get3A_2371] : memref<128x2048xf32, #tpu.memory_space<vmem>>, vector<128x512xf32>
    %eq3A_2373 = vector.broadcast %min3A_2352 : vector<128x1xf32> to vector<128x512xf32>
    %eq3A_2374 = arith.cmpf oeq, %get3A_2372, %eq3A_2373 : vector<128x512xf32>
    %get3A_2375 = arith.constant 0 : index
    %get3A_2376 = arith.constant 512 : index
    %get3A_2377 = vector.load %arg2[%get3A_2375, %get3A_2376] : memref<128x2048xi32, #tpu.memory_space<vmem>>, vector<128x512xi32>
    %jit3A_2378 = arith.constant 2147483647 : i32
    %broadcast_in_dim3A_2379 = vector.broadcast %jit3A_2378 : i32 to vector<128x512xi32>
    %select_n3A_2380 = arith.select %eq3A_2374, %get3A_2377, %broadcast_in_dim3A_2379 : vector<128x512xi1>, vector<128x512xi32>
    %reduce_min3A_2381 = arith.constant dense<2147483647> : vector<128xi32>
    %reduce_min3A_2382 = vector.multi_reduction <minsi>, %select_n3A_2380, %reduce_min3A_2381 [1] : vector<128x512xi32> to vector<128xi32>
    %broadcast_in_dim3A_2383 = vector.shape_cast %reduce_min3A_2382 : vector<128xi32> to vector<128x1xi32>
    %min3A_2384 = arith.minsi %min3A_2369, %broadcast_in_dim3A_2383 : vector<128x1xi32>
    %get3A_2385 = arith.constant 0 : index
    %get3A_2386 = arith.constant 1024 : index
    %get3A_2387 = vector.load %arg4[%get3A_2385, %get3A_2386] : memref<128x2048xf32, #tpu.memory_space<vmem>>, vector<128x512xf32>
    %eq3A_2388 = vector.broadcast %min3A_2352 : vector<128x1xf32> to vector<128x512xf32>
    %eq3A_2389 = arith.cmpf oeq, %get3A_2387, %eq3A_2388 : vector<128x512xf32>
    %get3A_2390 = arith.constant 0 : index
    %get3A_2391 = arith.constant 1024 : index
    %get3A_2392 = vector.load %arg2[%get3A_2390, %get3A_2391] : memref<128x2048xi32, #tpu.memory_space<vmem>>, vector<128x512xi32>
    %jit3A_2393 = arith.constant 2147483647 : i32
    %broadcast_in_dim3A_2394 = vector.broadcast %jit3A_2393 : i32 to vector<128x512xi32>
    %select_n3A_2395 = arith.select %eq3A_2389, %get3A_2392, %broadcast_in_dim3A_2394 : vector<128x512xi1>, vector<128x512xi32>
    %reduce_min3A_2396 = arith.constant dense<2147483647> : vector<128xi32>
    %reduce_min3A_2397 = vector.multi_reduction <minsi>, %select_n3A_2395, %reduce_min3A_2396 [1] : vector<128x512xi32> to vector<128xi32>
    %broadcast_in_dim3A_2398 = vector.shape_cast %reduce_min3A_2397 : vector<128xi32> to vector<128x1xi32>
    %min3A_2399 = arith.minsi %min3A_2384, %broadcast_in_dim3A_2398 : vector<128x1xi32>
    %get3A_2400 = arith.constant 0 : index
    %get3A_2401 = arith.constant 1536 : index
    %get3A_2402 = vector.load %arg4[%get3A_2400, %get3A_2401] : memref<128x2048xf32, #tpu.memory_space<vmem>>, vector<128x512xf32>
    %eq3A_2403 = vector.broadcast %min3A_2352 : vector<128x1xf32> to vector<128x512xf32>
    %eq3A_2404 = arith.cmpf oeq, %get3A_2402, %eq3A_2403 : vector<128x512xf32>
    %get3A_2405 = arith.constant 0 : index
    %get3A_2406 = arith.constant 1536 : index
    %get3A_2407 = vector.load %arg2[%get3A_2405, %get3A_2406] : memref<128x2048xi32, #tpu.memory_space<vmem>>, vector<128x512xi32>
    %jit3A_2408 = arith.constant 2147483647 : i32
    %broadcast_in_dim3A_2409 = vector.broadcast %jit3A_2408 : i32 to vector<128x512xi32>
    %select_n3A_2410 = arith.select %eq3A_2404, %get3A_2407, %broadcast_in_dim3A_2409 : vector<128x512xi1>, vector<128x512xi32>
    %reduce_min3A_2411 = arith.constant dense<2147483647> : vector<128xi32>
    %reduce_min3A_2412 = vector.multi_reduction <minsi>, %select_n3A_2410, %reduce_min3A_2411 [1] : vector<128x512xi32> to vector<128xi32>
    %broadcast_in_dim3A_2413 = vector.shape_cast %reduce_min3A_2412 : vector<128xi32> to vector<128x1xi32>
    %min3A_2414 = arith.minsi %min3A_2399, %broadcast_in_dim3A_2413 : vector<128x1xi32>
    %get3A_2415 = arith.constant 0 : index
    %get3A_2416 = arith.constant 0 : index
    %get3A_2417 = vector.load %arg4[%get3A_2415, %get3A_2416] : memref<128x2048xf32, #tpu.memory_space<vmem>>, vector<128x512xf32>
    %eq3A_2418 = vector.broadcast %min3A_2352 : vector<128x1xf32> to vector<128x512xf32>
    %eq3A_2419 = arith.cmpf oeq, %get3A_2417, %eq3A_2418 : vector<128x512xf32>
    %get3A_2420 = arith.constant 0 : index
    %get3A_2421 = arith.constant 0 : index
    %get3A_2422 = vector.load %arg2[%get3A_2420, %get3A_2421] : memref<128x2048xi32, #tpu.memory_space<vmem>>, vector<128x512xi32>
    %eq3A_2423 = vector.broadcast %min3A_2414 : vector<128x1xi32> to vector<128x512xi32>
    %eq3A_2424 = arith.cmpi eq, %get3A_2422, %eq3A_2423 : vector<128x512xi32>
    %and3A_2425 = arith.andi %eq3A_2419, %eq3A_2424 : vector<128x512xi1>
    %jit3A_2426 = arith.constant 0x7F800000 : f32
    %broadcast_in_dim3A_2427 = vector.broadcast %jit3A_2426 : f32 to vector<128x512xf32>
    %select_n3A_2428 = arith.select %and3A_2425, %broadcast_in_dim3A_2427, %get3A_2417 : vector<128x512xi1>, vector<128x512xf32>
    %swap3A_2429 = arith.constant 0 : index
    %swap3A_2430 = arith.constant 0 : index
    %swap3A_2431 = vector.load %arg4[%swap3A_2429, %swap3A_2430] : memref<128x2048xf32, #tpu.memory_space<vmem>>, vector<128x512xf32>
    tpu.vector_store %arg4[%swap3A_2429, %swap3A_2430], %select_n3A_2428 {strides = array<i32>} : memref<128x2048xf32, #tpu.memory_space<vmem>>, vector<128x512xf32>,
    %get3A_2432 = arith.constant 0 : index
    %get3A_2433 = arith.constant 512 : index
    %get3A_2434 = vector.load %arg4[%get3A_2432, %get3A_2433] : memref<128x2048xf32, #tpu.memory_space<vmem>>, vector<128x512xf32>
    %eq3A_2435 = vector.broadcast %min3A_2352 : vector<128x1xf32> to vector<128x512xf32>
    %eq3A_2436 = arith.cmpf oeq, %get3A_2434, %eq3A_2435 : vector<128x512xf32>
    %get3A_2437 = arith.constant 0 : index
    %get3A_2438 = arith.constant 512 : index
    %get3A_2439 = vector.load %arg2[%get3A_2437, %get3A_2438] : memref<128x2048xi32, #tpu.memory_space<vmem>>, vector<128x512xi32>
    %eq3A_2440 = vector.broadcast %min3A_2414 : vector<128x1xi32> to vector<128x512xi32>
    %eq3A_2441 = arith.cmpi eq, %get3A_2439, %eq3A_2440 : vector<128x512xi32>
    %and3A_2442 = arith.andi %eq3A_2436, %eq3A_2441 : vector<128x512xi1>
    %jit3A_2443 = arith.constant 0x7F800000 : f32
    %broadcast_in_dim3A_2444 = vector.broadcast %jit3A_2443 : f32 to vector<128x512xf32>
    %select_n3A_2445 = arith.select %and3A_2442, %broadcast_in_dim3A_2444, %get3A_2434 : vector<128x512xi1>, vector<128x512xf32>
    %swap3A_2446 = arith.constant 0 : index
    %swap3A_2447 = arith.constant 512 : index
    %swap3A_2448 = vector.load %arg4[%swap3A_2446, %swap3A_2447] : memref<128x2048xf32, #tpu.memory_space<vmem>>, vector<128x512xf32>
    tpu.vector_store %arg4[%swap3A_2446, %swap3A_2447], %select_n3A_2445 {strides = array<i32>} : memref<128x2048xf32, #tpu.memory_space<vmem>>, vector<128x512xf32>,
    %get3A_2449 = arith.constant 0 : index
    %get3A_2450 = arith.constant 1024 : index
    %get3A_2451 = vector.load %arg4[%get3A_2449, %get3A_2450] : memref<128x2048xf32, #tpu.memory_space<vmem>>, vector<128x512xf32>
    %eq3A_2452 = vector.broadcast %min3A_2352 : vector<128x1xf32> to vector<128x512xf32>
    %eq3A_2453 = arith.cmpf oeq, %get3A_2451, %eq3A_2452 : vector<128x512xf32>
    %get3A_2454 = arith.constant 0 : index
    %get3A_2455 = arith.constant 1024 : index
    %get3A_2456 = vector.load %arg2[%get3A_2454, %get3A_2455] : memref<128x2048xi32, #tpu.memory_space<vmem>>, vector<128x512xi32>
    %eq3A_2457 = vector.broadcast %min3A_2414 : vector<128x1xi32> to vector<128x512xi32>
    %eq3A_2458 = arith.cmpi eq, %get3A_2456, %eq3A_2457 : vector<128x512xi32>
    %and3A_2459 = arith.andi %eq3A_2453, %eq3A_2458 : vector<128x512xi1>
    %jit3A_2460 = arith.constant 0x7F800000 : f32
    %broadcast_in_dim3A_2461 = vector.broadcast %jit3A_2460 : f32 to vector<128x512xf32>
    %select_n3A_2462 = arith.select %and3A_2459, %broadcast_in_dim3A_2461, %get3A_2451 : vector<128x512xi1>, vector<128x512xf32>
    %swap3A_2463 = arith.constant 0 : index
    %swap3A_2464 = arith.constant 1024 : index
    %swap3A_2465 = vector.load %arg4[%swap3A_2463, %swap3A_2464] : memref<128x2048xf32, #tpu.memory_space<vmem>>, vector<128x512xf32>
    tpu.vector_store %arg4[%swap3A_2463, %swap3A_2464], %select_n3A_2462 {strides = array<i32>} : memref<128x2048xf32, #tpu.memory_space<vmem>>, vector<128x512xf32>,
    %get3A_2466 = arith.constant 0 : index
    %get3A_2467 = arith.constant 1536 : index
    %get3A_2468 = vector.load %arg4[%get3A_2466, %get3A_2467] : memref<128x2048xf32, #tpu.memory_space<vmem>>, vector<128x512xf32>
    %eq3A_2469 = vector.broadcast %min3A_2352 : vector<128x1xf32> to vector<128x512xf32>
    %eq3A_2470 = arith.cmpf oeq, %get3A_2468, %eq3A_2469 : vector<128x512xf32>
    %get3A_2471 = arith.constant 0 : index
    %get3A_2472 = arith.constant 1536 : index
    %get3A_2473 = vector.load %arg2[%get3A_2471, %get3A_2472] : memref<128x2048xi32, #tpu.memory_space<vmem>>, vector<128x512xi32>
    %eq3A_2474 = vector.broadcast %min3A_2414 : vector<128x1xi32> to vector<128x512xi32>
    %eq3A_2475 = arith.cmpi eq, %get3A_2473, %eq3A_2474 : vector<128x512xi32>
    %and3A_2476 = arith.andi %eq3A_2470, %eq3A_2475 : vector<128x512xi1>
    %jit3A_2477 = arith.constant 0x7F800000 : f32
    %broadcast_in_dim3A_2478 = vector.broadcast %jit3A_2477 : f32 to vector<128x512xf32>
    %select_n3A_2479 = arith.select %and3A_2476, %broadcast_in_dim3A_2478, %get3A_2468 : vector<128x512xi1>, vector<128x512xf32>
    %swap3A_2480 = arith.constant 0 : index
    %swap3A_2481 = arith.constant 1536 : index
    %swap3A_2482 = vector.load %arg4[%swap3A_2480, %swap3A_2481] : memref<128x2048xf32, #tpu.memory_space<vmem>>, vector<128x512xf32>
    tpu.vector_store %arg4[%swap3A_2480, %swap3A_2481], %select_n3A_2479 {strides = array<i32>} : memref<128x2048xf32, #tpu.memory_space<vmem>>, vector<128x512xf32>,
    %eq3A_2483 = arith.constant 14 : i32
    %eq3A_2484 = vector.broadcast %eq3A_2483 : i32 to vector<128x16xi32>
    %eq3A_2485 = arith.cmpi eq, %iota3A, %eq3A_2484 : vector<128x16xi32>
    %broadcast_in_dim3A_2486 = vector.shape_cast %min3A_2414 : vector<128x1xi32> to vector<128x1xi32>
    %broadcast_in_dim3A_2487 = vector.broadcast %broadcast_in_dim3A_2486 : vector<128x1xi32> to vector<128x16xi32>
    %select_n3A_2488 = arith.select %eq3A_2485, %broadcast_in_dim3A_2487, %select_n3A_2322 : vector<128x16xi1>, vector<128x16xi32>
    %broadcast_in_dim3A_2489 = arith.constant 0x7F800000 : f32
    %broadcast_in_dim3A_2490 = vector.broadcast %broadcast_in_dim3A_2489 : f32 to vector<128x1xf32>
    %get3A_2491 = arith.constant 0 : index
    %get3A_2492 = arith.constant 0 : index
    %get3A_2493 = vector.load %arg4[%get3A_2491, %get3A_2492] : memref<128x2048xf32, #tpu.memory_space<vmem>>, vector<128x512xf32>
    %reduce_min3A_2494 = arith.constant dense<0x7F800000> : vector<128xf32>
    %reduce_min3A_2495 = vector.multi_reduction <minimumf>, %get3A_2493, %reduce_min3A_2494 [1] : vector<128x512xf32> to vector<128xf32>
    %broadcast_in_dim3A_2496 = vector.shape_cast %reduce_min3A_2495 : vector<128xf32> to vector<128x1xf32>
    %min3A_2497 = arith.minimumf %broadcast_in_dim3A_2490, %broadcast_in_dim3A_2496 : vector<128x1xf32>
    %get3A_2498 = arith.constant 0 : index
    %get3A_2499 = arith.constant 512 : index
    %get3A_2500 = vector.load %arg4[%get3A_2498, %get3A_2499] : memref<128x2048xf32, #tpu.memory_space<vmem>>, vector<128x512xf32>
    %reduce_min3A_2501 = arith.constant dense<0x7F800000> : vector<128xf32>
    %reduce_min3A_2502 = vector.multi_reduction <minimumf>, %get3A_2500, %reduce_min3A_2501 [1] : vector<128x512xf32> to vector<128xf32>
    %broadcast_in_dim3A_2503 = vector.shape_cast %reduce_min3A_2502 : vector<128xf32> to vector<128x1xf32>
    %min3A_2504 = arith.minimumf %min3A_2497, %broadcast_in_dim3A_2503 : vector<128x1xf32>
    %get3A_2505 = arith.constant 0 : index
    %get3A_2506 = arith.constant 1024 : index
    %get3A_2507 = vector.load %arg4[%get3A_2505, %get3A_2506] : memref<128x2048xf32, #tpu.memory_space<vmem>>, vector<128x512xf32>
    %reduce_min3A_2508 = arith.constant dense<0x7F800000> : vector<128xf32>
    %reduce_min3A_2509 = vector.multi_reduction <minimumf>, %get3A_2507, %reduce_min3A_2508 [1] : vector<128x512xf32> to vector<128xf32>
    %broadcast_in_dim3A_2510 = vector.shape_cast %reduce_min3A_2509 : vector<128xf32> to vector<128x1xf32>
    %min3A_2511 = arith.minimumf %min3A_2504, %broadcast_in_dim3A_2510 : vector<128x1xf32>
    %get3A_2512 = arith.constant 0 : index
    %get3A_2513 = arith.constant 1536 : index
    %get3A_2514 = vector.load %arg4[%get3A_2512, %get3A_2513] : memref<128x2048xf32, #tpu.memory_space<vmem>>, vector<128x512xf32>
    %reduce_min3A_2515 = arith.constant dense<0x7F800000> : vector<128xf32>
    %reduce_min3A_2516 = vector.multi_reduction <minimumf>, %get3A_2514, %reduce_min3A_2515 [1] : vector<128x512xf32> to vector<128xf32>
    %broadcast_in_dim3A_2517 = vector.shape_cast %reduce_min3A_2516 : vector<128xf32> to vector<128x1xf32>
    %min3A_2518 = arith.minimumf %min3A_2511, %broadcast_in_dim3A_2517 : vector<128x1xf32>
    %broadcast_in_dim3A_2519 = arith.constant 2147483647 : i32
    %broadcast_in_dim3A_2520 = vector.broadcast %broadcast_in_dim3A_2519 : i32 to vector<128x1xi32>
    %get3A_2521 = arith.constant 0 : index
    %get3A_2522 = arith.constant 0 : index
    %get3A_2523 = vector.load %arg4[%get3A_2521, %get3A_2522] : memref<128x2048xf32, #tpu.memory_space<vmem>>, vector<128x512xf32>
    %eq3A_2524 = vector.broadcast %min3A_2518 : vector<128x1xf32> to vector<128x512xf32>
    %eq3A_2525 = arith.cmpf oeq, %get3A_2523, %eq3A_2524 : vector<128x512xf32>
    %get3A_2526 = arith.constant 0 : index
    %get3A_2527 = arith.constant 0 : index
    %get3A_2528 = vector.load %arg2[%get3A_2526, %get3A_2527] : memref<128x2048xi32, #tpu.memory_space<vmem>>, vector<128x512xi32>
    %jit3A_2529 = arith.constant 2147483647 : i32
    %broadcast_in_dim3A_2530 = vector.broadcast %jit3A_2529 : i32 to vector<128x512xi32>
    %select_n3A_2531 = arith.select %eq3A_2525, %get3A_2528, %broadcast_in_dim3A_2530 : vector<128x512xi1>, vector<128x512xi32>
    %reduce_min3A_2532 = arith.constant dense<2147483647> : vector<128xi32>
    %reduce_min3A_2533 = vector.multi_reduction <minsi>, %select_n3A_2531, %reduce_min3A_2532 [1] : vector<128x512xi32> to vector<128xi32>
    %broadcast_in_dim3A_2534 = vector.shape_cast %reduce_min3A_2533 : vector<128xi32> to vector<128x1xi32>
    %min3A_2535 = arith.minsi %broadcast_in_dim3A_2520, %broadcast_in_dim3A_2534 : vector<128x1xi32>
    %get3A_2536 = arith.constant 0 : index
    %get3A_2537 = arith.constant 512 : index
    %get3A_2538 = vector.load %arg4[%get3A_2536, %get3A_2537] : memref<128x2048xf32, #tpu.memory_space<vmem>>, vector<128x512xf32>
    %eq3A_2539 = vector.broadcast %min3A_2518 : vector<128x1xf32> to vector<128x512xf32>
    %eq3A_2540 = arith.cmpf oeq, %get3A_2538, %eq3A_2539 : vector<128x512xf32>
    %get3A_2541 = arith.constant 0 : index
    %get3A_2542 = arith.constant 512 : index
    %get3A_2543 = vector.load %arg2[%get3A_2541, %get3A_2542] : memref<128x2048xi32, #tpu.memory_space<vmem>>, vector<128x512xi32>
    %jit3A_2544 = arith.constant 2147483647 : i32
    %broadcast_in_dim3A_2545 = vector.broadcast %jit3A_2544 : i32 to vector<128x512xi32>
    %select_n3A_2546 = arith.select %eq3A_2540, %get3A_2543, %broadcast_in_dim3A_2545 : vector<128x512xi1>, vector<128x512xi32>
    %reduce_min3A_2547 = arith.constant dense<2147483647> : vector<128xi32>
    %reduce_min3A_2548 = vector.multi_reduction <minsi>, %select_n3A_2546, %reduce_min3A_2547 [1] : vector<128x512xi32> to vector<128xi32>
    %broadcast_in_dim3A_2549 = vector.shape_cast %reduce_min3A_2548 : vector<128xi32> to vector<128x1xi32>
    %min3A_2550 = arith.minsi %min3A_2535, %broadcast_in_dim3A_2549 : vector<128x1xi32>
    %get3A_2551 = arith.constant 0 : index
    %get3A_2552 = arith.constant 1024 : index
    %get3A_2553 = vector.load %arg4[%get3A_2551, %get3A_2552] : memref<128x2048xf32, #tpu.memory_space<vmem>>, vector<128x512xf32>
    %eq3A_2554 = vector.broadcast %min3A_2518 : vector<128x1xf32> to vector<128x512xf32>
    %eq3A_2555 = arith.cmpf oeq, %get3A_2553, %eq3A_2554 : vector<128x512xf32>
    %get3A_2556 = arith.constant 0 : index
    %get3A_2557 = arith.constant 1024 : index
    %get3A_2558 = vector.load %arg2[%get3A_2556, %get3A_2557] : memref<128x2048xi32, #tpu.memory_space<vmem>>, vector<128x512xi32>
    %jit3A_2559 = arith.constant 2147483647 : i32
    %broadcast_in_dim3A_2560 = vector.broadcast %jit3A_2559 : i32 to vector<128x512xi32>
    %select_n3A_2561 = arith.select %eq3A_2555, %get3A_2558, %broadcast_in_dim3A_2560 : vector<128x512xi1>, vector<128x512xi32>
    %reduce_min3A_2562 = arith.constant dense<2147483647> : vector<128xi32>
    %reduce_min3A_2563 = vector.multi_reduction <minsi>, %select_n3A_2561, %reduce_min3A_2562 [1] : vector<128x512xi32> to vector<128xi32>
    %broadcast_in_dim3A_2564 = vector.shape_cast %reduce_min3A_2563 : vector<128xi32> to vector<128x1xi32>
    %min3A_2565 = arith.minsi %min3A_2550, %broadcast_in_dim3A_2564 : vector<128x1xi32>
    %get3A_2566 = arith.constant 0 : index
    %get3A_2567 = arith.constant 1536 : index
    %get3A_2568 = vector.load %arg4[%get3A_2566, %get3A_2567] : memref<128x2048xf32, #tpu.memory_space<vmem>>, vector<128x512xf32>
    %eq3A_2569 = vector.broadcast %min3A_2518 : vector<128x1xf32> to vector<128x512xf32>
    %eq3A_2570 = arith.cmpf oeq, %get3A_2568, %eq3A_2569 : vector<128x512xf32>
    %get3A_2571 = arith.constant 0 : index
    %get3A_2572 = arith.constant 1536 : index
    %get3A_2573 = vector.load %arg2[%get3A_2571, %get3A_2572] : memref<128x2048xi32, #tpu.memory_space<vmem>>, vector<128x512xi32>
    %jit3A_2574 = arith.constant 2147483647 : i32
    %broadcast_in_dim3A_2575 = vector.broadcast %jit3A_2574 : i32 to vector<128x512xi32>
    %select_n3A_2576 = arith.select %eq3A_2570, %get3A_2573, %broadcast_in_dim3A_2575 : vector<128x512xi1>, vector<128x512xi32>
    %reduce_min3A_2577 = arith.constant dense<2147483647> : vector<128xi32>
    %reduce_min3A_2578 = vector.multi_reduction <minsi>, %select_n3A_2576, %reduce_min3A_2577 [1] : vector<128x512xi32> to vector<128xi32>
    %broadcast_in_dim3A_2579 = vector.shape_cast %reduce_min3A_2578 : vector<128xi32> to vector<128x1xi32>
    %min3A_2580 = arith.minsi %min3A_2565, %broadcast_in_dim3A_2579 : vector<128x1xi32>
    %get3A_2581 = arith.constant 0 : index
    %get3A_2582 = arith.constant 0 : index
    %get3A_2583 = vector.load %arg4[%get3A_2581, %get3A_2582] : memref<128x2048xf32, #tpu.memory_space<vmem>>, vector<128x512xf32>
    %eq3A_2584 = vector.broadcast %min3A_2518 : vector<128x1xf32> to vector<128x512xf32>
    %eq3A_2585 = arith.cmpf oeq, %get3A_2583, %eq3A_2584 : vector<128x512xf32>
    %get3A_2586 = arith.constant 0 : index
    %get3A_2587 = arith.constant 0 : index
    %get3A_2588 = vector.load %arg2[%get3A_2586, %get3A_2587] : memref<128x2048xi32, #tpu.memory_space<vmem>>, vector<128x512xi32>
    %eq3A_2589 = vector.broadcast %min3A_2580 : vector<128x1xi32> to vector<128x512xi32>
    %eq3A_2590 = arith.cmpi eq, %get3A_2588, %eq3A_2589 : vector<128x512xi32>
    %and3A_2591 = arith.andi %eq3A_2585, %eq3A_2590 : vector<128x512xi1>
    %jit3A_2592 = arith.constant 0x7F800000 : f32
    %broadcast_in_dim3A_2593 = vector.broadcast %jit3A_2592 : f32 to vector<128x512xf32>
    %select_n3A_2594 = arith.select %and3A_2591, %broadcast_in_dim3A_2593, %get3A_2583 : vector<128x512xi1>, vector<128x512xf32>
    %swap3A_2595 = arith.constant 0 : index
    %swap3A_2596 = arith.constant 0 : index
    %swap3A_2597 = vector.load %arg4[%swap3A_2595, %swap3A_2596] : memref<128x2048xf32, #tpu.memory_space<vmem>>, vector<128x512xf32>
    tpu.vector_store %arg4[%swap3A_2595, %swap3A_2596], %select_n3A_2594 {strides = array<i32>} : memref<128x2048xf32, #tpu.memory_space<vmem>>, vector<128x512xf32>,
    %get3A_2598 = arith.constant 0 : index
    %get3A_2599 = arith.constant 512 : index
    %get3A_2600 = vector.load %arg4[%get3A_2598, %get3A_2599] : memref<128x2048xf32, #tpu.memory_space<vmem>>, vector<128x512xf32>
    %eq3A_2601 = vector.broadcast %min3A_2518 : vector<128x1xf32> to vector<128x512xf32>
    %eq3A_2602 = arith.cmpf oeq, %get3A_2600, %eq3A_2601 : vector<128x512xf32>
    %get3A_2603 = arith.constant 0 : index
    %get3A_2604 = arith.constant 512 : index
    %get3A_2605 = vector.load %arg2[%get3A_2603, %get3A_2604] : memref<128x2048xi32, #tpu.memory_space<vmem>>, vector<128x512xi32>
    %eq3A_2606 = vector.broadcast %min3A_2580 : vector<128x1xi32> to vector<128x512xi32>
    %eq3A_2607 = arith.cmpi eq, %get3A_2605, %eq3A_2606 : vector<128x512xi32>
    %and3A_2608 = arith.andi %eq3A_2602, %eq3A_2607 : vector<128x512xi1>
    %jit3A_2609 = arith.constant 0x7F800000 : f32
    %broadcast_in_dim3A_2610 = vector.broadcast %jit3A_2609 : f32 to vector<128x512xf32>
    %select_n3A_2611 = arith.select %and3A_2608, %broadcast_in_dim3A_2610, %get3A_2600 : vector<128x512xi1>, vector<128x512xf32>
    %swap3A_2612 = arith.constant 0 : index
    %swap3A_2613 = arith.constant 512 : index
    %swap3A_2614 = vector.load %arg4[%swap3A_2612, %swap3A_2613] : memref<128x2048xf32, #tpu.memory_space<vmem>>, vector<128x512xf32>
    tpu.vector_store %arg4[%swap3A_2612, %swap3A_2613], %select_n3A_2611 {strides = array<i32>} : memref<128x2048xf32, #tpu.memory_space<vmem>>, vector<128x512xf32>,
    %get3A_2615 = arith.constant 0 : index
    %get3A_2616 = arith.constant 1024 : index
    %get3A_2617 = vector.load %arg4[%get3A_2615, %get3A_2616] : memref<128x2048xf32, #tpu.memory_space<vmem>>, vector<128x512xf32>
    %eq3A_2618 = vector.broadcast %min3A_2518 : vector<128x1xf32> to vector<128x512xf32>
    %eq3A_2619 = arith.cmpf oeq, %get3A_2617, %eq3A_2618 : vector<128x512xf32>
    %get3A_2620 = arith.constant 0 : index
    %get3A_2621 = arith.constant 1024 : index
    %get3A_2622 = vector.load %arg2[%get3A_2620, %get3A_2621] : memref<128x2048xi32, #tpu.memory_space<vmem>>, vector<128x512xi32>
    %eq3A_2623 = vector.broadcast %min3A_2580 : vector<128x1xi32> to vector<128x512xi32>
    %eq3A_2624 = arith.cmpi eq, %get3A_2622, %eq3A_2623 : vector<128x512xi32>
    %and3A_2625 = arith.andi %eq3A_2619, %eq3A_2624 : vector<128x512xi1>
    %jit3A_2626 = arith.constant 0x7F800000 : f32
    %broadcast_in_dim3A_2627 = vector.broadcast %jit3A_2626 : f32 to vector<128x512xf32>
    %select_n3A_2628 = arith.select %and3A_2625, %broadcast_in_dim3A_2627, %get3A_2617 : vector<128x512xi1>, vector<128x512xf32>
    %swap3A_2629 = arith.constant 0 : index
    %swap3A_2630 = arith.constant 1024 : index
    %swap3A_2631 = vector.load %arg4[%swap3A_2629, %swap3A_2630] : memref<128x2048xf32, #tpu.memory_space<vmem>>, vector<128x512xf32>
    tpu.vector_store %arg4[%swap3A_2629, %swap3A_2630], %select_n3A_2628 {strides = array<i32>} : memref<128x2048xf32, #tpu.memory_space<vmem>>, vector<128x512xf32>,
    %get3A_2632 = arith.constant 0 : index
    %get3A_2633 = arith.constant 1536 : index
    %get3A_2634 = vector.load %arg4[%get3A_2632, %get3A_2633] : memref<128x2048xf32, #tpu.memory_space<vmem>>, vector<128x512xf32>
    %eq3A_2635 = vector.broadcast %min3A_2518 : vector<128x1xf32> to vector<128x512xf32>
    %eq3A_2636 = arith.cmpf oeq, %get3A_2634, %eq3A_2635 : vector<128x512xf32>
    %get3A_2637 = arith.constant 0 : index
    %get3A_2638 = arith.constant 1536 : index
    %get3A_2639 = vector.load %arg2[%get3A_2637, %get3A_2638] : memref<128x2048xi32, #tpu.memory_space<vmem>>, vector<128x512xi32>
    %eq3A_2640 = vector.broadcast %min3A_2580 : vector<128x1xi32> to vector<128x512xi32>
    %eq3A_2641 = arith.cmpi eq, %get3A_2639, %eq3A_2640 : vector<128x512xi32>
    %and3A_2642 = arith.andi %eq3A_2636, %eq3A_2641 : vector<128x512xi1>
    %jit3A_2643 = arith.constant 0x7F800000 : f32
    %broadcast_in_dim3A_2644 = vector.broadcast %jit3A_2643 : f32 to vector<128x512xf32>
    %select_n3A_2645 = arith.select %and3A_2642, %broadcast_in_dim3A_2644, %get3A_2634 : vector<128x512xi1>, vector<128x512xf32>
    %swap3A_2646 = arith.constant 0 : index
    %swap3A_2647 = arith.constant 1536 : index
    %swap3A_2648 = vector.load %arg4[%swap3A_2646, %swap3A_2647] : memref<128x2048xf32, #tpu.memory_space<vmem>>, vector<128x512xf32>
    tpu.vector_store %arg4[%swap3A_2646, %swap3A_2647], %select_n3A_2645 {strides = array<i32>} : memref<128x2048xf32, #tpu.memory_space<vmem>>, vector<128x512xf32>,
    %eq3A_2649 = arith.constant 15 : i32
    %eq3A_2650 = vector.broadcast %eq3A_2649 : i32 to vector<128x16xi32>
    %eq3A_2651 = arith.cmpi eq, %iota3A, %eq3A_2650 : vector<128x16xi32>
    %broadcast_in_dim3A_2652 = vector.shape_cast %min3A_2580 : vector<128x1xi32> to vector<128x1xi32>
    %broadcast_in_dim3A_2653 = vector.broadcast %broadcast_in_dim3A_2652 : vector<128x1xi32> to vector<128x16xi32>
    %select_n3A_2654 = arith.select %eq3A_2651, %broadcast_in_dim3A_2653, %select_n3A_2488 : vector<128x16xi1>, vector<128x16xi32>
    %swap3A_2655 = arith.constant 0 : index
    %swap3A_2656 = arith.constant 0 : index
    %swap3A_2657 = vector.load %arg3[%swap3A_2655, %swap3A_2656] : memref<128x16xi32, #tpu.memory_space<vmem>>, vector<128x16xi32>
    tpu.vector_store %arg3[%swap3A_2655, %swap3A_2656], %select_n3A_2654 {strides = array<i32>} : memref<128x16xi32, #tpu.memory_space<vmem>>, vector<128x16xi32>,
    return
  }
  func.func @transform_0(%arg0: i32) -> (i32, i32) {
    %c0_i32 = arith.constant 0 : i32
    %c0_i32_0 = arith.constant 0 : i32
    return %arg0, %c0_i32 : i32, i32
  }
  func.func @transform_1(%arg0: i32) -> (i32, i32) {
    %c0_i32 = arith.constant 0 : i32
    %c0_i32_0 = arith.constant 0 : i32
    return %arg0, %c0_i32 : i32, i32
  }
  func.func @transform_2(%arg0: i32) -> (i32, i32) {
    %c0_i32 = arith.constant 0 : i32
    %c0_i32_0 = arith.constant 0 : i32
    return %arg0, %c0_i32 : i32, i32
  }
}

module attributes {stable_mosaic.version = 14 : i64} {
  func.func @_head_kernel(%arg0: i32, %arg1: memref<512x512xf32, #tpu.memory_space<vmem>>, %arg2: memref<512x512xf32, #tpu.memory_space<vmem>>, %arg3: memref<512x512xf32, #tpu.memory_space<vmem>>, %arg4: memref<512x512xf32, #tpu.memory_space<vmem>>) attributes {dimension_semantics = [#tpu.dimension_semantics<arbitrary>], iteration_bounds = array<i64: 8>, scalar_prefetch = 0 : i64, scratch_operands = 0 : i64, tpu.core_type = #tpu.core_type<tc>, window_params = [{transform_indices = @transform_0, window_bounds = array<i64: 512, 512>}, {transform_indices = @transform_1, window_bounds = array<i64: 512, 512>}, {pipeline_mode = #tpu.pipeline_mode<synchronous>, transform_indices = @transform_2, window_bounds = array<i64: 512, 512>}, {transform_indices = @transform_3, window_bounds = array<i64: 512, 512>}]} {
    %get3A = arith.constant 0 : index
    %get3A_0 = arith.constant 0 : index
    %get3A_1 = vector.load %arg1[%get3A, %get3A_0] : memref<512x512xf32, #tpu.memory_space<vmem>>, vector<512x512xf32>
    %get3A_2 = arith.constant 0 : index
    %get3A_3 = arith.constant 0 : index
    %get3A_4 = vector.load %arg2[%get3A_2, %get3A_3] : memref<512x512xf32, #tpu.memory_space<vmem>>, vector<512x512xf32>
    %add3A = arith.addf %get3A_1, %get3A_4 : vector<512x512xf32>
    %gt3A = arith.constant 0.000000e+00 : f32
    %gt3A_5 = vector.broadcast %gt3A : f32 to vector<512x512xf32>
    %gt3A_6 = arith.cmpf ogt, %add3A, %gt3A_5 : vector<512x512xf32>
    %mul3A = arith.constant 0.00999999977 : f32
    %mul3A_7 = vector.broadcast %mul3A : f32 to vector<512x512xf32>
    %mul3A_8 = arith.mulf %mul3A_7, %add3A : vector<512x512xf32>
    %select_n3A = arith.select %gt3A_6, %add3A, %mul3A_8 : vector<512x512xi1>, vector<512x512xf32>
    %get3A_9 = arith.constant 0 : index
    %get3A_10 = arith.constant 0 : index
    %get3A_11 = vector.load %arg3[%get3A_9, %get3A_10] : memref<512x512xf32, #tpu.memory_space<vmem>>, vector<512x512xf32>
    %dot_general3A = arith.constant dense<0.000000e+00> : vector<512x512xf32>
    %dot_general3A_12 = tpu.matmul %select_n3A, %get3A_11, %dot_general3A {dimension_numbers = #tpu.dot_dimension_numbers<[1], [0], [0], [1], [0, 0, 1, 1], [], []>, transpose_lhs_hint = false} : vector<512x512xf32>, vector<512x512xf32>, vector<512x512xf32> -> vector<512x512xf32>
    %swap3A = arith.constant 0 : index
    %swap3A_13 = arith.constant 0 : index
    %swap3A_14 = vector.load %arg4[%swap3A, %swap3A_13] : memref<512x512xf32, #tpu.memory_space<vmem>>, vector<512x512xf32>
    tpu.vector_store %arg4[%swap3A, %swap3A_13], %dot_general3A_12 {strides = array<i32>} : memref<512x512xf32, #tpu.memory_space<vmem>>, vector<512x512xf32>,
    return
  }
  func.func @transform_0(%arg0: i32) -> (i32, i32) {
    %c0_i32 = arith.constant 0 : i32
    %c0_i32_0 = arith.constant 0 : i32
    return %arg0, %c0_i32 : i32, i32
  }
  func.func @transform_1(%arg0: i32) -> (i32, i32) {
    %c0_i32 = arith.constant 0 : i32
    %c0_i32_0 = arith.constant 0 : i32
    return %arg0, %c0_i32 : i32, i32
  }
  func.func @transform_2(%arg0: i32) -> (i32, i32) {
    %c0_i32 = arith.constant 0 : i32
    %c0_i32_0 = arith.constant 0 : i32
    %c0_i32_1 = arith.constant 0 : i32
    return %c0_i32, %c0_i32_0 : i32, i32
  }
  func.func @transform_3(%arg0: i32) -> (i32, i32) {
    %c0_i32 = arith.constant 0 : i32
    %c0_i32_0 = arith.constant 0 : i32
    return %arg0, %c0_i32 : i32, i32
  }
}

</mosaic_0001>

<sc_bundles>
// kernel: kernel.12.cloned.1.call-start
scs
__scs_entry_jumppad:
0x0: {  	(pc) =	sbr.rel $0x88, $3  }
0x1: {  	(tag) =	ssettag $0x0;
	lr =	simm.s32 $0x1  }
0x2: {  	[smem:$0x3F9D] =	sst lr;
	_ =	strace $0xD0000000  }
0x3: {  	_ = 	snop  }
0x4: {  	_ = 	snop  }
0x5: {  	_ = 	snop  }
0x6: {  	_ = 	snop  }
0x7: {  	_ = 	snop  }
__scs_overlays_trampoline_lowered:
0x8: {  	[smem:$0x3FAC] =	sst s0  }
0x9: {  	[smem:$0x3FAD] =	sst s1  }
0xa: {  	[smem:$0x3FAE] =	sst s2  }
0xb: {  	[smem:$0x3FAF] =	sst s3  }
0xc: {  	[smem:$0x3FB0] =	sst s4  }
0xd: {  	[smem:$0x3FB1] =	sst s5  }
0xe: {  	[smem:$0x3FB2] =	sst s6  }
0xf: {  	[smem:$0x3FB3] =	sst s7  }
0x10: {  	[smem:$0x3FB4] =	sst s8  }
0x11: {  	[smem:$0x3FB5] =	sst s9;
	s0 =	simm.s32 @!p0 $0x0  }
0x12: {  	s1 =	sld [smem:$0x3F9B];
	s0 =	simm.s32 @p0 $0x1  }
0x13: {  	[smem:$0x3FB6] =	sst s0;
	s0 =	simm.s32 @!p1 $0x0  }
0x14: {  	s2 =	sld [smem:$0x3F9A];
	s0 =	simm.s32 @p1 $0x1  }
0x15: {  	[smem:$0x3FB7] =	sst s0;
	s0 =	simm.s32 @!p2 $0x0  }
0x16: {  	s3 =	sld [smem:$0x3FDB];
	s0 =	simm.s32 @p2 $0x1  }
0x17: {  	s4 =	simm.s32 $0x1BF5;
	[smem:$0x3FB9] =	sst s0  }
0x18: {  	s0 =	sld [smem:$0x3F9C];
	_ =	swait.ge [sflag:s4], $0x0  }
0x19: {  	s7 =	sld [smem:$0x3F9D]  }
0x1a: {  	s8 =	sadd.s32 $0xFFFFE003, lr  }
0x1b: {  	s9 =	sadd.s32 $0xFFFFFEF7, lr;
	s5 =	simm.s32 $0xFFFFFFFF;
	p2 =	slt.u32 s8, $0xFFFFF086  }
0x1c: {  	p1 =	slt.u32 s9, $0xF7A;
	s5 =	simm.s32 @!p2 $0x0  }
0x1d: {  	s5 =	simm.s32 @p1 $0x1;
	p0 =	seq.s32 s7, s2  }
0x1e: {  	s7 =	smul.u32 @!p0 $0xF7A, s2;
	p2 =	seq.s32 @!p0 s5, $0x0  }
0x1f: {  	s9 =	smul.u32 $0xF7A, s1;
	s8 =	simm.s32 @!p0 $0x1BF5;
	p2 =	por !p2, p0  }
0x20: {  	[sflag:s8] =	ssyncset.s32 @!p0 $0xFFFFF086;
	s6 =	sadd.s32 @!p0 s3, s7;
	s7 =	simm.s32 @!p0 $0x108  }
0x21: {  	s3 =	sadd.s32 s3, s9;
	s6 =	sadd.s32 @!p0 $0x88, s6;
	s7 =	simm.s32 @p2 $0x1082  }
0x22: {  	[simem:s7], [sflag:s8] =	dma.local @!p0 [hbm:s6], $0xF7A  }
0x23: {  	s9 =	sor.u32 $0xD0000000, s2;
	s6 =	simm.s32 $0x108;
	_ =	swait.ge @!p0 [sflag:s8], $0x0  }
0x24: {  	s3 =	sadd.s32 $0x88, s3;
	s6 =	simm.s32 @!p1 $0x1082;
	[sflag:s4] =	ssyncset.s32 $0xFFFFF086  }
0x25: {  	[simem:s6], [sflag:s4] =	dma.local [hbm:s3], $0xF7A  }
0x26: {  	[smem:$0x3F9D] =	sst s1;
	(tag) =	ssettag s2;
	_ =	strace s9  }
0x27: {  	s1 =	sld [smem:$0x3FAD]  }
0x28: {  	s2 =	sld [smem:$0x3FAE]  }
0x29: {  	s4 =	sld [smem:$0x3FB0]  }
0x2a: {  	p0 =	seq.s32 s5, $0x0;
	s5 =	sld [smem:$0x3FB1]  }
0x2b: {  	s6 =	sld [smem:$0x3FB2]  }
0x2c: {  	s7 =	sld [smem:$0x3FB3]  }
0x2d: {  	s3 =	simm.s32 $0x108;
	s8 =	sld [smem:$0x3FB4]  }
0x2e: {  	s3 =	simm.s32 @!p0 $0x1082;
	s9 =	sld [smem:$0x3FB5]  }
0x2f: {  	lr =	sadd.s32 s0, s3;
	s0 =	sld [smem:$0x3FAC]  }
0x30: {  	s3 =	sld [smem:$0x3FAF]  }
0x31: {  	[smem:$0x3FB8] =	sst s10  }
0x32: {  	s10 =	sld [smem:$0x3FB6];
	_ =	sdelay $0x3  }
0x33: {  	p0 =	seq.s32 s10, $0x1;
	s10 =	sld [smem:$0x3FB8];
	_ =	sdelay $0x3  }
0x34: {  	[smem:$0x3FB8] =	sst s10  }
0x35: {  	s10 =	sld [smem:$0x3FB7];
	_ =	sdelay $0x3  }
0x36: {  	p1 =	seq.s32 s10, $0x1;
	s10 =	sld [smem:$0x3FB8];
	_ =	sdelay $0x3  }
0x37: {  	[smem:$0x3FB8] =	sst s10  }
0x38: {  	s10 =	sld [smem:$0x3FB9]  }
0x39: {  	_ = 	snop;
	(pc) =	sbr.ind lr, $3  }
0x3a: {  	_ = 	snop  }
0x3b: {  	_ = 	snop  }
0x3c: {  	p2 =	seq.s32 s10, $0x1;
	s10 =	sld [smem:$0x3FB8]  }
0x3d: {  	_ =	shalt  }
0x3e: {  	_ =	shalt  }
0x3f: {  	_ =	shalt  }
0x40: {  	_ =	shalt  }
0x41: {  	_ =	shalt  }
0x42: {  	_ =	shalt  }
0x43: {  	_ =	shalt  }
0x44: {  	_ =	shalt  }
0x45: {  	_ =	shalt  }
0x46: {  	_ =	shalt  }
0x47: {  	_ =	shalt  }
0x48: {  	_ =	shalt  }
0x49: {  	_ =	shalt  }
0x4a: {  	_ =	shalt  }
0x4b: {  	_ =	shalt  }
0x4c: {  	_ =	shalt  }
0x4d: {  	_ =	shalt  }
0x4e: {  	_ =	shalt  }
0x4f: {  	_ =	shalt  }
0x50: {  	_ =	shalt  }
0x51: {  	_ =	shalt  }
0x52: {  	_ =	shalt  }
0x53: {  	_ =	shalt  }
0x54: {  	_ =	shalt  }
0x55: {  	_ =	shalt  }
0x56: {  	_ =	shalt  }
0x57: {  	_ =	shalt  }
0x58: {  	_ =	shalt  }
0x59: {  	_ =	shalt  }
0x5a: {  	_ =	shalt  }
0x5b: {  	_ =	shalt  }
0x5c: {  	_ =	shalt  }
0x5d: {  	_ =	shalt  }
0x5e: {  	_ =	shalt  }
0x5f: {  	_ =	shalt  }
0x60: {  	_ =	shalt  }
0x61: {  	_ =	shalt  }
0x62: {  	_ =	shalt  }
0x63: {  	_ =	shalt  }
0x64: {  	_ =	shalt  }
0x65: {  	_ =	shalt  }
0x66: {  	_ =	shalt  }
0x67: {  	_ =	shalt  }
0x68: {  	_ =	shalt  }
0x69: {  	_ =	shalt  }
0x6a: {  	_ =	shalt  }
0x6b: {  	_ =	shalt  }
0x6c: {  	_ =	shalt  }
0x6d: {  	_ =	shalt  }
0x6e: {  	_ =	shalt  }
0x6f: {  	_ =	shalt  }
0x70: {  	_ =	shalt  }
0x71: {  	_ =	shalt  }
0x72: {  	_ =	shalt  }
0x73: {  	_ =	shalt  }
0x74: {  	_ =	shalt  }
0x75: {  	_ =	shalt  }
0x76: {  	_ =	shalt  }
0x77: {  	_ =	shalt  }
0x78: {  	_ =	shalt  }
0x79: {  	_ =	shalt  }
0x7a: {  	_ =	shalt  }
0x7b: {  	_ =	shalt  }
0x7c: {  	_ =	shalt  }
0x7d: {  	_ =	shalt  }
0x7e: {  	_ =	shalt  }
0x7f: {  	_ =	shalt  }
0x80: {  	_ =	shalt  }
0x81: {  	_ =	shalt  }
0x82: {  	_ =	shalt  }
0x83: {  	_ =	shalt  }
0x84: {  	_ =	shalt  }
0x85: {  	_ =	shalt  }
0x86: {  	_ =	shalt  }
0x87: {  	_ =	shalt  }
.Lfunc_end0:
.L_simem_size_0:
called_computation.2_lowered:
.L_overlay_start_0:
0x88: {  	s2 =	sld [smem:$0x3FD9]  }
0x89: {  	s3 =	sld [smem:$0x3FFE];
	_ =	sdelay $0x1  }
0x8a: {  	s1 =	srdreg.scid  }
0x8b: {  	s0 =	sand.u32 $0x1, s1  }
0x8c: {  	s14 =	sshll.u32 s0, $0xA;
	s2 =	sadd.s32 s3, s2  }
0x8d: {  	s2 =	sadd.s32 s2, s14  }
0x8e: {  	[smem:$0x3FC4] =	sst s2  }
0x8f: {  	_ = 	snop  }
0x90: {  	s2 =	sld [smem:$0x3FD0];
	_ =	sdelay $0x2  }
0x91: {  	s15 =	simm.s32 $0xA;
	s4 =	simm.s32 $0x10  }
0x92: {  	[smem:s4], [sflag:s15] =	dma.local [hbm:s2], $0x1  }
0x93: {  	_ =	swait.eq [sflag:s15], $0x1  }
0x94: {  	[sflag:s15] =	ssyncset.done $0x0  }
0x95: {  	[sflag:s15] =	ssyncadd.s32 $0xFFFFFFFF  }
0x96: {  	s16 =	sld [smem:$0x10];
	(tm) =	ssettm $0x1  }
0x97: {  	s17 =	sld [smem:$0x3FFB];
	_ =	sdelay $0x3  }
0x98: {  	_ =	strace s17  }
0x99: {  	s3 =	sld [smem:$0x3FFC];
	_ =	sdelay $0x3  }
0x9a: {  	_ =	strace s3  }
0x9b: {  	s3 =	sld [smem:$0x3FFD];
	_ =	sdelay $0x3  }
0x9c: {  	_ =	strace s3  }
0x9d: {  	_ =	strace $0x8FFFFFFF  }
0x9e: {  	s18 =	sld [smem:$0x3FDB];
	_ =	sdelay $0x1  }
0x9f: {  	s19 =	simm.s32 $_scs_section_size  }
0xa0: {  	s5 =	simm.s32 $_size__tile_overlayer_lowered;
	s6 =	simm.s32 $_tile_overlayer_lowered  }
0xa1: {  	s22 =	simm.s32 $0x1BFF;
	s21 =	sshll.u32 s6, $0x1;
	s3 =	sadd.s32 s19, s18  }
0xa2: {  	s7 =	simm.s32 $0x0;
	s20 =	sshll.u32 s5, $0x1;
	s5 =	sadd.s32 s21, s3  }
0xa3: {  	[timem:s7], [sflag:s22] =	dma.local [hbm:s5], s20  }
0xa4: {  	_ =	swait.ge [sflag:s22], s20  }
0xa5: {  	s4 =	ssub.s32 $0x0, s20;
	[sflag:s22] =	ssyncset.done $0x0  }
0xa6: {  	[sflag:s22] =	ssyncadd.s32 s4;
	_ =	sdelay $0x1  }
0xa7: {  	s23 =	simm.s32 $0x1B8B  }
0xa8: {  	_ =	swait.ge [sflag:s23], $0x1  }
0xa9: {  	[sflag:s23] =	ssyncset.done $0x0  }
0xaa: {  	s25 =	simm.s32 $0x1B8E;
	s24 =	sld [smem:$0x3FFE];
	[sflag:s23] =	ssyncadd.s32 $0xFFFFFFFF  }
0xab: {  	s26 =	simm.s32 $execute0_lowered;
	[smem:$0x3FD2] =	sst s25  }
0xac: {  	s5 =	sshll.u32 s26, $0x1;
	_ =	strace $0x8000004C;
	[dreg:$0x1] =	wrdreg $0xFFFFFFFF  }
0xad: {  	s28 =	simm.s32 $_size_execute0_lowered;
	s3 =	sadd.s32 s3, s5;
	[dreg:$0x0] =	wrdreg $0x0  }
0xae: {  	s5 =	sshll.u32 s28, $0x1;
	[dreg:$0x2] =	wrdreg s3  }
0xaf: {  	[dreg:$0x3] =	wrdreg s5  }
0xb0: {  	[dreg:$0x4] =	wrdreg $0xC0  }
0xb1: {  	_ =	task [dreg:s7], $0x5FFFF  }
0xb2: {  	[dreg:$0x1] =	wrdreg $0xFFFFFFFF  }
0xb3: {  	[dreg:$0x0] =	wrdreg $0x60  }
0xb4: {  	[dreg:$0x2] =	wrdreg s24  }
0xb5: {  	[dreg:$0x3] =	wrdreg s16  }
0xb6: {  	[dreg:$0x4] =	wrdreg $0x9  }
0xb7: {  	_ =	task.clear_ibuf [dreg:s7], $0x5FFFF;
	_ =	strace $0x9000004C  }
0xb8: {  	s29 =	simm.s32 $0x9;
	_ =	strace $0x8000004E  }
0xb9: {  	_ =	swait.ge [sflag:s29], $0x1  }
0xba: {  	[sflag:s29] =	ssyncadd.s32 $0xFFFFFFFF  }
0xbb: {  	_ =	strace $0x9000004E  }
0xbc: {  	_ =	sfence  }
0xbd: {  	s30 =	sld [smem:$0x0];
	_ =	sdelay $0x2  }
0xbe: {  	s31 =	sshll.u32 s1, $0xD;
	s1 =	sshrl.u32 s1, $0x2  }
0xbf: {  	s3 =	sand.u32 $0x4000, s31;
	s1 =	sadd.s32 s1, s30  }
0xc0: {  	s0 =	sor.u32 s3, s0;
	s1 =	sshll.u32 s1, $0x11  }
0xc1: {  	s0 =	sor.u32 s1, s0  }
0xc2: {  	s0 =	sadd.s32 $0x8F2B, s0  }
0xc3: {  	[sflag:s0] =	ssyncadd.remote.s32 $0x1  }
0xc4: {  	_ =	sfence.sel $0xFFFF  }
0xc5: {  	[dreg:$0x0] =	wrdreg $0xFFFFFFFF;
	(pc) =	sbr.abs _section_cstart, $3  }
0xc6: {  	[dreg:$0x1] =	wrdreg $0xFFFFFFFF  }
0xc7: {  	_ =	task.clear_ibuf [dreg:s7], $0x2FFFF;
	_ =	strace $0x9FFFFFFF  }
0xc8: {  	(tm) =	ssettm $0x7FFFFFFF  }
0xc9: {  	_ =	shalt  }
tec
execute0_lowered:
.L_overlay_start_1:
0x0: {  	(tag) =	ssettag $0x1  }
0x1: {  	s7 =	rddreg [dreg:$0x0]  }
0x2: {  	s1 =	rddreg [dreg:$0x1]  }
0x3: {  	s3 =	srdreg.scid;
	s0 =	rddreg [dreg:$0x2];
	s2 =	simm.s32 $0x0  }
0x4: {  	s12 =	simm.s32 $0x1080;
	s13 =	simm.s32 $0x1880;
	s14 =	simm.s32 $0x1  }
0x5: {  	s15 =	simm.s32 $0x400;
	s16 =	simm.s32 $0x2080;
	s6 =	sand.u32 $0x1, s3  }
0x6: {  	[smem:$0x7FF] =	sst s2;
	s4 =	sadd.s32 $0x203E00, s7;
	s5 =	sadd.s32 $0x3E00, s7  }
0x7: {  	s3 =	stileid.u32;
	s7 =	sadd.s32 $0x203F00, s7;
	s8 =	ssub.s32 $0x2, s6  }
0x8: {  	_ =	strace $0x8000004D;
	s31 =	sshll.u32 s3, $0x8;
	s6 =	sshll.u32 s6, $0x7  }
0x9: {  	v3 =	vlaneseq.u32;
	s10 =	sshll.u32 s3, $0xA;
	s9 =	sshrl.u32 s8, $0x1;
	s6 =	sor.u32 s6, s31  }
0xa: {  	vm0 =	vmmov $0xffff;
	v1 =	vand.u32 $0x7, v3;
	v2 =	vshrl.u32 v3, $0x3;
	s11 =	sand.u32 $0x2000, s10;
	s10 =	simm.s32 $0x80;
	s8 =	ssub.s32 s8, s9  }
0xb: {  	v3 =	vor.u32 $0x8, v3;
	v2 =	vmul.u32 $0x8, v2;
	s9 =	simm.s32 $0x2;
	v0 =	vmov s11;
	s11 =	simm.s32 $0x880;
	s8 =	smax.u32 s8, $0x1  }
.LBB2_1:
0xc: {  	s17 =	simm.s32 $0x0  }
.LBB2_2:
0xd: {  	s18 =	sadd.s32 s6, s17  }
0xe: {  	s19 =	sshll.u32 s17, $0x7;
	s18 =	sshrl.u32 s18, $0x3  }
0xf: {  	s19 =	sand.u32 $0x380, s19;
	s20 =	sshll.u32 s18, $0xA  }
0x10: {  	s20 =	sor.u32 s19, s20  }
0x11: {  	s20 =	sshrl.u32 s20, $0x3  }
0x12: {  	s21 =	simm.s32 $0x0;
	s20 =	sadd.s32 s5, s20  }
0x13: {  	[tilespmem:s21], [sflag:$0x2] =	stream.linear.gather [hbm4b:s20+s21], $0x80, $0x38;
	[tilespmem:$0x2280] =	vst v63  }
0x14: {  	_ =	swait.ge [sflag:s9], $0x80  }
0x15: {  	[sflag:s9] =	ssyncset.done $0x0  }
0x16: {  	[sflag:s9] =	ssyncadd.s32 $0xFFFFFF80  }
0x17: {  	v4 =	vld [tilespmem:$0x0];
	_ =	sdelay $0x4  }
0x18: {  	v5 =	vadd.s32 v0, v4  }
0x19: {  	v6 =	vshll.u32 v5, $0x2  }
0x1a: {  	v4 =	vand.u32 $0x7, v4;
	v6 =	vand.u32 $0xFFFFFFE0, v6  }
0x1b: {  	v4 =	vor.u32 v4, v6  }
0x1c: {  	v6 =	vperm.xlane v4, v1;
	_ =	sdelay $0x1  }
0x1d: {  	v6 =	vadd.s32 v2, v6;
	_ =	sdelay $0x1  }
0x1e: {  	v4 =	vperm.xlane v4, v3;
	_ =	sdelay $0x1  }
0x1f: {  	[tilespmem:$0x0] =	vst v5;
	v4 =	vadd.s32 v2, v4  }
0x20: {  	[tilespmem:s10], [sflag:$0x1] =	stream.indirect_vreg.gather [hbm4b:s4+s21], $0x80, v6, vm0, $0xb8;
	[tilespmem:$0x2280] =	vst v63  }
0x21: {  	_ = 	snop  }
0x22: {  	[tilespmem:s11], [sflag:$0x1] =	stream.indirect_vreg.gather [hbm4b:s7+s21], $0x80, v6, vm0, $0xb8;
	[tilespmem:$0x2280] =	vst v63  }
0x23: {  	_ = 	snop  }
0x24: {  	[tilespmem:s12], [sflag:$0x1] =	stream.indirect_vreg.gather [hbm4b:s4+s21], $0x80, v4, vm0, $0xb8;
	[tilespmem:$0x2280] =	vst v63  }
0x25: {  	_ = 	snop  }
0x26: {  	[tilespmem:s13], [sflag:$0x1] =	stream.indirect_vreg.gather [hbm4b:s7+s21], $0x80, v4, vm0, $0xb8;
	[tilespmem:$0x2280] =	vst v63  }
0x27: {  	_ =	swait.ge [sflag:s14], $0x2000  }
0x28: {  	s30 =	sand.u32 $0x70, s21;
	s21 =	sand.u32 $0xC00, s21;
	[sflag:s14] =	ssyncset.done $0x0  }
0x29: {  	s20 =	sor.u32 s30, s21;
	[sflag:s14] =	ssyncadd.s32 $0xFFFFE000  }
0x2a: {  	v4 =	vld [tilespmem:s20+$0x100]  }
0x2b: {  	v5 =	vld [tilespmem:s20+$0x80]  }
0x2c: {  	v55 =	vld [tilespmem:s20+$0x180]  }
0x2d: {  	v7 =	vld [tilespmem:s20+$0x200]  }
0x2e: {  	v8 =	vld [tilespmem:s20+$0x280]  }
0x2f: {  	v9 =	vld [tilespmem:s20+$0x300]  }
0x30: {  	v4 =	vmax.f32 v5, v4;
	v5 =	vld [tilespmem:s20+$0x380]  }
0x31: {  	v56 =	vld [tilespmem:s20+$0x400];
	v4 =	vmax.f32 v4, v55  }
0x32: {  	v57 =	vld [tilespmem:s20+$0x1080];
	v4 =	vmax.f32 v4, v7  }
0x33: {  	v58 =	vld [tilespmem:s20+$0x1100];
	v4 =	vmax.f32 v4, v8  }
0x34: {  	v59 =	vld [tilespmem:s20+$0x1180];
	v4 =	vmax.f32 v4, v9  }
0x35: {  	v4 =	vmax.f32 v4, v5;
	v5 =	vld [tilespmem:s20+$0x1200]  }
0x36: {  	v60 =	vld [tilespmem:s20+$0x1280];
	v4 =	vmax.f32 v4, v56  }
0x37: {  	v61 =	vld [tilespmem:s20+$0x1300];
	v4 =	vmax.f32 v4, v57  }
0x38: {  	v62 =	vld [tilespmem:s20+$0x1380];
	v4 =	vmax.f32 v4, v58  }
0x39: {  	v63 =	vld [tilespmem:s20+$0x1400];
	v4 =	vmax.f32 v4, v59  }
0x3a: {  	v4 =	vmax.f32 v4, v5  }
0x3b: {  	v4 =	vmax.f32 v4, v60  }
0x3c: {  	v4 =	vmax.f32 v4, v61  }
0x3d: {  	s31 =	simm.s32 $0x10;
	s22 =	simm.s32 $0x80;
	v4 =	vmax.f32 v4, v62  }
0x3e: {  	s23 =	sand.u32 $0xC00, s22;
	s21 =	sand.u32 $0x70, s31;
	s20 =	simm.s32 $0x2080;
	v4 =	vmax.f32 v4, v63  }
0x3f: {  	s21 =	sor.u32 s21, s23;
	s23 =	simm.s32 $0x20;
	[tilespmem:s20+$0x0] =	vst v4  }
.LBB2_3:
0x40: {  	p0 =	sne.s32 s23, $0x1F0;
	v4 =	vld [tilespmem:s21+$0x100]  }
0x41: {  	v5 =	vld [tilespmem:s21+$0x80]  }
0x42: {  	v6 =	vld [tilespmem:s21+$0x180]  }
0x43: {  	v7 =	vld [tilespmem:s21+$0x200]  }
0x44: {  	v8 =	vld [tilespmem:s21+$0x280]  }
0x45: {  	v9 =	vld [tilespmem:s21+$0x300]  }
0x46: {  	v4 =	vmax.f32 v5, v4;
	v5 =	vld [tilespmem:s21+$0x380]  }
0x47: {  	v4 =	vmax.f32 v4, v6;
	v6 =	vld [tilespmem:s21+$0x400]  }
0x48: {  	v4 =	vmax.f32 v4, v7;
	v7 =	vld [tilespmem:s21+$0x1080]  }
0x49: {  	v4 =	vmax.f32 v4, v8;
	v8 =	vld [tilespmem:s21+$0x1100]  }
0x4a: {  	v4 =	vmax.f32 v4, v9;
	v9 =	vld [tilespmem:s21+$0x1180]  }
0x4b: {  	v4 =	vmax.f32 v4, v5;
	v5 =	vld [tilespmem:s21+$0x1200]  }
0x4c: {  	v4 =	vmax.f32 v4, v6;
	v6 =	vld [tilespmem:s21+$0x1280]  }
0x4d: {  	v4 =	vmax.f32 v4, v7;
	v7 =	vld [tilespmem:s21+$0x1300]  }
0x4e: {  	v4 =	vmax.f32 v4, v8;
	v8 =	vld [tilespmem:s21+$0x1380]  }
0x4f: {  	v4 =	vmax.f32 v4, v9;
	v9 =	vld [tilespmem:s21+$0x1400]  }
0x50: {  	v4 =	vmax.f32 v4, v5  }
.Ltmp0:
0x51: {  	v4 =	vmax.f32 v4, v6;
	(pc) =	sbr.rel @p0 .LBB2_3-.Ltmp0, $4  }
0x52: {  	v4 =	vmax.f32 v4, v7  }
0x53: {  	s22 =	sadd.s32 $0x80, s22;
	v4 =	vmax.f32 v4, v8  }
0x54: {  	s20 =	sadd.s32 $0x10, s20;
	s24 =	sand.u32 $0xC00, s22;
	s21 =	sand.u32 $0x70, s23;
	v4 =	vmax.f32 v4, v9  }
0x55: {  	s23 =	sadd.s32 $0x10, s23;
	s21 =	sor.u32 s21, s24;
	[tilespmem:s20+$0x0] =	vst v4  }
0x56: {  	v4 =	vld [tilespmem:s21+$0x100]  }
0x57: {  	v5 =	vld [tilespmem:s21+$0x80]  }
0x58: {  	v6 =	vld [tilespmem:s21+$0x180]  }
0x59: {  	v7 =	vld [tilespmem:s21+$0x200]  }
0x5a: {  	v8 =	vld [tilespmem:s21+$0x280]  }
0x5b: {  	v9 =	vld [tilespmem:s21+$0x300]  }
0x5c: {  	v4 =	vmax.f32 v5, v4;
	v5 =	vld [tilespmem:s21+$0x380]  }
0x5d: {  	v56 =	vld [tilespmem:s21+$0x400];
	v4 =	vmax.f32 v4, v6  }
0x5e: {  	v57 =	vld [tilespmem:s21+$0x1080];
	v4 =	vmax.f32 v4, v7  }
0x5f: {  	v58 =	vld [tilespmem:s21+$0x1100];
	v4 =	vmax.f32 v4, v8  }
0x60: {  	v59 =	vld [tilespmem:s21+$0x1180];
	v4 =	vmax.f32 v4, v9  }
0x61: {  	v4 =	vmax.f32 v4, v5;
	v5 =	vld [tilespmem:s21+$0x1200]  }
0x62: {  	v60 =	vld [tilespmem:s21+$0x1280];
	v4 =	vmax.f32 v4, v56  }
0x63: {  	v61 =	vld [tilespmem:s21+$0x1300];
	v4 =	vmax.f32 v4, v57  }
0x64: {  	v62 =	vld [tilespmem:s21+$0x1380];
	v4 =	vmax.f32 v4, v58  }
0x65: {  	v63 =	vld [tilespmem:s21+$0x1400];
	v4 =	vmax.f32 v4, v59  }
0x66: {  	v4 =	vmax.f32 v4, v5  }
0x67: {  	v4 =	vmax.f32 v4, v60  }
0x68: {  	s18 =	sshll.u32 s18, $0xC;
	v4 =	vmax.f32 v4, v61  }
0x69: {  	s17 =	sadd.s32 $0x1, s17;
	s18 =	sor.u32 s19, s18;
	v4 =	vmax.f32 v4, v62  }
0x6a: {  	s31 =	sadd.s32 $0x10, s20;
	p0 =	sne.s32 s17, $0x80;
	s18 =	sshrl.u32 s18, $0x3;
	v4 =	vmax.f32 v4, v63  }
.Ltmp1:
0x6b: {  	s18 =	sadd.s32 s1, s18;
	[tilespmem:s31+$0x0] =	vst v4;
	(pc) =	sbr.rel @p0 .LBB2_2-.Ltmp1, $4  }
0x6c: {  	[hbm4b:s18+s10] =	stream.strided.scatter [tilespmem:s16], [sflag:$0x2], $0x200, s15, s10, $0x38;
	[tilespmem:$0x2280] =	vst v63  }
0x6d: {  	_ =	swait.ge [sflag:s9], $0x200  }
0x6e: {  	[sflag:s9] =	ssyncset.done $0x0  }
0x6f: {  	[sflag:s9] =	ssyncadd.s32 $0xFFFFFE00  }
0x70: {  	s2 =	sadd.s32 $0x1, s2  }
0x71: {  	p0 =	sne.s32 s2, s8  }
.Ltmp2:
0x72: {  	_ = 	snop;
	(pc) =	sbr.rel @p0 .LBB2_1-.Ltmp2, $1  }
0x73: {  	_ =	sdelay $0x3  }
0x74: {  	_ =	sfence.sel $0x180000  }
0x75: {  	[bflag:$0x0] =	sbarrier.arrive $0xFFFF  }
0x76: {  	p0 =	sne.s32 s3, $0x0;
	_ =	strace $0x9000004D  }
0x77: {  	s0 =	sadd.s32 @!p0 $0x100000, s0;
	[bflag:$0x2] =	sbarrier.arrive $0xFFFF  }
0x78: {  	[sflag:s0] =	ssyncadd.tile.s32 @!p0 $0x1;
	_ =	shalt  }
.Lfunc_end2:
_tile_overlayer_lowered:
.L_overlay_start_2:
0x79: {  	(tag) =	ssettag $0x2  }
0x7a: {  	s0 =	rddreg [dreg:$0x0];
	s2 =	stileid.u32  }
0x7b: {  	s1 =	rddreg [dreg:$0x1];
	p0 =	sne.s32 s2, $0x0  }
0x7c: {  	s3 =	rddreg [dreg:$0x2];
	[bflag:$0x3] =	sbarrier.arrive $0xFFFF;
	s2 =	simm.s32 @!p0 $0x1C02  }
0x7d: {  	[timem:s3], [sflag:s2] =	dma.local @!p0 [hbm:s0], s1  }
0x7e: {  	s0 =	simm.s32 @!p0 $0x2  }
0x7f: {  	_ =	swait.ge @!p0 [sflag:s0], s1  }
0x80: {  	s1 =	ssub.s32 @!p0 $0x0, s1;
	[sflag:s0] =	ssyncset.done @!p0 $0x0  }
0x81: {  	[sflag:s0] =	ssyncadd.s32 @!p0 s1  }
0x82: {  	[bflag:$0x3] =	sbarrier.arrive $0xFFFF  }
0x83: {  	_ =	shalt  }

// kernel: kernel.9.cloned.1.call-start
scs
__scs_entry_jumppad:
0x0: {  	(pc) =	sbr.rel $0x88, $3  }
0x1: {  	(tag) =	ssettag $0x0;
	lr =	simm.s32 $0x1  }
0x2: {  	[smem:$0x3F9D] =	sst lr;
	_ =	strace $0xD0000000  }
0x3: {  	_ = 	snop  }
0x4: {  	_ = 	snop  }
0x5: {  	_ = 	snop  }
0x6: {  	_ = 	snop  }
0x7: {  	_ = 	snop  }
__scs_overlays_trampoline_lowered:
0x8: {  	[smem:$0x3FAC] =	sst s0  }
0x9: {  	[smem:$0x3FAD] =	sst s1  }
0xa: {  	[smem:$0x3FAE] =	sst s2  }
0xb: {  	[smem:$0x3FAF] =	sst s3  }
0xc: {  	[smem:$0x3FB0] =	sst s4  }
0xd: {  	[smem:$0x3FB1] =	sst s5  }
0xe: {  	[smem:$0x3FB2] =	sst s6  }
0xf: {  	[smem:$0x3FB3] =	sst s7  }
0x10: {  	[smem:$0x3FB4] =	sst s8  }
0x11: {  	[smem:$0x3FB5] =	sst s9;
	s0 =	simm.s32 @!p0 $0x0  }
0x12: {  	s1 =	sld [smem:$0x3F9B];
	s0 =	simm.s32 @p0 $0x1  }
0x13: {  	[smem:$0x3FB6] =	sst s0;
	s0 =	simm.s32 @!p1 $0x0  }
0x14: {  	s2 =	sld [smem:$0x3F9A];
	s0 =	simm.s32 @p1 $0x1  }
0x15: {  	[smem:$0x3FB7] =	sst s0;
	s0 =	simm.s32 @!p2 $0x0  }
0x16: {  	s3 =	sld [smem:$0x3FDB];
	s0 =	simm.s32 @p2 $0x1  }
0x17: {  	s4 =	simm.s32 $0x1BF5;
	[smem:$0x3FB9] =	sst s0  }
0x18: {  	s0 =	sld [smem:$0x3F9C];
	_ =	swait.ge [sflag:s4], $0x0  }
0x19: {  	s7 =	sld [smem:$0x3F9D]  }
0x1a: {  	s8 =	sadd.s32 $0xFFFFE003, lr  }
0x1b: {  	s9 =	sadd.s32 $0xFFFFFEF7, lr;
	s5 =	simm.s32 $0xFFFFFFFF;
	p2 =	slt.u32 s8, $0xFFFFF086  }
0x1c: {  	p1 =	slt.u32 s9, $0xF7A;
	s5 =	simm.s32 @!p2 $0x0  }
0x1d: {  	s5 =	simm.s32 @p1 $0x1;
	p0 =	seq.s32 s7, s2  }
0x1e: {  	s7 =	smul.u32 @!p0 $0xF7A, s2;
	p2 =	seq.s32 @!p0 s5, $0x0  }
0x1f: {  	s9 =	smul.u32 $0xF7A, s1;
	s8 =	simm.s32 @!p0 $0x1BF5;
	p2 =	por !p2, p0  }
0x20: {  	[sflag:s8] =	ssyncset.s32 @!p0 $0xFFFFF086;
	s6 =	sadd.s32 @!p0 s3, s7;
	s7 =	simm.s32 @!p0 $0x108  }
0x21: {  	s3 =	sadd.s32 s3, s9;
	s6 =	sadd.s32 @!p0 $0x88, s6;
	s7 =	simm.s32 @p2 $0x1082  }
0x22: {  	[simem:s7], [sflag:s8] =	dma.local @!p0 [hbm:s6], $0xF7A  }
0x23: {  	s9 =	sor.u32 $0xD0000000, s2;
	s6 =	simm.s32 $0x108;
	_ =	swait.ge @!p0 [sflag:s8], $0x0  }
0x24: {  	s3 =	sadd.s32 $0x88, s3;
	s6 =	simm.s32 @!p1 $0x1082;
	[sflag:s4] =	ssyncset.s32 $0xFFFFF086  }
0x25: {  	[simem:s6], [sflag:s4] =	dma.local [hbm:s3], $0xF7A  }
0x26: {  	[smem:$0x3F9D] =	sst s1;
	(tag) =	ssettag s2;
	_ =	strace s9  }
0x27: {  	s1 =	sld [smem:$0x3FAD]  }
0x28: {  	s2 =	sld [smem:$0x3FAE]  }
0x29: {  	s4 =	sld [smem:$0x3FB0]  }
0x2a: {  	p0 =	seq.s32 s5, $0x0;
	s5 =	sld [smem:$0x3FB1]  }
0x2b: {  	s6 =	sld [smem:$0x3FB2]  }
0x2c: {  	s7 =	sld [smem:$0x3FB3]  }
0x2d: {  	s3 =	simm.s32 $0x108;
	s8 =	sld [smem:$0x3FB4]  }
0x2e: {  	s3 =	simm.s32 @!p0 $0x1082;
	s9 =	sld [smem:$0x3FB5]  }
0x2f: {  	lr =	sadd.s32 s0, s3;
	s0 =	sld [smem:$0x3FAC]  }
0x30: {  	s3 =	sld [smem:$0x3FAF]  }
0x31: {  	[smem:$0x3FB8] =	sst s10  }
0x32: {  	s10 =	sld [smem:$0x3FB6];
	_ =	sdelay $0x3  }
0x33: {  	p0 =	seq.s32 s10, $0x1;
	s10 =	sld [smem:$0x3FB8];
	_ =	sdelay $0x3  }
0x34: {  	[smem:$0x3FB8] =	sst s10  }
0x35: {  	s10 =	sld [smem:$0x3FB7];
	_ =	sdelay $0x3  }
0x36: {  	p1 =	seq.s32 s10, $0x1;
	s10 =	sld [smem:$0x3FB8];
	_ =	sdelay $0x3  }
0x37: {  	[smem:$0x3FB8] =	sst s10  }
0x38: {  	s10 =	sld [smem:$0x3FB9]  }
0x39: {  	_ = 	snop;
	(pc) =	sbr.ind lr, $3  }
0x3a: {  	_ = 	snop  }
0x3b: {  	_ = 	snop  }
0x3c: {  	p2 =	seq.s32 s10, $0x1;
	s10 =	sld [smem:$0x3FB8]  }
0x3d: {  	_ =	shalt  }
0x3e: {  	_ =	shalt  }
0x3f: {  	_ =	shalt  }
0x40: {  	_ =	shalt  }
0x41: {  	_ =	shalt  }
0x42: {  	_ =	shalt  }
0x43: {  	_ =	shalt  }
0x44: {  	_ =	shalt  }
0x45: {  	_ =	shalt  }
0x46: {  	_ =	shalt  }
0x47: {  	_ =	shalt  }
0x48: {  	_ =	shalt  }
0x49: {  	_ =	shalt  }
0x4a: {  	_ =	shalt  }
0x4b: {  	_ =	shalt  }
0x4c: {  	_ =	shalt  }
0x4d: {  	_ =	shalt  }
0x4e: {  	_ =	shalt  }
0x4f: {  	_ =	shalt  }
0x50: {  	_ =	shalt  }
0x51: {  	_ =	shalt  }
0x52: {  	_ =	shalt  }
0x53: {  	_ =	shalt  }
0x54: {  	_ =	shalt  }
0x55: {  	_ =	shalt  }
0x56: {  	_ =	shalt  }
0x57: {  	_ =	shalt  }
0x58: {  	_ =	shalt  }
0x59: {  	_ =	shalt  }
0x5a: {  	_ =	shalt  }
0x5b: {  	_ =	shalt  }
0x5c: {  	_ =	shalt  }
0x5d: {  	_ =	shalt  }
0x5e: {  	_ =	shalt  }
0x5f: {  	_ =	shalt  }
0x60: {  	_ =	shalt  }
0x61: {  	_ =	shalt  }
0x62: {  	_ =	shalt  }
0x63: {  	_ =	shalt  }
0x64: {  	_ =	shalt  }
0x65: {  	_ =	shalt  }
0x66: {  	_ =	shalt  }
0x67: {  	_ =	shalt  }
0x68: {  	_ =	shalt  }
0x69: {  	_ =	shalt  }
0x6a: {  	_ =	shalt  }
0x6b: {  	_ =	shalt  }
0x6c: {  	_ =	shalt  }
0x6d: {  	_ =	shalt  }
0x6e: {  	_ =	shalt  }
0x6f: {  	_ =	shalt  }
0x70: {  	_ =	shalt  }
0x71: {  	_ =	shalt  }
0x72: {  	_ =	shalt  }
0x73: {  	_ =	shalt  }
0x74: {  	_ =	shalt  }
0x75: {  	_ =	shalt  }
0x76: {  	_ =	shalt  }
0x77: {  	_ =	shalt  }
0x78: {  	_ =	shalt  }
0x79: {  	_ =	shalt  }
0x7a: {  	_ =	shalt  }
0x7b: {  	_ =	shalt  }
0x7c: {  	_ =	shalt  }
0x7d: {  	_ =	shalt  }
0x7e: {  	_ =	shalt  }
0x7f: {  	_ =	shalt  }
0x80: {  	_ =	shalt  }
0x81: {  	_ =	shalt  }
0x82: {  	_ =	shalt  }
0x83: {  	_ =	shalt  }
0x84: {  	_ =	shalt  }
0x85: {  	_ =	shalt  }
0x86: {  	_ =	shalt  }
0x87: {  	_ =	shalt  }
.Lfunc_end0:
.L_simem_size_0:
called_computation.1_lowered:
.L_overlay_start_0:
0x88: {  	s2 =	sld [smem:$0x3FD9]  }
0x89: {  	s3 =	sld [smem:$0x3FFE];
	_ =	sdelay $0x1  }
0x8a: {  	s1 =	srdreg.scid  }
0x8b: {  	s0 =	sand.u32 $0x1, s1  }
0x8c: {  	s14 =	sshll.u32 s0, $0xA;
	s2 =	sadd.s32 s3, s2  }
0x8d: {  	s2 =	sadd.s32 s2, s14  }
0x8e: {  	[smem:$0x3FC4] =	sst s2  }
0x8f: {  	_ = 	snop  }
0x90: {  	s2 =	sld [smem:$0x3FD0];
	_ =	sdelay $0x2  }
0x91: {  	s15 =	simm.s32 $0xA;
	s4 =	simm.s32 $0x10  }
0x92: {  	[smem:s4], [sflag:s15] =	dma.local [hbm:s2], $0x1  }
0x93: {  	_ =	swait.eq [sflag:s15], $0x1  }
0x94: {  	[sflag:s15] =	ssyncset.done $0x0  }
0x95: {  	[sflag:s15] =	ssyncadd.s32 $0xFFFFFFFF  }
0x96: {  	s16 =	sld [smem:$0x10];
	(tm) =	ssettm $0x1  }
0x97: {  	s17 =	sld [smem:$0x3FFB];
	_ =	sdelay $0x3  }
0x98: {  	_ =	strace s17  }
0x99: {  	s3 =	sld [smem:$0x3FFC];
	_ =	sdelay $0x3  }
0x9a: {  	_ =	strace s3  }
0x9b: {  	s3 =	sld [smem:$0x3FFD];
	_ =	sdelay $0x3  }
0x9c: {  	_ =	strace s3  }
0x9d: {  	_ =	strace $0x8FFFFFFF  }
0x9e: {  	s18 =	sld [smem:$0x3FDB];
	_ =	sdelay $0x1  }
0x9f: {  	s19 =	simm.s32 $_scs_section_size  }
0xa0: {  	s5 =	simm.s32 $_size__tile_overlayer_lowered;
	s6 =	simm.s32 $_tile_overlayer_lowered  }
0xa1: {  	s22 =	simm.s32 $0x1BFF;
	s21 =	sshll.u32 s6, $0x1;
	s3 =	sadd.s32 s19, s18  }
0xa2: {  	s7 =	simm.s32 $0x0;
	s20 =	sshll.u32 s5, $0x1;
	s5 =	sadd.s32 s21, s3  }
0xa3: {  	[timem:s7], [sflag:s22] =	dma.local [hbm:s5], s20  }
0xa4: {  	_ =	swait.ge [sflag:s22], s20  }
0xa5: {  	s4 =	ssub.s32 $0x0, s20;
	[sflag:s22] =	ssyncset.done $0x0  }
0xa6: {  	[sflag:s22] =	ssyncadd.s32 s4;
	_ =	sdelay $0x1  }
0xa7: {  	s23 =	simm.s32 $0x1B8B  }
0xa8: {  	_ =	swait.ge [sflag:s23], $0x1  }
0xa9: {  	[sflag:s23] =	ssyncset.done $0x0  }
0xaa: {  	s25 =	simm.s32 $0x1B8E;
	s24 =	sld [smem:$0x3FFE];
	[sflag:s23] =	ssyncadd.s32 $0xFFFFFFFF  }
0xab: {  	s26 =	simm.s32 $execute0_lowered;
	[smem:$0x3FD2] =	sst s25  }
0xac: {  	s5 =	sshll.u32 s26, $0x1;
	_ =	strace $0x80000046;
	[dreg:$0x1] =	wrdreg $0xFFFFFFFF  }
0xad: {  	s28 =	simm.s32 $_size_execute0_lowered;
	s3 =	sadd.s32 s3, s5;
	[dreg:$0x0] =	wrdreg $0x0  }
0xae: {  	s5 =	sshll.u32 s28, $0x1;
	[dreg:$0x2] =	wrdreg s3  }
0xaf: {  	[dreg:$0x3] =	wrdreg s5  }
0xb0: {  	[dreg:$0x4] =	wrdreg $0xC0  }
0xb1: {  	_ =	task [dreg:s7], $0x5FFFF  }
0xb2: {  	[dreg:$0x1] =	wrdreg $0xFFFFFFFF  }
0xb3: {  	[dreg:$0x0] =	wrdreg $0x60  }
0xb4: {  	[dreg:$0x2] =	wrdreg s24  }
0xb5: {  	[dreg:$0x3] =	wrdreg s16  }
0xb6: {  	[dreg:$0x4] =	wrdreg $0x9  }
0xb7: {  	_ =	task.clear_ibuf [dreg:s7], $0x5FFFF;
	_ =	strace $0x90000046  }
0xb8: {  	s29 =	simm.s32 $0x9;
	_ =	strace $0x80000048  }
0xb9: {  	_ =	swait.ge [sflag:s29], $0x1  }
0xba: {  	[sflag:s29] =	ssyncadd.s32 $0xFFFFFFFF  }
0xbb: {  	_ =	strace $0x90000048  }
0xbc: {  	_ =	sfence  }
0xbd: {  	s30 =	sld [smem:$0x0];
	_ =	sdelay $0x2  }
0xbe: {  	s31 =	sshll.u32 s1, $0xD;
	s1 =	sshrl.u32 s1, $0x2  }
0xbf: {  	s3 =	sand.u32 $0x4000, s31;
	s1 =	sadd.s32 s1, s30  }
0xc0: {  	s0 =	sor.u32 s3, s0;
	s1 =	sshll.u32 s1, $0x11  }
0xc1: {  	s0 =	sor.u32 s1, s0  }
0xc2: {  	s0 =	sadd.s32 $0x8F2B, s0  }
0xc3: {  	[sflag:s0] =	ssyncadd.remote.s32 $0x1  }
0xc4: {  	_ =	sfence.sel $0xFFFF  }
0xc5: {  	[dreg:$0x0] =	wrdreg $0xFFFFFFFF;
	(pc) =	sbr.abs _section_cstart, $3  }
0xc6: {  	[dreg:$0x1] =	wrdreg $0xFFFFFFFF  }
0xc7: {  	_ =	task.clear_ibuf [dreg:s7], $0x2FFFF;
	_ =	strace $0x9FFFFFFF  }
0xc8: {  	(tm) =	ssettm $0x7FFFFFFF  }
0xc9: {  	_ =	shalt  }
tec
execute0_lowered:
.L_overlay_start_1:
0x0: {  	(tag) =	ssettag $0x1  }
0x1: {  	s4 =	rddreg [dreg:$0x0]  }
0x2: {  	s1 =	rddreg [dreg:$0x1];
	s2 =	srdreg.scid  }
0x3: {  	s0 =	rddreg [dreg:$0x2];
	s3 =	simm.s32 $0x0;
	s10 =	simm.s32 $0x10  }
0x4: {  	s11 =	simm.s32 $0x80;
	s12 =	simm.s32 $0x1;
	s13 =	simm.s32 $0x0  }
0x5: {  	s8 =	sand.u32 $0x1, s2;
	[smem:$0x7FF] =	sst s3;
	s2 =	stileid.u32  }
0x6: {  	s5 =	ssub.s32 $0x2, s8;
	_ =	strace $0x80000047;
	s6 =	sshll.u32 s2, $0x10  }
0x7: {  	s29 =	sshll.u32 s8, $0xF;
	s30 =	sshll.u32 s2, $0xE;
	s9 =	sshll.u32 s8, $0xD  }
0x8: {  	s31 =	sshll.u32 s2, $0xC;
	s8 =	sshll.u32 s8, $0xB;
	s7 =	sshrl.u32 s5, $0x1  }
0x9: {  	s6 =	sadd.s32 s6, s4;
	s4 =	sadd.s32 $0x403E00, s4;
	s8 =	sor.u32 s8, s31  }
0xa: {  	s5 =	ssub.s32 s5, s7;
	s6 =	sadd.s32 s29, s6;
	s7 =	sor.u32 s9, s30  }
0xb: {  	s9 =	simm.s32 $0x2;
	s5 =	smax.u32 s5, $0x1;
	s6 =	sadd.s32 $0x3E00, s6  }
.LBB2_1:
0xc: {  	s14 =	sadd.s32 $0x0, s8;
	s15 =	sand.u32 $0x70, s3  }
0xd: {  	s14 =	sand.u32 $0xFF80, s14;
	s15 =	sadd.s32 s1, s15  }
0xe: {  	s14 =	sadd.s32 s14, s15  }
0xf: {  	[tilespmem:s3], [sflag:$0x2] =	stream.linear.gather [hbm4b:s14+s3], $0x80, $0x38;
	[tilespmem:$0x880] =	vst v63  }
0x10: {  	_ =	swait.ge [sflag:s9], $0x80  }
0x11: {  	[sflag:s9] =	ssyncset.done $0x0  }
0x12: {  	[sflag:s9] =	ssyncadd.s32 $0xFFFFFF80  }
0x13: {  	v0 =	vld [tilespmem:$0x0];
	_ =	sdelay $0x4  }
0x14: {  	v0 =	vadd.s32 s7, v0  }
0x15: {  	[tilespmem:$0x0] =	vst v0  }
0x16: {  	[tilespmem:s11], [sflag:$0x1] =	stream.indirect.gather [hbm4b:s4+s10], $0x80, s3, s10, $0xb8;
	[tilespmem:$0x880] =	vst v63  }
0x17: {  	_ =	swait.ge [sflag:s12], $0x800  }
0x18: {  	s17 =	simm.s32 $0x10;
	s16 =	simm.s32 $0x20;
	[sflag:s12] =	ssyncset.done $0x0  }
0x19: {  	s18 =	sadd.s32 $0x10, s8;
	s19 =	sand.u32 $0x70, s17;
	[sflag:s12] =	ssyncadd.s32 $0xFFFFF800  }
0x1a: {  	[hbm4b:s6+s3] =	stream.linear.scatter [tilespmem:s11], [sflag:$0x2], $0x800, $0x38;
	[tilespmem:$0x880] =	vst v63  }
0x1b: {  	s17 =	sand.u32 $0xFF80, s18;
	s15 =	sadd.s32 $0x40, s7;
	_ =	swait.ge [sflag:s9], $0x800  }
0x1c: {  	s18 =	sadd.s32 s1, s19;
	s14 =	sadd.s32 $0x100, s6;
	[sflag:s9] =	ssyncset.done $0x0  }
.LBB2_2:
0x1d: {  	s17 =	sadd.s32 s17, s18;
	[sflag:s9] =	ssyncadd.s32 $0xFFFFF800  }
0x1e: {  	s18 =	smov.u32 s16;
	s19 =	sadd.s32 $0x10, s16;
	s20 =	smov.u32 s14  }
0x1f: {  	[tilespmem:s3], [sflag:$0x2] =	stream.linear.gather [hbm4b:s17+s3], $0x80, $0x38;
	[tilespmem:$0x880] =	vst v63  }
0x20: {  	p0 =	sne.s32 s16, $0x7F0;
	_ =	swait.ge [sflag:s9], $0x80  }
0x21: {  	[sflag:s9] =	ssyncset.done $0x0  }
0x22: {  	[sflag:s9] =	ssyncadd.s32 $0xFFFFFF80  }
0x23: {  	v0 =	vld [tilespmem:$0x0];
	_ =	sdelay $0x4  }
0x24: {  	v0 =	vadd.s32 s15, v0  }
0x25: {  	[tilespmem:$0x0] =	vst v0  }
0x26: {  	[tilespmem:s11], [sflag:$0x1] =	stream.indirect.gather [hbm4b:s4+s10], $0x80, s3, s10, $0xb8;
	[tilespmem:$0x880] =	vst v63  }
0x27: {  	_ =	swait.ge [sflag:s12], $0x800  }
.Ltmp0:
0x28: {  	s14 =	sadd.s32 $0x100, s14;
	[sflag:s12] =	ssyncset.done $0x0;
	(pc) =	sbr.rel @p0 .LBB2_2-.Ltmp0, $4  }
0x29: {  	s16 =	sadd.s32 s18, s8;
	s15 =	sadd.s32 $0x40, s15;
	[sflag:s12] =	ssyncadd.s32 $0xFFFFF800  }
0x2a: {  	[hbm4b:s20+s3] =	stream.linear.scatter [tilespmem:s11], [sflag:$0x2], $0x800, $0x38;
	[tilespmem:$0x880] =	vst v63  }
0x2b: {  	s18 =	sand.u32 $0x70, s18;
	s17 =	sand.u32 $0xFF80, s16;
	_ =	swait.ge [sflag:s9], $0x800  }
0x2c: {  	s18 =	sadd.s32 s1, s18;
	s16 =	smov.u32 s19;
	[sflag:s9] =	ssyncset.done $0x0  }
0x2d: {  	s16 =	sadd.s32 s17, s18;
	[sflag:s9] =	ssyncadd.s32 $0xFFFFF800  }
0x2e: {  	[tilespmem:s3], [sflag:$0x2] =	stream.linear.gather [hbm4b:s16+s3], $0x80, $0x38;
	[tilespmem:$0x880] =	vst v63  }
0x2f: {  	_ =	swait.ge [sflag:s9], $0x80  }
0x30: {  	[sflag:s9] =	ssyncset.done $0x0  }
0x31: {  	[sflag:s9] =	ssyncadd.s32 $0xFFFFFF80  }
0x32: {  	v0 =	vld [tilespmem:$0x0];
	_ =	sdelay $0x4  }
0x33: {  	v0 =	vadd.s32 s15, v0  }
0x34: {  	[tilespmem:$0x0] =	vst v0  }
0x35: {  	[tilespmem:s11], [sflag:$0x1] =	stream.indirect.gather [hbm4b:s4+s10], $0x80, s3, s10, $0xb8;
	[tilespmem:$0x880] =	vst v63  }
0x36: {  	s13 =	sadd.s32 $0x1, s13;
	_ =	swait.ge [sflag:s12], $0x800  }
0x37: {  	p0 =	sne.s32 s13, s5;
	[sflag:s12] =	ssyncset.done $0x0  }
.Ltmp1:
0x38: {  	[sflag:s12] =	ssyncadd.s32 $0xFFFFF800;
	(pc) =	sbr.rel @p0 .LBB2_1-.Ltmp1, $4  }
0x39: {  	[hbm4b:s14+s3] =	stream.linear.scatter [tilespmem:s11], [sflag:$0x2], $0x800, $0x38;
	[tilespmem:$0x880] =	vst v63  }
0x3a: {  	_ =	swait.ge [sflag:s9], $0x800  }
0x3b: {  	[sflag:s9] =	ssyncset.done $0x0  }
0x3c: {  	[sflag:s9] =	ssyncadd.s32 $0xFFFFF800  }
0x3d: {  	_ =	sfence.sel $0x180000  }
0x3e: {  	[bflag:$0x0] =	sbarrier.arrive $0xFFFF  }
0x3f: {  	p0 =	sne.s32 s2, $0x0;
	_ =	strace $0x90000047  }
0x40: {  	s0 =	sadd.s32 @!p0 $0x100000, s0;
	[bflag:$0x2] =	sbarrier.arrive $0xFFFF  }
0x41: {  	[sflag:s0] =	ssyncadd.tile.s32 @!p0 $0x1;
	_ =	shalt  }
.Lfunc_end2:
_tile_overlayer_lowered:
.L_overlay_start_2:
0x42: {  	(tag) =	ssettag $0x2  }
0x43: {  	s0 =	rddreg [dreg:$0x0];
	s2 =	stileid.u32  }
0x44: {  	s1 =	rddreg [dreg:$0x1];
	p0 =	sne.s32 s2, $0x0  }
0x45: {  	s3 =	rddreg [dreg:$0x2];
	[bflag:$0x3] =	sbarrier.arrive $0xFFFF;
	s2 =	simm.s32 @!p0 $0x1C02  }
0x46: {  	[timem:s3], [sflag:s2] =	dma.local @!p0 [hbm:s0], s1  }
0x47: {  	s0 =	simm.s32 @!p0 $0x2  }
0x48: {  	_ =	swait.ge @!p0 [sflag:s0], s1  }
0x49: {  	s1 =	ssub.s32 @!p0 $0x0, s1;
	[sflag:s0] =	ssyncset.done @!p0 $0x0  }
0x4a: {  	[sflag:s0] =	ssyncadd.s32 @!p0 s1  }
0x4b: {  	[bflag:$0x3] =	sbarrier.arrive $0xFFFF  }
0x4c: {  	_ =	shalt  }

// kernel: sparse-core-data-format-call.cloned.1.call-start
scs
called_computation_lowered:
.L_overlay_start_0:
0x0: {  	s1 =	sld [smem:$0x3FD9]  }
0x1: {  	s2 =	sld [smem:$0x3FFE];
	_ =	sdelay $0x1  }
0x2: {  	s3 =	srdreg.scid  }
0x3: {  	s0 =	sand.u32 $0x1, s3  }
0x4: {  	s17 =	sshll.u32 s0, $0xA;
	s1 =	sadd.s32 s2, s1  }
0x5: {  	s1 =	sadd.s32 s1, s17  }
0x6: {  	[smem:$0x3FC4] =	sst s1  }
0x7: {  	_ = 	snop  }
0x8: {  	(tm) =	ssettm $0x1  }
0x9: {  	s18 =	sld [smem:$0x3FFB];
	_ =	sdelay $0x3  }
0xa: {  	_ =	strace s18  }
0xb: {  	s1 =	sld [smem:$0x3FFC];
	_ =	sdelay $0x3  }
0xc: {  	_ =	strace s1  }
0xd: {  	s1 =	sld [smem:$0x3FFD];
	_ =	sdelay $0x3  }
0xe: {  	_ =	strace s1  }
0xf: {  	_ =	strace $0x8FFFFFFF  }
0x10: {  	s19 =	sld [smem:$0x3FDB];
	_ =	sdelay $0x1  }
0x11: {  	s20 =	simm.s32 $_scs_section_size  }
0x12: {  	s4 =	simm.s32 $_size__tile_overlayer_lowered;
	s5 =	simm.s32 $_tile_overlayer_lowered  }
0x13: {  	s23 =	simm.s32 $0x1BFF;
	s22 =	sshll.u32 s5, $0x1;
	s1 =	sadd.s32 s20, s19  }
0x14: {  	s6 =	simm.s32 $0x0;
	s21 =	sshll.u32 s4, $0x1;
	s4 =	sadd.s32 s22, s1  }
0x15: {  	[timem:s6], [sflag:s23] =	dma.local [hbm:s4], s21  }
0x16: {  	_ =	swait.ge [sflag:s23], s21  }
0x17: {  	s2 =	ssub.s32 $0x0, s21;
	[sflag:s23] =	ssyncset.done $0x0  }
0x18: {  	[sflag:s23] =	ssyncadd.s32 s2;
	_ =	sdelay $0x1  }
0x19: {  	s24 =	simm.s32 $0x1B8B  }
0x1a: {  	_ =	swait.ge [sflag:s24], $0x1  }
0x1b: {  	[sflag:s24] =	ssyncset.done $0x0  }
0x1c: {  	s26 =	simm.s32 $0x1B8E;
	s25 =	sld [smem:$0x3FFE];
	[sflag:s24] =	ssyncadd.s32 $0xFFFFFFFF  }
0x1d: {  	s27 =	simm.s32 $execute0_lowered;
	[smem:$0x3FD2] =	sst s26  }
0x1e: {  	s4 =	sshll.u32 s27, $0x1;
	_ =	strace $0x80000049;
	[dreg:$0x1] =	wrdreg $0xFFFFFFFF  }
0x1f: {  	s28 =	simm.s32 $_size_execute0_lowered;
	s1 =	sadd.s32 s1, s4;
	[dreg:$0x0] =	wrdreg $0x0  }
0x20: {  	s4 =	sshll.u32 s28, $0x1;
	[dreg:$0x2] =	wrdreg s1  }
0x21: {  	[dreg:$0x3] =	wrdreg s4  }
0x22: {  	[dreg:$0x4] =	wrdreg $0xC0  }
0x23: {  	_ =	task [dreg:s6], $0x5FFFF  }
0x24: {  	[dreg:$0x1] =	wrdreg $0xFFFFFFFF  }
0x25: {  	[dreg:$0x0] =	wrdreg $0x60  }
0x26: {  	[dreg:$0x2] =	wrdreg s25  }
0x27: {  	[dreg:$0x3] =	wrdreg $0x9  }
0x28: {  	_ =	task.clear_ibuf [dreg:s6], $0x4FFFF;
	_ =	strace $0x90000049  }
0x29: {  	s29 =	simm.s32 $0x9;
	_ =	strace $0x8000004B  }
0x2a: {  	_ =	swait.ge [sflag:s29], $0x1  }
0x2b: {  	[sflag:s29] =	ssyncadd.s32 $0xFFFFFFFF  }
0x2c: {  	_ =	strace $0x9000004B  }
0x2d: {  	_ =	sfence  }
0x2e: {  	s30 =	sld [smem:$0x0];
	_ =	sdelay $0x2  }
0x2f: {  	s31 =	sshll.u32 s3, $0xD;
	s3 =	sshrl.u32 s3, $0x2  }
0x30: {  	s2 =	sand.u32 $0x4000, s31;
	s1 =	sadd.s32 s3, s30  }
0x31: {  	s0 =	sor.u32 s2, s0;
	s1 =	sshll.u32 s1, $0x11  }
0x32: {  	s0 =	sor.u32 s1, s0  }
0x33: {  	s0 =	sadd.s32 $0x8F2B, s0  }
0x34: {  	[sflag:s0] =	ssyncadd.remote.s32 $0x1  }
0x35: {  	_ =	sfence.sel $0xFFFF  }
0x36: {  	[dreg:$0x0] =	wrdreg $0xFFFFFFFF;
	(pc) =	sbr.abs _section_cstart, $3  }
0x37: {  	[dreg:$0x1] =	wrdreg $0xFFFFFFFF  }
0x38: {  	_ =	task.clear_ibuf [dreg:s6], $0x2FFFF;
	_ =	strace $0x9FFFFFFF  }
0x39: {  	(tm) =	ssettm $0x7FFFFFFF  }
tec
execute0_lowered:
.L_overlay_start_1:
0x0: {  	(tag) =	ssettag $0x1  }
0x1: {  	s1 =	rddreg [dreg:$0x0]  }
0x2: {  	s0 =	rddreg [dreg:$0x1]  }
0x3: {  	_ =	strace $0x8000004A;
	s4 =	srdreg.scid;
	s6 =	simm.s32 $0x2  }
.Ltmp0:
0x4: {  	p0 =	por $0x0, $0x0;
	s9 =	simm.s32 $0x0;
	(pc) =	sbr.rel .LBB1_1-.Ltmp0, $4  }
0x5: {  	s2 =	sadd.s32 $0x3E00, s1;
	s3 =	sadd.s32 $0x103E00, s1;
	s5 =	sshll.u32 s4, $0x4  }
0x6: {  	s1 =	stileid.u32;
	s4 =	simm.s32 $0x1;
	s5 =	sand.u32 $0x10, s5  }
0x7: {  	s7 =	simm.s32 $0x0;
	[sflag:s4] =	ssyncpa.u1 $0x0;
	s5 =	sor.u32 s1, s5  }
0x8: {  	[sflag:s6] =	ssyncpa.u1 $0x0;
	s6 =	simm.s32 $0x0;
	s8 =	smov.u32 s5  }
.LBB1_7:
0x9: {  	s11 =	sadd.s32 $0x20, s8  }
0xa: {  	p1 =	slt.u32 s7, $0x2;
	s7 =	sadd.s32 $0x1, s7;
	p2 =	sgt.s32 s11, $0x1FF  }
0xb: {  	s11 =	smov.u32 @p2 s5;
	p2 =	sne.s32 s7, $0x12  }
.Ltmp1:
0xc: {  	_ = 	snop;
	(pc) =	sbr.rel @!p2 .LBB1_8-.Ltmp1, $4  }
0xd: {  	s10 =	simm.s32 @!p1 $0x2  }
0xe: {  	_ =	swait.ge @!p1 [sflag:s10], $0x4000  }
0xf: {  	s9 =	smov.u32 s8;
	[sflag:s10] =	ssyncset.done @!p1 $0x0  }
0x10: {  	p0 =	por !p0, !p0;
	s8 =	smov.u32 s11;
	[sflag:s10] =	ssyncadd.s32 @!p1 $0xFFFFC000  }
.LBB1_1:
0x11: {  	p1 =	sgt.u32 s7, $0xF  }
0x12: {  	s10 =	sxor.u32 @!p1 $0xFFFFFFFF, s7  }
0x13: {  	s11 =	sshll.u32 @!p1 s8, $0xB;
	s10 =	sshll.u32 @!p1 s10, $0xE  }
0x14: {  	s12 =	simm.s32 @!p1 $0x0;
	s11 =	sadd.s32 @!p1 s2, s11;
	s10 =	sand.u32 @!p1 $0x4000, s10  }
0x15: {  	[tilespmem:s10], [sflag:$0x1] =	stream.linear.gather @!p1 [hbm4b:s11+s12], $0x4000, $0x38;
	[tilespmem:$0x10000] =	vst v63  }
0x16: {  	p1 =	seq.s32 s7, $0x0  }
0x17: {  	p2 =	seq.s32 @!p1 s7, $0x11  }
0x18: {  	p1 =	por p1, p2  }
.Ltmp2:
0x19: {  	_ = 	snop;
	(pc) =	sbr.rel @p1 .LBB1_7-.Ltmp2, $1  }
0x1a: {  	_ =	sdelay $0x3  }
0x1b: {  	s10 =	simm.s32 $0x1;
	_ =	swait.ge [sflag:s4], $0x4000;
	s12 =	sshll.u32 s7, $0xE  }
0x1c: {  	s13 =	simm.s32 $0x0;
	s10 =	simm.s32 @!p0 $0x0;
	[sflag:s4] =	ssyncset.done $0x0  }
0x1d: {  	s12 =	sand.u32 $0x4000, s12;
	s11 =	sshll.u32 s10, $0xE;
	[sflag:s4] =	ssyncadd.s32 $0xFFFFC000  }
0x1e: {  	s12 =	sor.u32 $0x8000, s12;
	s10 =	sor.u32 $0x8040, s11;
	s11 =	sor.u32 $0x40, s11  }
.LBB1_3:
0x1f: {  	v0 =	vmov s11;
	_ =	sdelay $0x3  }
0x20: {  	s15 =	simm.s32 $0x0  }
0x21: {  	v6 =	vld.idx.msk [tilespmem:v0+s15+$0x30 ss:$0x1], $0xffff  }
0x22: {  	v7 =	vld.idx.msk [tilespmem:v0+s15+$0xFFFFFFC0 ss:$0x1], $0xffff  }
0x23: {  	v5 =	vld.idx.msk [tilespmem:v0+s15+$0xFFFFFFD0 ss:$0x1], $0xffff  }
0x24: {  	v4 =	vld.idx.msk [tilespmem:v0+s15+$0xFFFFFFE0 ss:$0x1], $0xffff  }
0x25: {  	v3 =	vld.idx.msk [tilespmem:v0+s15+$0xFFFFFFF0 ss:$0x1], $0xffff  }
0x26: {  	v1 =	vld.idx.msk [tilespmem:v0+s15+$0x0 ss:$0x1], $0xffff  }
0x27: {  	v2 =	vld.idx.msk [tilespmem:v0+s15+$0x10 ss:$0x1], $0xffff;
	[tilespmem:s10+$0x30] =	vst v6  }
0x28: {  	s14 =	simm.s32 $0x80;
	s16 =	simm.s32 $0x400;
	[tilespmem:s10+$0xFFFFFFC0] =	vst v7;
	v6 =	vld.idx.msk [tilespmem:v0+s15+$0x20 ss:$0x1], $0xffff;
	s15 =	smov.u32 s10  }
.LBB1_4:
0x29: {  	p1 =	sne.s32 s16, $0x1E00;
	v7 =	vld.idx.msk [tilespmem:v0+s14+$0x30 ss:$0x1], $0xffff;
	[tilespmem:s15+$0xFFFFFFD0] =	vst v5  }
0x2a: {  	v8 =	vld.idx.msk [tilespmem:v0+s14+$0xFFFFFFC0 ss:$0x1], $0xffff;
	[tilespmem:s15+$0xFFFFFFE0] =	vst v4  }
0x2b: {  	v5 =	vld.idx.msk [tilespmem:v0+s14+$0xFFFFFFD0 ss:$0x1], $0xffff;
	[tilespmem:s15+$0xFFFFFFF0] =	vst v3  }
.Ltmp3:
0x2c: {  	v4 =	vld.idx.msk [tilespmem:v0+s14+$0xFFFFFFE0 ss:$0x1], $0xffff;
	[tilespmem:s15+$0x0] =	vst v1;
	(pc) =	sbr.rel @p1 .LBB1_4-.Ltmp3, $4  }
0x2d: {  	v3 =	vld.idx.msk [tilespmem:v0+s14+$0xFFFFFFF0 ss:$0x1], $0xffff;
	[tilespmem:s15+$0x10] =	vst v2  }
0x2e: {  	v1 =	vld.idx.msk [tilespmem:v0+s14+$0x0 ss:$0x1], $0xffff;
	[tilespmem:s15+$0x20] =	vst v6;
	s15 =	sadd.s32 $0x400, s15  }
0x2f: {  	v2 =	vld.idx.msk [tilespmem:v0+s14+$0x10 ss:$0x1], $0xffff;
	[tilespmem:s15+$0x30] =	vst v7  }
0x30: {  	[tilespmem:s15+$0xFFFFFFC0] =	vst v8;
	v6 =	vld.idx.msk [tilespmem:v0+s14+$0x20 ss:$0x1], $0xffff;
	s14 =	sshra.s32 s16, $0x2;
	s16 =	sadd.s32 $0x200, s16  }
0x31: {  	_ =	sdelay $0x2  }
0x32: {  	[tilespmem:s15+$0xFFFFFFD0] =	vst v5  }
0x33: {  	v56 =	vld.idx.msk [tilespmem:v0+s14+$0x30 ss:$0x1], $0xffff;
	[tilespmem:s15+$0xFFFFFFE0] =	vst v4  }
0x34: {  	v57 =	vld.idx.msk [tilespmem:v0+s14+$0xFFFFFFC0 ss:$0x1], $0xffff;
	[tilespmem:s15+$0xFFFFFFF0] =	vst v3  }
0x35: {  	v58 =	vld.idx.msk [tilespmem:v0+s14+$0xFFFFFFD0 ss:$0x1], $0xffff;
	[tilespmem:s15+$0x0] =	vst v1  }
0x36: {  	v59 =	vld.idx.msk [tilespmem:v0+s14+$0xFFFFFFE0 ss:$0x1], $0xffff;
	[tilespmem:s15+$0x10] =	vst v2  }
0x37: {  	v60 =	vld.idx.msk [tilespmem:v0+s14+$0xFFFFFFF0 ss:$0x1], $0xffff;
	s31 =	sadd.s32 $0x400, s15;
	[tilespmem:s15+$0x20] =	vst v6  }
0x38: {  	v61 =	vld.idx.msk [tilespmem:v0+s14+$0x0 ss:$0x1], $0xffff;
	[tilespmem:s31+$0x30] =	vst v56  }
0x39: {  	v62 =	vld.idx.msk [tilespmem:v0+s14+$0x10 ss:$0x1], $0xffff;
	s13 =	sadd.s32 $0x1, s13;
	[tilespmem:s31+$0xFFFFFFC0] =	vst v57  }
0x3a: {  	v63 =	vld.idx.msk [tilespmem:v0+s14+$0x20 ss:$0x1], $0xffff;
	p1 =	sne.s32 s13, $0x8;
	[tilespmem:s31+$0xFFFFFFD0] =	vst v58  }
.Ltmp4:
0x3b: {  	[tilespmem:s31+$0xFFFFFFE0] =	vst v59;
	(pc) =	sbr.rel @p1 .LBB1_3-.Ltmp4, $4  }
0x3c: {  	[tilespmem:s31+$0xFFFFFFF0] =	vst v60  }
0x3d: {  	[tilespmem:s31+$0x0] =	vst v61  }
0x3e: {  	[tilespmem:s31+$0x10] =	vst v62  }
0x3f: {  	s10 =	sadd.s32 $0x80, s10;
	s11 =	sadd.s32 $0x800, s11;
	[tilespmem:s31+$0x20] =	vst v63  }
.Ltmp5:
0x40: {  	(pc) =	sbr.rel .LBB1_7-.Ltmp5, $4  }
0x41: {  	_ = 	snop  }
0x42: {  	s9 =	sshll.u32 s9, $0xB  }
0x43: {  	s9 =	sadd.s32 s3, s9  }
0x44: {  	[hbm4b:s9+s6] =	stream.linear.scatter [tilespmem:s12], [sflag:$0x2], $0x4000, $0x38;
	[tilespmem:$0x10000] =	vst v63  }
.LBB1_8:
0x45: {  	_ =	sfence.sel $0x180000  }
0x46: {  	s2 =	simm.s32 $0x1;
	[bflag:$0x0] =	sbarrier.arrive $0xFFFF  }
0x47: {  	s31 =	simm.s32 $0x2;
	[sflag:s2] =	ssyncpa.u1 $0x1  }
0x48: {  	[sflag:s31] =	ssyncpa.u1 $0x1  }
0x49: {  	p0 =	sne.s32 s1, $0x0;
	_ =	strace $0x9000004A  }
0x4a: {  	s0 =	sadd.s32 @!p0 $0x100000, s0;
	[bflag:$0x2] =	sbarrier.arrive $0xFFFF  }
0x4b: {  	[sflag:s0] =	ssyncadd.tile.s32 @!p0 $0x1;
	_ =	shalt  }
.Lfunc_end1:
_tile_overlayer_lowered:
.L_overlay_start_2:
0x4c: {  	(tag) =	ssettag $0x2  }
0x4d: {  	s0 =	rddreg [dreg:$0x0];
	s2 =	stileid.u32  }
0x4e: {  	s1 =	rddreg [dreg:$0x1];
	p0 =	sne.s32 s2, $0x0  }
0x4f: {  	s3 =	rddreg [dreg:$0x2];
	[bflag:$0x3] =	sbarrier.arrive $0xFFFF;
	s2 =	simm.s32 @!p0 $0x1C01  }
0x50: {  	[timem:s3], [sflag:s2] =	dma.local @!p0 [hbm:s0], s1  }
0x51: {  	s0 =	simm.s32 @!p0 $0x1  }
0x52: {  	_ =	swait.ge @!p0 [sflag:s0], s1  }
0x53: {  	s1 =	ssub.s32 @!p0 $0x0, s1;
	[sflag:s0] =	ssyncset.done @!p0 $0x0  }
0x54: {  	[sflag:s0] =	ssyncadd.s32 @!p0 s1  }
0x55: {  	[bflag:$0x3] =	sbarrier.arrive $0xFFFF  }
0x56: {  	_ =	shalt  }

</sc_bundles>
